<compile_context>
chip_gen: v7x
topology: tpu7x:2x2x1
jax: 0.10.2.dev20260603
libtpu: 0.0.44.dev20260713+nightly
codegen_flags: <defaults>
</compile_context>

<pallas_src>
import functools

import jax
import jax.numpy as jnp
from jax import lax
from jax.experimental import pallas as pl
from jax.experimental.pallas import tpu as pltpu
from jax.experimental.pallas import tpu_sc as plsc

E = 64
K = 2
D = 768
F = 384
T = 2048
TK = T * K
CAP = 128
OVB = E * CAP
TKP = OVB + 4480
BMo = 64
RB = 128
NW = 32
TPW = T // NW
L = 16


def _router_body(x_ref, gw_ref, logits_ref, pos0_ref, pos1_ref, w0_ref,
                 w1_ref, offs_ref):
    x = x_ref[...]
    logits = lax.dot_general(x, gw_ref[...], (((1,), (1,)), ((), ())),
                             preferred_element_type=jnp.float32)
    logits_ref[...] = logits
    m = jnp.max(logits, axis=1, keepdims=True)
    z = jnp.exp(logits - m)
    p = z / jnp.sum(z, axis=1, keepdims=True)
    ie = lax.broadcasted_iota(jnp.int32, (T, E), 1).astype(jnp.float32)
    m1 = jnp.max(p, axis=1, keepdims=True)
    a1 = jnp.min(jnp.where(p == m1, ie, float(E)), axis=1, keepdims=True)
    p2 = jnp.where(ie == a1, -1.0, p)
    m2 = jnp.max(p2, axis=1, keepdims=True)
    a2 = jnp.min(jnp.where(p2 == m2, ie, float(E)), axis=1, keepdims=True)
    s = m1 + m2
    w0_ref[...] = jnp.broadcast_to(m1 / s, (T, L))
    w1_ref[...] = jnp.broadcast_to(m2 / s, (T, L))

    oh0 = (ie == a1).astype(jnp.float32)
    oh1 = (ie == a2).astype(jnp.float32)
    hist = (jnp.sum(oh0, axis=0, keepdims=True)
            + jnp.sum(oh1, axis=0, keepdims=True))
    ovf_hist = jnp.maximum(hist - float(CAP), 0.0)
    ovf_szp = jnp.floor((ovf_hist + 7.0) * 0.125) * 8.0
    re_ = lax.broadcasted_iota(jnp.int32, (E, E), 0)
    ce_ = lax.broadcasted_iota(jnp.int32, (E, E), 1)
    inclp = lax.dot_general(ovf_szp, (re_ <= ce_).astype(jnp.float32),
                            (((1,), (0,)), ((), ())),
                            preferred_element_type=jnp.float32)
    ovf_excl = inclp - ovf_szp + float(OVB)
    excl_main = (lax.broadcasted_iota(jnp.int32, (1, E), 1)
                 .astype(jnp.float32) * float(CAP))
    offs_ref[0:1, :] = ovf_excl.astype(jnp.int32)
    offs_ref[1:2, :] = (ovf_excl + ovf_hist).astype(jnp.int32)

    rb_ = lax.broadcasted_iota(jnp.int32, (RB, RB), 0)
    cb_ = lax.broadcasted_iota(jnp.int32, (RB, RB), 1)
    ltri = (rb_ > cb_).astype(jnp.float32)
    ones_e = jnp.ones((1, E), dtype=jnp.float32)
    run = jnp.zeros((1, E), dtype=jnp.float32)
    for oh, pos_ref in ((oh0, pos0_ref), (oh1, pos1_ref)):
        for b in range(T // RB):
            blk = oh[b * RB:(b + 1) * RB, :]
            rank = lax.dot_general(ltri, blk, (((1,), (0,)), ((), ())),
                                   preferred_element_type=jnp.float32) + run
            posmat = jnp.where(rank < float(CAP), rank + excl_main,
                               rank - float(CAP) + ovf_excl)
            posft = lax.dot_general(ones_e, blk * posmat,
                                    (((1,), (1,)), ((), ())),
                                    preferred_element_type=jnp.float32)
            pos_ref[0:1, b * RB:(b + 1) * RB] = posft.astype(jnp.int32)
            run = run + jnp.sum(blk, axis=0, keepdims=True)


def _router(x, gate_weight):
    return pl.pallas_call(
        _router_body,
        out_shape=(
            jax.ShapeDtypeStruct((T, E), jnp.float32),
            jax.ShapeDtypeStruct((1, T), jnp.int32),
            jax.ShapeDtypeStruct((1, T), jnp.int32),
            jax.ShapeDtypeStruct((T, L), jnp.float32),
            jax.ShapeDtypeStruct((T, L), jnp.float32),
            jax.ShapeDtypeStruct((2, E), jnp.int32),
        ),
    )(x, gate_weight)


def _make_sc_mesh():
    return plsc.VectorSubcoreMesh(core_axis_name="c", subcore_axis_name="s")


def _dispatch_body(x_hbm, pos0_hbm, pos1_hbm, xs_hbm, rows_v, i0_v, i1_v):
    wid = lax.axis_index("s") * 2 + lax.axis_index("c")
    base = wid * TPW
    pltpu.sync_copy(x_hbm.at[pl.ds(base, TPW)], rows_v)
    pltpu.sync_copy(pos0_hbm.at[0, pl.ds(base, TPW)], i0_v)
    pltpu.sync_copy(pos1_hbm.at[0, pl.ds(base, TPW)], i1_v)
    pltpu.sync_copy(rows_v, xs_hbm.at[i0_v])
    pltpu.sync_copy(rows_v, xs_hbm.at[i1_v])


def _dispatch(x, pos0, pos1):
    return pl.kernel(
        _dispatch_body,
        out_type=jax.ShapeDtypeStruct((TKP, D), jnp.float32),
        mesh=_make_sc_mesh(),
        scratch_types=[
            pltpu.VMEM((TPW, D), jnp.float32),
            pltpu.VMEM((TPW,), jnp.int32),
            pltpu.VMEM((TPW,), jnp.int32),
        ],
    )(x, pos0, pos1)


def _gmm_main_body(xs_ref, wg_ref, wu_ref, wd_ref, ys_ref):
    xb = xs_ref[...].astype(jnp.bfloat16)
    g = lax.dot_general(xb, wg_ref[0].astype(jnp.bfloat16),
                        (((1,), (1,)), ((), ())),
                        preferred_element_type=jnp.float32)
    u = lax.dot_general(xb, wu_ref[0].astype(jnp.bfloat16),
                        (((1,), (1,)), ((), ())),
                        preferred_element_type=jnp.float32)
    h = ((g / (1.0 + jnp.exp(-g))) * u).astype(jnp.bfloat16)
    ys_ref[...] = lax.dot_general(h, wd_ref[0].astype(jnp.bfloat16),
                                  (((1,), (1,)), ((), ())),
                                  preferred_element_type=jnp.float32)


def _gmm_main(xs, w_gate, w_up, w_down):
    return pl.pallas_call(
        _gmm_main_body,
        grid=(E,),
        in_specs=[
            pl.BlockSpec((CAP, D), lambda e: (e, 0)),
            pl.BlockSpec((1, F, D), lambda e: (e, 0, 0)),
            pl.BlockSpec((1, F, D), lambda e: (e, 0, 0)),
            pl.BlockSpec((1, D, F), lambda e: (e, 0, 0)),
        ],
        out_specs=pl.BlockSpec((CAP, D), lambda e: (e, 0)),
        out_shape=jax.ShapeDtypeStruct((TKP, D), jnp.float32),
        compiler_params=pltpu.CompilerParams(
            dimension_semantics=("arbitrary",),
        ),
    )(xs, w_gate, w_up, w_down)


def _gmm_ovf_body(offs_ref, ys_in, xs_hbm, wg_hbm, wu_hbm, wd_hbm, ys_hbm,
                  xb_v, yb_v, wg_v, wu_v, wd_v, sema, semb):
    del ys_in

    def expert(e, carry):
        st = offs_ref[0, e]
        en = offs_ref[1, e]
        nblk = lax.div(en - st + (BMo - 1), BMo)

        @pl.when(nblk > 0)
        def _():
            pltpu.make_async_copy(wg_hbm.at[e], wg_v, sema).start()
            pltpu.make_async_copy(wu_hbm.at[e], wu_v, semb).start()
            pltpu.make_async_copy(wg_hbm.at[e], wg_v, sema).wait()
            pltpu.make_async_copy(wd_hbm.at[e], wd_v, sema).start()
            pltpu.make_async_copy(wu_hbm.at[e], wu_v, semb).wait()
            pltpu.make_async_copy(wd_hbm.at[e], wd_v, sema).wait()

            def body(j, c2):
                r = pl.multiple_of(st + j * BMo, 8)
                pltpu.make_async_copy(xs_hbm.at[pl.ds(r, BMo)], xb_v,
                                      semb).start()
                pltpu.make_async_copy(xs_hbm.at[pl.ds(r, BMo)], xb_v,
                                      semb).wait()
                xb = xb_v[...].astype(jnp.bfloat16)
                g = lax.dot_general(xb, wg_v[...].astype(jnp.bfloat16),
                                    (((1,), (1,)), ((), ())),
                                    preferred_element_type=jnp.float32)
                u = lax.dot_general(xb, wu_v[...].astype(jnp.bfloat16),
                                    (((1,), (1,)), ((), ())),
                                    preferred_element_type=jnp.float32)
                h = ((g / (1.0 + jnp.exp(-g))) * u).astype(jnp.bfloat16)
                yb_v[...] = lax.dot_general(
                    h, wd_v[...].astype(jnp.bfloat16),
                    (((1,), (1,)), ((), ())),
                    preferred_element_type=jnp.float32)
                pltpu.make_async_copy(yb_v, ys_hbm.at[pl.ds(r, BMo)],
                                      sema).start()
                pltpu.make_async_copy(yb_v, ys_hbm.at[pl.ds(r, BMo)],
                                      sema).wait()
                return c2

            lax.fori_loop(0, nblk, body, 0)

        return carry

    lax.fori_loop(0, E, expert, 0)


def _gmm_ovf(offs, ys_main, xs, w_gate, w_up, w_down):
    return pl.pallas_call(
        _gmm_ovf_body,
        in_specs=[
            pl.BlockSpec(memory_space=pltpu.SMEM),
            pl.BlockSpec(memory_space=pl.ANY),
            pl.BlockSpec(memory_space=pl.ANY),
            pl.BlockSpec(memory_space=pl.ANY),
            pl.BlockSpec(memory_space=pl.ANY),
            pl.BlockSpec(memory_space=pl.ANY),
        ],
        out_specs=pl.BlockSpec(memory_space=pl.ANY),
        out_shape=jax.ShapeDtypeStruct((TKP, D), jnp.float32),
        input_output_aliases={1: 0},
        scratch_shapes=[
            pltpu.VMEM((BMo, D), jnp.float32),
            pltpu.VMEM((BMo, D), jnp.float32),
            pltpu.VMEM((F, D), jnp.float32),
            pltpu.VMEM((F, D), jnp.float32),
            pltpu.VMEM((D, F), jnp.float32),
            pltpu.SemaphoreType.DMA,
            pltpu.SemaphoreType.DMA,
        ],
    )(offs, ys_main, xs, w_gate, w_up, w_down)


def _combine_body(ys_hbm, pos0_hbm, pos1_hbm, w0_hbm, w1_hbm, out_hbm,
                  g0_v, g1_v, i0_v, i1_v, w0_v, w1_v, sem):
    wid = lax.axis_index("s") * 2 + lax.axis_index("c")
    base = wid * TPW
    pltpu.sync_copy(pos0_hbm.at[0, pl.ds(base, TPW)], i0_v)
    pltpu.sync_copy(pos1_hbm.at[0, pl.ds(base, TPW)], i1_v)
    pltpu.sync_copy(w0_hbm.at[pl.ds(base, TPW)], w0_v)
    pltpu.sync_copy(w1_hbm.at[pl.ds(base, TPW)], w1_v)
    c0 = pltpu.async_copy(ys_hbm.at[i0_v], g0_v, sem)
    c1 = pltpu.async_copy(ys_hbm.at[i1_v], g1_v, sem)
    c0.wait()
    c1.wait()

    def row(r, carry):
        s0 = w0_v[r, :]
        s1 = w1_v[r, :]
        for cc in range(D // L):
            a = g0_v[r, pl.ds(cc * L, L)]
            b = g1_v[r, pl.ds(cc * L, L)]
            g0_v[r, pl.ds(cc * L, L)] = a * s0 + b * s1
        return carry

    lax.fori_loop(0, TPW, row, 0)
    pltpu.sync_copy(g0_v, out_hbm.at[pl.ds(base, TPW)])


def _combine(ys, pos0, pos1, w0, w1):
    return pl.kernel(
        _combine_body,
        out_type=jax.ShapeDtypeStruct((T, D), jnp.float32),
        mesh=_make_sc_mesh(),
        scratch_types=[
            pltpu.VMEM((TPW, D), jnp.float32),
            pltpu.VMEM((TPW, D), jnp.float32),
            pltpu.VMEM((TPW,), jnp.int32),
            pltpu.VMEM((TPW,), jnp.int32),
            pltpu.VMEM((TPW, L), jnp.float32),
            pltpu.VMEM((TPW, L), jnp.float32),
            pltpu.SemaphoreType.DMA,
        ],
    )(ys, pos0, pos1, w0, w1)


def kernel(hidden_states, gate_weight, w_gate, w_up, w_down):
    Bb, Ss, Dd = hidden_states.shape
    x = hidden_states.reshape(Bb * Ss, Dd)
    logits, pos0, pos1, w0, w1, offs = _router(x, gate_weight)
    xs = _dispatch(x, pos0, pos1)
    ys = _gmm_main(xs, w_gate, w_up, w_down)
    ys = _gmm_ovf(offs, ys, xs, w_gate, w_up, w_down)
    out = _combine(ys, pos0, pos1, w0, w1)
    return out.reshape(Bb, Ss, Dd), logits

# --- scband reference (transcript-rebuilt; emitter-appended) ---
"""Pipeline reference for scband-qwen3-mo-eblock-44418551775993 (READ-ONLY COPY).

The authoritative reference and input builder live on the scoring server;
editing this copy changes nothing except your own understanding.
"""

import jax, jax.numpy as jnp
import numpy as np

E = 64
TOP_K = 2
D = 768
F = 384
B = 1
S = 2048


def setup_inputs(seed: int = 0) -> dict:
    key = jax.random.key(seed)
    k = jax.random.split(key, 5)
    hidden_states = jax.random.normal(k[0], (B, S, D), dtype=jnp.float32)
    gate_weight = jax.random.normal(k[1], (E, D), dtype=jnp.float32) * 0.02
    w_gate = jax.random.normal(k[2], (E, F, D), dtype=jnp.float32) * 0.02
    w_up = jax.random.normal(k[3], (E, F, D), dtype=jnp.float32) * 0.02
    w_down = jax.random.normal(k[4], (E, D, F), dtype=jnp.float32) * 0.02
    return {
        "hidden_states": hidden_states,
        "gate_weight": gate_weight,
        "w_gate": w_gate,
        "w_up": w_up,
        "w_down": w_down,
    }


def reference(hidden_states, gate_weight, w_gate, w_up, w_down):
    # Faithful Qwen3 MoE block: gate -> softmax -> top-k (normalized) -> SwiGLU experts -> weighted scatter-add combine.
    Bb, Ss, Dd = hidden_states.shape
    x = hidden_states.reshape(-1, Dd)
    T = x.shape[0]
    router_logits = x @ gate_weight.T  # [T, E]
    routing_weights = jax.nn.softmax(router_logits.astype(jnp.float32), axis=-1)
    topk_vals, topk_idx = jax.lax.top_k(routing_weights, TOP_K)
    # norm_topk_prob=True
    topk_vals = topk_vals / jnp.sum(topk_vals, axis=-1, keepdims=True)
    # combine weights [T, E] via scatter-add (SparseCore-friendly)
    combine = jnp.zeros((T, E), dtype=jnp.float32).at[jnp.arange(T)[:, None], topk_idx].add(topk_vals)
    final = jnp.zeros((T, Dd), dtype=jnp.float32)
    for e in range(E):
        w = combine[:, e]
        mask = w > 0  # tokens routed to expert e
        h = jax.nn.silu(x @ w_gate[e].T) * (x @ w_up[e].T)  # SwiGLU
        y = (h @ w_down[e].T) * w[:, None]
        final = jnp.where(mask[:, None], final + y, final)  # scatter-add combine
    return final.reshape(Bb, Ss, Dd), router_logits

if __name__ == "__main__":
    import jax
    _d = setup_inputs()
    print(jax.jit(kernel)(*tuple(_d.values())))

</pallas_src>

<mosaic_0001>
#map = affine_map<(d0, d1) -> (0, 0)>
module attributes {stable_mosaic.version = 14 : i64} {
  func.func @_dispatch_body(%arg0: i32, %arg1: i32, %arg2: memref<2048x768xf32, #tpu.memory_space<hbm>>, %arg3: memref<1x2048xi32, #tpu.memory_space<hbm>>, %arg4: memref<1x2048xi32, #tpu.memory_space<hbm>>, %arg5: memref<12672x768xf32, #tpu.memory_space<hbm>>, %arg6: memref<64x768xf32, #tpu.memory_space<vmem>>, %arg7: memref<64xi32, #tpu.memory_space<vmem>>, %arg8: memref<64xi32, #tpu.memory_space<vmem>>) attributes {dimension_semantics = [#tpu.dimension_semantics<core_parallel>, #tpu.dimension_semantics<subcore_parallel>], iteration_bounds = array<i64: 2, 16>, scalar_prefetch = 0 : i64, scratch_operands = 3 : i64, tpu.core_type = #tpu.core_type<sc_vector_subcore>, window_params = [{transform_indices = #map}, {transform_indices = #map}, {transform_indices = #map}, {transform_indices = #map}]} {
    %mul3A = arith.constant 2 : i32
    %mul3A_0 = arith.muli %arg1, %mul3A : i32
    %add3A = arith.addi %mul3A_0, %arg0 : i32
    %mul3A_1 = arith.constant 64 : i32
    %mul3A_2 = arith.muli %add3A, %mul3A_1 : i32
    "tpu.region"() ({
      %run_scoped3A_4 = tpu.sem_alloc : memref<!tpu.dma_semaphore, #tpu.memory_space<semaphore_mem>>
      %dma_start3A = arith.constant 0 : i32
      %dma_start3A_5 = tpu.memref_slice %arg2[%mul3A_2, %dma_start3A] : memref<2048x768xf32, #tpu.memory_space<hbm>> -> memref<64x768xf32, #tpu.memory_space<hbm>>
      %dma_start3A_6 = arith.constant 0 : i32
      %dma_start3A_7 = tpu.memref_slice %arg2[%mul3A_2, %dma_start3A_6] : memref<2048x768xf32, #tpu.memory_space<hbm>> -> memref<64x768xf32, #tpu.memory_space<hbm>>
      tpu.enqueue_dma source(%dma_start3A_7 : memref<64x768xf32, #tpu.memory_space<hbm>>) target(%arg6 : memref<64x768xf32, #tpu.memory_space<vmem>>) target_semaphore(%run_scoped3A_4 : memref<!tpu.dma_semaphore, #tpu.memory_space<semaphore_mem>>)
      %dma_wait3A = arith.constant 0 : i32
      %dma_wait3A_8 = tpu.memref_slice %arg2[%mul3A_2, %dma_wait3A] : memref<2048x768xf32, #tpu.memory_space<hbm>> -> memref<64x768xf32, #tpu.memory_space<hbm>>
      %dma_wait3A_9 = arith.constant 0 : i32
      %dma_wait3A_10 = tpu.memref_slice %arg2[%mul3A_2, %dma_wait3A_9] : memref<2048x768xf32, #tpu.memory_space<hbm>> -> memref<64x768xf32, #tpu.memory_space<hbm>>
      tpu.wait_dma2 semaphore(%run_scoped3A_4 : memref<!tpu.dma_semaphore, #tpu.memory_space<semaphore_mem>>) src(%dma_wait3A_10 : memref<64x768xf32, #tpu.memory_space<hbm>>) dst(%arg6 : memref<64x768xf32, #tpu.memory_space<vmem>>)
      tpu.yield
    }) : () -> ()
    %run_scoped3A = arith.constant 0 : i32
    "tpu.region"() ({
      %run_scoped3A_4 = tpu.sem_alloc : memref<!tpu.dma_semaphore, #tpu.memory_space<semaphore_mem>>
      %dma_start3A = tpu.memref_slice %arg3[%run_scoped3A, %mul3A_2] : memref<1x2048xi32, #tpu.memory_space<hbm>> -> memref<1x64xi32, #tpu.memory_space<hbm>>
      %dma_start3A_5 = tpu.memref_squeeze %dma_start3A : memref<1x64xi32, #tpu.memory_space<hbm>> -> memref<64xi32, #tpu.memory_space<hbm>>
      %dma_start3A_6 = tpu.memref_slice %arg3[%run_scoped3A, %mul3A_2] : memref<1x2048xi32, #tpu.memory_space<hbm>> -> memref<1x64xi32, #tpu.memory_space<hbm>>
      %dma_start3A_7 = tpu.memref_squeeze %dma_start3A_6 : memref<1x64xi32, #tpu.memory_space<hbm>> -> memref<64xi32, #tpu.memory_space<hbm>>
      tpu.enqueue_dma source(%dma_start3A_7 : memref<64xi32, #tpu.memory_space<hbm>>) target(%arg7 : memref<64xi32, #tpu.memory_space<vmem>>) target_semaphore(%run_scoped3A_4 : memref<!tpu.dma_semaphore, #tpu.memory_space<semaphore_mem>>)
      %dma_wait3A = tpu.memref_slice %arg3[%run_scoped3A, %mul3A_2] : memref<1x2048xi32, #tpu.memory_space<hbm>> -> memref<1x64xi32, #tpu.memory_space<hbm>>
      %dma_wait3A_8 = tpu.memref_squeeze %dma_wait3A : memref<1x64xi32, #tpu.memory_space<hbm>> -> memref<64xi32, #tpu.memory_space<hbm>>
      %dma_wait3A_9 = tpu.memref_slice %arg3[%run_scoped3A, %mul3A_2] : memref<1x2048xi32, #tpu.memory_space<hbm>> -> memref<1x64xi32, #tpu.memory_space<hbm>>
      %dma_wait3A_10 = tpu.memref_squeeze %dma_wait3A_9 : memref<1x64xi32, #tpu.memory_space<hbm>> -> memref<64xi32, #tpu.memory_space<hbm>>
      tpu.wait_dma2 semaphore(%run_scoped3A_4 : memref<!tpu.dma_semaphore, #tpu.memory_space<semaphore_mem>>) src(%dma_wait3A_10 : memref<64xi32, #tpu.memory_space<hbm>>) dst(%arg7 : memref<64xi32, #tpu.memory_space<vmem>>)
      tpu.yield
    }) : () -> ()
    %run_scoped3A_3 = arith.constant 0 : i32
    "tpu.region"() ({
      %run_scoped3A_4 = tpu.sem_alloc : memref<!tpu.dma_semaphore, #tpu.memory_space<semaphore_mem>>
      %dma_start3A = tpu.memref_slice %arg4[%run_scoped3A_3, %mul3A_2] : memref<1x2048xi32, #tpu.memory_space<hbm>> -> memref<1x64xi32, #tpu.memory_space<hbm>>
      %dma_start3A_5 = tpu.memref_squeeze %dma_start3A : memref<1x64xi32, #tpu.memory_space<hbm>> -> memref<64xi32, #tpu.memory_space<hbm>>
      %dma_start3A_6 = tpu.memref_slice %arg4[%run_scoped3A_3, %mul3A_2] : memref<1x2048xi32, #tpu.memory_space<hbm>> -> memref<1x64xi32, #tpu.memory_space<hbm>>
      %dma_start3A_7 = tpu.memref_squeeze %dma_start3A_6 : memref<1x64xi32, #tpu.memory_space<hbm>> -> memref<64xi32, #tpu.memory_space<hbm>>
      tpu.enqueue_dma source(%dma_start3A_7 : memref<64xi32, #tpu.memory_space<hbm>>) target(%arg8 : memref<64xi32, #tpu.memory_space<vmem>>) target_semaphore(%run_scoped3A_4 : memref<!tpu.dma_semaphore, #tpu.memory_space<semaphore_mem>>)
      %dma_wait3A = tpu.memref_slice %arg4[%run_scoped3A_3, %mul3A_2] : memref<1x2048xi32, #tpu.memory_space<hbm>> -> memref<1x64xi32, #tpu.memory_space<hbm>>
      %dma_wait3A_8 = tpu.memref_squeeze %dma_wait3A : memref<1x64xi32, #tpu.memory_space<hbm>> -> memref<64xi32, #tpu.memory_space<hbm>>
      %dma_wait3A_9 = tpu.memref_slice %arg4[%run_scoped3A_3, %mul3A_2] : memref<1x2048xi32, #tpu.memory_space<hbm>> -> memref<1x64xi32, #tpu.memory_space<hbm>>
      %dma_wait3A_10 = tpu.memref_squeeze %dma_wait3A_9 : memref<1x64xi32, #tpu.memory_space<hbm>> -> memref<64xi32, #tpu.memory_space<hbm>>
      tpu.wait_dma2 semaphore(%run_scoped3A_4 : memref<!tpu.dma_semaphore, #tpu.memory_space<semaphore_mem>>) src(%dma_wait3A_10 : memref<64xi32, #tpu.memory_space<hbm>>) dst(%arg8 : memref<64xi32, #tpu.memory_space<vmem>>)
      tpu.yield
    }) : () -> ()
    "tpu.region"() ({
      %run_scoped3A_4 = tpu.sem_alloc : memref<!tpu.dma_semaphore, #tpu.memory_space<semaphore_mem>>
      %dma_start3A = arith.constant 0 : i32
      %dma_start3A_5 = arith.constant 0 : i32
      %dma_start3A_6 = tpu.memref_slice %arg5[%dma_start3A, %dma_start3A_5] : memref<12672x768xf32, #tpu.memory_space<hbm>> -> memref<12672x768xf32, #tpu.memory_space<hbm>>
      tpu.enqueue_indirect_dma source(%arg6 : memref<64x768xf32, #tpu.memory_space<vmem>>) target(%dma_start3A_6 : memref<12672x768xf32, #tpu.memory_space<hbm>>) offsets(%arg7 : memref<64xi32, #tpu.memory_space<vmem>>) semaphore(%run_scoped3A_4 : memref<!tpu.dma_semaphore, #tpu.memory_space<semaphore_mem>>)
      %dma_wait3A = arith.constant 0 : i32
      %dma_wait3A_7 = arith.constant 0 : i32
      %dma_wait3A_8 = tpu.memref_slice %arg5[%dma_wait3A, %dma_wait3A_7] : memref<12672x768xf32, #tpu.memory_space<hbm>> -> memref<12672x768xf32, #tpu.memory_space<hbm>>
      tpu.wait_indirect_dma semaphore(%run_scoped3A_4 : memref<!tpu.dma_semaphore, #tpu.memory_space<semaphore_mem>>) src(%arg6 : memref<64x768xf32, #tpu.memory_space<vmem>>) dst(%dma_wait3A_8 : memref<12672x768xf32, #tpu.memory_space<hbm>>)
      tpu.yield
    }) : () -> ()
    "tpu.region"() ({
      %run_scoped3A_4 = tpu.sem_alloc : memref<!tpu.dma_semaphore, #tpu.memory_space<semaphore_mem>>
      %dma_start3A = arith.constant 0 : i32
      %dma_start3A_5 = arith.constant 0 : i32
      %dma_start3A_6 = tpu.memref_slice %arg5[%dma_start3A, %dma_start3A_5] : memref<12672x768xf32, #tpu.memory_space<hbm>> -> memref<12672x768xf32, #tpu.memory_space<hbm>>
      tpu.enqueue_indirect_dma source(%arg6 : memref<64x768xf32, #tpu.memory_space<vmem>>) target(%dma_start3A_6 : memref<12672x768xf32, #tpu.memory_space<hbm>>) offsets(%arg8 : memref<64xi32, #tpu.memory_space<vmem>>) semaphore(%run_scoped3A_4 : memref<!tpu.dma_semaphore, #tpu.memory_space<semaphore_mem>>)
      %dma_wait3A = arith.constant 0 : i32
      %dma_wait3A_7 = arith.constant 0 : i32
      %dma_wait3A_8 = tpu.memref_slice %arg5[%dma_wait3A, %dma_wait3A_7] : memref<12672x768xf32, #tpu.memory_space<hbm>> -> memref<12672x768xf32, #tpu.memory_space<hbm>>
      tpu.wait_indirect_dma semaphore(%run_scoped3A_4 : memref<!tpu.dma_semaphore, #tpu.memory_space<semaphore_mem>>) src(%arg6 : memref<64x768xf32, #tpu.memory_space<vmem>>) dst(%dma_wait3A_8 : memref<12672x768xf32, #tpu.memory_space<hbm>>)
      tpu.yield
    }) : () -> ()
    return
  }
}

#map = affine_map<(d0, d1) -> (0, 0)>
module attributes {stable_mosaic.version = 14 : i64} {
  func.func @_combine_body(%arg0: i32, %arg1: i32, %arg2: memref<12672x768xf32, #tpu.memory_space<hbm>>, %arg3: memref<1x2048xi32, #tpu.memory_space<hbm>>, %arg4: memref<1x2048xi32, #tpu.memory_space<hbm>>, %arg5: memref<2048x16xf32, #tpu.memory_space<hbm>>, %arg6: memref<2048x16xf32, #tpu.memory_space<hbm>>, %arg7: memref<2048x768xf32, #tpu.memory_space<hbm>>, %arg8: memref<64x768xf32, #tpu.memory_space<vmem>>, %arg9: memref<64x768xf32, #tpu.memory_space<vmem>>, %arg10: memref<64xi32, #tpu.memory_space<vmem>>, %arg11: memref<64xi32, #tpu.memory_space<vmem>>, %arg12: memref<64x16xf32, #tpu.memory_space<vmem>>, %arg13: memref<64x16xf32, #tpu.memory_space<vmem>>, %arg14: memref<!tpu.dma_semaphore, #tpu.memory_space<semaphore_mem>>) attributes {dimension_semantics = [#tpu.dimension_semantics<core_parallel>, #tpu.dimension_semantics<subcore_parallel>], iteration_bounds = array<i64: 2, 16>, scalar_prefetch = 0 : i64, scratch_operands = 7 : i64, tpu.core_type = #tpu.core_type<sc_vector_subcore>, window_params = [{transform_indices = #map}, {transform_indices = #map}, {transform_indices = #map}, {transform_indices = #map}, {transform_indices = #map}, {transform_indices = #map}]} {
    %mul3A = arith.constant 2 : i32
    %mul3A_0 = arith.muli %arg1, %mul3A : i32
    %add3A = arith.addi %mul3A_0, %arg0 : i32
    %mul3A_1 = arith.constant 64 : i32
    %mul3A_2 = arith.muli %add3A, %mul3A_1 : i32
    %run_scoped3A = arith.constant 0 : i32
    "tpu.region"() ({
      %run_scoped3A_19 = tpu.sem_alloc : memref<!tpu.dma_semaphore, #tpu.memory_space<semaphore_mem>>
      %dma_start3A_20 = tpu.memref_slice %arg3[%run_scoped3A, %mul3A_2] : memref<1x2048xi32, #tpu.memory_space<hbm>> -> memref<1x64xi32, #tpu.memory_space<hbm>>
      %dma_start3A_21 = tpu.memref_squeeze %dma_start3A_20 : memref<1x64xi32, #tpu.memory_space<hbm>> -> memref<64xi32, #tpu.memory_space<hbm>>
      %dma_start3A_22 = tpu.memref_slice %arg3[%run_scoped3A, %mul3A_2] : memref<1x2048xi32, #tpu.memory_space<hbm>> -> memref<1x64xi32, #tpu.memory_space<hbm>>
      %dma_start3A_23 = tpu.memref_squeeze %dma_start3A_22 : memref<1x64xi32, #tpu.memory_space<hbm>> -> memref<64xi32, #tpu.memory_space<hbm>>
      tpu.enqueue_dma source(%dma_start3A_23 : memref<64xi32, #tpu.memory_space<hbm>>) target(%arg10 : memref<64xi32, #tpu.memory_space<vmem>>) target_semaphore(%run_scoped3A_19 : memref<!tpu.dma_semaphore, #tpu.memory_space<semaphore_mem>>)
      %dma_wait3A_24 = tpu.memref_slice %arg3[%run_scoped3A, %mul3A_2] : memref<1x2048xi32, #tpu.memory_space<hbm>> -> memref<1x64xi32, #tpu.memory_space<hbm>>
      %dma_wait3A_25 = tpu.memref_squeeze %dma_wait3A_24 : memref<1x64xi32, #tpu.memory_space<hbm>> -> memref<64xi32, #tpu.memory_space<hbm>>
      %dma_wait3A_26 = tpu.memref_slice %arg3[%run_scoped3A, %mul3A_2] : memref<1x2048xi32, #tpu.memory_space<hbm>> -> memref<1x64xi32, #tpu.memory_space<hbm>>
      %dma_wait3A_27 = tpu.memref_squeeze %dma_wait3A_26 : memref<1x64xi32, #tpu.memory_space<hbm>> -> memref<64xi32, #tpu.memory_space<hbm>>
      tpu.wait_dma2 semaphore(%run_scoped3A_19 : memref<!tpu.dma_semaphore, #tpu.memory_space<semaphore_mem>>) src(%dma_wait3A_27 : memref<64xi32, #tpu.memory_space<hbm>>) dst(%arg10 : memref<64xi32, #tpu.memory_space<vmem>>)
      tpu.yield
    }) : () -> ()
    %run_scoped3A_3 = arith.constant 0 : i32
    "tpu.region"() ({
      %run_scoped3A_19 = tpu.sem_alloc : memref<!tpu.dma_semaphore, #tpu.memory_space<semaphore_mem>>
      %dma_start3A_20 = tpu.memref_slice %arg4[%run_scoped3A_3, %mul3A_2] : memref<1x2048xi32, #tpu.memory_space<hbm>> -> memref<1x64xi32, #tpu.memory_space<hbm>>
      %dma_start3A_21 = tpu.memref_squeeze %dma_start3A_20 : memref<1x64xi32, #tpu.memory_space<hbm>> -> memref<64xi32, #tpu.memory_space<hbm>>
      %dma_start3A_22 = tpu.memref_slice %arg4[%run_scoped3A_3, %mul3A_2] : memref<1x2048xi32, #tpu.memory_space<hbm>> -> memref<1x64xi32, #tpu.memory_space<hbm>>
      %dma_start3A_23 = tpu.memref_squeeze %dma_start3A_22 : memref<1x64xi32, #tpu.memory_space<hbm>> -> memref<64xi32, #tpu.memory_space<hbm>>
      tpu.enqueue_dma source(%dma_start3A_23 : memref<64xi32, #tpu.memory_space<hbm>>) target(%arg11 : memref<64xi32, #tpu.memory_space<vmem>>) target_semaphore(%run_scoped3A_19 : memref<!tpu.dma_semaphore, #tpu.memory_space<semaphore_mem>>)
      %dma_wait3A_24 = tpu.memref_slice %arg4[%run_scoped3A_3, %mul3A_2] : memref<1x2048xi32, #tpu.memory_space<hbm>> -> memref<1x64xi32, #tpu.memory_space<hbm>>
      %dma_wait3A_25 = tpu.memref_squeeze %dma_wait3A_24 : memref<1x64xi32, #tpu.memory_space<hbm>> -> memref<64xi32, #tpu.memory_space<hbm>>
      %dma_wait3A_26 = tpu.memref_slice %arg4[%run_scoped3A_3, %mul3A_2] : memref<1x2048xi32, #tpu.memory_space<hbm>> -> memref<1x64xi32, #tpu.memory_space<hbm>>
      %dma_wait3A_27 = tpu.memref_squeeze %dma_wait3A_26 : memref<1x64xi32, #tpu.memory_space<hbm>> -> memref<64xi32, #tpu.memory_space<hbm>>
      tpu.wait_dma2 semaphore(%run_scoped3A_19 : memref<!tpu.dma_semaphore, #tpu.memory_space<semaphore_mem>>) src(%dma_wait3A_27 : memref<64xi32, #tpu.memory_space<hbm>>) dst(%arg11 : memref<64xi32, #tpu.memory_space<vmem>>)
      tpu.yield
    }) : () -> ()
    "tpu.region"() ({
      %run_scoped3A_19 = tpu.sem_alloc : memref<!tpu.dma_semaphore, #tpu.memory_space<semaphore_mem>>
      %dma_start3A_20 = arith.constant 0 : i32
      %dma_start3A_21 = tpu.memref_slice %arg5[%mul3A_2, %dma_start3A_20] : memref<2048x16xf32, #tpu.memory_space<hbm>> -> memref<64x16xf32, #tpu.memory_space<hbm>>
      %dma_start3A_22 = arith.constant 0 : i32
      %dma_start3A_23 = tpu.memref_slice %arg5[%mul3A_2, %dma_start3A_22] : memref<2048x16xf32, #tpu.memory_space<hbm>> -> memref<64x16xf32, #tpu.memory_space<hbm>>
      tpu.enqueue_dma source(%dma_start3A_23 : memref<64x16xf32, #tpu.memory_space<hbm>>) target(%arg12 : memref<64x16xf32, #tpu.memory_space<vmem>>) target_semaphore(%run_scoped3A_19 : memref<!tpu.dma_semaphore, #tpu.memory_space<semaphore_mem>>)
      %dma_wait3A_24 = arith.constant 0 : i32
      %dma_wait3A_25 = tpu.memref_slice %arg5[%mul3A_2, %dma_wait3A_24] : memref<2048x16xf32, #tpu.memory_space<hbm>> -> memref<64x16xf32, #tpu.memory_space<hbm>>
      %dma_wait3A_26 = arith.constant 0 : i32
      %dma_wait3A_27 = tpu.memref_slice %arg5[%mul3A_2, %dma_wait3A_26] : memref<2048x16xf32, #tpu.memory_space<hbm>> -> memref<64x16xf32, #tpu.memory_space<hbm>>
      tpu.wait_dma2 semaphore(%run_scoped3A_19 : memref<!tpu.dma_semaphore, #tpu.memory_space<semaphore_mem>>) src(%dma_wait3A_27 : memref<64x16xf32, #tpu.memory_space<hbm>>) dst(%arg12 : memref<64x16xf32, #tpu.memory_space<vmem>>)
      tpu.yield
    }) : () -> ()
    "tpu.region"() ({
      %run_scoped3A_19 = tpu.sem_alloc : memref<!tpu.dma_semaphore, #tpu.memory_space<semaphore_mem>>
      %dma_start3A_20 = arith.constant 0 : i32
      %dma_start3A_21 = tpu.memref_slice %arg6[%mul3A_2, %dma_start3A_20] : memref<2048x16xf32, #tpu.memory_space<hbm>> -> memref<64x16xf32, #tpu.memory_space<hbm>>
      %dma_start3A_22 = arith.constant 0 : i32
      %dma_start3A_23 = tpu.memref_slice %arg6[%mul3A_2, %dma_start3A_22] : memref<2048x16xf32, #tpu.memory_space<hbm>> -> memref<64x16xf32, #tpu.memory_space<hbm>>
      tpu.enqueue_dma source(%dma_start3A_23 : memref<64x16xf32, #tpu.memory_space<hbm>>) target(%arg13 : memref<64x16xf32, #tpu.memory_space<vmem>>) target_semaphore(%run_scoped3A_19 : memref<!tpu.dma_semaphore, #tpu.memory_space<semaphore_mem>>)
      %dma_wait3A_24 = arith.constant 0 : i32
      %dma_wait3A_25 = tpu.memref_slice %arg6[%mul3A_2, %dma_wait3A_24] : memref<2048x16xf32, #tpu.memory_space<hbm>> -> memref<64x16xf32, #tpu.memory_space<hbm>>
      %dma_wait3A_26 = arith.constant 0 : i32
      %dma_wait3A_27 = tpu.memref_slice %arg6[%mul3A_2, %dma_wait3A_26] : memref<2048x16xf32, #tpu.memory_space<hbm>> -> memref<64x16xf32, #tpu.memory_space<hbm>>
      tpu.wait_dma2 semaphore(%run_scoped3A_19 : memref<!tpu.dma_semaphore, #tpu.memory_space<semaphore_mem>>) src(%dma_wait3A_27 : memref<64x16xf32, #tpu.memory_space<hbm>>) dst(%arg13 : memref<64x16xf32, #tpu.memory_space<vmem>>)
      tpu.yield
    }) : () -> ()
    %dma_start3A = arith.constant 0 : i32
    %dma_start3A_4 = arith.constant 0 : i32
    %dma_start3A_5 = tpu.memref_slice %arg2[%dma_start3A, %dma_start3A_4] : memref<12672x768xf32, #tpu.memory_space<hbm>> -> memref<12672x768xf32, #tpu.memory_space<hbm>>
    tpu.enqueue_indirect_dma source(%dma_start3A_5 : memref<12672x768xf32, #tpu.memory_space<hbm>>) target(%arg8 : memref<64x768xf32, #tpu.memory_space<vmem>>) offsets(%arg10 : memref<64xi32, #tpu.memory_space<vmem>>) semaphore(%arg14 : memref<!tpu.dma_semaphore, #tpu.memory_space<semaphore_mem>>)
    %dma_start3A_6 = arith.constant 0 : i32
    %dma_start3A_7 = arith.constant 0 : i32
    %dma_start3A_8 = tpu.memref_slice %arg2[%dma_start3A_6, %dma_start3A_7] : memref<12672x768xf32, #tpu.memory_space<hbm>> -> memref<12672x768xf32, #tpu.memory_space<hbm>>
    tpu.enqueue_indirect_dma source(%dma_start3A_8 : memref<12672x768xf32, #tpu.memory_space<hbm>>) target(%arg9 : memref<64x768xf32, #tpu.memory_space<vmem>>) offsets(%arg11 : memref<64xi32, #tpu.memory_space<vmem>>) semaphore(%arg14 : memref<!tpu.dma_semaphore, #tpu.memory_space<semaphore_mem>>)
    %dma_wait3A = arith.constant 0 : i32
    %dma_wait3A_9 = arith.constant 0 : i32
    %dma_wait3A_10 = tpu.memref_slice %arg2[%dma_wait3A, %dma_wait3A_9] : memref<12672x768xf32, #tpu.memory_space<hbm>> -> memref<12672x768xf32, #tpu.memory_space<hbm>>
    tpu.wait_indirect_dma semaphore(%arg14 : memref<!tpu.dma_semaphore, #tpu.memory_space<semaphore_mem>>) src(%dma_wait3A_10 : memref<12672x768xf32, #tpu.memory_space<hbm>>) dst(%arg8 : memref<64x768xf32, #tpu.memory_space<vmem>>)
    %dma_wait3A_11 = arith.constant 0 : i32
    %dma_wait3A_12 = arith.constant 0 : i32
    %dma_wait3A_13 = tpu.memref_slice %arg2[%dma_wait3A_11, %dma_wait3A_12] : memref<12672x768xf32, #tpu.memory_space<hbm>> -> memref<12672x768xf32, #tpu.memory_space<hbm>>
    tpu.wait_indirect_dma semaphore(%arg14 : memref<!tpu.dma_semaphore, #tpu.memory_space<semaphore_mem>>) src(%dma_wait3A_13 : memref<12672x768xf32, #tpu.memory_space<hbm>>) dst(%arg9 : memref<64x768xf32, #tpu.memory_space<vmem>>)
    %scan3A = arith.constant 0 : i32
    %scan3A_14 = arith.constant 0 : i32
    %scan3A_15 = arith.constant 64 : i32
    %scan3A_16 = arith.addi %scan3A_14, %scan3A_15 : i32
    %scan3A_17 = arith.constant 1 : i32
    scf.for %scan3A_19 = %scan3A_14 to %scan3A_16 step %scan3A_17  : i32 {
      %get3A = arith.index_cast %scan3A_19 : i32 to index
      %get3A_20 = arith.constant 0 : index
      %get3A_21 = tpu.vector_load %arg12[%get3A, %get3A_20] {strides = array<i32>} : memref<64x16xf32, #tpu.memory_space<vmem>>, vector<1x16xf32>,
      %get3A_22 = vector.shape_cast %get3A_21 : vector<1x16xf32> to vector<16xf32>
      %get3A_23 = arith.index_cast %scan3A_19 : i32 to index
      %get3A_24 = arith.constant 0 : index
      %get3A_25 = tpu.vector_load %arg13[%get3A_23, %get3A_24] {strides = array<i32>} : memref<64x16xf32, #tpu.memory_space<vmem>>, vector<1x16xf32>,
      %get3A_26 = vector.shape_cast %get3A_25 : vector<1x16xf32> to vector<16xf32>
      %get3A_27 = arith.index_cast %scan3A_19 : i32 to index
      %get3A_28 = arith.constant 0 : index
      %get3A_29 = tpu.vector_load %arg8[%get3A_27, %get3A_28] {strides = array<i32>} : memref<64x768xf32, #tpu.memory_space<vmem>>, vector<1x16xf32>,
      %get3A_30 = vector.shape_cast %get3A_29 : vector<1x16xf32> to vector<16xf32>
      %get3A_31 = arith.index_cast %scan3A_19 : i32 to index
      %get3A_32 = arith.constant 0 : index
      %get3A_33 = tpu.vector_load %arg9[%get3A_31, %get3A_32] {strides = array<i32>} : memref<64x768xf32, #tpu.memory_space<vmem>>, vector<1x16xf32>,
      %get3A_34 = vector.shape_cast %get3A_33 : vector<1x16xf32> to vector<16xf32>
      %mul3A_35 = arith.mulf %get3A_30, %get3A_22 : vector<16xf32>
      %mul3A_36 = arith.mulf %get3A_34, %get3A_26 : vector<16xf32>
      %add3A_37 = arith.addf %mul3A_35, %mul3A_36 : vector<16xf32>
      %swap3A = arith.index_cast %scan3A_19 : i32 to index
      %swap3A_38 = arith.constant 0 : index
      %swap3A_39 = tpu.vector_load %arg8[%swap3A, %swap3A_38] {strides = array<i32>} : memref<64x768xf32, #tpu.memory_space<vmem>>, vector<1x16xf32>,
      %swap3A_40 = vector.shape_cast %swap3A_39 : vector<1x16xf32> to vector<16xf32>
      %swap3A_41 = vector.shape_cast %add3A_37 : vector<16xf32> to vector<1x16xf32>
      tpu.vector_store %arg8[%swap3A, %swap3A_38], %swap3A_41 {strides = array<i32>} : memref<64x768xf32, #tpu.memory_space<vmem>>, vector<1x16xf32>,
      %get3A_42 = arith.index_cast %scan3A_19 : i32 to index
      %get3A_43 = arith.constant 16 : index
      %get3A_44 = tpu.vector_load %arg8[%get3A_42, %get3A_43] {strides = array<i32>} : memref<64x768xf32, #tpu.memory_space<vmem>>, vector<1x16xf32>,
      %get3A_45 = vector.shape_cast %get3A_44 : vector<1x16xf32> to vector<16xf32>
      %get3A_46 = arith.index_cast %scan3A_19 : i32 to index
      %get3A_47 = arith.constant 16 : index
      %get3A_48 = tpu.vector_load %arg9[%get3A_46, %get3A_47] {strides = array<i32>} : memref<64x768xf32, #tpu.memory_space<vmem>>, vector<1x16xf32>,
      %get3A_49 = vector.shape_cast %get3A_48 : vector<1x16xf32> to vector<16xf32>
      %mul3A_50 = arith.mulf %get3A_45, %get3A_22 : vector<16xf32>
      %mul3A_51 = arith.mulf %get3A_49, %get3A_26 : vector<16xf32>
      %add3A_52 = arith.addf %mul3A_50, %mul3A_51 : vector<16xf32>
      %swap3A_53 = arith.index_cast %scan3A_19 : i32 to index
      %swap3A_54 = arith.constant 16 : index
      %swap3A_55 = tpu.vector_load %arg8[%swap3A_53, %swap3A_54] {strides = array<i32>} : memref<64x768xf32, #tpu.memory_space<vmem>>, vector<1x16xf32>,
      %swap3A_56 = vector.shape_cast %swap3A_55 : vector<1x16xf32> to vector<16xf32>
      %swap3A_57 = vector.shape_cast %add3A_52 : vector<16xf32> to vector<1x16xf32>
      tpu.vector_store %arg8[%swap3A_53, %swap3A_54], %swap3A_57 {strides = array<i32>} : memref<64x768xf32, #tpu.memory_space<vmem>>, vector<1x16xf32>,
      %get3A_58 = arith.index_cast %scan3A_19 : i32 to index
      %get3A_59 = arith.constant 32 : index
      %get3A_60 = tpu.vector_load %arg8[%get3A_58, %get3A_59] {strides = array<i32>} : memref<64x768xf32, #tpu.memory_space<vmem>>, vector<1x16xf32>,
      %get3A_61 = vector.shape_cast %get3A_60 : vector<1x16xf32> to vector<16xf32>
      %get3A_62 = arith.index_cast %scan3A_19 : i32 to index
      %get3A_63 = arith.constant 32 : index
      %get3A_64 = tpu.vector_load %arg9[%get3A_62, %get3A_63] {strides = array<i32>} : memref<64x768xf32, #tpu.memory_space<vmem>>, vector<1x16xf32>,
      %get3A_65 = vector.shape_cast %get3A_64 : vector<1x16xf32> to vector<16xf32>
      %mul3A_66 = arith.mulf %get3A_61, %get3A_22 : vector<16xf32>
      %mul3A_67 = arith.mulf %get3A_65, %get3A_26 : vector<16xf32>
      %add3A_68 = arith.addf %mul3A_66, %mul3A_67 : vector<16xf32>
      %swap3A_69 = arith.index_cast %scan3A_19 : i32 to index
      %swap3A_70 = arith.constant 32 : index
      %swap3A_71 = tpu.vector_load %arg8[%swap3A_69, %swap3A_70] {strides = array<i32>} : memref<64x768xf32, #tpu.memory_space<vmem>>, vector<1x16xf32>,
      %swap3A_72 = vector.shape_cast %swap3A_71 : vector<1x16xf32> to vector<16xf32>
      %swap3A_73 = vector.shape_cast %add3A_68 : vector<16xf32> to vector<1x16xf32>
      tpu.vector_store %arg8[%swap3A_69, %swap3A_70], %swap3A_73 {strides = array<i32>} : memref<64x768xf32, #tpu.memory_space<vmem>>, vector<1x16xf32>,
      %get3A_74 = arith.index_cast %scan3A_19 : i32 to index
      %get3A_75 = arith.constant 48 : index
      %get3A_76 = tpu.vector_load %arg8[%get3A_74, %get3A_75] {strides = array<i32>} : memref<64x768xf32, #tpu.memory_space<vmem>>, vector<1x16xf32>,
      %get3A_77 = vector.shape_cast %get3A_76 : vector<1x16xf32> to vector<16xf32>
      %get3A_78 = arith.index_cast %scan3A_19 : i32 to index
      %get3A_79 = arith.constant 48 : index
      %get3A_80 = tpu.vector_load %arg9[%get3A_78, %get3A_79] {strides = array<i32>} : memref<64x768xf32, #tpu.memory_space<vmem>>, vector<1x16xf32>,
      %get3A_81 = vector.shape_cast %get3A_80 : vector<1x16xf32> to vector<16xf32>
      %mul3A_82 = arith.mulf %get3A_77, %get3A_22 : vector<16xf32>
      %mul3A_83 = arith.mulf %get3A_81, %get3A_26 : vector<16xf32>
      %add3A_84 = arith.addf %mul3A_82, %mul3A_83 : vector<16xf32>
      %swap3A_85 = arith.index_cast %scan3A_19 : i32 to index
      %swap3A_86 = arith.constant 48 : index
      %swap3A_87 = tpu.vector_load %arg8[%swap3A_85, %swap3A_86] {strides = array<i32>} : memref<64x768xf32, #tpu.memory_space<vmem>>, vector<1x16xf32>,
      %swap3A_88 = vector.shape_cast %swap3A_87 : vector<1x16xf32> to vector<16xf32>
      %swap3A_89 = vector.shape_cast %add3A_84 : vector<16xf32> to vector<1x16xf32>
      tpu.vector_store %arg8[%swap3A_85, %swap3A_86], %swap3A_89 {strides = array<i32>} : memref<64x768xf32, #tpu.memory_space<vmem>>, vector<1x16xf32>,
      %get3A_90 = arith.index_cast %scan3A_19 : i32 to index
      %get3A_91 = arith.constant 64 : index
      %get3A_92 = tpu.vector_load %arg8[%get3A_90, %get3A_91] {strides = array<i32>} : memref<64x768xf32, #tpu.memory_space<vmem>>, vector<1x16xf32>,
      %get3A_93 = vector.shape_cast %get3A_92 : vector<1x16xf32> to vector<16xf32>
      %get3A_94 = arith.index_cast %scan3A_19 : i32 to index
      %get3A_95 = arith.constant 64 : index
      %get3A_96 = tpu.vector_load %arg9[%get3A_94, %get3A_95] {strides = array<i32>} : memref<64x768xf32, #tpu.memory_space<vmem>>, vector<1x16xf32>,
      %get3A_97 = vector.shape_cast %get3A_96 : vector<1x16xf32> to vector<16xf32>
      %mul3A_98 = arith.mulf %get3A_93, %get3A_22 : vector<16xf32>
      %mul3A_99 = arith.mulf %get3A_97, %get3A_26 : vector<16xf32>
      %add3A_100 = arith.addf %mul3A_98, %mul3A_99 : vector<16xf32>
      %swap3A_101 = arith.index_cast %scan3A_19 : i32 to index
      %swap3A_102 = arith.constant 64 : index
      %swap3A_103 = tpu.vector_load %arg8[%swap3A_101, %swap3A_102] {strides = array<i32>} : memref<64x768xf32, #tpu.memory_space<vmem>>, vector<1x16xf32>,
      %swap3A_104 = vector.shape_cast %swap3A_103 : vector<1x16xf32> to vector<16xf32>
      %swap3A_105 = vector.shape_cast %add3A_100 : vector<16xf32> to vector<1x16xf32>
      tpu.vector_store %arg8[%swap3A_101, %swap3A_102], %swap3A_105 {strides = array<i32>} : memref<64x768xf32, #tpu.memory_space<vmem>>, vector<1x16xf32>,
      %get3A_106 = arith.index_cast %scan3A_19 : i32 to index
      %get3A_107 = arith.constant 80 : index
      %get3A_108 = tpu.vector_load %arg8[%get3A_106, %get3A_107] {strides = array<i32>} : memref<64x768xf32, #tpu.memory_space<vmem>>, vector<1x16xf32>,
      %get3A_109 = vector.shape_cast %get3A_108 : vector<1x16xf32> to vector<16xf32>
      %get3A_110 = arith.index_cast %scan3A_19 : i32 to index
      %get3A_111 = arith.constant 80 : index
      %get3A_112 = tpu.vector_load %arg9[%get3A_110, %get3A_111] {strides = array<i32>} : memref<64x768xf32, #tpu.memory_space<vmem>>, vector<1x16xf32>,
      %get3A_113 = vector.shape_cast %get3A_112 : vector<1x16xf32> to vector<16xf32>
      %mul3A_114 = arith.mulf %get3A_109, %get3A_22 : vector<16xf32>
      %mul3A_115 = arith.mulf %get3A_113, %get3A_26 : vector<16xf32>
      %add3A_116 = arith.addf %mul3A_114, %mul3A_115 : vector<16xf32>
      %swap3A_117 = arith.index_cast %scan3A_19 : i32 to index
      %swap3A_118 = arith.constant 80 : index
      %swap3A_119 = tpu.vector_load %arg8[%swap3A_117, %swap3A_118] {strides = array<i32>} : memref<64x768xf32, #tpu.memory_space<vmem>>, vector<1x16xf32>,
      %swap3A_120 = vector.shape_cast %swap3A_119 : vector<1x16xf32> to vector<16xf32>
      %swap3A_121 = vector.shape_cast %add3A_116 : vector<16xf32> to vector<1x16xf32>
      tpu.vector_store %arg8[%swap3A_117, %swap3A_118], %swap3A_121 {strides = array<i32>} : memref<64x768xf32, #tpu.memory_space<vmem>>, vector<1x16xf32>,
      %get3A_122 = arith.index_cast %scan3A_19 : i32 to index
      %get3A_123 = arith.constant 96 : index
      %get3A_124 = tpu.vector_load %arg8[%get3A_122, %get3A_123] {strides = array<i32>} : memref<64x768xf32, #tpu.memory_space<vmem>>, vector<1x16xf32>,
      %get3A_125 = vector.shape_cast %get3A_124 : vector<1x16xf32> to vector<16xf32>
      %get3A_126 = arith.index_cast %scan3A_19 : i32 to index
      %get3A_127 = arith.constant 96 : index
      %get3A_128 = tpu.vector_load %arg9[%get3A_126, %get3A_127] {strides = array<i32>} : memref<64x768xf32, #tpu.memory_space<vmem>>, vector<1x16xf32>,
      %get3A_129 = vector.shape_cast %get3A_128 : vector<1x16xf32> to vector<16xf32>
      %mul3A_130 = arith.mulf %get3A_125, %get3A_22 : vector<16xf32>
      %mul3A_131 = arith.mulf %get3A_129, %get3A_26 : vector<16xf32>
      %add3A_132 = arith.addf %mul3A_130, %mul3A_131 : vector<16xf32>
      %swap3A_133 = arith.index_cast %scan3A_19 : i32 to index
      %swap3A_134 = arith.constant 96 : index
      %swap3A_135 = tpu.vector_load %arg8[%swap3A_133, %swap3A_134] {strides = array<i32>} : memref<64x768xf32, #tpu.memory_space<vmem>>, vector<1x16xf32>,
      %swap3A_136 = vector.shape_cast %swap3A_135 : vector<1x16xf32> to vector<16xf32>
      %swap3A_137 = vector.shape_cast %add3A_132 : vector<16xf32> to vector<1x16xf32>
      tpu.vector_store %arg8[%swap3A_133, %swap3A_134], %swap3A_137 {strides = array<i32>} : memref<64x768xf32, #tpu.memory_space<vmem>>, vector<1x16xf32>,
      %get3A_138 = arith.index_cast %scan3A_19 : i32 to index
      %get3A_139 = arith.constant 112 : index
      %get3A_140 = tpu.vector_load %arg8[%get3A_138, %get3A_139] {strides = array<i32>} : memref<64x768xf32, #tpu.memory_space<vmem>>, vector<1x16xf32>,
      %get3A_141 = vector.shape_cast %get3A_140 : vector<1x16xf32> to vector<16xf32>
      %get3A_142 = arith.index_cast %scan3A_19 : i32 to index
      %get3A_143 = arith.constant 112 : index
      %get3A_144 = tpu.vector_load %arg9[%get3A_142, %get3A_143] {strides = array<i32>} : memref<64x768xf32, #tpu.memory_space<vmem>>, vector<1x16xf32>,
      %get3A_145 = vector.shape_cast %get3A_144 : vector<1x16xf32> to vector<16xf32>
      %mul3A_146 = arith.mulf %get3A_141, %get3A_22 : vector<16xf32>
      %mul3A_147 = arith.mulf %get3A_145, %get3A_26 : vector<16xf32>
      %add3A_148 = arith.addf %mul3A_146, %mul3A_147 : vector<16xf32>
      %swap3A_149 = arith.index_cast %scan3A_19 : i32 to index
      %swap3A_150 = arith.constant 112 : index
      %swap3A_151 = tpu.vector_load %arg8[%swap3A_149, %swap3A_150] {strides = array<i32>} : memref<64x768xf32, #tpu.memory_space<vmem>>, vector<1x16xf32>,
      %swap3A_152 = vector.shape_cast %swap3A_151 : vector<1x16xf32> to vector<16xf32>
      %swap3A_153 = vector.shape_cast %add3A_148 : vector<16xf32> to vector<1x16xf32>
      tpu.vector_store %arg8[%swap3A_149, %swap3A_150], %swap3A_153 {strides = array<i32>} : memref<64x768xf32, #tpu.memory_space<vmem>>, vector<1x16xf32>,
      %get3A_154 = arith.index_cast %scan3A_19 : i32 to index
      %get3A_155 = arith.constant 128 : index
      %get3A_156 = tpu.vector_load %arg8[%get3A_154, %get3A_155] {strides = array<i32>} : memref<64x768xf32, #tpu.memory_space<vmem>>, vector<1x16xf32>,
      %get3A_157 = vector.shape_cast %get3A_156 : vector<1x16xf32> to vector<16xf32>
      %get3A_158 = arith.index_cast %scan3A_19 : i32 to index
      %get3A_159 = arith.constant 128 : index
      %get3A_160 = tpu.vector_load %arg9[%get3A_158, %get3A_159] {strides = array<i32>} : memref<64x768xf32, #tpu.memory_space<vmem>>, vector<1x16xf32>,
      %get3A_161 = vector.shape_cast %get3A_160 : vector<1x16xf32> to vector<16xf32>
      %mul3A_162 = arith.mulf %get3A_157, %get3A_22 : vector<16xf32>
      %mul3A_163 = arith.mulf %get3A_161, %get3A_26 : vector<16xf32>
      %add3A_164 = arith.addf %mul3A_162, %mul3A_163 : vector<16xf32>
      %swap3A_165 = arith.index_cast %scan3A_19 : i32 to index
      %swap3A_166 = arith.constant 128 : index
      %swap3A_167 = tpu.vector_load %arg8[%swap3A_165, %swap3A_166] {strides = array<i32>} : memref<64x768xf32, #tpu.memory_space<vmem>>, vector<1x16xf32>,
      %swap3A_168 = vector.shape_cast %swap3A_167 : vector<1x16xf32> to vector<16xf32>
      %swap3A_169 = vector.shape_cast %add3A_164 : vector<16xf32> to vector<1x16xf32>
      tpu.vector_store %arg8[%swap3A_165, %swap3A_166], %swap3A_169 {strides = array<i32>} : memref<64x768xf32, #tpu.memory_space<vmem>>, vector<1x16xf32>,
      %get3A_170 = arith.index_cast %scan3A_19 : i32 to index
      %get3A_171 = arith.constant 144 : index
      %get3A_172 = tpu.vector_load %arg8[%get3A_170, %get3A_171] {strides = array<i32>} : memref<64x768xf32, #tpu.memory_space<vmem>>, vector<1x16xf32>,
      %get3A_173 = vector.shape_cast %get3A_172 : vector<1x16xf32> to vector<16xf32>
      %get3A_174 = arith.index_cast %scan3A_19 : i32 to index
      %get3A_175 = arith.constant 144 : index
      %get3A_176 = tpu.vector_load %arg9[%get3A_174, %get3A_175] {strides = array<i32>} : memref<64x768xf32, #tpu.memory_space<vmem>>, vector<1x16xf32>,
      %get3A_177 = vector.shape_cast %get3A_176 : vector<1x16xf32> to vector<16xf32>
      %mul3A_178 = arith.mulf %get3A_173, %get3A_22 : vector<16xf32>
      %mul3A_179 = arith.mulf %get3A_177, %get3A_26 : vector<16xf32>
      %add3A_180 = arith.addf %mul3A_178, %mul3A_179 : vector<16xf32>
      %swap3A_181 = arith.index_cast %scan3A_19 : i32 to index
      %swap3A_182 = arith.constant 144 : index
      %swap3A_183 = tpu.vector_load %arg8[%swap3A_181, %swap3A_182] {strides = array<i32>} : memref<64x768xf32, #tpu.memory_space<vmem>>, vector<1x16xf32>,
      %swap3A_184 = vector.shape_cast %swap3A_183 : vector<1x16xf32> to vector<16xf32>
      %swap3A_185 = vector.shape_cast %add3A_180 : vector<16xf32> to vector<1x16xf32>
      tpu.vector_store %arg8[%swap3A_181, %swap3A_182], %swap3A_185 {strides = array<i32>} : memref<64x768xf32, #tpu.memory_space<vmem>>, vector<1x16xf32>,
      %get3A_186 = arith.index_cast %scan3A_19 : i32 to index
      %get3A_187 = arith.constant 160 : index
      %get3A_188 = tpu.vector_load %arg8[%get3A_186, %get3A_187] {strides = array<i32>} : memref<64x768xf32, #tpu.memory_space<vmem>>, vector<1x16xf32>,
      %get3A_189 = vector.shape_cast %get3A_188 : vector<1x16xf32> to vector<16xf32>
      %get3A_190 = arith.index_cast %scan3A_19 : i32 to index
      %get3A_191 = arith.constant 160 : index
      %get3A_192 = tpu.vector_load %arg9[%get3A_190, %get3A_191] {strides = array<i32>} : memref<64x768xf32, #tpu.memory_space<vmem>>, vector<1x16xf32>,
      %get3A_193 = vector.shape_cast %get3A_192 : vector<1x16xf32> to vector<16xf32>
      %mul3A_194 = arith.mulf %get3A_189, %get3A_22 : vector<16xf32>
      %mul3A_195 = arith.mulf %get3A_193, %get3A_26 : vector<16xf32>
      %add3A_196 = arith.addf %mul3A_194, %mul3A_195 : vector<16xf32>
      %swap3A_197 = arith.index_cast %scan3A_19 : i32 to index
      %swap3A_198 = arith.constant 160 : index
      %swap3A_199 = tpu.vector_load %arg8[%swap3A_197, %swap3A_198] {strides = array<i32>} : memref<64x768xf32, #tpu.memory_space<vmem>>, vector<1x16xf32>,
      %swap3A_200 = vector.shape_cast %swap3A_199 : vector<1x16xf32> to vector<16xf32>
      %swap3A_201 = vector.shape_cast %add3A_196 : vector<16xf32> to vector<1x16xf32>
      tpu.vector_store %arg8[%swap3A_197, %swap3A_198], %swap3A_201 {strides = array<i32>} : memref<64x768xf32, #tpu.memory_space<vmem>>, vector<1x16xf32>,
      %get3A_202 = arith.index_cast %scan3A_19 : i32 to index
      %get3A_203 = arith.constant 176 : index
      %get3A_204 = tpu.vector_load %arg8[%get3A_202, %get3A_203] {strides = array<i32>} : memref<64x768xf32, #tpu.memory_space<vmem>>, vector<1x16xf32>,
      %get3A_205 = vector.shape_cast %get3A_204 : vector<1x16xf32> to vector<16xf32>
      %get3A_206 = arith.index_cast %scan3A_19 : i32 to index
      %get3A_207 = arith.constant 176 : index
      %get3A_208 = tpu.vector_load %arg9[%get3A_206, %get3A_207] {strides = array<i32>} : memref<64x768xf32, #tpu.memory_space<vmem>>, vector<1x16xf32>,
      %get3A_209 = vector.shape_cast %get3A_208 : vector<1x16xf32> to vector<16xf32>
      %mul3A_210 = arith.mulf %get3A_205, %get3A_22 : vector<16xf32>
      %mul3A_211 = arith.mulf %get3A_209, %get3A_26 : vector<16xf32>
      %add3A_212 = arith.addf %mul3A_210, %mul3A_211 : vector<16xf32>
      %swap3A_213 = arith.index_cast %scan3A_19 : i32 to index
      %swap3A_214 = arith.constant 176 : index
      %swap3A_215 = tpu.vector_load %arg8[%swap3A_213, %swap3A_214] {strides = array<i32>} : memref<64x768xf32, #tpu.memory_space<vmem>>, vector<1x16xf32>,
      %swap3A_216 = vector.shape_cast %swap3A_215 : vector<1x16xf32> to vector<16xf32>
      %swap3A_217 = vector.shape_cast %add3A_212 : vector<16xf32> to vector<1x16xf32>
      tpu.vector_store %arg8[%swap3A_213, %swap3A_214], %swap3A_217 {strides = array<i32>} : memref<64x768xf32, #tpu.memory_space<vmem>>, vector<1x16xf32>,
      %get3A_218 = arith.index_cast %scan3A_19 : i32 to index
      %get3A_219 = arith.constant 192 : index
      %get3A_220 = tpu.vector_load %arg8[%get3A_218, %get3A_219] {strides = array<i32>} : memref<64x768xf32, #tpu.memory_space<vmem>>, vector<1x16xf32>,
      %get3A_221 = vector.shape_cast %get3A_220 : vector<1x16xf32> to vector<16xf32>
      %get3A_222 = arith.index_cast %scan3A_19 : i32 to index
      %get3A_223 = arith.constant 192 : index
      %get3A_224 = tpu.vector_load %arg9[%get3A_222, %get3A_223] {strides = array<i32>} : memref<64x768xf32, #tpu.memory_space<vmem>>, vector<1x16xf32>,
      %get3A_225 = vector.shape_cast %get3A_224 : vector<1x16xf32> to vector<16xf32>
      %mul3A_226 = arith.mulf %get3A_221, %get3A_22 : vector<16xf32>
      %mul3A_227 = arith.mulf %get3A_225, %get3A_26 : vector<16xf32>
      %add3A_228 = arith.addf %mul3A_226, %mul3A_227 : vector<16xf32>
      %swap3A_229 = arith.index_cast %scan3A_19 : i32 to index
      %swap3A_230 = arith.constant 192 : index
      %swap3A_231 = tpu.vector_load %arg8[%swap3A_229, %swap3A_230] {strides = array<i32>} : memref<64x768xf32, #tpu.memory_space<vmem>>, vector<1x16xf32>,
      %swap3A_232 = vector.shape_cast %swap3A_231 : vector<1x16xf32> to vector<16xf32>
      %swap3A_233 = vector.shape_cast %add3A_228 : vector<16xf32> to vector<1x16xf32>
      tpu.vector_store %arg8[%swap3A_229, %swap3A_230], %swap3A_233 {strides = array<i32>} : memref<64x768xf32, #tpu.memory_space<vmem>>, vector<1x16xf32>,
      %get3A_234 = arith.index_cast %scan3A_19 : i32 to index
      %get3A_235 = arith.constant 208 : index
      %get3A_236 = tpu.vector_load %arg8[%get3A_234, %get3A_235] {strides = array<i32>} : memref<64x768xf32, #tpu.memory_space<vmem>>, vector<1x16xf32>,
      %get3A_237 = vector.shape_cast %get3A_236 : vector<1x16xf32> to vector<16xf32>
      %get3A_238 = arith.index_cast %scan3A_19 : i32 to index
      %get3A_239 = arith.constant 208 : index
      %get3A_240 = tpu.vector_load %arg9[%get3A_238, %get3A_239] {strides = array<i32>} : memref<64x768xf32, #tpu.memory_space<vmem>>, vector<1x16xf32>,
      %get3A_241 = vector.shape_cast %get3A_240 : vector<1x16xf32> to vector<16xf32>
      %mul3A_242 = arith.mulf %get3A_237, %get3A_22 : vector<16xf32>
      %mul3A_243 = arith.mulf %get3A_241, %get3A_26 : vector<16xf32>
      %add3A_244 = arith.addf %mul3A_242, %mul3A_243 : vector<16xf32>
      %swap3A_245 = arith.index_cast %scan3A_19 : i32 to index
      %swap3A_246 = arith.constant 208 : index
      %swap3A_247 = tpu.vector_load %arg8[%swap3A_245, %swap3A_246] {strides = array<i32>} : memref<64x768xf32, #tpu.memory_space<vmem>>, vector<1x16xf32>,
      %swap3A_248 = vector.shape_cast %swap3A_247 : vector<1x16xf32> to vector<16xf32>
      %swap3A_249 = vector.shape_cast %add3A_244 : vector<16xf32> to vector<1x16xf32>
      tpu.vector_store %arg8[%swap3A_245, %swap3A_246], %swap3A_249 {strides = array<i32>} : memref<64x768xf32, #tpu.memory_space<vmem>>, vector<1x16xf32>,
      %get3A_250 = arith.index_cast %scan3A_19 : i32 to index
      %get3A_251 = arith.constant 224 : index
      %get3A_252 = tpu.vector_load %arg8[%get3A_250, %get3A_251] {strides = array<i32>} : memref<64x768xf32, #tpu.memory_space<vmem>>, vector<1x16xf32>,
      %get3A_253 = vector.shape_cast %get3A_252 : vector<1x16xf32> to vector<16xf32>
      %get3A_254 = arith.index_cast %scan3A_19 : i32 to index
      %get3A_255 = arith.constant 224 : index
      %get3A_256 = tpu.vector_load %arg9[%get3A_254, %get3A_255] {strides = array<i32>} : memref<64x768xf32, #tpu.memory_space<vmem>>, vector<1x16xf32>,
      %get3A_257 = vector.shape_cast %get3A_256 : vector<1x16xf32> to vector<16xf32>
      %mul3A_258 = arith.mulf %get3A_253, %get3A_22 : vector<16xf32>
      %mul3A_259 = arith.mulf %get3A_257, %get3A_26 : vector<16xf32>
      %add3A_260 = arith.addf %mul3A_258, %mul3A_259 : vector<16xf32>
      %swap3A_261 = arith.index_cast %scan3A_19 : i32 to index
      %swap3A_262 = arith.constant 224 : index
      %swap3A_263 = tpu.vector_load %arg8[%swap3A_261, %swap3A_262] {strides = array<i32>} : memref<64x768xf32, #tpu.memory_space<vmem>>, vector<1x16xf32>,
      %swap3A_264 = vector.shape_cast %swap3A_263 : vector<1x16xf32> to vector<16xf32>
      %swap3A_265 = vector.shape_cast %add3A_260 : vector<16xf32> to vector<1x16xf32>
      tpu.vector_store %arg8[%swap3A_261, %swap3A_262], %swap3A_265 {strides = array<i32>} : memref<64x768xf32, #tpu.memory_space<vmem>>, vector<1x16xf32>,
      %get3A_266 = arith.index_cast %scan3A_19 : i32 to index
      %get3A_267 = arith.constant 240 : index
      %get3A_268 = tpu.vector_load %arg8[%get3A_266, %get3A_267] {strides = array<i32>} : memref<64x768xf32, #tpu.memory_space<vmem>>, vector<1x16xf32>,
      %get3A_269 = vector.shape_cast %get3A_268 : vector<1x16xf32> to vector<16xf32>
      %get3A_270 = arith.index_cast %scan3A_19 : i32 to index
      %get3A_271 = arith.constant 240 : index
      %get3A_272 = tpu.vector_load %arg9[%get3A_270, %get3A_271] {strides = array<i32>} : memref<64x768xf32, #tpu.memory_space<vmem>>, vector<1x16xf32>,
      %get3A_273 = vector.shape_cast %get3A_272 : vector<1x16xf32> to vector<16xf32>
      %mul3A_274 = arith.mulf %get3A_269, %get3A_22 : vector<16xf32>
      %mul3A_275 = arith.mulf %get3A_273, %get3A_26 : vector<16xf32>
      %add3A_276 = arith.addf %mul3A_274, %mul3A_275 : vector<16xf32>
      %swap3A_277 = arith.index_cast %scan3A_19 : i32 to index
      %swap3A_278 = arith.constant 240 : index
      %swap3A_279 = tpu.vector_load %arg8[%swap3A_277, %swap3A_278] {strides = array<i32>} : memref<64x768xf32, #tpu.memory_space<vmem>>, vector<1x16xf32>,
      %swap3A_280 = vector.shape_cast %swap3A_279 : vector<1x16xf32> to vector<16xf32>
      %swap3A_281 = vector.shape_cast %add3A_276 : vector<16xf32> to vector<1x16xf32>
      tpu.vector_store %arg8[%swap3A_277, %swap3A_278], %swap3A_281 {strides = array<i32>} : memref<64x768xf32, #tpu.memory_space<vmem>>, vector<1x16xf32>,
      %get3A_282 = arith.index_cast %scan3A_19 : i32 to index
      %get3A_283 = arith.constant 256 : index
      %get3A_284 = tpu.vector_load %arg8[%get3A_282, %get3A_283] {strides = array<i32>} : memref<64x768xf32, #tpu.memory_space<vmem>>, vector<1x16xf32>,
      %get3A_285 = vector.shape_cast %get3A_284 : vector<1x16xf32> to vector<16xf32>
      %get3A_286 = arith.index_cast %scan3A_19 : i32 to index
      %get3A_287 = arith.constant 256 : index
      %get3A_288 = tpu.vector_load %arg9[%get3A_286, %get3A_287] {strides = array<i32>} : memref<64x768xf32, #tpu.memory_space<vmem>>, vector<1x16xf32>,
      %get3A_289 = vector.shape_cast %get3A_288 : vector<1x16xf32> to vector<16xf32>
      %mul3A_290 = arith.mulf %get3A_285, %get3A_22 : vector<16xf32>
      %mul3A_291 = arith.mulf %get3A_289, %get3A_26 : vector<16xf32>
      %add3A_292 = arith.addf %mul3A_290, %mul3A_291 : vector<16xf32>
      %swap3A_293 = arith.index_cast %scan3A_19 : i32 to index
      %swap3A_294 = arith.constant 256 : index
      %swap3A_295 = tpu.vector_load %arg8[%swap3A_293, %swap3A_294] {strides = array<i32>} : memref<64x768xf32, #tpu.memory_space<vmem>>, vector<1x16xf32>,
      %swap3A_296 = vector.shape_cast %swap3A_295 : vector<1x16xf32> to vector<16xf32>
      %swap3A_297 = vector.shape_cast %add3A_292 : vector<16xf32> to vector<1x16xf32>
      tpu.vector_store %arg8[%swap3A_293, %swap3A_294], %swap3A_297 {strides = array<i32>} : memref<64x768xf32, #tpu.memory_space<vmem>>, vector<1x16xf32>,
      %get3A_298 = arith.index_cast %scan3A_19 : i32 to index
      %get3A_299 = arith.constant 272 : index
      %get3A_300 = tpu.vector_load %arg8[%get3A_298, %get3A_299] {strides = array<i32>} : memref<64x768xf32, #tpu.memory_space<vmem>>, vector<1x16xf32>,
      %get3A_301 = vector.shape_cast %get3A_300 : vector<1x16xf32> to vector<16xf32>
      %get3A_302 = arith.index_cast %scan3A_19 : i32 to index
      %get3A_303 = arith.constant 272 : index
      %get3A_304 = tpu.vector_load %arg9[%get3A_302, %get3A_303] {strides = array<i32>} : memref<64x768xf32, #tpu.memory_space<vmem>>, vector<1x16xf32>,
      %get3A_305 = vector.shape_cast %get3A_304 : vector<1x16xf32> to vector<16xf32>
      %mul3A_306 = arith.mulf %get3A_301, %get3A_22 : vector<16xf32>
      %mul3A_307 = arith.mulf %get3A_305, %get3A_26 : vector<16xf32>
      %add3A_308 = arith.addf %mul3A_306, %mul3A_307 : vector<16xf32>
      %swap3A_309 = arith.index_cast %scan3A_19 : i32 to index
      %swap3A_310 = arith.constant 272 : index
      %swap3A_311 = tpu.vector_load %arg8[%swap3A_309, %swap3A_310] {strides = array<i32>} : memref<64x768xf32, #tpu.memory_space<vmem>>, vector<1x16xf32>,
      %swap3A_312 = vector.shape_cast %swap3A_311 : vector<1x16xf32> to vector<16xf32>
      %swap3A_313 = vector.shape_cast %add3A_308 : vector<16xf32> to vector<1x16xf32>
      tpu.vector_store %arg8[%swap3A_309, %swap3A_310], %swap3A_313 {strides = array<i32>} : memref<64x768xf32, #tpu.memory_space<vmem>>, vector<1x16xf32>,
      %get3A_314 = arith.index_cast %scan3A_19 : i32 to index
      %get3A_315 = arith.constant 288 : index
      %get3A_316 = tpu.vector_load %arg8[%get3A_314, %get3A_315] {strides = array<i32>} : memref<64x768xf32, #tpu.memory_space<vmem>>, vector<1x16xf32>,
      %get3A_317 = vector.shape_cast %get3A_316 : vector<1x16xf32> to vector<16xf32>
      %get3A_318 = arith.index_cast %scan3A_19 : i32 to index
      %get3A_319 = arith.constant 288 : index
      %get3A_320 = tpu.vector_load %arg9[%get3A_318, %get3A_319] {strides = array<i32>} : memref<64x768xf32, #tpu.memory_space<vmem>>, vector<1x16xf32>,
      %get3A_321 = vector.shape_cast %get3A_320 : vector<1x16xf32> to vector<16xf32>
      %mul3A_322 = arith.mulf %get3A_317, %get3A_22 : vector<16xf32>
      %mul3A_323 = arith.mulf %get3A_321, %get3A_26 : vector<16xf32>
      %add3A_324 = arith.addf %mul3A_322, %mul3A_323 : vector<16xf32>
      %swap3A_325 = arith.index_cast %scan3A_19 : i32 to index
      %swap3A_326 = arith.constant 288 : index
      %swap3A_327 = tpu.vector_load %arg8[%swap3A_325, %swap3A_326] {strides = array<i32>} : memref<64x768xf32, #tpu.memory_space<vmem>>, vector<1x16xf32>,
      %swap3A_328 = vector.shape_cast %swap3A_327 : vector<1x16xf32> to vector<16xf32>
      %swap3A_329 = vector.shape_cast %add3A_324 : vector<16xf32> to vector<1x16xf32>
      tpu.vector_store %arg8[%swap3A_325, %swap3A_326], %swap3A_329 {strides = array<i32>} : memref<64x768xf32, #tpu.memory_space<vmem>>, vector<1x16xf32>,
      %get3A_330 = arith.index_cast %scan3A_19 : i32 to index
      %get3A_331 = arith.constant 304 : index
      %get3A_332 = tpu.vector_load %arg8[%get3A_330, %get3A_331] {strides = array<i32>} : memref<64x768xf32, #tpu.memory_space<vmem>>, vector<1x16xf32>,
      %get3A_333 = vector.shape_cast %get3A_332 : vector<1x16xf32> to vector<16xf32>
      %get3A_334 = arith.index_cast %scan3A_19 : i32 to index
      %get3A_335 = arith.constant 304 : index
      %get3A_336 = tpu.vector_load %arg9[%get3A_334, %get3A_335] {strides = array<i32>} : memref<64x768xf32, #tpu.memory_space<vmem>>, vector<1x16xf32>,
      %get3A_337 = vector.shape_cast %get3A_336 : vector<1x16xf32> to vector<16xf32>
      %mul3A_338 = arith.mulf %get3A_333, %get3A_22 : vector<16xf32>
      %mul3A_339 = arith.mulf %get3A_337, %get3A_26 : vector<16xf32>
      %add3A_340 = arith.addf %mul3A_338, %mul3A_339 : vector<16xf32>
      %swap3A_341 = arith.index_cast %scan3A_19 : i32 to index
      %swap3A_342 = arith.constant 304 : index
      %swap3A_343 = tpu.vector_load %arg8[%swap3A_341, %swap3A_342] {strides = array<i32>} : memref<64x768xf32, #tpu.memory_space<vmem>>, vector<1x16xf32>,
      %swap3A_344 = vector.shape_cast %swap3A_343 : vector<1x16xf32> to vector<16xf32>
      %swap3A_345 = vector.shape_cast %add3A_340 : vector<16xf32> to vector<1x16xf32>
      tpu.vector_store %arg8[%swap3A_341, %swap3A_342], %swap3A_345 {strides = array<i32>} : memref<64x768xf32, #tpu.memory_space<vmem>>, vector<1x16xf32>,
      %get3A_346 = arith.index_cast %scan3A_19 : i32 to index
      %get3A_347 = arith.constant 320 : index
      %get3A_348 = tpu.vector_load %arg8[%get3A_346, %get3A_347] {strides = array<i32>} : memref<64x768xf32, #tpu.memory_space<vmem>>, vector<1x16xf32>,
      %get3A_349 = vector.shape_cast %get3A_348 : vector<1x16xf32> to vector<16xf32>
      %get3A_350 = arith.index_cast %scan3A_19 : i32 to index
      %get3A_351 = arith.constant 320 : index
      %get3A_352 = tpu.vector_load %arg9[%get3A_350, %get3A_351] {strides = array<i32>} : memref<64x768xf32, #tpu.memory_space<vmem>>, vector<1x16xf32>,
      %get3A_353 = vector.shape_cast %get3A_352 : vector<1x16xf32> to vector<16xf32>
      %mul3A_354 = arith.mulf %get3A_349, %get3A_22 : vector<16xf32>
      %mul3A_355 = arith.mulf %get3A_353, %get3A_26 : vector<16xf32>
      %add3A_356 = arith.addf %mul3A_354, %mul3A_355 : vector<16xf32>
      %swap3A_357 = arith.index_cast %scan3A_19 : i32 to index
      %swap3A_358 = arith.constant 320 : index
      %swap3A_359 = tpu.vector_load %arg8[%swap3A_357, %swap3A_358] {strides = array<i32>} : memref<64x768xf32, #tpu.memory_space<vmem>>, vector<1x16xf32>,
      %swap3A_360 = vector.shape_cast %swap3A_359 : vector<1x16xf32> to vector<16xf32>
      %swap3A_361 = vector.shape_cast %add3A_356 : vector<16xf32> to vector<1x16xf32>
      tpu.vector_store %arg8[%swap3A_357, %swap3A_358], %swap3A_361 {strides = array<i32>} : memref<64x768xf32, #tpu.memory_space<vmem>>, vector<1x16xf32>,
      %get3A_362 = arith.index_cast %scan3A_19 : i32 to index
      %get3A_363 = arith.constant 336 : index
      %get3A_364 = tpu.vector_load %arg8[%get3A_362, %get3A_363] {strides = array<i32>} : memref<64x768xf32, #tpu.memory_space<vmem>>, vector<1x16xf32>,
      %get3A_365 = vector.shape_cast %get3A_364 : vector<1x16xf32> to vector<16xf32>
      %get3A_366 = arith.index_cast %scan3A_19 : i32 to index
      %get3A_367 = arith.constant 336 : index
      %get3A_368 = tpu.vector_load %arg9[%get3A_366, %get3A_367] {strides = array<i32>} : memref<64x768xf32, #tpu.memory_space<vmem>>, vector<1x16xf32>,
      %get3A_369 = vector.shape_cast %get3A_368 : vector<1x16xf32> to vector<16xf32>
      %mul3A_370 = arith.mulf %get3A_365, %get3A_22 : vector<16xf32>
      %mul3A_371 = arith.mulf %get3A_369, %get3A_26 : vector<16xf32>
      %add3A_372 = arith.addf %mul3A_370, %mul3A_371 : vector<16xf32>
      %swap3A_373 = arith.index_cast %scan3A_19 : i32 to index
      %swap3A_374 = arith.constant 336 : index
      %swap3A_375 = tpu.vector_load %arg8[%swap3A_373, %swap3A_374] {strides = array<i32>} : memref<64x768xf32, #tpu.memory_space<vmem>>, vector<1x16xf32>,
      %swap3A_376 = vector.shape_cast %swap3A_375 : vector<1x16xf32> to vector<16xf32>
      %swap3A_377 = vector.shape_cast %add3A_372 : vector<16xf32> to vector<1x16xf32>
      tpu.vector_store %arg8[%swap3A_373, %swap3A_374], %swap3A_377 {strides = array<i32>} : memref<64x768xf32, #tpu.memory_space<vmem>>, vector<1x16xf32>,
      %get3A_378 = arith.index_cast %scan3A_19 : i32 to index
      %get3A_379 = arith.constant 352 : index
      %get3A_380 = tpu.vector_load %arg8[%get3A_378, %get3A_379] {strides = array<i32>} : memref<64x768xf32, #tpu.memory_space<vmem>>, vector<1x16xf32>,
      %get3A_381 = vector.shape_cast %get3A_380 : vector<1x16xf32> to vector<16xf32>
      %get3A_382 = arith.index_cast %scan3A_19 : i32 to index
      %get3A_383 = arith.constant 352 : index
      %get3A_384 = tpu.vector_load %arg9[%get3A_382, %get3A_383] {strides = array<i32>} : memref<64x768xf32, #tpu.memory_space<vmem>>, vector<1x16xf32>,
      %get3A_385 = vector.shape_cast %get3A_384 : vector<1x16xf32> to vector<16xf32>
      %mul3A_386 = arith.mulf %get3A_381, %get3A_22 : vector<16xf32>
      %mul3A_387 = arith.mulf %get3A_385, %get3A_26 : vector<16xf32>
      %add3A_388 = arith.addf %mul3A_386, %mul3A_387 : vector<16xf32>
      %swap3A_389 = arith.index_cast %scan3A_19 : i32 to index
      %swap3A_390 = arith.constant 352 : index
      %swap3A_391 = tpu.vector_load %arg8[%swap3A_389, %swap3A_390] {strides = array<i32>} : memref<64x768xf32, #tpu.memory_space<vmem>>, vector<1x16xf32>,
      %swap3A_392 = vector.shape_cast %swap3A_391 : vector<1x16xf32> to vector<16xf32>
      %swap3A_393 = vector.shape_cast %add3A_388 : vector<16xf32> to vector<1x16xf32>
      tpu.vector_store %arg8[%swap3A_389, %swap3A_390], %swap3A_393 {strides = array<i32>} : memref<64x768xf32, #tpu.memory_space<vmem>>, vector<1x16xf32>,
      %get3A_394 = arith.index_cast %scan3A_19 : i32 to index
      %get3A_395 = arith.constant 368 : index
      %get3A_396 = tpu.vector_load %arg8[%get3A_394, %get3A_395] {strides = array<i32>} : memref<64x768xf32, #tpu.memory_space<vmem>>, vector<1x16xf32>,
      %get3A_397 = vector.shape_cast %get3A_396 : vector<1x16xf32> to vector<16xf32>
      %get3A_398 = arith.index_cast %scan3A_19 : i32 to index
      %get3A_399 = arith.constant 368 : index
      %get3A_400 = tpu.vector_load %arg9[%get3A_398, %get3A_399] {strides = array<i32>} : memref<64x768xf32, #tpu.memory_space<vmem>>, vector<1x16xf32>,
      %get3A_401 = vector.shape_cast %get3A_400 : vector<1x16xf32> to vector<16xf32>
      %mul3A_402 = arith.mulf %get3A_397, %get3A_22 : vector<16xf32>
      %mul3A_403 = arith.mulf %get3A_401, %get3A_26 : vector<16xf32>
      %add3A_404 = arith.addf %mul3A_402, %mul3A_403 : vector<16xf32>
      %swap3A_405 = arith.index_cast %scan3A_19 : i32 to index
      %swap3A_406 = arith.constant 368 : index
      %swap3A_407 = tpu.vector_load %arg8[%swap3A_405, %swap3A_406] {strides = array<i32>} : memref<64x768xf32, #tpu.memory_space<vmem>>, vector<1x16xf32>,
      %swap3A_408 = vector.shape_cast %swap3A_407 : vector<1x16xf32> to vector<16xf32>
      %swap3A_409 = vector.shape_cast %add3A_404 : vector<16xf32> to vector<1x16xf32>
      tpu.vector_store %arg8[%swap3A_405, %swap3A_406], %swap3A_409 {strides = array<i32>} : memref<64x768xf32, #tpu.memory_space<vmem>>, vector<1x16xf32>,
      %get3A_410 = arith.index_cast %scan3A_19 : i32 to index
      %get3A_411 = arith.constant 384 : index
      %get3A_412 = tpu.vector_load %arg8[%get3A_410, %get3A_411] {strides = array<i32>} : memref<64x768xf32, #tpu.memory_space<vmem>>, vector<1x16xf32>,
      %get3A_413 = vector.shape_cast %get3A_412 : vector<1x16xf32> to vector<16xf32>
      %get3A_414 = arith.index_cast %scan3A_19 : i32 to index
      %get3A_415 = arith.constant 384 : index
      %get3A_416 = tpu.vector_load %arg9[%get3A_414, %get3A_415] {strides = array<i32>} : memref<64x768xf32, #tpu.memory_space<vmem>>, vector<1x16xf32>,
      %get3A_417 = vector.shape_cast %get3A_416 : vector<1x16xf32> to vector<16xf32>
      %mul3A_418 = arith.mulf %get3A_413, %get3A_22 : vector<16xf32>
      %mul3A_419 = arith.mulf %get3A_417, %get3A_26 : vector<16xf32>
      %add3A_420 = arith.addf %mul3A_418, %mul3A_419 : vector<16xf32>
      %swap3A_421 = arith.index_cast %scan3A_19 : i32 to index
      %swap3A_422 = arith.constant 384 : index
      %swap3A_423 = tpu.vector_load %arg8[%swap3A_421, %swap3A_422] {strides = array<i32>} : memref<64x768xf32, #tpu.memory_space<vmem>>, vector<1x16xf32>,
      %swap3A_424 = vector.shape_cast %swap3A_423 : vector<1x16xf32> to vector<16xf32>
      %swap3A_425 = vector.shape_cast %add3A_420 : vector<16xf32> to vector<1x16xf32>
      tpu.vector_store %arg8[%swap3A_421, %swap3A_422], %swap3A_425 {strides = array<i32>} : memref<64x768xf32, #tpu.memory_space<vmem>>, vector<1x16xf32>,
      %get3A_426 = arith.index_cast %scan3A_19 : i32 to index
      %get3A_427 = arith.constant 400 : index
      %get3A_428 = tpu.vector_load %arg8[%get3A_426, %get3A_427] {strides = array<i32>} : memref<64x768xf32, #tpu.memory_space<vmem>>, vector<1x16xf32>,
      %get3A_429 = vector.shape_cast %get3A_428 : vector<1x16xf32> to vector<16xf32>
      %get3A_430 = arith.index_cast %scan3A_19 : i32 to index
      %get3A_431 = arith.constant 400 : index
      %get3A_432 = tpu.vector_load %arg9[%get3A_430, %get3A_431] {strides = array<i32>} : memref<64x768xf32, #tpu.memory_space<vmem>>, vector<1x16xf32>,
      %get3A_433 = vector.shape_cast %get3A_432 : vector<1x16xf32> to vector<16xf32>
      %mul3A_434 = arith.mulf %get3A_429, %get3A_22 : vector<16xf32>
      %mul3A_435 = arith.mulf %get3A_433, %get3A_26 : vector<16xf32>
      %add3A_436 = arith.addf %mul3A_434, %mul3A_435 : vector<16xf32>
      %swap3A_437 = arith.index_cast %scan3A_19 : i32 to index
      %swap3A_438 = arith.constant 400 : index
      %swap3A_439 = tpu.vector_load %arg8[%swap3A_437, %swap3A_438] {strides = array<i32>} : memref<64x768xf32, #tpu.memory_space<vmem>>, vector<1x16xf32>,
      %swap3A_440 = vector.shape_cast %swap3A_439 : vector<1x16xf32> to vector<16xf32>
      %swap3A_441 = vector.shape_cast %add3A_436 : vector<16xf32> to vector<1x16xf32>
      tpu.vector_store %arg8[%swap3A_437, %swap3A_438], %swap3A_441 {strides = array<i32>} : memref<64x768xf32, #tpu.memory_space<vmem>>, vector<1x16xf32>,
      %get3A_442 = arith.index_cast %scan3A_19 : i32 to index
      %get3A_443 = arith.constant 416 : index
      %get3A_444 = tpu.vector_load %arg8[%get3A_442, %get3A_443] {strides = array<i32>} : memref<64x768xf32, #tpu.memory_space<vmem>>, vector<1x16xf32>,
      %get3A_445 = vector.shape_cast %get3A_444 : vector<1x16xf32> to vector<16xf32>
      %get3A_446 = arith.index_cast %scan3A_19 : i32 to index
      %get3A_447 = arith.constant 416 : index
      %get3A_448 = tpu.vector_load %arg9[%get3A_446, %get3A_447] {strides = array<i32>} : memref<64x768xf32, #tpu.memory_space<vmem>>, vector<1x16xf32>,
      %get3A_449 = vector.shape_cast %get3A_448 : vector<1x16xf32> to vector<16xf32>
      %mul3A_450 = arith.mulf %get3A_445, %get3A_22 : vector<16xf32>
      %mul3A_451 = arith.mulf %get3A_449, %get3A_26 : vector<16xf32>
      %add3A_452 = arith.addf %mul3A_450, %mul3A_451 : vector<16xf32>
      %swap3A_453 = arith.index_cast %scan3A_19 : i32 to index
      %swap3A_454 = arith.constant 416 : index
      %swap3A_455 = tpu.vector_load %arg8[%swap3A_453, %swap3A_454] {strides = array<i32>} : memref<64x768xf32, #tpu.memory_space<vmem>>, vector<1x16xf32>,
      %swap3A_456 = vector.shape_cast %swap3A_455 : vector<1x16xf32> to vector<16xf32>
      %swap3A_457 = vector.shape_cast %add3A_452 : vector<16xf32> to vector<1x16xf32>
      tpu.vector_store %arg8[%swap3A_453, %swap3A_454], %swap3A_457 {strides = array<i32>} : memref<64x768xf32, #tpu.memory_space<vmem>>, vector<1x16xf32>,
      %get3A_458 = arith.index_cast %scan3A_19 : i32 to index
      %get3A_459 = arith.constant 432 : index
      %get3A_460 = tpu.vector_load %arg8[%get3A_458, %get3A_459] {strides = array<i32>} : memref<64x768xf32, #tpu.memory_space<vmem>>, vector<1x16xf32>,
      %get3A_461 = vector.shape_cast %get3A_460 : vector<1x16xf32> to vector<16xf32>
      %get3A_462 = arith.index_cast %scan3A_19 : i32 to index
      %get3A_463 = arith.constant 432 : index
      %get3A_464 = tpu.vector_load %arg9[%get3A_462, %get3A_463] {strides = array<i32>} : memref<64x768xf32, #tpu.memory_space<vmem>>, vector<1x16xf32>,
      %get3A_465 = vector.shape_cast %get3A_464 : vector<1x16xf32> to vector<16xf32>
      %mul3A_466 = arith.mulf %get3A_461, %get3A_22 : vector<16xf32>
      %mul3A_467 = arith.mulf %get3A_465, %get3A_26 : vector<16xf32>
      %add3A_468 = arith.addf %mul3A_466, %mul3A_467 : vector<16xf32>
      %swap3A_469 = arith.index_cast %scan3A_19 : i32 to index
      %swap3A_470 = arith.constant 432 : index
      %swap3A_471 = tpu.vector_load %arg8[%swap3A_469, %swap3A_470] {strides = array<i32>} : memref<64x768xf32, #tpu.memory_space<vmem>>, vector<1x16xf32>,
      %swap3A_472 = vector.shape_cast %swap3A_471 : vector<1x16xf32> to vector<16xf32>
      %swap3A_473 = vector.shape_cast %add3A_468 : vector<16xf32> to vector<1x16xf32>
      tpu.vector_store %arg8[%swap3A_469, %swap3A_470], %swap3A_473 {strides = array<i32>} : memref<64x768xf32, #tpu.memory_space<vmem>>, vector<1x16xf32>,
      %get3A_474 = arith.index_cast %scan3A_19 : i32 to index
      %get3A_475 = arith.constant 448 : index
      %get3A_476 = tpu.vector_load %arg8[%get3A_474, %get3A_475] {strides = array<i32>} : memref<64x768xf32, #tpu.memory_space<vmem>>, vector<1x16xf32>,
      %get3A_477 = vector.shape_cast %get3A_476 : vector<1x16xf32> to vector<16xf32>
      %get3A_478 = arith.index_cast %scan3A_19 : i32 to index
      %get3A_479 = arith.constant 448 : index
      %get3A_480 = tpu.vector_load %arg9[%get3A_478, %get3A_479] {strides = array<i32>} : memref<64x768xf32, #tpu.memory_space<vmem>>, vector<1x16xf32>,
      %get3A_481 = vector.shape_cast %get3A_480 : vector<1x16xf32> to vector<16xf32>
      %mul3A_482 = arith.mulf %get3A_477, %get3A_22 : vector<16xf32>
      %mul3A_483 = arith.mulf %get3A_481, %get3A_26 : vector<16xf32>
      %add3A_484 = arith.addf %mul3A_482, %mul3A_483 : vector<16xf32>
      %swap3A_485 = arith.index_cast %scan3A_19 : i32 to index
      %swap3A_486 = arith.constant 448 : index
      %swap3A_487 = tpu.vector_load %arg8[%swap3A_485, %swap3A_486] {strides = array<i32>} : memref<64x768xf32, #tpu.memory_space<vmem>>, vector<1x16xf32>,
      %swap3A_488 = vector.shape_cast %swap3A_487 : vector<1x16xf32> to vector<16xf32>
      %swap3A_489 = vector.shape_cast %add3A_484 : vector<16xf32> to vector<1x16xf32>
      tpu.vector_store %arg8[%swap3A_485, %swap3A_486], %swap3A_489 {strides = array<i32>} : memref<64x768xf32, #tpu.memory_space<vmem>>, vector<1x16xf32>,
      %get3A_490 = arith.index_cast %scan3A_19 : i32 to index
      %get3A_491 = arith.constant 464 : index
      %get3A_492 = tpu.vector_load %arg8[%get3A_490, %get3A_491] {strides = array<i32>} : memref<64x768xf32, #tpu.memory_space<vmem>>, vector<1x16xf32>,
      %get3A_493 = vector.shape_cast %get3A_492 : vector<1x16xf32> to vector<16xf32>
      %get3A_494 = arith.index_cast %scan3A_19 : i32 to index
      %get3A_495 = arith.constant 464 : index
      %get3A_496 = tpu.vector_load %arg9[%get3A_494, %get3A_495] {strides = array<i32>} : memref<64x768xf32, #tpu.memory_space<vmem>>, vector<1x16xf32>,
      %get3A_497 = vector.shape_cast %get3A_496 : vector<1x16xf32> to vector<16xf32>
      %mul3A_498 = arith.mulf %get3A_493, %get3A_22 : vector<16xf32>
      %mul3A_499 = arith.mulf %get3A_497, %get3A_26 : vector<16xf32>
      %add3A_500 = arith.addf %mul3A_498, %mul3A_499 : vector<16xf32>
      %swap3A_501 = arith.index_cast %scan3A_19 : i32 to index
      %swap3A_502 = arith.constant 464 : index
      %swap3A_503 = tpu.vector_load %arg8[%swap3A_501, %swap3A_502] {strides = array<i32>} : memref<64x768xf32, #tpu.memory_space<vmem>>, vector<1x16xf32>,
      %swap3A_504 = vector.shape_cast %swap3A_503 : vector<1x16xf32> to vector<16xf32>
      %swap3A_505 = vector.shape_cast %add3A_500 : vector<16xf32> to vector<1x16xf32>
      tpu.vector_store %arg8[%swap3A_501, %swap3A_502], %swap3A_505 {strides = array<i32>} : memref<64x768xf32, #tpu.memory_space<vmem>>, vector<1x16xf32>,
      %get3A_506 = arith.index_cast %scan3A_19 : i32 to index
      %get3A_507 = arith.constant 480 : index
      %get3A_508 = tpu.vector_load %arg8[%get3A_506, %get3A_507] {strides = array<i32>} : memref<64x768xf32, #tpu.memory_space<vmem>>, vector<1x16xf32>,
      %get3A_509 = vector.shape_cast %get3A_508 : vector<1x16xf32> to vector<16xf32>
      %get3A_510 = arith.index_cast %scan3A_19 : i32 to index
      %get3A_511 = arith.constant 480 : index
      %get3A_512 = tpu.vector_load %arg9[%get3A_510, %get3A_511] {strides = array<i32>} : memref<64x768xf32, #tpu.memory_space<vmem>>, vector<1x16xf32>,
      %get3A_513 = vector.shape_cast %get3A_512 : vector<1x16xf32> to vector<16xf32>
      %mul3A_514 = arith.mulf %get3A_509, %get3A_22 : vector<16xf32>
      %mul3A_515 = arith.mulf %get3A_513, %get3A_26 : vector<16xf32>
      %add3A_516 = arith.addf %mul3A_514, %mul3A_515 : vector<16xf32>
      %swap3A_517 = arith.index_cast %scan3A_19 : i32 to index
      %swap3A_518 = arith.constant 480 : index
      %swap3A_519 = tpu.vector_load %arg8[%swap3A_517, %swap3A_518] {strides = array<i32>} : memref<64x768xf32, #tpu.memory_space<vmem>>, vector<1x16xf32>,
      %swap3A_520 = vector.shape_cast %swap3A_519 : vector<1x16xf32> to vector<16xf32>
      %swap3A_521 = vector.shape_cast %add3A_516 : vector<16xf32> to vector<1x16xf32>
      tpu.vector_store %arg8[%swap3A_517, %swap3A_518], %swap3A_521 {strides = array<i32>} : memref<64x768xf32, #tpu.memory_space<vmem>>, vector<1x16xf32>,
      %get3A_522 = arith.index_cast %scan3A_19 : i32 to index
      %get3A_523 = arith.constant 496 : index
      %get3A_524 = tpu.vector_load %arg8[%get3A_522, %get3A_523] {strides = array<i32>} : memref<64x768xf32, #tpu.memory_space<vmem>>, vector<1x16xf32>,
      %get3A_525 = vector.shape_cast %get3A_524 : vector<1x16xf32> to vector<16xf32>
      %get3A_526 = arith.index_cast %scan3A_19 : i32 to index
      %get3A_527 = arith.constant 496 : index
      %get3A_528 = tpu.vector_load %arg9[%get3A_526, %get3A_527] {strides = array<i32>} : memref<64x768xf32, #tpu.memory_space<vmem>>, vector<1x16xf32>,
      %get3A_529 = vector.shape_cast %get3A_528 : vector<1x16xf32> to vector<16xf32>
      %mul3A_530 = arith.mulf %get3A_525, %get3A_22 : vector<16xf32>
      %mul3A_531 = arith.mulf %get3A_529, %get3A_26 : vector<16xf32>
      %add3A_532 = arith.addf %mul3A_530, %mul3A_531 : vector<16xf32>
      %swap3A_533 = arith.index_cast %scan3A_19 : i32 to index
      %swap3A_534 = arith.constant 496 : index
      %swap3A_535 = tpu.vector_load %arg8[%swap3A_533, %swap3A_534] {strides = array<i32>} : memref<64x768xf32, #tpu.memory_space<vmem>>, vector<1x16xf32>,
      %swap3A_536 = vector.shape_cast %swap3A_535 : vector<1x16xf32> to vector<16xf32>
      %swap3A_537 = vector.shape_cast %add3A_532 : vector<16xf32> to vector<1x16xf32>
      tpu.vector_store %arg8[%swap3A_533, %swap3A_534], %swap3A_537 {strides = array<i32>} : memref<64x768xf32, #tpu.memory_space<vmem>>, vector<1x16xf32>,
      %get3A_538 = arith.index_cast %scan3A_19 : i32 to index
      %get3A_539 = arith.constant 512 : index
      %get3A_540 = tpu.vector_load %arg8[%get3A_538, %get3A_539] {strides = array<i32>} : memref<64x768xf32, #tpu.memory_space<vmem>>, vector<1x16xf32>,
      %get3A_541 = vector.shape_cast %get3A_540 : vector<1x16xf32> to vector<16xf32>
      %get3A_542 = arith.index_cast %scan3A_19 : i32 to index
      %get3A_543 = arith.constant 512 : index
      %get3A_544 = tpu.vector_load %arg9[%get3A_542, %get3A_543] {strides = array<i32>} : memref<64x768xf32, #tpu.memory_space<vmem>>, vector<1x16xf32>,
      %get3A_545 = vector.shape_cast %get3A_544 : vector<1x16xf32> to vector<16xf32>
      %mul3A_546 = arith.mulf %get3A_541, %get3A_22 : vector<16xf32>
      %mul3A_547 = arith.mulf %get3A_545, %get3A_26 : vector<16xf32>
      %add3A_548 = arith.addf %mul3A_546, %mul3A_547 : vector<16xf32>
      %swap3A_549 = arith.index_cast %scan3A_19 : i32 to index
      %swap3A_550 = arith.constant 512 : index
      %swap3A_551 = tpu.vector_load %arg8[%swap3A_549, %swap3A_550] {strides = array<i32>} : memref<64x768xf32, #tpu.memory_space<vmem>>, vector<1x16xf32>,
      %swap3A_552 = vector.shape_cast %swap3A_551 : vector<1x16xf32> to vector<16xf32>
      %swap3A_553 = vector.shape_cast %add3A_548 : vector<16xf32> to vector<1x16xf32>
      tpu.vector_store %arg8[%swap3A_549, %swap3A_550], %swap3A_553 {strides = array<i32>} : memref<64x768xf32, #tpu.memory_space<vmem>>, vector<1x16xf32>,
      %get3A_554 = arith.index_cast %scan3A_19 : i32 to index
      %get3A_555 = arith.constant 528 : index
      %get3A_556 = tpu.vector_load %arg8[%get3A_554, %get3A_555] {strides = array<i32>} : memref<64x768xf32, #tpu.memory_space<vmem>>, vector<1x16xf32>,
      %get3A_557 = vector.shape_cast %get3A_556 : vector<1x16xf32> to vector<16xf32>
      %get3A_558 = arith.index_cast %scan3A_19 : i32 to index
      %get3A_559 = arith.constant 528 : index
      %get3A_560 = tpu.vector_load %arg9[%get3A_558, %get3A_559] {strides = array<i32>} : memref<64x768xf32, #tpu.memory_space<vmem>>, vector<1x16xf32>,
      %get3A_561 = vector.shape_cast %get3A_560 : vector<1x16xf32> to vector<16xf32>
      %mul3A_562 = arith.mulf %get3A_557, %get3A_22 : vector<16xf32>
      %mul3A_563 = arith.mulf %get3A_561, %get3A_26 : vector<16xf32>
      %add3A_564 = arith.addf %mul3A_562, %mul3A_563 : vector<16xf32>
      %swap3A_565 = arith.index_cast %scan3A_19 : i32 to index
      %swap3A_566 = arith.constant 528 : index
      %swap3A_567 = tpu.vector_load %arg8[%swap3A_565, %swap3A_566] {strides = array<i32>} : memref<64x768xf32, #tpu.memory_space<vmem>>, vector<1x16xf32>,
      %swap3A_568 = vector.shape_cast %swap3A_567 : vector<1x16xf32> to vector<16xf32>
      %swap3A_569 = vector.shape_cast %add3A_564 : vector<16xf32> to vector<1x16xf32>
      tpu.vector_store %arg8[%swap3A_565, %swap3A_566], %swap3A_569 {strides = array<i32>} : memref<64x768xf32, #tpu.memory_space<vmem>>, vector<1x16xf32>,
      %get3A_570 = arith.index_cast %scan3A_19 : i32 to index
      %get3A_571 = arith.constant 544 : index
      %get3A_572 = tpu.vector_load %arg8[%get3A_570, %get3A_571] {strides = array<i32>} : memref<64x768xf32, #tpu.memory_space<vmem>>, vector<1x16xf32>,
      %get3A_573 = vector.shape_cast %get3A_572 : vector<1x16xf32> to vector<16xf32>
      %get3A_574 = arith.index_cast %scan3A_19 : i32 to index
      %get3A_575 = arith.constant 544 : index
      %get3A_576 = tpu.vector_load %arg9[%get3A_574, %get3A_575] {strides = array<i32>} : memref<64x768xf32, #tpu.memory_space<vmem>>, vector<1x16xf32>,
      %get3A_577 = vector.shape_cast %get3A_576 : vector<1x16xf32> to vector<16xf32>
      %mul3A_578 = arith.mulf %get3A_573, %get3A_22 : vector<16xf32>
      %mul3A_579 = arith.mulf %get3A_577, %get3A_26 : vector<16xf32>
      %add3A_580 = arith.addf %mul3A_578, %mul3A_579 : vector<16xf32>
      %swap3A_581 = arith.index_cast %scan3A_19 : i32 to index
      %swap3A_582 = arith.constant 544 : index
      %swap3A_583 = tpu.vector_load %arg8[%swap3A_581, %swap3A_582] {strides = array<i32>} : memref<64x768xf32, #tpu.memory_space<vmem>>, vector<1x16xf32>,
      %swap3A_584 = vector.shape_cast %swap3A_583 : vector<1x16xf32> to vector<16xf32>
      %swap3A_585 = vector.shape_cast %add3A_580 : vector<16xf32> to vector<1x16xf32>
      tpu.vector_store %arg8[%swap3A_581, %swap3A_582], %swap3A_585 {strides = array<i32>} : memref<64x768xf32, #tpu.memory_space<vmem>>, vector<1x16xf32>,
      %get3A_586 = arith.index_cast %scan3A_19 : i32 to index
      %get3A_587 = arith.constant 560 : index
      %get3A_588 = tpu.vector_load %arg8[%get3A_586, %get3A_587] {strides = array<i32>} : memref<64x768xf32, #tpu.memory_space<vmem>>, vector<1x16xf32>,
      %get3A_589 = vector.shape_cast %get3A_588 : vector<1x16xf32> to vector<16xf32>
      %get3A_590 = arith.index_cast %scan3A_19 : i32 to index
      %get3A_591 = arith.constant 560 : index
      %get3A_592 = tpu.vector_load %arg9[%get3A_590, %get3A_591] {strides = array<i32>} : memref<64x768xf32, #tpu.memory_space<vmem>>, vector<1x16xf32>,
      %get3A_593 = vector.shape_cast %get3A_592 : vector<1x16xf32> to vector<16xf32>
      %mul3A_594 = arith.mulf %get3A_589, %get3A_22 : vector<16xf32>
      %mul3A_595 = arith.mulf %get3A_593, %get3A_26 : vector<16xf32>
      %add3A_596 = arith.addf %mul3A_594, %mul3A_595 : vector<16xf32>
      %swap3A_597 = arith.index_cast %scan3A_19 : i32 to index
      %swap3A_598 = arith.constant 560 : index
      %swap3A_599 = tpu.vector_load %arg8[%swap3A_597, %swap3A_598] {strides = array<i32>} : memref<64x768xf32, #tpu.memory_space<vmem>>, vector<1x16xf32>,
      %swap3A_600 = vector.shape_cast %swap3A_599 : vector<1x16xf32> to vector<16xf32>
      %swap3A_601 = vector.shape_cast %add3A_596 : vector<16xf32> to vector<1x16xf32>
      tpu.vector_store %arg8[%swap3A_597, %swap3A_598], %swap3A_601 {strides = array<i32>} : memref<64x768xf32, #tpu.memory_space<vmem>>, vector<1x16xf32>,
      %get3A_602 = arith.index_cast %scan3A_19 : i32 to index
      %get3A_603 = arith.constant 576 : index
      %get3A_604 = tpu.vector_load %arg8[%get3A_602, %get3A_603] {strides = array<i32>} : memref<64x768xf32, #tpu.memory_space<vmem>>, vector<1x16xf32>,
      %get3A_605 = vector.shape_cast %get3A_604 : vector<1x16xf32> to vector<16xf32>
      %get3A_606 = arith.index_cast %scan3A_19 : i32 to index
      %get3A_607 = arith.constant 576 : index
      %get3A_608 = tpu.vector_load %arg9[%get3A_606, %get3A_607] {strides = array<i32>} : memref<64x768xf32, #tpu.memory_space<vmem>>, vector<1x16xf32>,
      %get3A_609 = vector.shape_cast %get3A_608 : vector<1x16xf32> to vector<16xf32>
      %mul3A_610 = arith.mulf %get3A_605, %get3A_22 : vector<16xf32>
      %mul3A_611 = arith.mulf %get3A_609, %get3A_26 : vector<16xf32>
      %add3A_612 = arith.addf %mul3A_610, %mul3A_611 : vector<16xf32>
      %swap3A_613 = arith.index_cast %scan3A_19 : i32 to index
      %swap3A_614 = arith.constant 576 : index
      %swap3A_615 = tpu.vector_load %arg8[%swap3A_613, %swap3A_614] {strides = array<i32>} : memref<64x768xf32, #tpu.memory_space<vmem>>, vector<1x16xf32>,
      %swap3A_616 = vector.shape_cast %swap3A_615 : vector<1x16xf32> to vector<16xf32>
      %swap3A_617 = vector.shape_cast %add3A_612 : vector<16xf32> to vector<1x16xf32>
      tpu.vector_store %arg8[%swap3A_613, %swap3A_614], %swap3A_617 {strides = array<i32>} : memref<64x768xf32, #tpu.memory_space<vmem>>, vector<1x16xf32>,
      %get3A_618 = arith.index_cast %scan3A_19 : i32 to index
      %get3A_619 = arith.constant 592 : index
      %get3A_620 = tpu.vector_load %arg8[%get3A_618, %get3A_619] {strides = array<i32>} : memref<64x768xf32, #tpu.memory_space<vmem>>, vector<1x16xf32>,
      %get3A_621 = vector.shape_cast %get3A_620 : vector<1x16xf32> to vector<16xf32>
      %get3A_622 = arith.index_cast %scan3A_19 : i32 to index
      %get3A_623 = arith.constant 592 : index
      %get3A_624 = tpu.vector_load %arg9[%get3A_622, %get3A_623] {strides = array<i32>} : memref<64x768xf32, #tpu.memory_space<vmem>>, vector<1x16xf32>,
      %get3A_625 = vector.shape_cast %get3A_624 : vector<1x16xf32> to vector<16xf32>
      %mul3A_626 = arith.mulf %get3A_621, %get3A_22 : vector<16xf32>
      %mul3A_627 = arith.mulf %get3A_625, %get3A_26 : vector<16xf32>
      %add3A_628 = arith.addf %mul3A_626, %mul3A_627 : vector<16xf32>
      %swap3A_629 = arith.index_cast %scan3A_19 : i32 to index
      %swap3A_630 = arith.constant 592 : index
      %swap3A_631 = tpu.vector_load %arg8[%swap3A_629, %swap3A_630] {strides = array<i32>} : memref<64x768xf32, #tpu.memory_space<vmem>>, vector<1x16xf32>,
      %swap3A_632 = vector.shape_cast %swap3A_631 : vector<1x16xf32> to vector<16xf32>
      %swap3A_633 = vector.shape_cast %add3A_628 : vector<16xf32> to vector<1x16xf32>
      tpu.vector_store %arg8[%swap3A_629, %swap3A_630], %swap3A_633 {strides = array<i32>} : memref<64x768xf32, #tpu.memory_space<vmem>>, vector<1x16xf32>,
      %get3A_634 = arith.index_cast %scan3A_19 : i32 to index
      %get3A_635 = arith.constant 608 : index
      %get3A_636 = tpu.vector_load %arg8[%get3A_634, %get3A_635] {strides = array<i32>} : memref<64x768xf32, #tpu.memory_space<vmem>>, vector<1x16xf32>,
      %get3A_637 = vector.shape_cast %get3A_636 : vector<1x16xf32> to vector<16xf32>
      %get3A_638 = arith.index_cast %scan3A_19 : i32 to index
      %get3A_639 = arith.constant 608 : index
      %get3A_640 = tpu.vector_load %arg9[%get3A_638, %get3A_639] {strides = array<i32>} : memref<64x768xf32, #tpu.memory_space<vmem>>, vector<1x16xf32>,
      %get3A_641 = vector.shape_cast %get3A_640 : vector<1x16xf32> to vector<16xf32>
      %mul3A_642 = arith.mulf %get3A_637, %get3A_22 : vector<16xf32>
      %mul3A_643 = arith.mulf %get3A_641, %get3A_26 : vector<16xf32>
      %add3A_644 = arith.addf %mul3A_642, %mul3A_643 : vector<16xf32>
      %swap3A_645 = arith.index_cast %scan3A_19 : i32 to index
      %swap3A_646 = arith.constant 608 : index
      %swap3A_647 = tpu.vector_load %arg8[%swap3A_645, %swap3A_646] {strides = array<i32>} : memref<64x768xf32, #tpu.memory_space<vmem>>, vector<1x16xf32>,
      %swap3A_648 = vector.shape_cast %swap3A_647 : vector<1x16xf32> to vector<16xf32>
      %swap3A_649 = vector.shape_cast %add3A_644 : vector<16xf32> to vector<1x16xf32>
      tpu.vector_store %arg8[%swap3A_645, %swap3A_646], %swap3A_649 {strides = array<i32>} : memref<64x768xf32, #tpu.memory_space<vmem>>, vector<1x16xf32>,
      %get3A_650 = arith.index_cast %scan3A_19 : i32 to index
      %get3A_651 = arith.constant 624 : index
      %get3A_652 = tpu.vector_load %arg8[%get3A_650, %get3A_651] {strides = array<i32>} : memref<64x768xf32, #tpu.memory_space<vmem>>, vector<1x16xf32>,
      %get3A_653 = vector.shape_cast %get3A_652 : vector<1x16xf32> to vector<16xf32>
      %get3A_654 = arith.index_cast %scan3A_19 : i32 to index
      %get3A_655 = arith.constant 624 : index
      %get3A_656 = tpu.vector_load %arg9[%get3A_654, %get3A_655] {strides = array<i32>} : memref<64x768xf32, #tpu.memory_space<vmem>>, vector<1x16xf32>,
      %get3A_657 = vector.shape_cast %get3A_656 : vector<1x16xf32> to vector<16xf32>
      %mul3A_658 = arith.mulf %get3A_653, %get3A_22 : vector<16xf32>
      %mul3A_659 = arith.mulf %get3A_657, %get3A_26 : vector<16xf32>
      %add3A_660 = arith.addf %mul3A_658, %mul3A_659 : vector<16xf32>
      %swap3A_661 = arith.index_cast %scan3A_19 : i32 to index
      %swap3A_662 = arith.constant 624 : index
      %swap3A_663 = tpu.vector_load %arg8[%swap3A_661, %swap3A_662] {strides = array<i32>} : memref<64x768xf32, #tpu.memory_space<vmem>>, vector<1x16xf32>,
      %swap3A_664 = vector.shape_cast %swap3A_663 : vector<1x16xf32> to vector<16xf32>
      %swap3A_665 = vector.shape_cast %add3A_660 : vector<16xf32> to vector<1x16xf32>
      tpu.vector_store %arg8[%swap3A_661, %swap3A_662], %swap3A_665 {strides = array<i32>} : memref<64x768xf32, #tpu.memory_space<vmem>>, vector<1x16xf32>,
      %get3A_666 = arith.index_cast %scan3A_19 : i32 to index
      %get3A_667 = arith.constant 640 : index
      %get3A_668 = tpu.vector_load %arg8[%get3A_666, %get3A_667] {strides = array<i32>} : memref<64x768xf32, #tpu.memory_space<vmem>>, vector<1x16xf32>,
      %get3A_669 = vector.shape_cast %get3A_668 : vector<1x16xf32> to vector<16xf32>
      %get3A_670 = arith.index_cast %scan3A_19 : i32 to index
      %get3A_671 = arith.constant 640 : index
      %get3A_672 = tpu.vector_load %arg9[%get3A_670, %get3A_671] {strides = array<i32>} : memref<64x768xf32, #tpu.memory_space<vmem>>, vector<1x16xf32>,
      %get3A_673 = vector.shape_cast %get3A_672 : vector<1x16xf32> to vector<16xf32>
      %mul3A_674 = arith.mulf %get3A_669, %get3A_22 : vector<16xf32>
      %mul3A_675 = arith.mulf %get3A_673, %get3A_26 : vector<16xf32>
      %add3A_676 = arith.addf %mul3A_674, %mul3A_675 : vector<16xf32>
      %swap3A_677 = arith.index_cast %scan3A_19 : i32 to index
      %swap3A_678 = arith.constant 640 : index
      %swap3A_679 = tpu.vector_load %arg8[%swap3A_677, %swap3A_678] {strides = array<i32>} : memref<64x768xf32, #tpu.memory_space<vmem>>, vector<1x16xf32>,
      %swap3A_680 = vector.shape_cast %swap3A_679 : vector<1x16xf32> to vector<16xf32>
      %swap3A_681 = vector.shape_cast %add3A_676 : vector<16xf32> to vector<1x16xf32>
      tpu.vector_store %arg8[%swap3A_677, %swap3A_678], %swap3A_681 {strides = array<i32>} : memref<64x768xf32, #tpu.memory_space<vmem>>, vector<1x16xf32>,
      %get3A_682 = arith.index_cast %scan3A_19 : i32 to index
      %get3A_683 = arith.constant 656 : index
      %get3A_684 = tpu.vector_load %arg8[%get3A_682, %get3A_683] {strides = array<i32>} : memref<64x768xf32, #tpu.memory_space<vmem>>, vector<1x16xf32>,
      %get3A_685 = vector.shape_cast %get3A_684 : vector<1x16xf32> to vector<16xf32>
      %get3A_686 = arith.index_cast %scan3A_19 : i32 to index
      %get3A_687 = arith.constant 656 : index
      %get3A_688 = tpu.vector_load %arg9[%get3A_686, %get3A_687] {strides = array<i32>} : memref<64x768xf32, #tpu.memory_space<vmem>>, vector<1x16xf32>,
      %get3A_689 = vector.shape_cast %get3A_688 : vector<1x16xf32> to vector<16xf32>
      %mul3A_690 = arith.mulf %get3A_685, %get3A_22 : vector<16xf32>
      %mul3A_691 = arith.mulf %get3A_689, %get3A_26 : vector<16xf32>
      %add3A_692 = arith.addf %mul3A_690, %mul3A_691 : vector<16xf32>
      %swap3A_693 = arith.index_cast %scan3A_19 : i32 to index
      %swap3A_694 = arith.constant 656 : index
      %swap3A_695 = tpu.vector_load %arg8[%swap3A_693, %swap3A_694] {strides = array<i32>} : memref<64x768xf32, #tpu.memory_space<vmem>>, vector<1x16xf32>,
      %swap3A_696 = vector.shape_cast %swap3A_695 : vector<1x16xf32> to vector<16xf32>
      %swap3A_697 = vector.shape_cast %add3A_692 : vector<16xf32> to vector<1x16xf32>
      tpu.vector_store %arg8[%swap3A_693, %swap3A_694], %swap3A_697 {strides = array<i32>} : memref<64x768xf32, #tpu.memory_space<vmem>>, vector<1x16xf32>,
      %get3A_698 = arith.index_cast %scan3A_19 : i32 to index
      %get3A_699 = arith.constant 672 : index
      %get3A_700 = tpu.vector_load %arg8[%get3A_698, %get3A_699] {strides = array<i32>} : memref<64x768xf32, #tpu.memory_space<vmem>>, vector<1x16xf32>,
      %get3A_701 = vector.shape_cast %get3A_700 : vector<1x16xf32> to vector<16xf32>
      %get3A_702 = arith.index_cast %scan3A_19 : i32 to index
      %get3A_703 = arith.constant 672 : index
      %get3A_704 = tpu.vector_load %arg9[%get3A_702, %get3A_703] {strides = array<i32>} : memref<64x768xf32, #tpu.memory_space<vmem>>, vector<1x16xf32>,
      %get3A_705 = vector.shape_cast %get3A_704 : vector<1x16xf32> to vector<16xf32>
      %mul3A_706 = arith.mulf %get3A_701, %get3A_22 : vector<16xf32>
      %mul3A_707 = arith.mulf %get3A_705, %get3A_26 : vector<16xf32>
      %add3A_708 = arith.addf %mul3A_706, %mul3A_707 : vector<16xf32>
      %swap3A_709 = arith.index_cast %scan3A_19 : i32 to index
      %swap3A_710 = arith.constant 672 : index
      %swap3A_711 = tpu.vector_load %arg8[%swap3A_709, %swap3A_710] {strides = array<i32>} : memref<64x768xf32, #tpu.memory_space<vmem>>, vector<1x16xf32>,
      %swap3A_712 = vector.shape_cast %swap3A_711 : vector<1x16xf32> to vector<16xf32>
      %swap3A_713 = vector.shape_cast %add3A_708 : vector<16xf32> to vector<1x16xf32>
      tpu.vector_store %arg8[%swap3A_709, %swap3A_710], %swap3A_713 {strides = array<i32>} : memref<64x768xf32, #tpu.memory_space<vmem>>, vector<1x16xf32>,
      %get3A_714 = arith.index_cast %scan3A_19 : i32 to index
      %get3A_715 = arith.constant 688 : index
      %get3A_716 = tpu.vector_load %arg8[%get3A_714, %get3A_715] {strides = array<i32>} : memref<64x768xf32, #tpu.memory_space<vmem>>, vector<1x16xf32>,
      %get3A_717 = vector.shape_cast %get3A_716 : vector<1x16xf32> to vector<16xf32>
      %get3A_718 = arith.index_cast %scan3A_19 : i32 to index
      %get3A_719 = arith.constant 688 : index
      %get3A_720 = tpu.vector_load %arg9[%get3A_718, %get3A_719] {strides = array<i32>} : memref<64x768xf32, #tpu.memory_space<vmem>>, vector<1x16xf32>,
      %get3A_721 = vector.shape_cast %get3A_720 : vector<1x16xf32> to vector<16xf32>
      %mul3A_722 = arith.mulf %get3A_717, %get3A_22 : vector<16xf32>
      %mul3A_723 = arith.mulf %get3A_721, %get3A_26 : vector<16xf32>
      %add3A_724 = arith.addf %mul3A_722, %mul3A_723 : vector<16xf32>
      %swap3A_725 = arith.index_cast %scan3A_19 : i32 to index
      %swap3A_726 = arith.constant 688 : index
      %swap3A_727 = tpu.vector_load %arg8[%swap3A_725, %swap3A_726] {strides = array<i32>} : memref<64x768xf32, #tpu.memory_space<vmem>>, vector<1x16xf32>,
      %swap3A_728 = vector.shape_cast %swap3A_727 : vector<1x16xf32> to vector<16xf32>
      %swap3A_729 = vector.shape_cast %add3A_724 : vector<16xf32> to vector<1x16xf32>
      tpu.vector_store %arg8[%swap3A_725, %swap3A_726], %swap3A_729 {strides = array<i32>} : memref<64x768xf32, #tpu.memory_space<vmem>>, vector<1x16xf32>,
      %get3A_730 = arith.index_cast %scan3A_19 : i32 to index
      %get3A_731 = arith.constant 704 : index
      %get3A_732 = tpu.vector_load %arg8[%get3A_730, %get3A_731] {strides = array<i32>} : memref<64x768xf32, #tpu.memory_space<vmem>>, vector<1x16xf32>,
      %get3A_733 = vector.shape_cast %get3A_732 : vector<1x16xf32> to vector<16xf32>
      %get3A_734 = arith.index_cast %scan3A_19 : i32 to index
      %get3A_735 = arith.constant 704 : index
      %get3A_736 = tpu.vector_load %arg9[%get3A_734, %get3A_735] {strides = array<i32>} : memref<64x768xf32, #tpu.memory_space<vmem>>, vector<1x16xf32>,
      %get3A_737 = vector.shape_cast %get3A_736 : vector<1x16xf32> to vector<16xf32>
      %mul3A_738 = arith.mulf %get3A_733, %get3A_22 : vector<16xf32>
      %mul3A_739 = arith.mulf %get3A_737, %get3A_26 : vector<16xf32>
      %add3A_740 = arith.addf %mul3A_738, %mul3A_739 : vector<16xf32>
      %swap3A_741 = arith.index_cast %scan3A_19 : i32 to index
      %swap3A_742 = arith.constant 704 : index
      %swap3A_743 = tpu.vector_load %arg8[%swap3A_741, %swap3A_742] {strides = array<i32>} : memref<64x768xf32, #tpu.memory_space<vmem>>, vector<1x16xf32>,
      %swap3A_744 = vector.shape_cast %swap3A_743 : vector<1x16xf32> to vector<16xf32>
      %swap3A_745 = vector.shape_cast %add3A_740 : vector<16xf32> to vector<1x16xf32>
      tpu.vector_store %arg8[%swap3A_741, %swap3A_742], %swap3A_745 {strides = array<i32>} : memref<64x768xf32, #tpu.memory_space<vmem>>, vector<1x16xf32>,
      %get3A_746 = arith.index_cast %scan3A_19 : i32 to index
      %get3A_747 = arith.constant 720 : index
      %get3A_748 = tpu.vector_load %arg8[%get3A_746, %get3A_747] {strides = array<i32>} : memref<64x768xf32, #tpu.memory_space<vmem>>, vector<1x16xf32>,
      %get3A_749 = vector.shape_cast %get3A_748 : vector<1x16xf32> to vector<16xf32>
      %get3A_750 = arith.index_cast %scan3A_19 : i32 to index
      %get3A_751 = arith.constant 720 : index
      %get3A_752 = tpu.vector_load %arg9[%get3A_750, %get3A_751] {strides = array<i32>} : memref<64x768xf32, #tpu.memory_space<vmem>>, vector<1x16xf32>,
      %get3A_753 = vector.shape_cast %get3A_752 : vector<1x16xf32> to vector<16xf32>
      %mul3A_754 = arith.mulf %get3A_749, %get3A_22 : vector<16xf32>
      %mul3A_755 = arith.mulf %get3A_753, %get3A_26 : vector<16xf32>
      %add3A_756 = arith.addf %mul3A_754, %mul3A_755 : vector<16xf32>
      %swap3A_757 = arith.index_cast %scan3A_19 : i32 to index
      %swap3A_758 = arith.constant 720 : index
      %swap3A_759 = tpu.vector_load %arg8[%swap3A_757, %swap3A_758] {strides = array<i32>} : memref<64x768xf32, #tpu.memory_space<vmem>>, vector<1x16xf32>,
      %swap3A_760 = vector.shape_cast %swap3A_759 : vector<1x16xf32> to vector<16xf32>
      %swap3A_761 = vector.shape_cast %add3A_756 : vector<16xf32> to vector<1x16xf32>
      tpu.vector_store %arg8[%swap3A_757, %swap3A_758], %swap3A_761 {strides = array<i32>} : memref<64x768xf32, #tpu.memory_space<vmem>>, vector<1x16xf32>,
      %get3A_762 = arith.index_cast %scan3A_19 : i32 to index
      %get3A_763 = arith.constant 736 : index
      %get3A_764 = tpu.vector_load %arg8[%get3A_762, %get3A_763] {strides = array<i32>} : memref<64x768xf32, #tpu.memory_space<vmem>>, vector<1x16xf32>,
      %get3A_765 = vector.shape_cast %get3A_764 : vector<1x16xf32> to vector<16xf32>
      %get3A_766 = arith.index_cast %scan3A_19 : i32 to index
      %get3A_767 = arith.constant 736 : index
      %get3A_768 = tpu.vector_load %arg9[%get3A_766, %get3A_767] {strides = array<i32>} : memref<64x768xf32, #tpu.memory_space<vmem>>, vector<1x16xf32>,
      %get3A_769 = vector.shape_cast %get3A_768 : vector<1x16xf32> to vector<16xf32>
      %mul3A_770 = arith.mulf %get3A_765, %get3A_22 : vector<16xf32>
      %mul3A_771 = arith.mulf %get3A_769, %get3A_26 : vector<16xf32>
      %add3A_772 = arith.addf %mul3A_770, %mul3A_771 : vector<16xf32>
      %swap3A_773 = arith.index_cast %scan3A_19 : i32 to index
      %swap3A_774 = arith.constant 736 : index
      %swap3A_775 = tpu.vector_load %arg8[%swap3A_773, %swap3A_774] {strides = array<i32>} : memref<64x768xf32, #tpu.memory_space<vmem>>, vector<1x16xf32>,
      %swap3A_776 = vector.shape_cast %swap3A_775 : vector<1x16xf32> to vector<16xf32>
      %swap3A_777 = vector.shape_cast %add3A_772 : vector<16xf32> to vector<1x16xf32>
      tpu.vector_store %arg8[%swap3A_773, %swap3A_774], %swap3A_777 {strides = array<i32>} : memref<64x768xf32, #tpu.memory_space<vmem>>, vector<1x16xf32>,
      %get3A_778 = arith.index_cast %scan3A_19 : i32 to index
      %get3A_779 = arith.constant 752 : index
      %get3A_780 = tpu.vector_load %arg8[%get3A_778, %get3A_779] {strides = array<i32>} : memref<64x768xf32, #tpu.memory_space<vmem>>, vector<1x16xf32>,
      %get3A_781 = vector.shape_cast %get3A_780 : vector<1x16xf32> to vector<16xf32>
      %get3A_782 = arith.index_cast %scan3A_19 : i32 to index
      %get3A_783 = arith.constant 752 : index
      %get3A_784 = tpu.vector_load %arg9[%get3A_782, %get3A_783] {strides = array<i32>} : memref<64x768xf32, #tpu.memory_space<vmem>>, vector<1x16xf32>,
      %get3A_785 = vector.shape_cast %get3A_784 : vector<1x16xf32> to vector<16xf32>
      %mul3A_786 = arith.mulf %get3A_781, %get3A_22 : vector<16xf32>
      %mul3A_787 = arith.mulf %get3A_785, %get3A_26 : vector<16xf32>
      %add3A_788 = arith.addf %mul3A_786, %mul3A_787 : vector<16xf32>
      %swap3A_789 = arith.index_cast %scan3A_19 : i32 to index
      %swap3A_790 = arith.constant 752 : index
      %swap3A_791 = tpu.vector_load %arg8[%swap3A_789, %swap3A_790] {strides = array<i32>} : memref<64x768xf32, #tpu.memory_space<vmem>>, vector<1x16xf32>,
      %swap3A_792 = vector.shape_cast %swap3A_791 : vector<1x16xf32> to vector<16xf32>
      %swap3A_793 = vector.shape_cast %add3A_788 : vector<16xf32> to vector<1x16xf32>
      tpu.vector_store %arg8[%swap3A_789, %swap3A_790], %swap3A_793 {strides = array<i32>} : memref<64x768xf32, #tpu.memory_space<vmem>>, vector<1x16xf32>,
    }
    %scan3A_18 = arith.constant 64 : i32
    "tpu.region"() ({
      %run_scoped3A_19 = tpu.sem_alloc : memref<!tpu.dma_semaphore, #tpu.memory_space<semaphore_mem>>
      %dma_start3A_20 = arith.constant 0 : i32
      %dma_start3A_21 = tpu.memref_slice %arg7[%mul3A_2, %dma_start3A_20] : memref<2048x768xf32, #tpu.memory_space<hbm>> -> memref<64x768xf32, #tpu.memory_space<hbm>>
      %dma_start3A_22 = arith.constant 0 : i32
      %dma_start3A_23 = tpu.memref_slice %arg7[%mul3A_2, %dma_start3A_22] : memref<2048x768xf32, #tpu.memory_space<hbm>> -> memref<64x768xf32, #tpu.memory_space<hbm>>
      tpu.enqueue_dma source(%arg8 : memref<64x768xf32, #tpu.memory_space<vmem>>) target(%dma_start3A_23 : memref<64x768xf32, #tpu.memory_space<hbm>>) target_semaphore(%run_scoped3A_19 : memref<!tpu.dma_semaphore, #tpu.memory_space<semaphore_mem>>)
      %dma_wait3A_24 = arith.constant 0 : i32
      %dma_wait3A_25 = tpu.memref_slice %arg7[%mul3A_2, %dma_wait3A_24] : memref<2048x768xf32, #tpu.memory_space<hbm>> -> memref<64x768xf32, #tpu.memory_space<hbm>>
      %dma_wait3A_26 = arith.constant 0 : i32
      %dma_wait3A_27 = tpu.memref_slice %arg7[%mul3A_2, %dma_wait3A_26] : memref<2048x768xf32, #tpu.memory_space<hbm>> -> memref<64x768xf32, #tpu.memory_space<hbm>>
      tpu.wait_dma2 semaphore(%run_scoped3A_19 : memref<!tpu.dma_semaphore, #tpu.memory_space<semaphore_mem>>) src(%arg8 : memref<64x768xf32, #tpu.memory_space<vmem>>) dst(%dma_wait3A_27 : memref<64x768xf32, #tpu.memory_space<hbm>>)
      tpu.yield
    }) : () -> ()
    return
  }
}

module attributes {stable_mosaic.version = 14 : i64} {
  func.func @_gmm_main_body(%arg0: i32, %arg1: memref<128x768xf32, #tpu.memory_space<vmem>>, %arg2: memref<1x384x768xf32, #tpu.memory_space<vmem>>, %arg3: memref<1x384x768xf32, #tpu.memory_space<vmem>>, %arg4: memref<1x768x384xf32, #tpu.memory_space<vmem>>, %arg5: memref<128x768xf32, #tpu.memory_space<vmem>>) attributes {dimension_semantics = [#tpu.dimension_semantics<arbitrary>], iteration_bounds = array<i64: 64>, scalar_prefetch = 0 : i64, scratch_operands = 0 : i64, tpu.core_type = #tpu.core_type<tc>, window_params = [{transform_indices = @transform_0, window_bounds = array<i64: 128, 768>}, {transform_indices = @transform_1, window_bounds = array<i64: 1, 384, 768>}, {transform_indices = @transform_2, window_bounds = array<i64: 1, 384, 768>}, {transform_indices = @transform_3, window_bounds = array<i64: 1, 768, 384>}, {transform_indices = @transform_4, window_bounds = array<i64: 128, 768>}]} {
    %get3A = arith.constant 0 : index
    %get3A_0 = arith.constant 0 : index
    %get3A_1 = vector.load %arg1[%get3A, %get3A_0] : memref<128x768xf32, #tpu.memory_space<vmem>>, vector<128x768xf32>
    %convert_element_type3A = arith.truncf %get3A_1 : vector<128x768xf32> to vector<128x768xbf16>
    %get3A_2 = arith.constant 0 : index
    %get3A_3 = arith.constant 0 : index
    %get3A_4 = arith.constant 0 : index
    %get3A_5 = vector.load %arg2[%get3A_2, %get3A_3, %get3A_4] : memref<1x384x768xf32, #tpu.memory_space<vmem>>, vector<1x384x768xf32>
    %get3A_6 = vector.shape_cast %get3A_5 : vector<1x384x768xf32> to vector<384x768xf32>
    %convert_element_type3A_7 = arith.truncf %get3A_6 : vector<384x768xf32> to vector<384x768xbf16>
    %dot_general3A = arith.constant dense<0.000000e+00> : vector<128x384xf32>
    %dot_general3A_8 = tpu.matmul %convert_element_type3A, %convert_element_type3A_7, %dot_general3A {dimension_numbers = #tpu.dot_dimension_numbers<[1], [1], [0], [0], [0, 0, 1, 0], [], []>, transpose_lhs_hint = false} : vector<128x768xbf16>, vector<384x768xbf16>, vector<128x384xf32> -> vector<128x384xf32>
    %get3A_9 = arith.constant 0 : index
    %get3A_10 = arith.constant 0 : index
    %get3A_11 = arith.constant 0 : index
    %get3A_12 = vector.load %arg3[%get3A_9, %get3A_10, %get3A_11] : memref<1x384x768xf32, #tpu.memory_space<vmem>>, vector<1x384x768xf32>
    %get3A_13 = vector.shape_cast %get3A_12 : vector<1x384x768xf32> to vector<384x768xf32>
    %convert_element_type3A_14 = arith.truncf %get3A_13 : vector<384x768xf32> to vector<384x768xbf16>
    %dot_general3A_15 = arith.constant dense<0.000000e+00> : vector<128x384xf32>
    %dot_general3A_16 = tpu.matmul %convert_element_type3A, %convert_element_type3A_14, %dot_general3A_15 {dimension_numbers = #tpu.dot_dimension_numbers<[1], [1], [0], [0], [0, 0, 1, 0], [], []>, transpose_lhs_hint = false} : vector<128x768xbf16>, vector<384x768xbf16>, vector<128x384xf32> -> vector<128x384xf32>
    %neg3A = arith.constant 0.000000e+00 : f32
    %neg3A_17 = vector.broadcast %neg3A : f32 to vector<128x384xf32>
    %neg3A_18 = arith.subf %neg3A_17, %dot_general3A_8 : vector<128x384xf32>
    %exp3A = math.exp %neg3A_18 : vector<128x384xf32>
    %add3A = arith.constant 1.000000e+00 : f32
    %add3A_19 = vector.broadcast %add3A : f32 to vector<128x384xf32>
    %add3A_20 = arith.addf %add3A_19, %exp3A : vector<128x384xf32>
    %div3A = arith.divf %dot_general3A_8, %add3A_20 : vector<128x384xf32>
    %mul3A = arith.mulf %div3A, %dot_general3A_16 : vector<128x384xf32>
    %convert_element_type3A_21 = arith.truncf %mul3A : vector<128x384xf32> to vector<128x384xbf16>
    %get3A_22 = arith.constant 0 : index
    %get3A_23 = arith.constant 0 : index
    %get3A_24 = arith.constant 0 : index
    %get3A_25 = vector.load %arg4[%get3A_22, %get3A_23, %get3A_24] : memref<1x768x384xf32, #tpu.memory_space<vmem>>, vector<1x768x384xf32>
    %get3A_26 = vector.shape_cast %get3A_25 : vector<1x768x384xf32> to vector<768x384xf32>
    %convert_element_type3A_27 = arith.truncf %get3A_26 : vector<768x384xf32> to vector<768x384xbf16>
    %dot_general3A_28 = arith.constant dense<0.000000e+00> : vector<128x768xf32>
    %dot_general3A_29 = tpu.matmul %convert_element_type3A_21, %convert_element_type3A_27, %dot_general3A_28 {dimension_numbers = #tpu.dot_dimension_numbers<[1], [1], [0], [0], [0, 0, 1, 0], [], []>, transpose_lhs_hint = false} : vector<128x384xbf16>, vector<768x384xbf16>, vector<128x768xf32> -> vector<128x768xf32>
    %swap3A = arith.constant 0 : index
    %swap3A_30 = arith.constant 0 : index
    %swap3A_31 = vector.load %arg5[%swap3A, %swap3A_30] : memref<128x768xf32, #tpu.memory_space<vmem>>, vector<128x768xf32>
    tpu.vector_store %arg5[%swap3A, %swap3A_30], %dot_general3A_29 {strides = array<i32>} : memref<128x768xf32, #tpu.memory_space<vmem>>, vector<128x768xf32>,
    return
  }
  func.func @transform_0(%arg0: i32) -> (i32, i32) {
    %c0_i32 = arith.constant 0 : i32
    %c0_i32_0 = arith.constant 0 : i32
    return %arg0, %c0_i32 : i32, i32
  }
  func.func @transform_1(%arg0: i32) -> (i32, i32, i32) {
    %c0_i32 = arith.constant 0 : i32
    %c0_i32_0 = arith.constant 0 : i32
    %c0_i32_1 = arith.constant 0 : i32
    return %arg0, %c0_i32, %c0_i32_0 : i32, i32, i32
  }
  func.func @transform_2(%arg0: i32) -> (i32, i32, i32) {
    %c0_i32 = arith.constant 0 : i32
    %c0_i32_0 = arith.constant 0 : i32
    %c0_i32_1 = arith.constant 0 : i32
    return %arg0, %c0_i32, %c0_i32_0 : i32, i32, i32
  }
  func.func @transform_3(%arg0: i32) -> (i32, i32, i32) {
    %c0_i32 = arith.constant 0 : i32
    %c0_i32_0 = arith.constant 0 : i32
    %c0_i32_1 = arith.constant 0 : i32
    return %arg0, %c0_i32, %c0_i32_0 : i32, i32, i32
  }
  func.func @transform_4(%arg0: i32) -> (i32, i32) {
    %c0_i32 = arith.constant 0 : i32
    %c0_i32_0 = arith.constant 0 : i32
    return %arg0, %c0_i32 : i32, i32
  }
}

module attributes {stable_mosaic.version = 14 : i64} {
  func.func @_gmm_ovf_body(%arg0: memref<2x64xi32, #tpu.memory_space<smem>>, %arg1: memref<12672x768xf32, #tpu.memory_space<any>>, %arg2: memref<12672x768xf32, #tpu.memory_space<any>>, %arg3: memref<64x384x768xf32, #tpu.memory_space<any>>, %arg4: memref<64x384x768xf32, #tpu.memory_space<any>>, %arg5: memref<64x768x384xf32, #tpu.memory_space<any>>, %arg6: memref<12672x768xf32, #tpu.memory_space<any>>, %arg7: memref<64x768xf32, #tpu.memory_space<vmem>>, %arg8: memref<64x768xf32, #tpu.memory_space<vmem>>, %arg9: memref<384x768xf32, #tpu.memory_space<vmem>>, %arg10: memref<384x768xf32, #tpu.memory_space<vmem>>, %arg11: memref<768x384xf32, #tpu.memory_space<vmem>>, %arg12: memref<!tpu.dma_semaphore, #tpu.memory_space<semaphore_mem>>, %arg13: memref<!tpu.dma_semaphore, #tpu.memory_space<semaphore_mem>>) attributes {dimension_semantics = [], scalar_prefetch = 0 : i64, scratch_operands = 7 : i64, tpu.core_type = #tpu.core_type<tc>} {
    %scan3A = arith.constant 0 : i32
    %scan3A_0 = arith.constant 64 : i32
    %scan3A_1 = arith.addi %scan3A, %scan3A_0 : i32
    %scan3A_2 = arith.constant 1 : i32
    scf.for %scan3A_4 = %scan3A to %scan3A_1 step %scan3A_2  : i32 {
      %get3A = arith.constant 0 : index
      %get3A_5 = arith.index_cast %scan3A_4 : i32 to index
      %get3A_6 = memref.load %arg0[%get3A, %get3A_5] : memref<2x64xi32, #tpu.memory_space<smem>>
      %get3A_7 = arith.constant 1 : index
      %get3A_8 = arith.index_cast %scan3A_4 : i32 to index
      %get3A_9 = memref.load %arg0[%get3A_7, %get3A_8] : memref<2x64xi32, #tpu.memory_space<smem>>
      %sub3A = arith.subi %get3A_9, %get3A_6 : i32
      %add3A = arith.constant 63 : i32
      %add3A_10 = arith.addi %sub3A, %add3A : i32
      %div3A = arith.constant 64 : i32
      %div3A_11 = arith.divsi %add3A_10, %div3A : i32
      %gt3A = arith.constant 0 : i32
      %gt3A_12 = arith.cmpi sgt, %div3A_11, %gt3A : i32
      %convert_element_type3A = arith.extui %gt3A_12 : i1 to i32
      %cond3A = arith.constant 0 : i32
      %cond3A_13 = arith.cmpi ne, %convert_element_type3A, %cond3A : i32
      scf.if %cond3A_13 {
        %dma_start3A = arith.constant 0 : i32
        %dma_start3A_14 = arith.constant 0 : i32
        %dma_start3A_15 = tpu.memref_slice %arg3[%scan3A_4, %dma_start3A, %dma_start3A_14] : memref<64x384x768xf32, #tpu.memory_space<any>> -> memref<1x384x768xf32, #tpu.memory_space<any>>
        %dma_start3A_16 = tpu.memref_squeeze %dma_start3A_15 : memref<1x384x768xf32, #tpu.memory_space<any>> -> memref<384x768xf32, #tpu.memory_space<any>>
        tpu.enqueue_dma source(%dma_start3A_16 : memref<384x768xf32, #tpu.memory_space<any>>) target(%arg9 : memref<384x768xf32, #tpu.memory_space<vmem>>) target_semaphore(%arg12 : memref<!tpu.dma_semaphore, #tpu.memory_space<semaphore_mem>>)
        %dma_start3A_17 = arith.constant 0 : i32
        %dma_start3A_18 = arith.constant 0 : i32
        %dma_start3A_19 = tpu.memref_slice %arg4[%scan3A_4, %dma_start3A_17, %dma_start3A_18] : memref<64x384x768xf32, #tpu.memory_space<any>> -> memref<1x384x768xf32, #tpu.memory_space<any>>
        %dma_start3A_20 = tpu.memref_squeeze %dma_start3A_19 : memref<1x384x768xf32, #tpu.memory_space<any>> -> memref<384x768xf32, #tpu.memory_space<any>>
        tpu.enqueue_dma source(%dma_start3A_20 : memref<384x768xf32, #tpu.memory_space<any>>) target(%arg10 : memref<384x768xf32, #tpu.memory_space<vmem>>) target_semaphore(%arg13 : memref<!tpu.dma_semaphore, #tpu.memory_space<semaphore_mem>>)
        %dma_wait3A = arith.constant 0 : i32
        %dma_wait3A_21 = arith.constant 0 : i32
        %dma_wait3A_22 = tpu.memref_slice %arg3[%scan3A_4, %dma_wait3A, %dma_wait3A_21] : memref<64x384x768xf32, #tpu.memory_space<any>> -> memref<1x384x768xf32, #tpu.memory_space<any>>
        %dma_wait3A_23 = tpu.memref_squeeze %dma_wait3A_22 : memref<1x384x768xf32, #tpu.memory_space<any>> -> memref<384x768xf32, #tpu.memory_space<any>>
        tpu.wait_dma2 semaphore(%arg12 : memref<!tpu.dma_semaphore, #tpu.memory_space<semaphore_mem>>) src(%dma_wait3A_23 : memref<384x768xf32, #tpu.memory_space<any>>) dst(%arg9 : memref<384x768xf32, #tpu.memory_space<vmem>>)
        %dma_start3A_24 = arith.constant 0 : i32
        %dma_start3A_25 = arith.constant 0 : i32
        %dma_start3A_26 = tpu.memref_slice %arg5[%scan3A_4, %dma_start3A_24, %dma_start3A_25] : memref<64x768x384xf32, #tpu.memory_space<any>> -> memref<1x768x384xf32, #tpu.memory_space<any>>
        %dma_start3A_27 = tpu.memref_squeeze %dma_start3A_26 : memref<1x768x384xf32, #tpu.memory_space<any>> -> memref<768x384xf32, #tpu.memory_space<any>>
        tpu.enqueue_dma source(%dma_start3A_27 : memref<768x384xf32, #tpu.memory_space<any>>) target(%arg11 : memref<768x384xf32, #tpu.memory_space<vmem>>) target_semaphore(%arg12 : memref<!tpu.dma_semaphore, #tpu.memory_space<semaphore_mem>>)
        %dma_wait3A_28 = arith.constant 0 : i32
        %dma_wait3A_29 = arith.constant 0 : i32
        %dma_wait3A_30 = tpu.memref_slice %arg4[%scan3A_4, %dma_wait3A_28, %dma_wait3A_29] : memref<64x384x768xf32, #tpu.memory_space<any>> -> memref<1x384x768xf32, #tpu.memory_space<any>>
        %dma_wait3A_31 = tpu.memref_squeeze %dma_wait3A_30 : memref<1x384x768xf32, #tpu.memory_space<any>> -> memref<384x768xf32, #tpu.memory_space<any>>
        tpu.wait_dma2 semaphore(%arg13 : memref<!tpu.dma_semaphore, #tpu.memory_space<semaphore_mem>>) src(%dma_wait3A_31 : memref<384x768xf32, #tpu.memory_space<any>>) dst(%arg10 : memref<384x768xf32, #tpu.memory_space<vmem>>)
        %dma_wait3A_32 = arith.constant 0 : i32
        %dma_wait3A_33 = arith.constant 0 : i32
        %dma_wait3A_34 = tpu.memref_slice %arg5[%scan3A_4, %dma_wait3A_32, %dma_wait3A_33] : memref<64x768x384xf32, #tpu.memory_space<any>> -> memref<1x768x384xf32, #tpu.memory_space<any>>
        %dma_wait3A_35 = tpu.memref_squeeze %dma_wait3A_34 : memref<1x768x384xf32, #tpu.memory_space<any>> -> memref<768x384xf32, #tpu.memory_space<any>>
        tpu.wait_dma2 semaphore(%arg12 : memref<!tpu.dma_semaphore, #tpu.memory_space<semaphore_mem>>) src(%dma_wait3A_35 : memref<768x384xf32, #tpu.memory_space<any>>) dst(%arg11 : memref<768x384xf32, #tpu.memory_space<vmem>>)
        %while3A = arith.constant 0 : i32
        %while3A_36 = arith.constant 0 : i32
        %while3A_37 = arith.subi %div3A_11, %while3A_36 : i32
        %while3A_38 = arith.addi %while3A_36, %while3A_37 : i32
        %while3A_39 = arith.constant 1 : i32
        %while3A_40 = arith.divsi %while3A_37, %while3A_39 : i32
        %while3A_41 = arith.muli %while3A_40, %while3A_39 : i32
        %while3A_42 = arith.addi %while3A_36, %while3A_41 : i32
        %while3A_43 = arith.constant 1 : i32
        scf.for %while3A_45 = %while3A_36 to %while3A_42 step %while3A_43  : i32 {
          %mul3A = arith.constant 64 : i32
          %mul3A_46 = arith.muli %while3A_45, %mul3A : i32
          %add3A_47 = arith.addi %get3A_6, %mul3A_46 : i32
          %multiple_of3A = tpu.assume_multiple %add3A_47, 8 : i32
          %dma_start3A_48 = arith.constant 0 : i32
          %dma_start3A_49 = tpu.memref_slice %arg2[%multiple_of3A, %dma_start3A_48] : memref<12672x768xf32, #tpu.memory_space<any>> -> memref<64x768xf32, #tpu.memory_space<any>>
          tpu.enqueue_dma source(%dma_start3A_49 : memref<64x768xf32, #tpu.memory_space<any>>) target(%arg7 : memref<64x768xf32, #tpu.memory_space<vmem>>) target_semaphore(%arg13 : memref<!tpu.dma_semaphore, #tpu.memory_space<semaphore_mem>>)
          %dma_wait3A_50 = arith.constant 0 : i32
          %dma_wait3A_51 = tpu.memref_slice %arg2[%multiple_of3A, %dma_wait3A_50] : memref<12672x768xf32, #tpu.memory_space<any>> -> memref<64x768xf32, #tpu.memory_space<any>>
          tpu.wait_dma2 semaphore(%arg13 : memref<!tpu.dma_semaphore, #tpu.memory_space<semaphore_mem>>) src(%dma_wait3A_51 : memref<64x768xf32, #tpu.memory_space<any>>) dst(%arg7 : memref<64x768xf32, #tpu.memory_space<vmem>>)
          %get3A_52 = arith.constant 0 : index
          %get3A_53 = arith.constant 0 : index
          %get3A_54 = vector.load %arg7[%get3A_52, %get3A_53] : memref<64x768xf32, #tpu.memory_space<vmem>>, vector<64x768xf32>
          %convert_element_type3A_55 = arith.truncf %get3A_54 : vector<64x768xf32> to vector<64x768xbf16>
          %get3A_56 = arith.constant 0 : index
          %get3A_57 = arith.constant 0 : index
          %get3A_58 = vector.load %arg9[%get3A_56, %get3A_57] : memref<384x768xf32, #tpu.memory_space<vmem>>, vector<384x768xf32>
          %convert_element_type3A_59 = arith.truncf %get3A_58 : vector<384x768xf32> to vector<384x768xbf16>
          %dot_general3A = arith.constant dense<0.000000e+00> : vector<64x384xf32>
          %dot_general3A_60 = tpu.matmul %convert_element_type3A_55, %convert_element_type3A_59, %dot_general3A {dimension_numbers = #tpu.dot_dimension_numbers<[1], [1], [0], [0], [0, 0, 1, 0], [], []>, transpose_lhs_hint = false} : vector<64x768xbf16>, vector<384x768xbf16>, vector<64x384xf32> -> vector<64x384xf32>
          %get3A_61 = arith.constant 0 : index
          %get3A_62 = arith.constant 0 : index
          %get3A_63 = vector.load %arg10[%get3A_61, %get3A_62] : memref<384x768xf32, #tpu.memory_space<vmem>>, vector<384x768xf32>
          %convert_element_type3A_64 = arith.truncf %get3A_63 : vector<384x768xf32> to vector<384x768xbf16>
          %dot_general3A_65 = arith.constant dense<0.000000e+00> : vector<64x384xf32>
          %dot_general3A_66 = tpu.matmul %convert_element_type3A_55, %convert_element_type3A_64, %dot_general3A_65 {dimension_numbers = #tpu.dot_dimension_numbers<[1], [1], [0], [0], [0, 0, 1, 0], [], []>, transpose_lhs_hint = false} : vector<64x768xbf16>, vector<384x768xbf16>, vector<64x384xf32> -> vector<64x384xf32>
          %neg3A = arith.constant 0.000000e+00 : f32
          %neg3A_67 = vector.broadcast %neg3A : f32 to vector<64x384xf32>
          %neg3A_68 = arith.subf %neg3A_67, %dot_general3A_60 : vector<64x384xf32>
          %exp3A = math.exp %neg3A_68 : vector<64x384xf32>
          %add3A_69 = arith.constant 1.000000e+00 : f32
          %add3A_70 = vector.broadcast %add3A_69 : f32 to vector<64x384xf32>
          %add3A_71 = arith.addf %add3A_70, %exp3A : vector<64x384xf32>
          %div3A_72 = arith.divf %dot_general3A_60, %add3A_71 : vector<64x384xf32>
          %mul3A_73 = arith.mulf %div3A_72, %dot_general3A_66 : vector<64x384xf32>
          %convert_element_type3A_74 = arith.truncf %mul3A_73 : vector<64x384xf32> to vector<64x384xbf16>
          %get3A_75 = arith.constant 0 : index
          %get3A_76 = arith.constant 0 : index
          %get3A_77 = vector.load %arg11[%get3A_75, %get3A_76] : memref<768x384xf32, #tpu.memory_space<vmem>>, vector<768x384xf32>
          %convert_element_type3A_78 = arith.truncf %get3A_77 : vector<768x384xf32> to vector<768x384xbf16>
          %dot_general3A_79 = arith.constant dense<0.000000e+00> : vector<64x768xf32>
          %dot_general3A_80 = tpu.matmul %convert_element_type3A_74, %convert_element_type3A_78, %dot_general3A_79 {dimension_numbers = #tpu.dot_dimension_numbers<[1], [1], [0], [0], [0, 0, 1, 0], [], []>, transpose_lhs_hint = false} : vector<64x384xbf16>, vector<768x384xbf16>, vector<64x768xf32> -> vector<64x768xf32>
          %swap3A = arith.constant 0 : index
          %swap3A_81 = arith.constant 0 : index
          %swap3A_82 = vector.load %arg8[%swap3A, %swap3A_81] : memref<64x768xf32, #tpu.memory_space<vmem>>, vector<64x768xf32>
          tpu.vector_store %arg8[%swap3A, %swap3A_81], %dot_general3A_80 {strides = array<i32>} : memref<64x768xf32, #tpu.memory_space<vmem>>, vector<64x768xf32>,
          %dma_start3A_83 = arith.constant 0 : i32
          %dma_start3A_84 = tpu.memref_slice %arg6[%multiple_of3A, %dma_start3A_83] : memref<12672x768xf32, #tpu.memory_space<any>> -> memref<64x768xf32, #tpu.memory_space<any>>
          tpu.enqueue_dma source(%arg8 : memref<64x768xf32, #tpu.memory_space<vmem>>) target(%dma_start3A_84 : memref<64x768xf32, #tpu.memory_space<any>>) target_semaphore(%arg12 : memref<!tpu.dma_semaphore, #tpu.memory_space<semaphore_mem>>)
          %dma_wait3A_85 = arith.constant 0 : i32
          %dma_wait3A_86 = tpu.memref_slice %arg6[%multiple_of3A, %dma_wait3A_85] : memref<12672x768xf32, #tpu.memory_space<any>> -> memref<64x768xf32, #tpu.memory_space<any>>
          tpu.wait_dma2 semaphore(%arg12 : memref<!tpu.dma_semaphore, #tpu.memory_space<semaphore_mem>>) src(%arg8 : memref<64x768xf32, #tpu.memory_space<vmem>>) dst(%dma_wait3A_86 : memref<64x768xf32, #tpu.memory_space<any>>)
        }
        %while3A_44 = arith.constant 1 : i32
        scf.for %while3A_45 = %while3A_42 to %while3A_38 step %while3A_44  : i32 {
          %mul3A = arith.constant 64 : i32
          %mul3A_46 = arith.muli %while3A_45, %mul3A : i32
          %add3A_47 = arith.addi %get3A_6, %mul3A_46 : i32
          %multiple_of3A = tpu.assume_multiple %add3A_47, 8 : i32
          %dma_start3A_48 = arith.constant 0 : i32
          %dma_start3A_49 = tpu.memref_slice %arg2[%multiple_of3A, %dma_start3A_48] : memref<12672x768xf32, #tpu.memory_space<any>> -> memref<64x768xf32, #tpu.memory_space<any>>
          tpu.enqueue_dma source(%dma_start3A_49 : memref<64x768xf32, #tpu.memory_space<any>>) target(%arg7 : memref<64x768xf32, #tpu.memory_space<vmem>>) target_semaphore(%arg13 : memref<!tpu.dma_semaphore, #tpu.memory_space<semaphore_mem>>)
          %dma_wait3A_50 = arith.constant 0 : i32
          %dma_wait3A_51 = tpu.memref_slice %arg2[%multiple_of3A, %dma_wait3A_50] : memref<12672x768xf32, #tpu.memory_space<any>> -> memref<64x768xf32, #tpu.memory_space<any>>
          tpu.wait_dma2 semaphore(%arg13 : memref<!tpu.dma_semaphore, #tpu.memory_space<semaphore_mem>>) src(%dma_wait3A_51 : memref<64x768xf32, #tpu.memory_space<any>>) dst(%arg7 : memref<64x768xf32, #tpu.memory_space<vmem>>)
          %get3A_52 = arith.constant 0 : index
          %get3A_53 = arith.constant 0 : index
          %get3A_54 = vector.load %arg7[%get3A_52, %get3A_53] : memref<64x768xf32, #tpu.memory_space<vmem>>, vector<64x768xf32>
          %convert_element_type3A_55 = arith.truncf %get3A_54 : vector<64x768xf32> to vector<64x768xbf16>
          %get3A_56 = arith.constant 0 : index
          %get3A_57 = arith.constant 0 : index
          %get3A_58 = vector.load %arg9[%get3A_56, %get3A_57] : memref<384x768xf32, #tpu.memory_space<vmem>>, vector<384x768xf32>
          %convert_element_type3A_59 = arith.truncf %get3A_58 : vector<384x768xf32> to vector<384x768xbf16>
          %dot_general3A = arith.constant dense<0.000000e+00> : vector<64x384xf32>
          %dot_general3A_60 = tpu.matmul %convert_element_type3A_55, %convert_element_type3A_59, %dot_general3A {dimension_numbers = #tpu.dot_dimension_numbers<[1], [1], [0], [0], [0, 0, 1, 0], [], []>, transpose_lhs_hint = false} : vector<64x768xbf16>, vector<384x768xbf16>, vector<64x384xf32> -> vector<64x384xf32>
          %get3A_61 = arith.constant 0 : index
          %get3A_62 = arith.constant 0 : index
          %get3A_63 = vector.load %arg10[%get3A_61, %get3A_62] : memref<384x768xf32, #tpu.memory_space<vmem>>, vector<384x768xf32>
          %convert_element_type3A_64 = arith.truncf %get3A_63 : vector<384x768xf32> to vector<384x768xbf16>
          %dot_general3A_65 = arith.constant dense<0.000000e+00> : vector<64x384xf32>
          %dot_general3A_66 = tpu.matmul %convert_element_type3A_55, %convert_element_type3A_64, %dot_general3A_65 {dimension_numbers = #tpu.dot_dimension_numbers<[1], [1], [0], [0], [0, 0, 1, 0], [], []>, transpose_lhs_hint = false} : vector<64x768xbf16>, vector<384x768xbf16>, vector<64x384xf32> -> vector<64x384xf32>
          %neg3A = arith.constant 0.000000e+00 : f32
          %neg3A_67 = vector.broadcast %neg3A : f32 to vector<64x384xf32>
          %neg3A_68 = arith.subf %neg3A_67, %dot_general3A_60 : vector<64x384xf32>
          %exp3A = math.exp %neg3A_68 : vector<64x384xf32>
          %add3A_69 = arith.constant 1.000000e+00 : f32
          %add3A_70 = vector.broadcast %add3A_69 : f32 to vector<64x384xf32>
          %add3A_71 = arith.addf %add3A_70, %exp3A : vector<64x384xf32>
          %div3A_72 = arith.divf %dot_general3A_60, %add3A_71 : vector<64x384xf32>
          %mul3A_73 = arith.mulf %div3A_72, %dot_general3A_66 : vector<64x384xf32>
          %convert_element_type3A_74 = arith.truncf %mul3A_73 : vector<64x384xf32> to vector<64x384xbf16>
          %get3A_75 = arith.constant 0 : index
          %get3A_76 = arith.constant 0 : index
          %get3A_77 = vector.load %arg11[%get3A_75, %get3A_76] : memref<768x384xf32, #tpu.memory_space<vmem>>, vector<768x384xf32>
          %convert_element_type3A_78 = arith.truncf %get3A_77 : vector<768x384xf32> to vector<768x384xbf16>
          %dot_general3A_79 = arith.constant dense<0.000000e+00> : vector<64x768xf32>
          %dot_general3A_80 = tpu.matmul %convert_element_type3A_74, %convert_element_type3A_78, %dot_general3A_79 {dimension_numbers = #tpu.dot_dimension_numbers<[1], [1], [0], [0], [0, 0, 1, 0], [], []>, transpose_lhs_hint = false} : vector<64x384xbf16>, vector<768x384xbf16>, vector<64x768xf32> -> vector<64x768xf32>
          %swap3A = arith.constant 0 : index
          %swap3A_81 = arith.constant 0 : index
          %swap3A_82 = vector.load %arg8[%swap3A, %swap3A_81] : memref<64x768xf32, #tpu.memory_space<vmem>>, vector<64x768xf32>
          tpu.vector_store %arg8[%swap3A, %swap3A_81], %dot_general3A_80 {strides = array<i32>} : memref<64x768xf32, #tpu.memory_space<vmem>>, vector<64x768xf32>,
          %dma_start3A_83 = arith.constant 0 : i32
          %dma_start3A_84 = tpu.memref_slice %arg6[%multiple_of3A, %dma_start3A_83] : memref<12672x768xf32, #tpu.memory_space<any>> -> memref<64x768xf32, #tpu.memory_space<any>>
          tpu.enqueue_dma source(%arg8 : memref<64x768xf32, #tpu.memory_space<vmem>>) target(%dma_start3A_84 : memref<64x768xf32, #tpu.memory_space<any>>) target_semaphore(%arg12 : memref<!tpu.dma_semaphore, #tpu.memory_space<semaphore_mem>>)
          %dma_wait3A_85 = arith.constant 0 : i32
          %dma_wait3A_86 = tpu.memref_slice %arg6[%multiple_of3A, %dma_wait3A_85] : memref<12672x768xf32, #tpu.memory_space<any>> -> memref<64x768xf32, #tpu.memory_space<any>>
          tpu.wait_dma2 semaphore(%arg12 : memref<!tpu.dma_semaphore, #tpu.memory_space<semaphore_mem>>) src(%arg8 : memref<64x768xf32, #tpu.memory_space<vmem>>) dst(%dma_wait3A_86 : memref<64x768xf32, #tpu.memory_space<any>>)
        }
      } else {
      }
    }
    %scan3A_3 = arith.constant 64 : i32
    return
  }
}

module attributes {stable_mosaic.version = 14 : i64} {
  func.func @_router_body(%arg0: memref<2048x768xf32, #tpu.memory_space<vmem>>, %arg1: memref<64x768xf32, #tpu.memory_space<vmem>>, %arg2: memref<2048x64xf32, #tpu.memory_space<vmem>>, %arg3: memref<1x2048xi32, #tpu.memory_space<vmem>>, %arg4: memref<1x2048xi32, #tpu.memory_space<vmem>>, %arg5: memref<2048x16xf32, #tpu.memory_space<vmem>>, %arg6: memref<2048x16xf32, #tpu.memory_space<vmem>>, %arg7: memref<2x64xi32, #tpu.memory_space<vmem>>) attributes {dimension_semantics = [], scalar_prefetch = 0 : i64, scratch_operands = 0 : i64, tpu.core_type = #tpu.core_type<tc>} {
    %get3A = arith.constant 0 : index
    %get3A_0 = arith.constant 0 : index
    %get3A_1 = vector.load %arg0[%get3A, %get3A_0] : memref<2048x768xf32, #tpu.memory_space<vmem>>, vector<2048x768xf32>
    %get3A_2 = arith.constant 0 : index
    %get3A_3 = arith.constant 0 : index
    %get3A_4 = vector.load %arg1[%get3A_2, %get3A_3] : memref<64x768xf32, #tpu.memory_space<vmem>>, vector<64x768xf32>
    %dot_general3A = arith.constant dense<0.000000e+00> : vector<2048x64xf32>
    %dot_general3A_5 = tpu.matmul %get3A_1, %get3A_4, %dot_general3A {dimension_numbers = #tpu.dot_dimension_numbers<[1], [1], [0], [0], [0, 0, 1, 0], [], []>, transpose_lhs_hint = false} : vector<2048x768xf32>, vector<64x768xf32>, vector<2048x64xf32> -> vector<2048x64xf32>
    %swap3A = arith.constant 0 : index
    %swap3A_6 = arith.constant 0 : index
    %swap3A_7 = vector.load %arg2[%swap3A, %swap3A_6] : memref<2048x64xf32, #tpu.memory_space<vmem>>, vector<2048x64xf32>
    tpu.vector_store %arg2[%swap3A, %swap3A_6], %dot_general3A_5 {strides = array<i32>} : memref<2048x64xf32, #tpu.memory_space<vmem>>, vector<2048x64xf32>,
    %reduce_max3A = arith.constant dense<0xFF800000> : vector<2048xf32>
    %reduce_max3A_8 = vector.multi_reduction <maximumf>, %dot_general3A_5, %reduce_max3A [1] : vector<2048x64xf32> to vector<2048xf32>
    %broadcast_in_dim3A = vector.shape_cast %reduce_max3A_8 : vector<2048xf32> to vector<2048x1xf32>
    %sub3A = vector.broadcast %broadcast_in_dim3A : vector<2048x1xf32> to vector<2048x64xf32>
    %sub3A_9 = arith.subf %dot_general3A_5, %sub3A : vector<2048x64xf32>
    %exp3A = math.exp %sub3A_9 : vector<2048x64xf32>
    %reduce_sum3A = arith.constant dense<0.000000e+00> : vector<2048xf32>
    %reduce_sum3A_10 = vector.multi_reduction <add>, %exp3A, %reduce_sum3A [1] : vector<2048x64xf32> to vector<2048xf32>
    %broadcast_in_dim3A_11 = vector.shape_cast %reduce_sum3A_10 : vector<2048xf32> to vector<2048x1xf32>
    %div3A = vector.broadcast %broadcast_in_dim3A_11 : vector<2048x1xf32> to vector<2048x64xf32>
    %div3A_12 = arith.divf %exp3A, %div3A : vector<2048x64xf32>
    %iota3A = tpu.iota {dimensions = array<i32: 1>} : vector<2048x64xi32>
    %convert_element_type3A = arith.sitofp %iota3A : vector<2048x64xi32> to vector<2048x64xf32>
    %reduce_max3A_13 = arith.constant dense<0xFF800000> : vector<2048xf32>
    %reduce_max3A_14 = vector.multi_reduction <maximumf>, %div3A_12, %reduce_max3A_13 [1] : vector<2048x64xf32> to vector<2048xf32>
    %broadcast_in_dim3A_15 = vector.shape_cast %reduce_max3A_14 : vector<2048xf32> to vector<2048x1xf32>
    %eq3A = vector.broadcast %broadcast_in_dim3A_15 : vector<2048x1xf32> to vector<2048x64xf32>
    %eq3A_16 = arith.cmpf oeq, %div3A_12, %eq3A : vector<2048x64xf32>
    %jit3A = arith.constant 6.400000e+01 : f32
    %broadcast_in_dim3A_17 = vector.broadcast %jit3A : f32 to vector<2048x64xf32>
    %select_n3A = arith.select %eq3A_16, %convert_element_type3A, %broadcast_in_dim3A_17 : vector<2048x64xi1>, vector<2048x64xf32>
    %reduce_min3A = arith.constant dense<0x7F800000> : vector<2048xf32>
    %reduce_min3A_18 = vector.multi_reduction <minimumf>, %select_n3A, %reduce_min3A [1] : vector<2048x64xf32> to vector<2048xf32>
    %broadcast_in_dim3A_19 = vector.shape_cast %reduce_min3A_18 : vector<2048xf32> to vector<2048x1xf32>
    %eq3A_20 = vector.broadcast %broadcast_in_dim3A_19 : vector<2048x1xf32> to vector<2048x64xf32>
    %eq3A_21 = arith.cmpf oeq, %convert_element_type3A, %eq3A_20 : vector<2048x64xf32>
    %jit3A_22 = arith.constant -1.000000e+00 : f32
    %broadcast_in_dim3A_23 = vector.broadcast %jit3A_22 : f32 to vector<2048x64xf32>
    %select_n3A_24 = arith.select %eq3A_21, %broadcast_in_dim3A_23, %div3A_12 : vector<2048x64xi1>, vector<2048x64xf32>
    %reduce_max3A_25 = arith.constant dense<0xFF800000> : vector<2048xf32>
    %reduce_max3A_26 = vector.multi_reduction <maximumf>, %select_n3A_24, %reduce_max3A_25 [1] : vector<2048x64xf32> to vector<2048xf32>
    %broadcast_in_dim3A_27 = vector.shape_cast %reduce_max3A_26 : vector<2048xf32> to vector<2048x1xf32>
    %eq3A_28 = vector.broadcast %broadcast_in_dim3A_27 : vector<2048x1xf32> to vector<2048x64xf32>
    %eq3A_29 = arith.cmpf oeq, %select_n3A_24, %eq3A_28 : vector<2048x64xf32>
    %jit3A_30 = arith.constant 6.400000e+01 : f32
    %broadcast_in_dim3A_31 = vector.broadcast %jit3A_30 : f32 to vector<2048x64xf32>
    %select_n3A_32 = arith.select %eq3A_29, %convert_element_type3A, %broadcast_in_dim3A_31 : vector<2048x64xi1>, vector<2048x64xf32>
    %reduce_min3A_33 = arith.constant dense<0x7F800000> : vector<2048xf32>
    %reduce_min3A_34 = vector.multi_reduction <minimumf>, %select_n3A_32, %reduce_min3A_33 [1] : vector<2048x64xf32> to vector<2048xf32>
    %broadcast_in_dim3A_35 = vector.shape_cast %reduce_min3A_34 : vector<2048xf32> to vector<2048x1xf32>
    %add3A = arith.addf %broadcast_in_dim3A_15, %broadcast_in_dim3A_27 : vector<2048x1xf32>
    %div3A_36 = arith.divf %broadcast_in_dim3A_15, %add3A : vector<2048x1xf32>
    %broadcast_in_dim3A_37 = vector.shape_cast %div3A_36 : vector<2048x1xf32> to vector<2048x1xf32>
    %broadcast_in_dim3A_38 = vector.broadcast %broadcast_in_dim3A_37 : vector<2048x1xf32> to vector<2048x16xf32>
    %swap3A_39 = arith.constant 0 : index
    %swap3A_40 = arith.constant 0 : index
    %swap3A_41 = vector.load %arg5[%swap3A_39, %swap3A_40] : memref<2048x16xf32, #tpu.memory_space<vmem>>, vector<2048x16xf32>
    tpu.vector_store %arg5[%swap3A_39, %swap3A_40], %broadcast_in_dim3A_38 {strides = array<i32>} : memref<2048x16xf32, #tpu.memory_space<vmem>>, vector<2048x16xf32>,
    %div3A_42 = arith.divf %broadcast_in_dim3A_27, %add3A : vector<2048x1xf32>
    %broadcast_in_dim3A_43 = vector.shape_cast %div3A_42 : vector<2048x1xf32> to vector<2048x1xf32>
    %broadcast_in_dim3A_44 = vector.broadcast %broadcast_in_dim3A_43 : vector<2048x1xf32> to vector<2048x16xf32>
    %swap3A_45 = arith.constant 0 : index
    %swap3A_46 = arith.constant 0 : index
    %swap3A_47 = vector.load %arg6[%swap3A_45, %swap3A_46] : memref<2048x16xf32, #tpu.memory_space<vmem>>, vector<2048x16xf32>
    tpu.vector_store %arg6[%swap3A_45, %swap3A_46], %broadcast_in_dim3A_44 {strides = array<i32>} : memref<2048x16xf32, #tpu.memory_space<vmem>>, vector<2048x16xf32>,
    %eq3A_48 = vector.broadcast %broadcast_in_dim3A_19 : vector<2048x1xf32> to vector<2048x64xf32>
    %eq3A_49 = arith.cmpf oeq, %convert_element_type3A, %eq3A_48 : vector<2048x64xf32>
    %convert_element_type3A_50 = arith.extui %eq3A_49 : vector<2048x64xi1> to vector<2048x64xi32>
    %convert_element_type3A_51 = arith.sitofp %convert_element_type3A_50 : vector<2048x64xi32> to vector<2048x64xf32>
    %eq3A_52 = vector.broadcast %broadcast_in_dim3A_35 : vector<2048x1xf32> to vector<2048x64xf32>
    %eq3A_53 = arith.cmpf oeq, %convert_element_type3A, %eq3A_52 : vector<2048x64xf32>
    %convert_element_type3A_54 = arith.extui %eq3A_53 : vector<2048x64xi1> to vector<2048x64xi32>
    %convert_element_type3A_55 = arith.sitofp %convert_element_type3A_54 : vector<2048x64xi32> to vector<2048x64xf32>
    %reduce_sum3A_56 = arith.constant dense<0.000000e+00> : vector<64xf32>
    %reduce_sum3A_57 = vector.multi_reduction <add>, %convert_element_type3A_51, %reduce_sum3A_56 [0] : vector<2048x64xf32> to vector<64xf32>
    %broadcast_in_dim3A_58 = vector.shape_cast %reduce_sum3A_57 : vector<64xf32> to vector<1x64xf32>
    %reduce_sum3A_59 = arith.constant dense<0.000000e+00> : vector<64xf32>
    %reduce_sum3A_60 = vector.multi_reduction <add>, %convert_element_type3A_55, %reduce_sum3A_59 [0] : vector<2048x64xf32> to vector<64xf32>
    %broadcast_in_dim3A_61 = vector.shape_cast %reduce_sum3A_60 : vector<64xf32> to vector<1x64xf32>
    %add3A_62 = arith.addf %broadcast_in_dim3A_58, %broadcast_in_dim3A_61 : vector<1x64xf32>
    %sub3A_63 = arith.constant 1.280000e+02 : f32
    %sub3A_64 = vector.broadcast %sub3A_63 : f32 to vector<1x64xf32>
    %sub3A_65 = arith.subf %add3A_62, %sub3A_64 : vector<1x64xf32>
    %max3A = arith.constant 0.000000e+00 : f32
    %max3A_66 = vector.broadcast %max3A : f32 to vector<1x64xf32>
    %max3A_67 = arith.maximumf %sub3A_65, %max3A_66 : vector<1x64xf32>
    %add3A_68 = arith.constant 7.000000e+00 : f32
    %add3A_69 = vector.broadcast %add3A_68 : f32 to vector<1x64xf32>
    %add3A_70 = arith.addf %max3A_67, %add3A_69 : vector<1x64xf32>
    %mul3A = arith.constant 1.250000e-01 : f32
    %mul3A_71 = vector.broadcast %mul3A : f32 to vector<1x64xf32>
    %mul3A_72 = arith.mulf %add3A_70, %mul3A_71 : vector<1x64xf32>
    %floor3A = math.floor %mul3A_72 : vector<1x64xf32>
    %mul3A_73 = arith.constant 8.000000e+00 : f32
    %mul3A_74 = vector.broadcast %mul3A_73 : f32 to vector<1x64xf32>
    %mul3A_75 = arith.mulf %floor3A, %mul3A_74 : vector<1x64xf32>
    %iota3A_76 = tpu.iota {dimensions = array<i32: 0>} : vector<64x64xi32>
    %iota3A_77 = tpu.iota {dimensions = array<i32: 1>} : vector<64x64xi32>
    %le3A = arith.cmpi sle, %iota3A_76, %iota3A_77 : vector<64x64xi32>
    %convert_element_type3A_78 = arith.extui %le3A : vector<64x64xi1> to vector<64x64xi32>
    %convert_element_type3A_79 = arith.sitofp %convert_element_type3A_78 : vector<64x64xi32> to vector<64x64xf32>
    %dot_general3A_80 = arith.constant dense<0.000000e+00> : vector<1x64xf32>
    %dot_general3A_81 = tpu.matmul %mul3A_75, %convert_element_type3A_79, %dot_general3A_80 {dimension_numbers = #tpu.dot_dimension_numbers<[1], [0], [0], [1], [0, 0, 1, 1], [], []>, transpose_lhs_hint = false} : vector<1x64xf32>, vector<64x64xf32>, vector<1x64xf32> -> vector<1x64xf32>
    %sub3A_82 = arith.subf %dot_general3A_81, %mul3A_75 : vector<1x64xf32>
    %add3A_83 = arith.constant 8.192000e+03 : f32
    %add3A_84 = vector.broadcast %add3A_83 : f32 to vector<1x64xf32>
    %add3A_85 = arith.addf %sub3A_82, %add3A_84 : vector<1x64xf32>
    %iota3A_86 = tpu.iota {dimensions = array<i32: 1>} : vector<1x64xi32>
    %convert_element_type3A_87 = arith.sitofp %iota3A_86 : vector<1x64xi32> to vector<1x64xf32>
    %mul3A_88 = arith.constant 1.280000e+02 : f32
    %mul3A_89 = vector.broadcast %mul3A_88 : f32 to vector<1x64xf32>
    %mul3A_90 = arith.mulf %convert_element_type3A_87, %mul3A_89 : vector<1x64xf32>
    %convert_element_type3A_91 = arith.fptosi %add3A_85 : vector<1x64xf32> to vector<1x64xi32>
    %swap3A_92 = arith.constant 0 : index
    %swap3A_93 = arith.constant 0 : index
    %swap3A_94 = vector.load %arg7[%swap3A_92, %swap3A_93] : memref<2x64xi32, #tpu.memory_space<vmem>>, vector<1x64xi32>
    tpu.vector_store %arg7[%swap3A_92, %swap3A_93], %convert_element_type3A_91 {strides = array<i32>} : memref<2x64xi32, #tpu.memory_space<vmem>>, vector<1x64xi32>,
    %add3A_95 = arith.addf %add3A_85, %max3A_67 : vector<1x64xf32>
    %convert_element_type3A_96 = arith.fptosi %add3A_95 : vector<1x64xf32> to vector<1x64xi32>
    %swap3A_97 = arith.constant 1 : index
    %swap3A_98 = arith.constant 0 : index
    %swap3A_99 = vector.load %arg7[%swap3A_97, %swap3A_98] : memref<2x64xi32, #tpu.memory_space<vmem>>, vector<1x64xi32>
    tpu.vector_store %arg7[%swap3A_97, %swap3A_98], %convert_element_type3A_96 {strides = array<i32>} : memref<2x64xi32, #tpu.memory_space<vmem>>, vector<1x64xi32>,
    %iota3A_100 = tpu.iota {dimensions = array<i32: 0>} : vector<128x128xi32>
    %iota3A_101 = tpu.iota {dimensions = array<i32: 1>} : vector<128x128xi32>
    %gt3A = arith.cmpi sgt, %iota3A_100, %iota3A_101 : vector<128x128xi32>
    %convert_element_type3A_102 = arith.extui %gt3A : vector<128x128xi1> to vector<128x128xi32>
    %convert_element_type3A_103 = arith.sitofp %convert_element_type3A_102 : vector<128x128xi32> to vector<128x128xf32>
    %broadcast_in_dim3A_104 = arith.constant 1.000000e+00 : f32
    %broadcast_in_dim3A_105 = vector.broadcast %broadcast_in_dim3A_104 : f32 to vector<1x64xf32>
    %broadcast_in_dim3A_106 = arith.constant 0.000000e+00 : f32
    %broadcast_in_dim3A_107 = vector.broadcast %broadcast_in_dim3A_106 : f32 to vector<1x64xf32>
    %slice3A = vector.extract_strided_slice %convert_element_type3A_51 {offsets = [0, 0], sizes = [128, 64], strides = [1, 1]} : vector<2048x64xf32> to vector<128x64xf32>
    %dot_general3A_108 = arith.constant dense<0.000000e+00> : vector<128x64xf32>
    %dot_general3A_109 = tpu.matmul %convert_element_type3A_103, %slice3A, %dot_general3A_108 {dimension_numbers = #tpu.dot_dimension_numbers<[1], [0], [0], [1], [0, 0, 1, 1], [], []>, transpose_lhs_hint = false} : vector<128x128xf32>, vector<128x64xf32>, vector<128x64xf32> -> vector<128x64xf32>
    %add3A_110 = vector.broadcast %broadcast_in_dim3A_107 : vector<1x64xf32> to vector<128x64xf32>
    %add3A_111 = arith.addf %dot_general3A_109, %add3A_110 : vector<128x64xf32>
    %lt3A = arith.constant 1.280000e+02 : f32
    %lt3A_112 = vector.broadcast %lt3A : f32 to vector<128x64xf32>
    %lt3A_113 = arith.cmpf olt, %add3A_111, %lt3A_112 : vector<128x64xf32>
    %add3A_114 = vector.broadcast %mul3A_90 : vector<1x64xf32> to vector<128x64xf32>
    %add3A_115 = arith.addf %add3A_111, %add3A_114 : vector<128x64xf32>
    %sub3A_116 = arith.constant 1.280000e+02 : f32
    %sub3A_117 = vector.broadcast %sub3A_116 : f32 to vector<128x64xf32>
    %sub3A_118 = arith.subf %add3A_111, %sub3A_117 : vector<128x64xf32>
    %add3A_119 = vector.broadcast %add3A_85 : vector<1x64xf32> to vector<128x64xf32>
    %add3A_120 = arith.addf %sub3A_118, %add3A_119 : vector<128x64xf32>
    %select_n3A_121 = arith.select %lt3A_113, %add3A_115, %add3A_120 : vector<128x64xi1>, vector<128x64xf32>
    %mul3A_122 = arith.mulf %slice3A, %select_n3A_121 : vector<128x64xf32>
    %dot_general3A_123 = arith.constant dense<0.000000e+00> : vector<1x128xf32>
    %dot_general3A_124 = tpu.matmul %broadcast_in_dim3A_105, %mul3A_122, %dot_general3A_123 {dimension_numbers = #tpu.dot_dimension_numbers<[1], [1], [0], [0], [0, 0, 1, 0], [], []>, transpose_lhs_hint = false} : vector<1x64xf32>, vector<128x64xf32>, vector<1x128xf32> -> vector<1x128xf32>
    %convert_element_type3A_125 = arith.fptosi %dot_general3A_124 : vector<1x128xf32> to vector<1x128xi32>
    %swap3A_126 = arith.constant 0 : index
    %swap3A_127 = arith.constant 0 : index
    %swap3A_128 = vector.load %arg3[%swap3A_126, %swap3A_127] : memref<1x2048xi32, #tpu.memory_space<vmem>>, vector<1x128xi32>
    tpu.vector_store %arg3[%swap3A_126, %swap3A_127], %convert_element_type3A_125 {strides = array<i32>} : memref<1x2048xi32, #tpu.memory_space<vmem>>, vector<1x128xi32>,
    %reduce_sum3A_129 = arith.constant dense<0.000000e+00> : vector<64xf32>
    %reduce_sum3A_130 = vector.multi_reduction <add>, %slice3A, %reduce_sum3A_129 [0] : vector<128x64xf32> to vector<64xf32>
    %broadcast_in_dim3A_131 = vector.shape_cast %reduce_sum3A_130 : vector<64xf32> to vector<1x64xf32>
    %add3A_132 = arith.addf %broadcast_in_dim3A_107, %broadcast_in_dim3A_131 : vector<1x64xf32>
    %slice3A_133 = vector.extract_strided_slice %convert_element_type3A_51 {offsets = [128, 0], sizes = [128, 64], strides = [1, 1]} : vector<2048x64xf32> to vector<128x64xf32>
    %dot_general3A_134 = arith.constant dense<0.000000e+00> : vector<128x64xf32>
    %dot_general3A_135 = tpu.matmul %convert_element_type3A_103, %slice3A_133, %dot_general3A_134 {dimension_numbers = #tpu.dot_dimension_numbers<[1], [0], [0], [1], [0, 0, 1, 1], [], []>, transpose_lhs_hint = false} : vector<128x128xf32>, vector<128x64xf32>, vector<128x64xf32> -> vector<128x64xf32>
    %add3A_136 = vector.broadcast %add3A_132 : vector<1x64xf32> to vector<128x64xf32>
    %add3A_137 = arith.addf %dot_general3A_135, %add3A_136 : vector<128x64xf32>
    %lt3A_138 = arith.constant 1.280000e+02 : f32
    %lt3A_139 = vector.broadcast %lt3A_138 : f32 to vector<128x64xf32>
    %lt3A_140 = arith.cmpf olt, %add3A_137, %lt3A_139 : vector<128x64xf32>
    %add3A_141 = vector.broadcast %mul3A_90 : vector<1x64xf32> to vector<128x64xf32>
    %add3A_142 = arith.addf %add3A_137, %add3A_141 : vector<128x64xf32>
    %sub3A_143 = arith.constant 1.280000e+02 : f32
    %sub3A_144 = vector.broadcast %sub3A_143 : f32 to vector<128x64xf32>
    %sub3A_145 = arith.subf %add3A_137, %sub3A_144 : vector<128x64xf32>
    %add3A_146 = vector.broadcast %add3A_85 : vector<1x64xf32> to vector<128x64xf32>
    %add3A_147 = arith.addf %sub3A_145, %add3A_146 : vector<128x64xf32>
    %select_n3A_148 = arith.select %lt3A_140, %add3A_142, %add3A_147 : vector<128x64xi1>, vector<128x64xf32>
    %mul3A_149 = arith.mulf %slice3A_133, %select_n3A_148 : vector<128x64xf32>
    %dot_general3A_150 = arith.constant dense<0.000000e+00> : vector<1x128xf32>
    %dot_general3A_151 = tpu.matmul %broadcast_in_dim3A_105, %mul3A_149, %dot_general3A_150 {dimension_numbers = #tpu.dot_dimension_numbers<[1], [1], [0], [0], [0, 0, 1, 0], [], []>, transpose_lhs_hint = false} : vector<1x64xf32>, vector<128x64xf32>, vector<1x128xf32> -> vector<1x128xf32>
    %convert_element_type3A_152 = arith.fptosi %dot_general3A_151 : vector<1x128xf32> to vector<1x128xi32>
    %swap3A_153 = arith.constant 0 : index
    %swap3A_154 = arith.constant 128 : index
    %swap3A_155 = vector.load %arg3[%swap3A_153, %swap3A_154] : memref<1x2048xi32, #tpu.memory_space<vmem>>, vector<1x128xi32>
    tpu.vector_store %arg3[%swap3A_153, %swap3A_154], %convert_element_type3A_152 {strides = array<i32>} : memref<1x2048xi32, #tpu.memory_space<vmem>>, vector<1x128xi32>,
    %reduce_sum3A_156 = arith.constant dense<0.000000e+00> : vector<64xf32>
    %reduce_sum3A_157 = vector.multi_reduction <add>, %slice3A_133, %reduce_sum3A_156 [0] : vector<128x64xf32> to vector<64xf32>
    %broadcast_in_dim3A_158 = vector.shape_cast %reduce_sum3A_157 : vector<64xf32> to vector<1x64xf32>
    %add3A_159 = arith.addf %add3A_132, %broadcast_in_dim3A_158 : vector<1x64xf32>
    %slice3A_160 = vector.extract_strided_slice %convert_element_type3A_51 {offsets = [256, 0], sizes = [128, 64], strides = [1, 1]} : vector<2048x64xf32> to vector<128x64xf32>
    %dot_general3A_161 = arith.constant dense<0.000000e+00> : vector<128x64xf32>
    %dot_general3A_162 = tpu.matmul %convert_element_type3A_103, %slice3A_160, %dot_general3A_161 {dimension_numbers = #tpu.dot_dimension_numbers<[1], [0], [0], [1], [0, 0, 1, 1], [], []>, transpose_lhs_hint = false} : vector<128x128xf32>, vector<128x64xf32>, vector<128x64xf32> -> vector<128x64xf32>
    %add3A_163 = vector.broadcast %add3A_159 : vector<1x64xf32> to vector<128x64xf32>
    %add3A_164 = arith.addf %dot_general3A_162, %add3A_163 : vector<128x64xf32>
    %lt3A_165 = arith.constant 1.280000e+02 : f32
    %lt3A_166 = vector.broadcast %lt3A_165 : f32 to vector<128x64xf32>
    %lt3A_167 = arith.cmpf olt, %add3A_164, %lt3A_166 : vector<128x64xf32>
    %add3A_168 = vector.broadcast %mul3A_90 : vector<1x64xf32> to vector<128x64xf32>
    %add3A_169 = arith.addf %add3A_164, %add3A_168 : vector<128x64xf32>
    %sub3A_170 = arith.constant 1.280000e+02 : f32
    %sub3A_171 = vector.broadcast %sub3A_170 : f32 to vector<128x64xf32>
    %sub3A_172 = arith.subf %add3A_164, %sub3A_171 : vector<128x64xf32>
    %add3A_173 = vector.broadcast %add3A_85 : vector<1x64xf32> to vector<128x64xf32>
    %add3A_174 = arith.addf %sub3A_172, %add3A_173 : vector<128x64xf32>
    %select_n3A_175 = arith.select %lt3A_167, %add3A_169, %add3A_174 : vector<128x64xi1>, vector<128x64xf32>
    %mul3A_176 = arith.mulf %slice3A_160, %select_n3A_175 : vector<128x64xf32>
    %dot_general3A_177 = arith.constant dense<0.000000e+00> : vector<1x128xf32>
    %dot_general3A_178 = tpu.matmul %broadcast_in_dim3A_105, %mul3A_176, %dot_general3A_177 {dimension_numbers = #tpu.dot_dimension_numbers<[1], [1], [0], [0], [0, 0, 1, 0], [], []>, transpose_lhs_hint = false} : vector<1x64xf32>, vector<128x64xf32>, vector<1x128xf32> -> vector<1x128xf32>
    %convert_element_type3A_179 = arith.fptosi %dot_general3A_178 : vector<1x128xf32> to vector<1x128xi32>
    %swap3A_180 = arith.constant 0 : index
    %swap3A_181 = arith.constant 256 : index
    %swap3A_182 = vector.load %arg3[%swap3A_180, %swap3A_181] : memref<1x2048xi32, #tpu.memory_space<vmem>>, vector<1x128xi32>
    tpu.vector_store %arg3[%swap3A_180, %swap3A_181], %convert_element_type3A_179 {strides = array<i32>} : memref<1x2048xi32, #tpu.memory_space<vmem>>, vector<1x128xi32>,
    %reduce_sum3A_183 = arith.constant dense<0.000000e+00> : vector<64xf32>
    %reduce_sum3A_184 = vector.multi_reduction <add>, %slice3A_160, %reduce_sum3A_183 [0] : vector<128x64xf32> to vector<64xf32>
    %broadcast_in_dim3A_185 = vector.shape_cast %reduce_sum3A_184 : vector<64xf32> to vector<1x64xf32>
    %add3A_186 = arith.addf %add3A_159, %broadcast_in_dim3A_185 : vector<1x64xf32>
    %slice3A_187 = vector.extract_strided_slice %convert_element_type3A_51 {offsets = [384, 0], sizes = [128, 64], strides = [1, 1]} : vector<2048x64xf32> to vector<128x64xf32>
    %dot_general3A_188 = arith.constant dense<0.000000e+00> : vector<128x64xf32>
    %dot_general3A_189 = tpu.matmul %convert_element_type3A_103, %slice3A_187, %dot_general3A_188 {dimension_numbers = #tpu.dot_dimension_numbers<[1], [0], [0], [1], [0, 0, 1, 1], [], []>, transpose_lhs_hint = false} : vector<128x128xf32>, vector<128x64xf32>, vector<128x64xf32> -> vector<128x64xf32>
    %add3A_190 = vector.broadcast %add3A_186 : vector<1x64xf32> to vector<128x64xf32>
    %add3A_191 = arith.addf %dot_general3A_189, %add3A_190 : vector<128x64xf32>
    %lt3A_192 = arith.constant 1.280000e+02 : f32
    %lt3A_193 = vector.broadcast %lt3A_192 : f32 to vector<128x64xf32>
    %lt3A_194 = arith.cmpf olt, %add3A_191, %lt3A_193 : vector<128x64xf32>
    %add3A_195 = vector.broadcast %mul3A_90 : vector<1x64xf32> to vector<128x64xf32>
    %add3A_196 = arith.addf %add3A_191, %add3A_195 : vector<128x64xf32>
    %sub3A_197 = arith.constant 1.280000e+02 : f32
    %sub3A_198 = vector.broadcast %sub3A_197 : f32 to vector<128x64xf32>
    %sub3A_199 = arith.subf %add3A_191, %sub3A_198 : vector<128x64xf32>
    %add3A_200 = vector.broadcast %add3A_85 : vector<1x64xf32> to vector<128x64xf32>
    %add3A_201 = arith.addf %sub3A_199, %add3A_200 : vector<128x64xf32>
    %select_n3A_202 = arith.select %lt3A_194, %add3A_196, %add3A_201 : vector<128x64xi1>, vector<128x64xf32>
    %mul3A_203 = arith.mulf %slice3A_187, %select_n3A_202 : vector<128x64xf32>
    %dot_general3A_204 = arith.constant dense<0.000000e+00> : vector<1x128xf32>
    %dot_general3A_205 = tpu.matmul %broadcast_in_dim3A_105, %mul3A_203, %dot_general3A_204 {dimension_numbers = #tpu.dot_dimension_numbers<[1], [1], [0], [0], [0, 0, 1, 0], [], []>, transpose_lhs_hint = false} : vector<1x64xf32>, vector<128x64xf32>, vector<1x128xf32> -> vector<1x128xf32>
    %convert_element_type3A_206 = arith.fptosi %dot_general3A_205 : vector<1x128xf32> to vector<1x128xi32>
    %swap3A_207 = arith.constant 0 : index
    %swap3A_208 = arith.constant 384 : index
    %swap3A_209 = vector.load %arg3[%swap3A_207, %swap3A_208] : memref<1x2048xi32, #tpu.memory_space<vmem>>, vector<1x128xi32>
    tpu.vector_store %arg3[%swap3A_207, %swap3A_208], %convert_element_type3A_206 {strides = array<i32>} : memref<1x2048xi32, #tpu.memory_space<vmem>>, vector<1x128xi32>,
    %reduce_sum3A_210 = arith.constant dense<0.000000e+00> : vector<64xf32>
    %reduce_sum3A_211 = vector.multi_reduction <add>, %slice3A_187, %reduce_sum3A_210 [0] : vector<128x64xf32> to vector<64xf32>
    %broadcast_in_dim3A_212 = vector.shape_cast %reduce_sum3A_211 : vector<64xf32> to vector<1x64xf32>
    %add3A_213 = arith.addf %add3A_186, %broadcast_in_dim3A_212 : vector<1x64xf32>
    %slice3A_214 = vector.extract_strided_slice %convert_element_type3A_51 {offsets = [512, 0], sizes = [128, 64], strides = [1, 1]} : vector<2048x64xf32> to vector<128x64xf32>
    %dot_general3A_215 = arith.constant dense<0.000000e+00> : vector<128x64xf32>
    %dot_general3A_216 = tpu.matmul %convert_element_type3A_103, %slice3A_214, %dot_general3A_215 {dimension_numbers = #tpu.dot_dimension_numbers<[1], [0], [0], [1], [0, 0, 1, 1], [], []>, transpose_lhs_hint = false} : vector<128x128xf32>, vector<128x64xf32>, vector<128x64xf32> -> vector<128x64xf32>
    %add3A_217 = vector.broadcast %add3A_213 : vector<1x64xf32> to vector<128x64xf32>
    %add3A_218 = arith.addf %dot_general3A_216, %add3A_217 : vector<128x64xf32>
    %lt3A_219 = arith.constant 1.280000e+02 : f32
    %lt3A_220 = vector.broadcast %lt3A_219 : f32 to vector<128x64xf32>
    %lt3A_221 = arith.cmpf olt, %add3A_218, %lt3A_220 : vector<128x64xf32>
    %add3A_222 = vector.broadcast %mul3A_90 : vector<1x64xf32> to vector<128x64xf32>
    %add3A_223 = arith.addf %add3A_218, %add3A_222 : vector<128x64xf32>
    %sub3A_224 = arith.constant 1.280000e+02 : f32
    %sub3A_225 = vector.broadcast %sub3A_224 : f32 to vector<128x64xf32>
    %sub3A_226 = arith.subf %add3A_218, %sub3A_225 : vector<128x64xf32>
    %add3A_227 = vector.broadcast %add3A_85 : vector<1x64xf32> to vector<128x64xf32>
    %add3A_228 = arith.addf %sub3A_226, %add3A_227 : vector<128x64xf32>
    %select_n3A_229 = arith.select %lt3A_221, %add3A_223, %add3A_228 : vector<128x64xi1>, vector<128x64xf32>
    %mul3A_230 = arith.mulf %slice3A_214, %select_n3A_229 : vector<128x64xf32>
    %dot_general3A_231 = arith.constant dense<0.000000e+00> : vector<1x128xf32>
    %dot_general3A_232 = tpu.matmul %broadcast_in_dim3A_105, %mul3A_230, %dot_general3A_231 {dimension_numbers = #tpu.dot_dimension_numbers<[1], [1], [0], [0], [0, 0, 1, 0], [], []>, transpose_lhs_hint = false} : vector<1x64xf32>, vector<128x64xf32>, vector<1x128xf32> -> vector<1x128xf32>
    %convert_element_type3A_233 = arith.fptosi %dot_general3A_232 : vector<1x128xf32> to vector<1x128xi32>
    %swap3A_234 = arith.constant 0 : index
    %swap3A_235 = arith.constant 512 : index
    %swap3A_236 = vector.load %arg3[%swap3A_234, %swap3A_235] : memref<1x2048xi32, #tpu.memory_space<vmem>>, vector<1x128xi32>
    tpu.vector_store %arg3[%swap3A_234, %swap3A_235], %convert_element_type3A_233 {strides = array<i32>} : memref<1x2048xi32, #tpu.memory_space<vmem>>, vector<1x128xi32>,
    %reduce_sum3A_237 = arith.constant dense<0.000000e+00> : vector<64xf32>
    %reduce_sum3A_238 = vector.multi_reduction <add>, %slice3A_214, %reduce_sum3A_237 [0] : vector<128x64xf32> to vector<64xf32>
    %broadcast_in_dim3A_239 = vector.shape_cast %reduce_sum3A_238 : vector<64xf32> to vector<1x64xf32>
    %add3A_240 = arith.addf %add3A_213, %broadcast_in_dim3A_239 : vector<1x64xf32>
    %slice3A_241 = vector.extract_strided_slice %convert_element_type3A_51 {offsets = [640, 0], sizes = [128, 64], strides = [1, 1]} : vector<2048x64xf32> to vector<128x64xf32>
    %dot_general3A_242 = arith.constant dense<0.000000e+00> : vector<128x64xf32>
    %dot_general3A_243 = tpu.matmul %convert_element_type3A_103, %slice3A_241, %dot_general3A_242 {dimension_numbers = #tpu.dot_dimension_numbers<[1], [0], [0], [1], [0, 0, 1, 1], [], []>, transpose_lhs_hint = false} : vector<128x128xf32>, vector<128x64xf32>, vector<128x64xf32> -> vector<128x64xf32>
    %add3A_244 = vector.broadcast %add3A_240 : vector<1x64xf32> to vector<128x64xf32>
    %add3A_245 = arith.addf %dot_general3A_243, %add3A_244 : vector<128x64xf32>
    %lt3A_246 = arith.constant 1.280000e+02 : f32
    %lt3A_247 = vector.broadcast %lt3A_246 : f32 to vector<128x64xf32>
    %lt3A_248 = arith.cmpf olt, %add3A_245, %lt3A_247 : vector<128x64xf32>
    %add3A_249 = vector.broadcast %mul3A_90 : vector<1x64xf32> to vector<128x64xf32>
    %add3A_250 = arith.addf %add3A_245, %add3A_249 : vector<128x64xf32>
    %sub3A_251 = arith.constant 1.280000e+02 : f32
    %sub3A_252 = vector.broadcast %sub3A_251 : f32 to vector<128x64xf32>
    %sub3A_253 = arith.subf %add3A_245, %sub3A_252 : vector<128x64xf32>
    %add3A_254 = vector.broadcast %add3A_85 : vector<1x64xf32> to vector<128x64xf32>
    %add3A_255 = arith.addf %sub3A_253, %add3A_254 : vector<128x64xf32>
    %select_n3A_256 = arith.select %lt3A_248, %add3A_250, %add3A_255 : vector<128x64xi1>, vector<128x64xf32>
    %mul3A_257 = arith.mulf %slice3A_241, %select_n3A_256 : vector<128x64xf32>
    %dot_general3A_258 = arith.constant dense<0.000000e+00> : vector<1x128xf32>
    %dot_general3A_259 = tpu.matmul %broadcast_in_dim3A_105, %mul3A_257, %dot_general3A_258 {dimension_numbers = #tpu.dot_dimension_numbers<[1], [1], [0], [0], [0, 0, 1, 0], [], []>, transpose_lhs_hint = false} : vector<1x64xf32>, vector<128x64xf32>, vector<1x128xf32> -> vector<1x128xf32>
    %convert_element_type3A_260 = arith.fptosi %dot_general3A_259 : vector<1x128xf32> to vector<1x128xi32>
    %swap3A_261 = arith.constant 0 : index
    %swap3A_262 = arith.constant 640 : index
    %swap3A_263 = vector.load %arg3[%swap3A_261, %swap3A_262] : memref<1x2048xi32, #tpu.memory_space<vmem>>, vector<1x128xi32>
    tpu.vector_store %arg3[%swap3A_261, %swap3A_262], %convert_element_type3A_260 {strides = array<i32>} : memref<1x2048xi32, #tpu.memory_space<vmem>>, vector<1x128xi32>,
    %reduce_sum3A_264 = arith.constant dense<0.000000e+00> : vector<64xf32>
    %reduce_sum3A_265 = vector.multi_reduction <add>, %slice3A_241, %reduce_sum3A_264 [0] : vector<128x64xf32> to vector<64xf32>
    %broadcast_in_dim3A_266 = vector.shape_cast %reduce_sum3A_265 : vector<64xf32> to vector<1x64xf32>
    %add3A_267 = arith.addf %add3A_240, %broadcast_in_dim3A_266 : vector<1x64xf32>
    %slice3A_268 = vector.extract_strided_slice %convert_element_type3A_51 {offsets = [768, 0], sizes = [128, 64], strides = [1, 1]} : vector<2048x64xf32> to vector<128x64xf32>
    %dot_general3A_269 = arith.constant dense<0.000000e+00> : vector<128x64xf32>
    %dot_general3A_270 = tpu.matmul %convert_element_type3A_103, %slice3A_268, %dot_general3A_269 {dimension_numbers = #tpu.dot_dimension_numbers<[1], [0], [0], [1], [0, 0, 1, 1], [], []>, transpose_lhs_hint = false} : vector<128x128xf32>, vector<128x64xf32>, vector<128x64xf32> -> vector<128x64xf32>
    %add3A_271 = vector.broadcast %add3A_267 : vector<1x64xf32> to vector<128x64xf32>
    %add3A_272 = arith.addf %dot_general3A_270, %add3A_271 : vector<128x64xf32>
    %lt3A_273 = arith.constant 1.280000e+02 : f32
    %lt3A_274 = vector.broadcast %lt3A_273 : f32 to vector<128x64xf32>
    %lt3A_275 = arith.cmpf olt, %add3A_272, %lt3A_274 : vector<128x64xf32>
    %add3A_276 = vector.broadcast %mul3A_90 : vector<1x64xf32> to vector<128x64xf32>
    %add3A_277 = arith.addf %add3A_272, %add3A_276 : vector<128x64xf32>
    %sub3A_278 = arith.constant 1.280000e+02 : f32
    %sub3A_279 = vector.broadcast %sub3A_278 : f32 to vector<128x64xf32>
    %sub3A_280 = arith.subf %add3A_272, %sub3A_279 : vector<128x64xf32>
    %add3A_281 = vector.broadcast %add3A_85 : vector<1x64xf32> to vector<128x64xf32>
    %add3A_282 = arith.addf %sub3A_280, %add3A_281 : vector<128x64xf32>
    %select_n3A_283 = arith.select %lt3A_275, %add3A_277, %add3A_282 : vector<128x64xi1>, vector<128x64xf32>
    %mul3A_284 = arith.mulf %slice3A_268, %select_n3A_283 : vector<128x64xf32>
    %dot_general3A_285 = arith.constant dense<0.000000e+00> : vector<1x128xf32>
    %dot_general3A_286 = tpu.matmul %broadcast_in_dim3A_105, %mul3A_284, %dot_general3A_285 {dimension_numbers = #tpu.dot_dimension_numbers<[1], [1], [0], [0], [0, 0, 1, 0], [], []>, transpose_lhs_hint = false} : vector<1x64xf32>, vector<128x64xf32>, vector<1x128xf32> -> vector<1x128xf32>
    %convert_element_type3A_287 = arith.fptosi %dot_general3A_286 : vector<1x128xf32> to vector<1x128xi32>
    %swap3A_288 = arith.constant 0 : index
    %swap3A_289 = arith.constant 768 : index
    %swap3A_290 = vector.load %arg3[%swap3A_288, %swap3A_289] : memref<1x2048xi32, #tpu.memory_space<vmem>>, vector<1x128xi32>
    tpu.vector_store %arg3[%swap3A_288, %swap3A_289], %convert_element_type3A_287 {strides = array<i32>} : memref<1x2048xi32, #tpu.memory_space<vmem>>, vector<1x128xi32>,
    %reduce_sum3A_291 = arith.constant dense<0.000000e+00> : vector<64xf32>
    %reduce_sum3A_292 = vector.multi_reduction <add>, %slice3A_268, %reduce_sum3A_291 [0] : vector<128x64xf32> to vector<64xf32>
    %broadcast_in_dim3A_293 = vector.shape_cast %reduce_sum3A_292 : vector<64xf32> to vector<1x64xf32>
    %add3A_294 = arith.addf %add3A_267, %broadcast_in_dim3A_293 : vector<1x64xf32>
    %slice3A_295 = vector.extract_strided_slice %convert_element_type3A_51 {offsets = [896, 0], sizes = [128, 64], strides = [1, 1]} : vector<2048x64xf32> to vector<128x64xf32>
    %dot_general3A_296 = arith.constant dense<0.000000e+00> : vector<128x64xf32>
    %dot_general3A_297 = tpu.matmul %convert_element_type3A_103, %slice3A_295, %dot_general3A_296 {dimension_numbers = #tpu.dot_dimension_numbers<[1], [0], [0], [1], [0, 0, 1, 1], [], []>, transpose_lhs_hint = false} : vector<128x128xf32>, vector<128x64xf32>, vector<128x64xf32> -> vector<128x64xf32>
    %add3A_298 = vector.broadcast %add3A_294 : vector<1x64xf32> to vector<128x64xf32>
    %add3A_299 = arith.addf %dot_general3A_297, %add3A_298 : vector<128x64xf32>
    %lt3A_300 = arith.constant 1.280000e+02 : f32
    %lt3A_301 = vector.broadcast %lt3A_300 : f32 to vector<128x64xf32>
    %lt3A_302 = arith.cmpf olt, %add3A_299, %lt3A_301 : vector<128x64xf32>
    %add3A_303 = vector.broadcast %mul3A_90 : vector<1x64xf32> to vector<128x64xf32>
    %add3A_304 = arith.addf %add3A_299, %add3A_303 : vector<128x64xf32>
    %sub3A_305 = arith.constant 1.280000e+02 : f32
    %sub3A_306 = vector.broadcast %sub3A_305 : f32 to vector<128x64xf32>
    %sub3A_307 = arith.subf %add3A_299, %sub3A_306 : vector<128x64xf32>
    %add3A_308 = vector.broadcast %add3A_85 : vector<1x64xf32> to vector<128x64xf32>
    %add3A_309 = arith.addf %sub3A_307, %add3A_308 : vector<128x64xf32>
    %select_n3A_310 = arith.select %lt3A_302, %add3A_304, %add3A_309 : vector<128x64xi1>, vector<128x64xf32>
    %mul3A_311 = arith.mulf %slice3A_295, %select_n3A_310 : vector<128x64xf32>
    %dot_general3A_312 = arith.constant dense<0.000000e+00> : vector<1x128xf32>
    %dot_general3A_313 = tpu.matmul %broadcast_in_dim3A_105, %mul3A_311, %dot_general3A_312 {dimension_numbers = #tpu.dot_dimension_numbers<[1], [1], [0], [0], [0, 0, 1, 0], [], []>, transpose_lhs_hint = false} : vector<1x64xf32>, vector<128x64xf32>, vector<1x128xf32> -> vector<1x128xf32>
    %convert_element_type3A_314 = arith.fptosi %dot_general3A_313 : vector<1x128xf32> to vector<1x128xi32>
    %swap3A_315 = arith.constant 0 : index
    %swap3A_316 = arith.constant 896 : index
    %swap3A_317 = vector.load %arg3[%swap3A_315, %swap3A_316] : memref<1x2048xi32, #tpu.memory_space<vmem>>, vector<1x128xi32>
    tpu.vector_store %arg3[%swap3A_315, %swap3A_316], %convert_element_type3A_314 {strides = array<i32>} : memref<1x2048xi32, #tpu.memory_space<vmem>>, vector<1x128xi32>,
    %reduce_sum3A_318 = arith.constant dense<0.000000e+00> : vector<64xf32>
    %reduce_sum3A_319 = vector.multi_reduction <add>, %slice3A_295, %reduce_sum3A_318 [0] : vector<128x64xf32> to vector<64xf32>
    %broadcast_in_dim3A_320 = vector.shape_cast %reduce_sum3A_319 : vector<64xf32> to vector<1x64xf32>
    %add3A_321 = arith.addf %add3A_294, %broadcast_in_dim3A_320 : vector<1x64xf32>
    %slice3A_322 = vector.extract_strided_slice %convert_element_type3A_51 {offsets = [1024, 0], sizes = [128, 64], strides = [1, 1]} : vector<2048x64xf32> to vector<128x64xf32>
    %dot_general3A_323 = arith.constant dense<0.000000e+00> : vector<128x64xf32>
    %dot_general3A_324 = tpu.matmul %convert_element_type3A_103, %slice3A_322, %dot_general3A_323 {dimension_numbers = #tpu.dot_dimension_numbers<[1], [0], [0], [1], [0, 0, 1, 1], [], []>, transpose_lhs_hint = false} : vector<128x128xf32>, vector<128x64xf32>, vector<128x64xf32> -> vector<128x64xf32>
    %add3A_325 = vector.broadcast %add3A_321 : vector<1x64xf32> to vector<128x64xf32>
    %add3A_326 = arith.addf %dot_general3A_324, %add3A_325 : vector<128x64xf32>
    %lt3A_327 = arith.constant 1.280000e+02 : f32
    %lt3A_328 = vector.broadcast %lt3A_327 : f32 to vector<128x64xf32>
    %lt3A_329 = arith.cmpf olt, %add3A_326, %lt3A_328 : vector<128x64xf32>
    %add3A_330 = vector.broadcast %mul3A_90 : vector<1x64xf32> to vector<128x64xf32>
    %add3A_331 = arith.addf %add3A_326, %add3A_330 : vector<128x64xf32>
    %sub3A_332 = arith.constant 1.280000e+02 : f32
    %sub3A_333 = vector.broadcast %sub3A_332 : f32 to vector<128x64xf32>
    %sub3A_334 = arith.subf %add3A_326, %sub3A_333 : vector<128x64xf32>
    %add3A_335 = vector.broadcast %add3A_85 : vector<1x64xf32> to vector<128x64xf32>
    %add3A_336 = arith.addf %sub3A_334, %add3A_335 : vector<128x64xf32>
    %select_n3A_337 = arith.select %lt3A_329, %add3A_331, %add3A_336 : vector<128x64xi1>, vector<128x64xf32>
    %mul3A_338 = arith.mulf %slice3A_322, %select_n3A_337 : vector<128x64xf32>
    %dot_general3A_339 = arith.constant dense<0.000000e+00> : vector<1x128xf32>
    %dot_general3A_340 = tpu.matmul %broadcast_in_dim3A_105, %mul3A_338, %dot_general3A_339 {dimension_numbers = #tpu.dot_dimension_numbers<[1], [1], [0], [0], [0, 0, 1, 0], [], []>, transpose_lhs_hint = false} : vector<1x64xf32>, vector<128x64xf32>, vector<1x128xf32> -> vector<1x128xf32>
    %convert_element_type3A_341 = arith.fptosi %dot_general3A_340 : vector<1x128xf32> to vector<1x128xi32>
    %swap3A_342 = arith.constant 0 : index
    %swap3A_343 = arith.constant 1024 : index
    %swap3A_344 = vector.load %arg3[%swap3A_342, %swap3A_343] : memref<1x2048xi32, #tpu.memory_space<vmem>>, vector<1x128xi32>
    tpu.vector_store %arg3[%swap3A_342, %swap3A_343], %convert_element_type3A_341 {strides = array<i32>} : memref<1x2048xi32, #tpu.memory_space<vmem>>, vector<1x128xi32>,
    %reduce_sum3A_345 = arith.constant dense<0.000000e+00> : vector<64xf32>
    %reduce_sum3A_346 = vector.multi_reduction <add>, %slice3A_322, %reduce_sum3A_345 [0] : vector<128x64xf32> to vector<64xf32>
    %broadcast_in_dim3A_347 = vector.shape_cast %reduce_sum3A_346 : vector<64xf32> to vector<1x64xf32>
    %add3A_348 = arith.addf %add3A_321, %broadcast_in_dim3A_347 : vector<1x64xf32>
    %slice3A_349 = vector.extract_strided_slice %convert_element_type3A_51 {offsets = [1152, 0], sizes = [128, 64], strides = [1, 1]} : vector<2048x64xf32> to vector<128x64xf32>
    %dot_general3A_350 = arith.constant dense<0.000000e+00> : vector<128x64xf32>
    %dot_general3A_351 = tpu.matmul %convert_element_type3A_103, %slice3A_349, %dot_general3A_350 {dimension_numbers = #tpu.dot_dimension_numbers<[1], [0], [0], [1], [0, 0, 1, 1], [], []>, transpose_lhs_hint = false} : vector<128x128xf32>, vector<128x64xf32>, vector<128x64xf32> -> vector<128x64xf32>
    %add3A_352 = vector.broadcast %add3A_348 : vector<1x64xf32> to vector<128x64xf32>
    %add3A_353 = arith.addf %dot_general3A_351, %add3A_352 : vector<128x64xf32>
    %lt3A_354 = arith.constant 1.280000e+02 : f32
    %lt3A_355 = vector.broadcast %lt3A_354 : f32 to vector<128x64xf32>
    %lt3A_356 = arith.cmpf olt, %add3A_353, %lt3A_355 : vector<128x64xf32>
    %add3A_357 = vector.broadcast %mul3A_90 : vector<1x64xf32> to vector<128x64xf32>
    %add3A_358 = arith.addf %add3A_353, %add3A_357 : vector<128x64xf32>
    %sub3A_359 = arith.constant 1.280000e+02 : f32
    %sub3A_360 = vector.broadcast %sub3A_359 : f32 to vector<128x64xf32>
    %sub3A_361 = arith.subf %add3A_353, %sub3A_360 : vector<128x64xf32>
    %add3A_362 = vector.broadcast %add3A_85 : vector<1x64xf32> to vector<128x64xf32>
    %add3A_363 = arith.addf %sub3A_361, %add3A_362 : vector<128x64xf32>
    %select_n3A_364 = arith.select %lt3A_356, %add3A_358, %add3A_363 : vector<128x64xi1>, vector<128x64xf32>
    %mul3A_365 = arith.mulf %slice3A_349, %select_n3A_364 : vector<128x64xf32>
    %dot_general3A_366 = arith.constant dense<0.000000e+00> : vector<1x128xf32>
    %dot_general3A_367 = tpu.matmul %broadcast_in_dim3A_105, %mul3A_365, %dot_general3A_366 {dimension_numbers = #tpu.dot_dimension_numbers<[1], [1], [0], [0], [0, 0, 1, 0], [], []>, transpose_lhs_hint = false} : vector<1x64xf32>, vector<128x64xf32>, vector<1x128xf32> -> vector<1x128xf32>
    %convert_element_type3A_368 = arith.fptosi %dot_general3A_367 : vector<1x128xf32> to vector<1x128xi32>
    %swap3A_369 = arith.constant 0 : index
    %swap3A_370 = arith.constant 1152 : index
    %swap3A_371 = vector.load %arg3[%swap3A_369, %swap3A_370] : memref<1x2048xi32, #tpu.memory_space<vmem>>, vector<1x128xi32>
    tpu.vector_store %arg3[%swap3A_369, %swap3A_370], %convert_element_type3A_368 {strides = array<i32>} : memref<1x2048xi32, #tpu.memory_space<vmem>>, vector<1x128xi32>,
    %reduce_sum3A_372 = arith.constant dense<0.000000e+00> : vector<64xf32>
    %reduce_sum3A_373 = vector.multi_reduction <add>, %slice3A_349, %reduce_sum3A_372 [0] : vector<128x64xf32> to vector<64xf32>
    %broadcast_in_dim3A_374 = vector.shape_cast %reduce_sum3A_373 : vector<64xf32> to vector<1x64xf32>
    %add3A_375 = arith.addf %add3A_348, %broadcast_in_dim3A_374 : vector<1x64xf32>
    %slice3A_376 = vector.extract_strided_slice %convert_element_type3A_51 {offsets = [1280, 0], sizes = [128, 64], strides = [1, 1]} : vector<2048x64xf32> to vector<128x64xf32>
    %dot_general3A_377 = arith.constant dense<0.000000e+00> : vector<128x64xf32>
    %dot_general3A_378 = tpu.matmul %convert_element_type3A_103, %slice3A_376, %dot_general3A_377 {dimension_numbers = #tpu.dot_dimension_numbers<[1], [0], [0], [1], [0, 0, 1, 1], [], []>, transpose_lhs_hint = false} : vector<128x128xf32>, vector<128x64xf32>, vector<128x64xf32> -> vector<128x64xf32>
    %add3A_379 = vector.broadcast %add3A_375 : vector<1x64xf32> to vector<128x64xf32>
    %add3A_380 = arith.addf %dot_general3A_378, %add3A_379 : vector<128x64xf32>
    %lt3A_381 = arith.constant 1.280000e+02 : f32
    %lt3A_382 = vector.broadcast %lt3A_381 : f32 to vector<128x64xf32>
    %lt3A_383 = arith.cmpf olt, %add3A_380, %lt3A_382 : vector<128x64xf32>
    %add3A_384 = vector.broadcast %mul3A_90 : vector<1x64xf32> to vector<128x64xf32>
    %add3A_385 = arith.addf %add3A_380, %add3A_384 : vector<128x64xf32>
    %sub3A_386 = arith.constant 1.280000e+02 : f32
    %sub3A_387 = vector.broadcast %sub3A_386 : f32 to vector<128x64xf32>
    %sub3A_388 = arith.subf %add3A_380, %sub3A_387 : vector<128x64xf32>
    %add3A_389 = vector.broadcast %add3A_85 : vector<1x64xf32> to vector<128x64xf32>
    %add3A_390 = arith.addf %sub3A_388, %add3A_389 : vector<128x64xf32>
    %select_n3A_391 = arith.select %lt3A_383, %add3A_385, %add3A_390 : vector<128x64xi1>, vector<128x64xf32>
    %mul3A_392 = arith.mulf %slice3A_376, %select_n3A_391 : vector<128x64xf32>
    %dot_general3A_393 = arith.constant dense<0.000000e+00> : vector<1x128xf32>
    %dot_general3A_394 = tpu.matmul %broadcast_in_dim3A_105, %mul3A_392, %dot_general3A_393 {dimension_numbers = #tpu.dot_dimension_numbers<[1], [1], [0], [0], [0, 0, 1, 0], [], []>, transpose_lhs_hint = false} : vector<1x64xf32>, vector<128x64xf32>, vector<1x128xf32> -> vector<1x128xf32>
    %convert_element_type3A_395 = arith.fptosi %dot_general3A_394 : vector<1x128xf32> to vector<1x128xi32>
    %swap3A_396 = arith.constant 0 : index
    %swap3A_397 = arith.constant 1280 : index
    %swap3A_398 = vector.load %arg3[%swap3A_396, %swap3A_397] : memref<1x2048xi32, #tpu.memory_space<vmem>>, vector<1x128xi32>
    tpu.vector_store %arg3[%swap3A_396, %swap3A_397], %convert_element_type3A_395 {strides = array<i32>} : memref<1x2048xi32, #tpu.memory_space<vmem>>, vector<1x128xi32>,
    %reduce_sum3A_399 = arith.constant dense<0.000000e+00> : vector<64xf32>
    %reduce_sum3A_400 = vector.multi_reduction <add>, %slice3A_376, %reduce_sum3A_399 [0] : vector<128x64xf32> to vector<64xf32>
    %broadcast_in_dim3A_401 = vector.shape_cast %reduce_sum3A_400 : vector<64xf32> to vector<1x64xf32>
    %add3A_402 = arith.addf %add3A_375, %broadcast_in_dim3A_401 : vector<1x64xf32>
    %slice3A_403 = vector.extract_strided_slice %convert_element_type3A_51 {offsets = [1408, 0], sizes = [128, 64], strides = [1, 1]} : vector<2048x64xf32> to vector<128x64xf32>
    %dot_general3A_404 = arith.constant dense<0.000000e+00> : vector<128x64xf32>
    %dot_general3A_405 = tpu.matmul %convert_element_type3A_103, %slice3A_403, %dot_general3A_404 {dimension_numbers = #tpu.dot_dimension_numbers<[1], [0], [0], [1], [0, 0, 1, 1], [], []>, transpose_lhs_hint = false} : vector<128x128xf32>, vector<128x64xf32>, vector<128x64xf32> -> vector<128x64xf32>
    %add3A_406 = vector.broadcast %add3A_402 : vector<1x64xf32> to vector<128x64xf32>
    %add3A_407 = arith.addf %dot_general3A_405, %add3A_406 : vector<128x64xf32>
    %lt3A_408 = arith.constant 1.280000e+02 : f32
    %lt3A_409 = vector.broadcast %lt3A_408 : f32 to vector<128x64xf32>
    %lt3A_410 = arith.cmpf olt, %add3A_407, %lt3A_409 : vector<128x64xf32>
    %add3A_411 = vector.broadcast %mul3A_90 : vector<1x64xf32> to vector<128x64xf32>
    %add3A_412 = arith.addf %add3A_407, %add3A_411 : vector<128x64xf32>
    %sub3A_413 = arith.constant 1.280000e+02 : f32
    %sub3A_414 = vector.broadcast %sub3A_413 : f32 to vector<128x64xf32>
    %sub3A_415 = arith.subf %add3A_407, %sub3A_414 : vector<128x64xf32>
    %add3A_416 = vector.broadcast %add3A_85 : vector<1x64xf32> to vector<128x64xf32>
    %add3A_417 = arith.addf %sub3A_415, %add3A_416 : vector<128x64xf32>
    %select_n3A_418 = arith.select %lt3A_410, %add3A_412, %add3A_417 : vector<128x64xi1>, vector<128x64xf32>
    %mul3A_419 = arith.mulf %slice3A_403, %select_n3A_418 : vector<128x64xf32>
    %dot_general3A_420 = arith.constant dense<0.000000e+00> : vector<1x128xf32>
    %dot_general3A_421 = tpu.matmul %broadcast_in_dim3A_105, %mul3A_419, %dot_general3A_420 {dimension_numbers = #tpu.dot_dimension_numbers<[1], [1], [0], [0], [0, 0, 1, 0], [], []>, transpose_lhs_hint = false} : vector<1x64xf32>, vector<128x64xf32>, vector<1x128xf32> -> vector<1x128xf32>
    %convert_element_type3A_422 = arith.fptosi %dot_general3A_421 : vector<1x128xf32> to vector<1x128xi32>
    %swap3A_423 = arith.constant 0 : index
    %swap3A_424 = arith.constant 1408 : index
    %swap3A_425 = vector.load %arg3[%swap3A_423, %swap3A_424] : memref<1x2048xi32, #tpu.memory_space<vmem>>, vector<1x128xi32>
    tpu.vector_store %arg3[%swap3A_423, %swap3A_424], %convert_element_type3A_422 {strides = array<i32>} : memref<1x2048xi32, #tpu.memory_space<vmem>>, vector<1x128xi32>,
    %reduce_sum3A_426 = arith.constant dense<0.000000e+00> : vector<64xf32>
    %reduce_sum3A_427 = vector.multi_reduction <add>, %slice3A_403, %reduce_sum3A_426 [0] : vector<128x64xf32> to vector<64xf32>
    %broadcast_in_dim3A_428 = vector.shape_cast %reduce_sum3A_427 : vector<64xf32> to vector<1x64xf32>
    %add3A_429 = arith.addf %add3A_402, %broadcast_in_dim3A_428 : vector<1x64xf32>
    %slice3A_430 = vector.extract_strided_slice %convert_element_type3A_51 {offsets = [1536, 0], sizes = [128, 64], strides = [1, 1]} : vector<2048x64xf32> to vector<128x64xf32>
    %dot_general3A_431 = arith.constant dense<0.000000e+00> : vector<128x64xf32>
    %dot_general3A_432 = tpu.matmul %convert_element_type3A_103, %slice3A_430, %dot_general3A_431 {dimension_numbers = #tpu.dot_dimension_numbers<[1], [0], [0], [1], [0, 0, 1, 1], [], []>, transpose_lhs_hint = false} : vector<128x128xf32>, vector<128x64xf32>, vector<128x64xf32> -> vector<128x64xf32>
    %add3A_433 = vector.broadcast %add3A_429 : vector<1x64xf32> to vector<128x64xf32>
    %add3A_434 = arith.addf %dot_general3A_432, %add3A_433 : vector<128x64xf32>
    %lt3A_435 = arith.constant 1.280000e+02 : f32
    %lt3A_436 = vector.broadcast %lt3A_435 : f32 to vector<128x64xf32>
    %lt3A_437 = arith.cmpf olt, %add3A_434, %lt3A_436 : vector<128x64xf32>
    %add3A_438 = vector.broadcast %mul3A_90 : vector<1x64xf32> to vector<128x64xf32>
    %add3A_439 = arith.addf %add3A_434, %add3A_438 : vector<128x64xf32>
    %sub3A_440 = arith.constant 1.280000e+02 : f32
    %sub3A_441 = vector.broadcast %sub3A_440 : f32 to vector<128x64xf32>
    %sub3A_442 = arith.subf %add3A_434, %sub3A_441 : vector<128x64xf32>
    %add3A_443 = vector.broadcast %add3A_85 : vector<1x64xf32> to vector<128x64xf32>
    %add3A_444 = arith.addf %sub3A_442, %add3A_443 : vector<128x64xf32>
    %select_n3A_445 = arith.select %lt3A_437, %add3A_439, %add3A_444 : vector<128x64xi1>, vector<128x64xf32>
    %mul3A_446 = arith.mulf %slice3A_430, %select_n3A_445 : vector<128x64xf32>
    %dot_general3A_447 = arith.constant dense<0.000000e+00> : vector<1x128xf32>
    %dot_general3A_448 = tpu.matmul %broadcast_in_dim3A_105, %mul3A_446, %dot_general3A_447 {dimension_numbers = #tpu.dot_dimension_numbers<[1], [1], [0], [0], [0, 0, 1, 0], [], []>, transpose_lhs_hint = false} : vector<1x64xf32>, vector<128x64xf32>, vector<1x128xf32> -> vector<1x128xf32>
    %convert_element_type3A_449 = arith.fptosi %dot_general3A_448 : vector<1x128xf32> to vector<1x128xi32>
    %swap3A_450 = arith.constant 0 : index
    %swap3A_451 = arith.constant 1536 : index
    %swap3A_452 = vector.load %arg3[%swap3A_450, %swap3A_451] : memref<1x2048xi32, #tpu.memory_space<vmem>>, vector<1x128xi32>
    tpu.vector_store %arg3[%swap3A_450, %swap3A_451], %convert_element_type3A_449 {strides = array<i32>} : memref<1x2048xi32, #tpu.memory_space<vmem>>, vector<1x128xi32>,
    %reduce_sum3A_453 = arith.constant dense<0.000000e+00> : vector<64xf32>
    %reduce_sum3A_454 = vector.multi_reduction <add>, %slice3A_430, %reduce_sum3A_453 [0] : vector<128x64xf32> to vector<64xf32>
    %broadcast_in_dim3A_455 = vector.shape_cast %reduce_sum3A_454 : vector<64xf32> to vector<1x64xf32>
    %add3A_456 = arith.addf %add3A_429, %broadcast_in_dim3A_455 : vector<1x64xf32>
    %slice3A_457 = vector.extract_strided_slice %convert_element_type3A_51 {offsets = [1664, 0], sizes = [128, 64], strides = [1, 1]} : vector<2048x64xf32> to vector<128x64xf32>
    %dot_general3A_458 = arith.constant dense<0.000000e+00> : vector<128x64xf32>
    %dot_general3A_459 = tpu.matmul %convert_element_type3A_103, %slice3A_457, %dot_general3A_458 {dimension_numbers = #tpu.dot_dimension_numbers<[1], [0], [0], [1], [0, 0, 1, 1], [], []>, transpose_lhs_hint = false} : vector<128x128xf32>, vector<128x64xf32>, vector<128x64xf32> -> vector<128x64xf32>
    %add3A_460 = vector.broadcast %add3A_456 : vector<1x64xf32> to vector<128x64xf32>
    %add3A_461 = arith.addf %dot_general3A_459, %add3A_460 : vector<128x64xf32>
    %lt3A_462 = arith.constant 1.280000e+02 : f32
    %lt3A_463 = vector.broadcast %lt3A_462 : f32 to vector<128x64xf32>
    %lt3A_464 = arith.cmpf olt, %add3A_461, %lt3A_463 : vector<128x64xf32>
    %add3A_465 = vector.broadcast %mul3A_90 : vector<1x64xf32> to vector<128x64xf32>
    %add3A_466 = arith.addf %add3A_461, %add3A_465 : vector<128x64xf32>
    %sub3A_467 = arith.constant 1.280000e+02 : f32
    %sub3A_468 = vector.broadcast %sub3A_467 : f32 to vector<128x64xf32>
    %sub3A_469 = arith.subf %add3A_461, %sub3A_468 : vector<128x64xf32>
    %add3A_470 = vector.broadcast %add3A_85 : vector<1x64xf32> to vector<128x64xf32>
    %add3A_471 = arith.addf %sub3A_469, %add3A_470 : vector<128x64xf32>
    %select_n3A_472 = arith.select %lt3A_464, %add3A_466, %add3A_471 : vector<128x64xi1>, vector<128x64xf32>
    %mul3A_473 = arith.mulf %slice3A_457, %select_n3A_472 : vector<128x64xf32>
    %dot_general3A_474 = arith.constant dense<0.000000e+00> : vector<1x128xf32>
    %dot_general3A_475 = tpu.matmul %broadcast_in_dim3A_105, %mul3A_473, %dot_general3A_474 {dimension_numbers = #tpu.dot_dimension_numbers<[1], [1], [0], [0], [0, 0, 1, 0], [], []>, transpose_lhs_hint = false} : vector<1x64xf32>, vector<128x64xf32>, vector<1x128xf32> -> vector<1x128xf32>
    %convert_element_type3A_476 = arith.fptosi %dot_general3A_475 : vector<1x128xf32> to vector<1x128xi32>
    %swap3A_477 = arith.constant 0 : index
    %swap3A_478 = arith.constant 1664 : index
    %swap3A_479 = vector.load %arg3[%swap3A_477, %swap3A_478] : memref<1x2048xi32, #tpu.memory_space<vmem>>, vector<1x128xi32>
    tpu.vector_store %arg3[%swap3A_477, %swap3A_478], %convert_element_type3A_476 {strides = array<i32>} : memref<1x2048xi32, #tpu.memory_space<vmem>>, vector<1x128xi32>,
    %reduce_sum3A_480 = arith.constant dense<0.000000e+00> : vector<64xf32>
    %reduce_sum3A_481 = vector.multi_reduction <add>, %slice3A_457, %reduce_sum3A_480 [0] : vector<128x64xf32> to vector<64xf32>
    %broadcast_in_dim3A_482 = vector.shape_cast %reduce_sum3A_481 : vector<64xf32> to vector<1x64xf32>
    %add3A_483 = arith.addf %add3A_456, %broadcast_in_dim3A_482 : vector<1x64xf32>
    %slice3A_484 = vector.extract_strided_slice %convert_element_type3A_51 {offsets = [1792, 0], sizes = [128, 64], strides = [1, 1]} : vector<2048x64xf32> to vector<128x64xf32>
    %dot_general3A_485 = arith.constant dense<0.000000e+00> : vector<128x64xf32>
    %dot_general3A_486 = tpu.matmul %convert_element_type3A_103, %slice3A_484, %dot_general3A_485 {dimension_numbers = #tpu.dot_dimension_numbers<[1], [0], [0], [1], [0, 0, 1, 1], [], []>, transpose_lhs_hint = false} : vector<128x128xf32>, vector<128x64xf32>, vector<128x64xf32> -> vector<128x64xf32>
    %add3A_487 = vector.broadcast %add3A_483 : vector<1x64xf32> to vector<128x64xf32>
    %add3A_488 = arith.addf %dot_general3A_486, %add3A_487 : vector<128x64xf32>
    %lt3A_489 = arith.constant 1.280000e+02 : f32
    %lt3A_490 = vector.broadcast %lt3A_489 : f32 to vector<128x64xf32>
    %lt3A_491 = arith.cmpf olt, %add3A_488, %lt3A_490 : vector<128x64xf32>
    %add3A_492 = vector.broadcast %mul3A_90 : vector<1x64xf32> to vector<128x64xf32>
    %add3A_493 = arith.addf %add3A_488, %add3A_492 : vector<128x64xf32>
    %sub3A_494 = arith.constant 1.280000e+02 : f32
    %sub3A_495 = vector.broadcast %sub3A_494 : f32 to vector<128x64xf32>
    %sub3A_496 = arith.subf %add3A_488, %sub3A_495 : vector<128x64xf32>
    %add3A_497 = vector.broadcast %add3A_85 : vector<1x64xf32> to vector<128x64xf32>
    %add3A_498 = arith.addf %sub3A_496, %add3A_497 : vector<128x64xf32>
    %select_n3A_499 = arith.select %lt3A_491, %add3A_493, %add3A_498 : vector<128x64xi1>, vector<128x64xf32>
    %mul3A_500 = arith.mulf %slice3A_484, %select_n3A_499 : vector<128x64xf32>
    %dot_general3A_501 = arith.constant dense<0.000000e+00> : vector<1x128xf32>
    %dot_general3A_502 = tpu.matmul %broadcast_in_dim3A_105, %mul3A_500, %dot_general3A_501 {dimension_numbers = #tpu.dot_dimension_numbers<[1], [1], [0], [0], [0, 0, 1, 0], [], []>, transpose_lhs_hint = false} : vector<1x64xf32>, vector<128x64xf32>, vector<1x128xf32> -> vector<1x128xf32>
    %convert_element_type3A_503 = arith.fptosi %dot_general3A_502 : vector<1x128xf32> to vector<1x128xi32>
    %swap3A_504 = arith.constant 0 : index
    %swap3A_505 = arith.constant 1792 : index
    %swap3A_506 = vector.load %arg3[%swap3A_504, %swap3A_505] : memref<1x2048xi32, #tpu.memory_space<vmem>>, vector<1x128xi32>
    tpu.vector_store %arg3[%swap3A_504, %swap3A_505], %convert_element_type3A_503 {strides = array<i32>} : memref<1x2048xi32, #tpu.memory_space<vmem>>, vector<1x128xi32>,
    %reduce_sum3A_507 = arith.constant dense<0.000000e+00> : vector<64xf32>
    %reduce_sum3A_508 = vector.multi_reduction <add>, %slice3A_484, %reduce_sum3A_507 [0] : vector<128x64xf32> to vector<64xf32>
    %broadcast_in_dim3A_509 = vector.shape_cast %reduce_sum3A_508 : vector<64xf32> to vector<1x64xf32>
    %add3A_510 = arith.addf %add3A_483, %broadcast_in_dim3A_509 : vector<1x64xf32>
    %slice3A_511 = vector.extract_strided_slice %convert_element_type3A_51 {offsets = [1920, 0], sizes = [128, 64], strides = [1, 1]} : vector<2048x64xf32> to vector<128x64xf32>
    %dot_general3A_512 = arith.constant dense<0.000000e+00> : vector<128x64xf32>
    %dot_general3A_513 = tpu.matmul %convert_element_type3A_103, %slice3A_511, %dot_general3A_512 {dimension_numbers = #tpu.dot_dimension_numbers<[1], [0], [0], [1], [0, 0, 1, 1], [], []>, transpose_lhs_hint = false} : vector<128x128xf32>, vector<128x64xf32>, vector<128x64xf32> -> vector<128x64xf32>
    %add3A_514 = vector.broadcast %add3A_510 : vector<1x64xf32> to vector<128x64xf32>
    %add3A_515 = arith.addf %dot_general3A_513, %add3A_514 : vector<128x64xf32>
    %lt3A_516 = arith.constant 1.280000e+02 : f32
    %lt3A_517 = vector.broadcast %lt3A_516 : f32 to vector<128x64xf32>
    %lt3A_518 = arith.cmpf olt, %add3A_515, %lt3A_517 : vector<128x64xf32>
    %add3A_519 = vector.broadcast %mul3A_90 : vector<1x64xf32> to vector<128x64xf32>
    %add3A_520 = arith.addf %add3A_515, %add3A_519 : vector<128x64xf32>
    %sub3A_521 = arith.constant 1.280000e+02 : f32
    %sub3A_522 = vector.broadcast %sub3A_521 : f32 to vector<128x64xf32>
    %sub3A_523 = arith.subf %add3A_515, %sub3A_522 : vector<128x64xf32>
    %add3A_524 = vector.broadcast %add3A_85 : vector<1x64xf32> to vector<128x64xf32>
    %add3A_525 = arith.addf %sub3A_523, %add3A_524 : vector<128x64xf32>
    %select_n3A_526 = arith.select %lt3A_518, %add3A_520, %add3A_525 : vector<128x64xi1>, vector<128x64xf32>
    %mul3A_527 = arith.mulf %slice3A_511, %select_n3A_526 : vector<128x64xf32>
    %dot_general3A_528 = arith.constant dense<0.000000e+00> : vector<1x128xf32>
    %dot_general3A_529 = tpu.matmul %broadcast_in_dim3A_105, %mul3A_527, %dot_general3A_528 {dimension_numbers = #tpu.dot_dimension_numbers<[1], [1], [0], [0], [0, 0, 1, 0], [], []>, transpose_lhs_hint = false} : vector<1x64xf32>, vector<128x64xf32>, vector<1x128xf32> -> vector<1x128xf32>
    %convert_element_type3A_530 = arith.fptosi %dot_general3A_529 : vector<1x128xf32> to vector<1x128xi32>
    %swap3A_531 = arith.constant 0 : index
    %swap3A_532 = arith.constant 1920 : index
    %swap3A_533 = vector.load %arg3[%swap3A_531, %swap3A_532] : memref<1x2048xi32, #tpu.memory_space<vmem>>, vector<1x128xi32>
    tpu.vector_store %arg3[%swap3A_531, %swap3A_532], %convert_element_type3A_530 {strides = array<i32>} : memref<1x2048xi32, #tpu.memory_space<vmem>>, vector<1x128xi32>,
    %reduce_sum3A_534 = arith.constant dense<0.000000e+00> : vector<64xf32>
    %reduce_sum3A_535 = vector.multi_reduction <add>, %slice3A_511, %reduce_sum3A_534 [0] : vector<128x64xf32> to vector<64xf32>
    %broadcast_in_dim3A_536 = vector.shape_cast %reduce_sum3A_535 : vector<64xf32> to vector<1x64xf32>
    %add3A_537 = arith.addf %add3A_510, %broadcast_in_dim3A_536 : vector<1x64xf32>
    %slice3A_538 = vector.extract_strided_slice %convert_element_type3A_55 {offsets = [0, 0], sizes = [128, 64], strides = [1, 1]} : vector<2048x64xf32> to vector<128x64xf32>
    %dot_general3A_539 = arith.constant dense<0.000000e+00> : vector<128x64xf32>
    %dot_general3A_540 = tpu.matmul %convert_element_type3A_103, %slice3A_538, %dot_general3A_539 {dimension_numbers = #tpu.dot_dimension_numbers<[1], [0], [0], [1], [0, 0, 1, 1], [], []>, transpose_lhs_hint = false} : vector<128x128xf32>, vector<128x64xf32>, vector<128x64xf32> -> vector<128x64xf32>
    %add3A_541 = vector.broadcast %add3A_537 : vector<1x64xf32> to vector<128x64xf32>
    %add3A_542 = arith.addf %dot_general3A_540, %add3A_541 : vector<128x64xf32>
    %lt3A_543 = arith.constant 1.280000e+02 : f32
    %lt3A_544 = vector.broadcast %lt3A_543 : f32 to vector<128x64xf32>
    %lt3A_545 = arith.cmpf olt, %add3A_542, %lt3A_544 : vector<128x64xf32>
    %add3A_546 = vector.broadcast %mul3A_90 : vector<1x64xf32> to vector<128x64xf32>
    %add3A_547 = arith.addf %add3A_542, %add3A_546 : vector<128x64xf32>
    %sub3A_548 = arith.constant 1.280000e+02 : f32
    %sub3A_549 = vector.broadcast %sub3A_548 : f32 to vector<128x64xf32>
    %sub3A_550 = arith.subf %add3A_542, %sub3A_549 : vector<128x64xf32>
    %add3A_551 = vector.broadcast %add3A_85 : vector<1x64xf32> to vector<128x64xf32>
    %add3A_552 = arith.addf %sub3A_550, %add3A_551 : vector<128x64xf32>
    %select_n3A_553 = arith.select %lt3A_545, %add3A_547, %add3A_552 : vector<128x64xi1>, vector<128x64xf32>
    %mul3A_554 = arith.mulf %slice3A_538, %select_n3A_553 : vector<128x64xf32>
    %dot_general3A_555 = arith.constant dense<0.000000e+00> : vector<1x128xf32>
    %dot_general3A_556 = tpu.matmul %broadcast_in_dim3A_105, %mul3A_554, %dot_general3A_555 {dimension_numbers = #tpu.dot_dimension_numbers<[1], [1], [0], [0], [0, 0, 1, 0], [], []>, transpose_lhs_hint = false} : vector<1x64xf32>, vector<128x64xf32>, vector<1x128xf32> -> vector<1x128xf32>
    %convert_element_type3A_557 = arith.fptosi %dot_general3A_556 : vector<1x128xf32> to vector<1x128xi32>
    %swap3A_558 = arith.constant 0 : index
    %swap3A_559 = arith.constant 0 : index
    %swap3A_560 = vector.load %arg4[%swap3A_558, %swap3A_559] : memref<1x2048xi32, #tpu.memory_space<vmem>>, vector<1x128xi32>
    tpu.vector_store %arg4[%swap3A_558, %swap3A_559], %convert_element_type3A_557 {strides = array<i32>} : memref<1x2048xi32, #tpu.memory_space<vmem>>, vector<1x128xi32>,
    %reduce_sum3A_561 = arith.constant dense<0.000000e+00> : vector<64xf32>
    %reduce_sum3A_562 = vector.multi_reduction <add>, %slice3A_538, %reduce_sum3A_561 [0] : vector<128x64xf32> to vector<64xf32>
    %broadcast_in_dim3A_563 = vector.shape_cast %reduce_sum3A_562 : vector<64xf32> to vector<1x64xf32>
    %add3A_564 = arith.addf %add3A_537, %broadcast_in_dim3A_563 : vector<1x64xf32>
    %slice3A_565 = vector.extract_strided_slice %convert_element_type3A_55 {offsets = [128, 0], sizes = [128, 64], strides = [1, 1]} : vector<2048x64xf32> to vector<128x64xf32>
    %dot_general3A_566 = arith.constant dense<0.000000e+00> : vector<128x64xf32>
    %dot_general3A_567 = tpu.matmul %convert_element_type3A_103, %slice3A_565, %dot_general3A_566 {dimension_numbers = #tpu.dot_dimension_numbers<[1], [0], [0], [1], [0, 0, 1, 1], [], []>, transpose_lhs_hint = false} : vector<128x128xf32>, vector<128x64xf32>, vector<128x64xf32> -> vector<128x64xf32>
    %add3A_568 = vector.broadcast %add3A_564 : vector<1x64xf32> to vector<128x64xf32>
    %add3A_569 = arith.addf %dot_general3A_567, %add3A_568 : vector<128x64xf32>
    %lt3A_570 = arith.constant 1.280000e+02 : f32
    %lt3A_571 = vector.broadcast %lt3A_570 : f32 to vector<128x64xf32>
    %lt3A_572 = arith.cmpf olt, %add3A_569, %lt3A_571 : vector<128x64xf32>
    %add3A_573 = vector.broadcast %mul3A_90 : vector<1x64xf32> to vector<128x64xf32>
    %add3A_574 = arith.addf %add3A_569, %add3A_573 : vector<128x64xf32>
    %sub3A_575 = arith.constant 1.280000e+02 : f32
    %sub3A_576 = vector.broadcast %sub3A_575 : f32 to vector<128x64xf32>
    %sub3A_577 = arith.subf %add3A_569, %sub3A_576 : vector<128x64xf32>
    %add3A_578 = vector.broadcast %add3A_85 : vector<1x64xf32> to vector<128x64xf32>
    %add3A_579 = arith.addf %sub3A_577, %add3A_578 : vector<128x64xf32>
    %select_n3A_580 = arith.select %lt3A_572, %add3A_574, %add3A_579 : vector<128x64xi1>, vector<128x64xf32>
    %mul3A_581 = arith.mulf %slice3A_565, %select_n3A_580 : vector<128x64xf32>
    %dot_general3A_582 = arith.constant dense<0.000000e+00> : vector<1x128xf32>
    %dot_general3A_583 = tpu.matmul %broadcast_in_dim3A_105, %mul3A_581, %dot_general3A_582 {dimension_numbers = #tpu.dot_dimension_numbers<[1], [1], [0], [0], [0, 0, 1, 0], [], []>, transpose_lhs_hint = false} : vector<1x64xf32>, vector<128x64xf32>, vector<1x128xf32> -> vector<1x128xf32>
    %convert_element_type3A_584 = arith.fptosi %dot_general3A_583 : vector<1x128xf32> to vector<1x128xi32>
    %swap3A_585 = arith.constant 0 : index
    %swap3A_586 = arith.constant 128 : index
    %swap3A_587 = vector.load %arg4[%swap3A_585, %swap3A_586] : memref<1x2048xi32, #tpu.memory_space<vmem>>, vector<1x128xi32>
    tpu.vector_store %arg4[%swap3A_585, %swap3A_586], %convert_element_type3A_584 {strides = array<i32>} : memref<1x2048xi32, #tpu.memory_space<vmem>>, vector<1x128xi32>,
    %reduce_sum3A_588 = arith.constant dense<0.000000e+00> : vector<64xf32>
    %reduce_sum3A_589 = vector.multi_reduction <add>, %slice3A_565, %reduce_sum3A_588 [0] : vector<128x64xf32> to vector<64xf32>
    %broadcast_in_dim3A_590 = vector.shape_cast %reduce_sum3A_589 : vector<64xf32> to vector<1x64xf32>
    %add3A_591 = arith.addf %add3A_564, %broadcast_in_dim3A_590 : vector<1x64xf32>
    %slice3A_592 = vector.extract_strided_slice %convert_element_type3A_55 {offsets = [256, 0], sizes = [128, 64], strides = [1, 1]} : vector<2048x64xf32> to vector<128x64xf32>
    %dot_general3A_593 = arith.constant dense<0.000000e+00> : vector<128x64xf32>
    %dot_general3A_594 = tpu.matmul %convert_element_type3A_103, %slice3A_592, %dot_general3A_593 {dimension_numbers = #tpu.dot_dimension_numbers<[1], [0], [0], [1], [0, 0, 1, 1], [], []>, transpose_lhs_hint = false} : vector<128x128xf32>, vector<128x64xf32>, vector<128x64xf32> -> vector<128x64xf32>
    %add3A_595 = vector.broadcast %add3A_591 : vector<1x64xf32> to vector<128x64xf32>
    %add3A_596 = arith.addf %dot_general3A_594, %add3A_595 : vector<128x64xf32>
    %lt3A_597 = arith.constant 1.280000e+02 : f32
    %lt3A_598 = vector.broadcast %lt3A_597 : f32 to vector<128x64xf32>
    %lt3A_599 = arith.cmpf olt, %add3A_596, %lt3A_598 : vector<128x64xf32>
    %add3A_600 = vector.broadcast %mul3A_90 : vector<1x64xf32> to vector<128x64xf32>
    %add3A_601 = arith.addf %add3A_596, %add3A_600 : vector<128x64xf32>
    %sub3A_602 = arith.constant 1.280000e+02 : f32
    %sub3A_603 = vector.broadcast %sub3A_602 : f32 to vector<128x64xf32>
    %sub3A_604 = arith.subf %add3A_596, %sub3A_603 : vector<128x64xf32>
    %add3A_605 = vector.broadcast %add3A_85 : vector<1x64xf32> to vector<128x64xf32>
    %add3A_606 = arith.addf %sub3A_604, %add3A_605 : vector<128x64xf32>
    %select_n3A_607 = arith.select %lt3A_599, %add3A_601, %add3A_606 : vector<128x64xi1>, vector<128x64xf32>
    %mul3A_608 = arith.mulf %slice3A_592, %select_n3A_607 : vector<128x64xf32>
    %dot_general3A_609 = arith.constant dense<0.000000e+00> : vector<1x128xf32>
    %dot_general3A_610 = tpu.matmul %broadcast_in_dim3A_105, %mul3A_608, %dot_general3A_609 {dimension_numbers = #tpu.dot_dimension_numbers<[1], [1], [0], [0], [0, 0, 1, 0], [], []>, transpose_lhs_hint = false} : vector<1x64xf32>, vector<128x64xf32>, vector<1x128xf32> -> vector<1x128xf32>
    %convert_element_type3A_611 = arith.fptosi %dot_general3A_610 : vector<1x128xf32> to vector<1x128xi32>
    %swap3A_612 = arith.constant 0 : index
    %swap3A_613 = arith.constant 256 : index
    %swap3A_614 = vector.load %arg4[%swap3A_612, %swap3A_613] : memref<1x2048xi32, #tpu.memory_space<vmem>>, vector<1x128xi32>
    tpu.vector_store %arg4[%swap3A_612, %swap3A_613], %convert_element_type3A_611 {strides = array<i32>} : memref<1x2048xi32, #tpu.memory_space<vmem>>, vector<1x128xi32>,
    %reduce_sum3A_615 = arith.constant dense<0.000000e+00> : vector<64xf32>
    %reduce_sum3A_616 = vector.multi_reduction <add>, %slice3A_592, %reduce_sum3A_615 [0] : vector<128x64xf32> to vector<64xf32>
    %broadcast_in_dim3A_617 = vector.shape_cast %reduce_sum3A_616 : vector<64xf32> to vector<1x64xf32>
    %add3A_618 = arith.addf %add3A_591, %broadcast_in_dim3A_617 : vector<1x64xf32>
    %slice3A_619 = vector.extract_strided_slice %convert_element_type3A_55 {offsets = [384, 0], sizes = [128, 64], strides = [1, 1]} : vector<2048x64xf32> to vector<128x64xf32>
    %dot_general3A_620 = arith.constant dense<0.000000e+00> : vector<128x64xf32>
    %dot_general3A_621 = tpu.matmul %convert_element_type3A_103, %slice3A_619, %dot_general3A_620 {dimension_numbers = #tpu.dot_dimension_numbers<[1], [0], [0], [1], [0, 0, 1, 1], [], []>, transpose_lhs_hint = false} : vector<128x128xf32>, vector<128x64xf32>, vector<128x64xf32> -> vector<128x64xf32>
    %add3A_622 = vector.broadcast %add3A_618 : vector<1x64xf32> to vector<128x64xf32>
    %add3A_623 = arith.addf %dot_general3A_621, %add3A_622 : vector<128x64xf32>
    %lt3A_624 = arith.constant 1.280000e+02 : f32
    %lt3A_625 = vector.broadcast %lt3A_624 : f32 to vector<128x64xf32>
    %lt3A_626 = arith.cmpf olt, %add3A_623, %lt3A_625 : vector<128x64xf32>
    %add3A_627 = vector.broadcast %mul3A_90 : vector<1x64xf32> to vector<128x64xf32>
    %add3A_628 = arith.addf %add3A_623, %add3A_627 : vector<128x64xf32>
    %sub3A_629 = arith.constant 1.280000e+02 : f32
    %sub3A_630 = vector.broadcast %sub3A_629 : f32 to vector<128x64xf32>
    %sub3A_631 = arith.subf %add3A_623, %sub3A_630 : vector<128x64xf32>
    %add3A_632 = vector.broadcast %add3A_85 : vector<1x64xf32> to vector<128x64xf32>
    %add3A_633 = arith.addf %sub3A_631, %add3A_632 : vector<128x64xf32>
    %select_n3A_634 = arith.select %lt3A_626, %add3A_628, %add3A_633 : vector<128x64xi1>, vector<128x64xf32>
    %mul3A_635 = arith.mulf %slice3A_619, %select_n3A_634 : vector<128x64xf32>
    %dot_general3A_636 = arith.constant dense<0.000000e+00> : vector<1x128xf32>
    %dot_general3A_637 = tpu.matmul %broadcast_in_dim3A_105, %mul3A_635, %dot_general3A_636 {dimension_numbers = #tpu.dot_dimension_numbers<[1], [1], [0], [0], [0, 0, 1, 0], [], []>, transpose_lhs_hint = false} : vector<1x64xf32>, vector<128x64xf32>, vector<1x128xf32> -> vector<1x128xf32>
    %convert_element_type3A_638 = arith.fptosi %dot_general3A_637 : vector<1x128xf32> to vector<1x128xi32>
    %swap3A_639 = arith.constant 0 : index
    %swap3A_640 = arith.constant 384 : index
    %swap3A_641 = vector.load %arg4[%swap3A_639, %swap3A_640] : memref<1x2048xi32, #tpu.memory_space<vmem>>, vector<1x128xi32>
    tpu.vector_store %arg4[%swap3A_639, %swap3A_640], %convert_element_type3A_638 {strides = array<i32>} : memref<1x2048xi32, #tpu.memory_space<vmem>>, vector<1x128xi32>,
    %reduce_sum3A_642 = arith.constant dense<0.000000e+00> : vector<64xf32>
    %reduce_sum3A_643 = vector.multi_reduction <add>, %slice3A_619, %reduce_sum3A_642 [0] : vector<128x64xf32> to vector<64xf32>
    %broadcast_in_dim3A_644 = vector.shape_cast %reduce_sum3A_643 : vector<64xf32> to vector<1x64xf32>
    %add3A_645 = arith.addf %add3A_618, %broadcast_in_dim3A_644 : vector<1x64xf32>
    %slice3A_646 = vector.extract_strided_slice %convert_element_type3A_55 {offsets = [512, 0], sizes = [128, 64], strides = [1, 1]} : vector<2048x64xf32> to vector<128x64xf32>
    %dot_general3A_647 = arith.constant dense<0.000000e+00> : vector<128x64xf32>
    %dot_general3A_648 = tpu.matmul %convert_element_type3A_103, %slice3A_646, %dot_general3A_647 {dimension_numbers = #tpu.dot_dimension_numbers<[1], [0], [0], [1], [0, 0, 1, 1], [], []>, transpose_lhs_hint = false} : vector<128x128xf32>, vector<128x64xf32>, vector<128x64xf32> -> vector<128x64xf32>
    %add3A_649 = vector.broadcast %add3A_645 : vector<1x64xf32> to vector<128x64xf32>
    %add3A_650 = arith.addf %dot_general3A_648, %add3A_649 : vector<128x64xf32>
    %lt3A_651 = arith.constant 1.280000e+02 : f32
    %lt3A_652 = vector.broadcast %lt3A_651 : f32 to vector<128x64xf32>
    %lt3A_653 = arith.cmpf olt, %add3A_650, %lt3A_652 : vector<128x64xf32>
    %add3A_654 = vector.broadcast %mul3A_90 : vector<1x64xf32> to vector<128x64xf32>
    %add3A_655 = arith.addf %add3A_650, %add3A_654 : vector<128x64xf32>
    %sub3A_656 = arith.constant 1.280000e+02 : f32
    %sub3A_657 = vector.broadcast %sub3A_656 : f32 to vector<128x64xf32>
    %sub3A_658 = arith.subf %add3A_650, %sub3A_657 : vector<128x64xf32>
    %add3A_659 = vector.broadcast %add3A_85 : vector<1x64xf32> to vector<128x64xf32>
    %add3A_660 = arith.addf %sub3A_658, %add3A_659 : vector<128x64xf32>
    %select_n3A_661 = arith.select %lt3A_653, %add3A_655, %add3A_660 : vector<128x64xi1>, vector<128x64xf32>
    %mul3A_662 = arith.mulf %slice3A_646, %select_n3A_661 : vector<128x64xf32>
    %dot_general3A_663 = arith.constant dense<0.000000e+00> : vector<1x128xf32>
    %dot_general3A_664 = tpu.matmul %broadcast_in_dim3A_105, %mul3A_662, %dot_general3A_663 {dimension_numbers = #tpu.dot_dimension_numbers<[1], [1], [0], [0], [0, 0, 1, 0], [], []>, transpose_lhs_hint = false} : vector<1x64xf32>, vector<128x64xf32>, vector<1x128xf32> -> vector<1x128xf32>
    %convert_element_type3A_665 = arith.fptosi %dot_general3A_664 : vector<1x128xf32> to vector<1x128xi32>
    %swap3A_666 = arith.constant 0 : index
    %swap3A_667 = arith.constant 512 : index
    %swap3A_668 = vector.load %arg4[%swap3A_666, %swap3A_667] : memref<1x2048xi32, #tpu.memory_space<vmem>>, vector<1x128xi32>
    tpu.vector_store %arg4[%swap3A_666, %swap3A_667], %convert_element_type3A_665 {strides = array<i32>} : memref<1x2048xi32, #tpu.memory_space<vmem>>, vector<1x128xi32>,
    %reduce_sum3A_669 = arith.constant dense<0.000000e+00> : vector<64xf32>
    %reduce_sum3A_670 = vector.multi_reduction <add>, %slice3A_646, %reduce_sum3A_669 [0] : vector<128x64xf32> to vector<64xf32>
    %broadcast_in_dim3A_671 = vector.shape_cast %reduce_sum3A_670 : vector<64xf32> to vector<1x64xf32>
    %add3A_672 = arith.addf %add3A_645, %broadcast_in_dim3A_671 : vector<1x64xf32>
    %slice3A_673 = vector.extract_strided_slice %convert_element_type3A_55 {offsets = [640, 0], sizes = [128, 64], strides = [1, 1]} : vector<2048x64xf32> to vector<128x64xf32>
    %dot_general3A_674 = arith.constant dense<0.000000e+00> : vector<128x64xf32>
    %dot_general3A_675 = tpu.matmul %convert_element_type3A_103, %slice3A_673, %dot_general3A_674 {dimension_numbers = #tpu.dot_dimension_numbers<[1], [0], [0], [1], [0, 0, 1, 1], [], []>, transpose_lhs_hint = false} : vector<128x128xf32>, vector<128x64xf32>, vector<128x64xf32> -> vector<128x64xf32>
    %add3A_676 = vector.broadcast %add3A_672 : vector<1x64xf32> to vector<128x64xf32>
    %add3A_677 = arith.addf %dot_general3A_675, %add3A_676 : vector<128x64xf32>
    %lt3A_678 = arith.constant 1.280000e+02 : f32
    %lt3A_679 = vector.broadcast %lt3A_678 : f32 to vector<128x64xf32>
    %lt3A_680 = arith.cmpf olt, %add3A_677, %lt3A_679 : vector<128x64xf32>
    %add3A_681 = vector.broadcast %mul3A_90 : vector<1x64xf32> to vector<128x64xf32>
    %add3A_682 = arith.addf %add3A_677, %add3A_681 : vector<128x64xf32>
    %sub3A_683 = arith.constant 1.280000e+02 : f32
    %sub3A_684 = vector.broadcast %sub3A_683 : f32 to vector<128x64xf32>
    %sub3A_685 = arith.subf %add3A_677, %sub3A_684 : vector<128x64xf32>
    %add3A_686 = vector.broadcast %add3A_85 : vector<1x64xf32> to vector<128x64xf32>
    %add3A_687 = arith.addf %sub3A_685, %add3A_686 : vector<128x64xf32>
    %select_n3A_688 = arith.select %lt3A_680, %add3A_682, %add3A_687 : vector<128x64xi1>, vector<128x64xf32>
    %mul3A_689 = arith.mulf %slice3A_673, %select_n3A_688 : vector<128x64xf32>
    %dot_general3A_690 = arith.constant dense<0.000000e+00> : vector<1x128xf32>
    %dot_general3A_691 = tpu.matmul %broadcast_in_dim3A_105, %mul3A_689, %dot_general3A_690 {dimension_numbers = #tpu.dot_dimension_numbers<[1], [1], [0], [0], [0, 0, 1, 0], [], []>, transpose_lhs_hint = false} : vector<1x64xf32>, vector<128x64xf32>, vector<1x128xf32> -> vector<1x128xf32>
    %convert_element_type3A_692 = arith.fptosi %dot_general3A_691 : vector<1x128xf32> to vector<1x128xi32>
    %swap3A_693 = arith.constant 0 : index
    %swap3A_694 = arith.constant 640 : index
    %swap3A_695 = vector.load %arg4[%swap3A_693, %swap3A_694] : memref<1x2048xi32, #tpu.memory_space<vmem>>, vector<1x128xi32>
    tpu.vector_store %arg4[%swap3A_693, %swap3A_694], %convert_element_type3A_692 {strides = array<i32>} : memref<1x2048xi32, #tpu.memory_space<vmem>>, vector<1x128xi32>,
    %reduce_sum3A_696 = arith.constant dense<0.000000e+00> : vector<64xf32>
    %reduce_sum3A_697 = vector.multi_reduction <add>, %slice3A_673, %reduce_sum3A_696 [0] : vector<128x64xf32> to vector<64xf32>
    %broadcast_in_dim3A_698 = vector.shape_cast %reduce_sum3A_697 : vector<64xf32> to vector<1x64xf32>
    %add3A_699 = arith.addf %add3A_672, %broadcast_in_dim3A_698 : vector<1x64xf32>
    %slice3A_700 = vector.extract_strided_slice %convert_element_type3A_55 {offsets = [768, 0], sizes = [128, 64], strides = [1, 1]} : vector<2048x64xf32> to vector<128x64xf32>
    %dot_general3A_701 = arith.constant dense<0.000000e+00> : vector<128x64xf32>
    %dot_general3A_702 = tpu.matmul %convert_element_type3A_103, %slice3A_700, %dot_general3A_701 {dimension_numbers = #tpu.dot_dimension_numbers<[1], [0], [0], [1], [0, 0, 1, 1], [], []>, transpose_lhs_hint = false} : vector<128x128xf32>, vector<128x64xf32>, vector<128x64xf32> -> vector<128x64xf32>
    %add3A_703 = vector.broadcast %add3A_699 : vector<1x64xf32> to vector<128x64xf32>
    %add3A_704 = arith.addf %dot_general3A_702, %add3A_703 : vector<128x64xf32>
    %lt3A_705 = arith.constant 1.280000e+02 : f32
    %lt3A_706 = vector.broadcast %lt3A_705 : f32 to vector<128x64xf32>
    %lt3A_707 = arith.cmpf olt, %add3A_704, %lt3A_706 : vector<128x64xf32>
    %add3A_708 = vector.broadcast %mul3A_90 : vector<1x64xf32> to vector<128x64xf32>
    %add3A_709 = arith.addf %add3A_704, %add3A_708 : vector<128x64xf32>
    %sub3A_710 = arith.constant 1.280000e+02 : f32
    %sub3A_711 = vector.broadcast %sub3A_710 : f32 to vector<128x64xf32>
    %sub3A_712 = arith.subf %add3A_704, %sub3A_711 : vector<128x64xf32>
    %add3A_713 = vector.broadcast %add3A_85 : vector<1x64xf32> to vector<128x64xf32>
    %add3A_714 = arith.addf %sub3A_712, %add3A_713 : vector<128x64xf32>
    %select_n3A_715 = arith.select %lt3A_707, %add3A_709, %add3A_714 : vector<128x64xi1>, vector<128x64xf32>
    %mul3A_716 = arith.mulf %slice3A_700, %select_n3A_715 : vector<128x64xf32>
    %dot_general3A_717 = arith.constant dense<0.000000e+00> : vector<1x128xf32>
    %dot_general3A_718 = tpu.matmul %broadcast_in_dim3A_105, %mul3A_716, %dot_general3A_717 {dimension_numbers = #tpu.dot_dimension_numbers<[1], [1], [0], [0], [0, 0, 1, 0], [], []>, transpose_lhs_hint = false} : vector<1x64xf32>, vector<128x64xf32>, vector<1x128xf32> -> vector<1x128xf32>
    %convert_element_type3A_719 = arith.fptosi %dot_general3A_718 : vector<1x128xf32> to vector<1x128xi32>
    %swap3A_720 = arith.constant 0 : index
    %swap3A_721 = arith.constant 768 : index
    %swap3A_722 = vector.load %arg4[%swap3A_720, %swap3A_721] : memref<1x2048xi32, #tpu.memory_space<vmem>>, vector<1x128xi32>
    tpu.vector_store %arg4[%swap3A_720, %swap3A_721], %convert_element_type3A_719 {strides = array<i32>} : memref<1x2048xi32, #tpu.memory_space<vmem>>, vector<1x128xi32>,
    %reduce_sum3A_723 = arith.constant dense<0.000000e+00> : vector<64xf32>
    %reduce_sum3A_724 = vector.multi_reduction <add>, %slice3A_700, %reduce_sum3A_723 [0] : vector<128x64xf32> to vector<64xf32>
    %broadcast_in_dim3A_725 = vector.shape_cast %reduce_sum3A_724 : vector<64xf32> to vector<1x64xf32>
    %add3A_726 = arith.addf %add3A_699, %broadcast_in_dim3A_725 : vector<1x64xf32>
    %slice3A_727 = vector.extract_strided_slice %convert_element_type3A_55 {offsets = [896, 0], sizes = [128, 64], strides = [1, 1]} : vector<2048x64xf32> to vector<128x64xf32>
    %dot_general3A_728 = arith.constant dense<0.000000e+00> : vector<128x64xf32>
    %dot_general3A_729 = tpu.matmul %convert_element_type3A_103, %slice3A_727, %dot_general3A_728 {dimension_numbers = #tpu.dot_dimension_numbers<[1], [0], [0], [1], [0, 0, 1, 1], [], []>, transpose_lhs_hint = false} : vector<128x128xf32>, vector<128x64xf32>, vector<128x64xf32> -> vector<128x64xf32>
    %add3A_730 = vector.broadcast %add3A_726 : vector<1x64xf32> to vector<128x64xf32>
    %add3A_731 = arith.addf %dot_general3A_729, %add3A_730 : vector<128x64xf32>
    %lt3A_732 = arith.constant 1.280000e+02 : f32
    %lt3A_733 = vector.broadcast %lt3A_732 : f32 to vector<128x64xf32>
    %lt3A_734 = arith.cmpf olt, %add3A_731, %lt3A_733 : vector<128x64xf32>
    %add3A_735 = vector.broadcast %mul3A_90 : vector<1x64xf32> to vector<128x64xf32>
    %add3A_736 = arith.addf %add3A_731, %add3A_735 : vector<128x64xf32>
    %sub3A_737 = arith.constant 1.280000e+02 : f32
    %sub3A_738 = vector.broadcast %sub3A_737 : f32 to vector<128x64xf32>
    %sub3A_739 = arith.subf %add3A_731, %sub3A_738 : vector<128x64xf32>
    %add3A_740 = vector.broadcast %add3A_85 : vector<1x64xf32> to vector<128x64xf32>
    %add3A_741 = arith.addf %sub3A_739, %add3A_740 : vector<128x64xf32>
    %select_n3A_742 = arith.select %lt3A_734, %add3A_736, %add3A_741 : vector<128x64xi1>, vector<128x64xf32>
    %mul3A_743 = arith.mulf %slice3A_727, %select_n3A_742 : vector<128x64xf32>
    %dot_general3A_744 = arith.constant dense<0.000000e+00> : vector<1x128xf32>
    %dot_general3A_745 = tpu.matmul %broadcast_in_dim3A_105, %mul3A_743, %dot_general3A_744 {dimension_numbers = #tpu.dot_dimension_numbers<[1], [1], [0], [0], [0, 0, 1, 0], [], []>, transpose_lhs_hint = false} : vector<1x64xf32>, vector<128x64xf32>, vector<1x128xf32> -> vector<1x128xf32>
    %convert_element_type3A_746 = arith.fptosi %dot_general3A_745 : vector<1x128xf32> to vector<1x128xi32>
    %swap3A_747 = arith.constant 0 : index
    %swap3A_748 = arith.constant 896 : index
    %swap3A_749 = vector.load %arg4[%swap3A_747, %swap3A_748] : memref<1x2048xi32, #tpu.memory_space<vmem>>, vector<1x128xi32>
    tpu.vector_store %arg4[%swap3A_747, %swap3A_748], %convert_element_type3A_746 {strides = array<i32>} : memref<1x2048xi32, #tpu.memory_space<vmem>>, vector<1x128xi32>,
    %reduce_sum3A_750 = arith.constant dense<0.000000e+00> : vector<64xf32>
    %reduce_sum3A_751 = vector.multi_reduction <add>, %slice3A_727, %reduce_sum3A_750 [0] : vector<128x64xf32> to vector<64xf32>
    %broadcast_in_dim3A_752 = vector.shape_cast %reduce_sum3A_751 : vector<64xf32> to vector<1x64xf32>
    %add3A_753 = arith.addf %add3A_726, %broadcast_in_dim3A_752 : vector<1x64xf32>
    %slice3A_754 = vector.extract_strided_slice %convert_element_type3A_55 {offsets = [1024, 0], sizes = [128, 64], strides = [1, 1]} : vector<2048x64xf32> to vector<128x64xf32>
    %dot_general3A_755 = arith.constant dense<0.000000e+00> : vector<128x64xf32>
    %dot_general3A_756 = tpu.matmul %convert_element_type3A_103, %slice3A_754, %dot_general3A_755 {dimension_numbers = #tpu.dot_dimension_numbers<[1], [0], [0], [1], [0, 0, 1, 1], [], []>, transpose_lhs_hint = false} : vector<128x128xf32>, vector<128x64xf32>, vector<128x64xf32> -> vector<128x64xf32>
    %add3A_757 = vector.broadcast %add3A_753 : vector<1x64xf32> to vector<128x64xf32>
    %add3A_758 = arith.addf %dot_general3A_756, %add3A_757 : vector<128x64xf32>
    %lt3A_759 = arith.constant 1.280000e+02 : f32
    %lt3A_760 = vector.broadcast %lt3A_759 : f32 to vector<128x64xf32>
    %lt3A_761 = arith.cmpf olt, %add3A_758, %lt3A_760 : vector<128x64xf32>
    %add3A_762 = vector.broadcast %mul3A_90 : vector<1x64xf32> to vector<128x64xf32>
    %add3A_763 = arith.addf %add3A_758, %add3A_762 : vector<128x64xf32>
    %sub3A_764 = arith.constant 1.280000e+02 : f32
    %sub3A_765 = vector.broadcast %sub3A_764 : f32 to vector<128x64xf32>
    %sub3A_766 = arith.subf %add3A_758, %sub3A_765 : vector<128x64xf32>
    %add3A_767 = vector.broadcast %add3A_85 : vector<1x64xf32> to vector<128x64xf32>
    %add3A_768 = arith.addf %sub3A_766, %add3A_767 : vector<128x64xf32>
    %select_n3A_769 = arith.select %lt3A_761, %add3A_763, %add3A_768 : vector<128x64xi1>, vector<128x64xf32>
    %mul3A_770 = arith.mulf %slice3A_754, %select_n3A_769 : vector<128x64xf32>
    %dot_general3A_771 = arith.constant dense<0.000000e+00> : vector<1x128xf32>
    %dot_general3A_772 = tpu.matmul %broadcast_in_dim3A_105, %mul3A_770, %dot_general3A_771 {dimension_numbers = #tpu.dot_dimension_numbers<[1], [1], [0], [0], [0, 0, 1, 0], [], []>, transpose_lhs_hint = false} : vector<1x64xf32>, vector<128x64xf32>, vector<1x128xf32> -> vector<1x128xf32>
    %convert_element_type3A_773 = arith.fptosi %dot_general3A_772 : vector<1x128xf32> to vector<1x128xi32>
    %swap3A_774 = arith.constant 0 : index
    %swap3A_775 = arith.constant 1024 : index
    %swap3A_776 = vector.load %arg4[%swap3A_774, %swap3A_775] : memref<1x2048xi32, #tpu.memory_space<vmem>>, vector<1x128xi32>
    tpu.vector_store %arg4[%swap3A_774, %swap3A_775], %convert_element_type3A_773 {strides = array<i32>} : memref<1x2048xi32, #tpu.memory_space<vmem>>, vector<1x128xi32>,
    %reduce_sum3A_777 = arith.constant dense<0.000000e+00> : vector<64xf32>
    %reduce_sum3A_778 = vector.multi_reduction <add>, %slice3A_754, %reduce_sum3A_777 [0] : vector<128x64xf32> to vector<64xf32>
    %broadcast_in_dim3A_779 = vector.shape_cast %reduce_sum3A_778 : vector<64xf32> to vector<1x64xf32>
    %add3A_780 = arith.addf %add3A_753, %broadcast_in_dim3A_779 : vector<1x64xf32>
    %slice3A_781 = vector.extract_strided_slice %convert_element_type3A_55 {offsets = [1152, 0], sizes = [128, 64], strides = [1, 1]} : vector<2048x64xf32> to vector<128x64xf32>
    %dot_general3A_782 = arith.constant dense<0.000000e+00> : vector<128x64xf32>
    %dot_general3A_783 = tpu.matmul %convert_element_type3A_103, %slice3A_781, %dot_general3A_782 {dimension_numbers = #tpu.dot_dimension_numbers<[1], [0], [0], [1], [0, 0, 1, 1], [], []>, transpose_lhs_hint = false} : vector<128x128xf32>, vector<128x64xf32>, vector<128x64xf32> -> vector<128x64xf32>
    %add3A_784 = vector.broadcast %add3A_780 : vector<1x64xf32> to vector<128x64xf32>
    %add3A_785 = arith.addf %dot_general3A_783, %add3A_784 : vector<128x64xf32>
    %lt3A_786 = arith.constant 1.280000e+02 : f32
    %lt3A_787 = vector.broadcast %lt3A_786 : f32 to vector<128x64xf32>
    %lt3A_788 = arith.cmpf olt, %add3A_785, %lt3A_787 : vector<128x64xf32>
    %add3A_789 = vector.broadcast %mul3A_90 : vector<1x64xf32> to vector<128x64xf32>
    %add3A_790 = arith.addf %add3A_785, %add3A_789 : vector<128x64xf32>
    %sub3A_791 = arith.constant 1.280000e+02 : f32
    %sub3A_792 = vector.broadcast %sub3A_791 : f32 to vector<128x64xf32>
    %sub3A_793 = arith.subf %add3A_785, %sub3A_792 : vector<128x64xf32>
    %add3A_794 = vector.broadcast %add3A_85 : vector<1x64xf32> to vector<128x64xf32>
    %add3A_795 = arith.addf %sub3A_793, %add3A_794 : vector<128x64xf32>
    %select_n3A_796 = arith.select %lt3A_788, %add3A_790, %add3A_795 : vector<128x64xi1>, vector<128x64xf32>
    %mul3A_797 = arith.mulf %slice3A_781, %select_n3A_796 : vector<128x64xf32>
    %dot_general3A_798 = arith.constant dense<0.000000e+00> : vector<1x128xf32>
    %dot_general3A_799 = tpu.matmul %broadcast_in_dim3A_105, %mul3A_797, %dot_general3A_798 {dimension_numbers = #tpu.dot_dimension_numbers<[1], [1], [0], [0], [0, 0, 1, 0], [], []>, transpose_lhs_hint = false} : vector<1x64xf32>, vector<128x64xf32>, vector<1x128xf32> -> vector<1x128xf32>
    %convert_element_type3A_800 = arith.fptosi %dot_general3A_799 : vector<1x128xf32> to vector<1x128xi32>
    %swap3A_801 = arith.constant 0 : index
    %swap3A_802 = arith.constant 1152 : index
    %swap3A_803 = vector.load %arg4[%swap3A_801, %swap3A_802] : memref<1x2048xi32, #tpu.memory_space<vmem>>, vector<1x128xi32>
    tpu.vector_store %arg4[%swap3A_801, %swap3A_802], %convert_element_type3A_800 {strides = array<i32>} : memref<1x2048xi32, #tpu.memory_space<vmem>>, vector<1x128xi32>,
    %reduce_sum3A_804 = arith.constant dense<0.000000e+00> : vector<64xf32>
    %reduce_sum3A_805 = vector.multi_reduction <add>, %slice3A_781, %reduce_sum3A_804 [0] : vector<128x64xf32> to vector<64xf32>
    %broadcast_in_dim3A_806 = vector.shape_cast %reduce_sum3A_805 : vector<64xf32> to vector<1x64xf32>
    %add3A_807 = arith.addf %add3A_780, %broadcast_in_dim3A_806 : vector<1x64xf32>
    %slice3A_808 = vector.extract_strided_slice %convert_element_type3A_55 {offsets = [1280, 0], sizes = [128, 64], strides = [1, 1]} : vector<2048x64xf32> to vector<128x64xf32>
    %dot_general3A_809 = arith.constant dense<0.000000e+00> : vector<128x64xf32>
    %dot_general3A_810 = tpu.matmul %convert_element_type3A_103, %slice3A_808, %dot_general3A_809 {dimension_numbers = #tpu.dot_dimension_numbers<[1], [0], [0], [1], [0, 0, 1, 1], [], []>, transpose_lhs_hint = false} : vector<128x128xf32>, vector<128x64xf32>, vector<128x64xf32> -> vector<128x64xf32>
    %add3A_811 = vector.broadcast %add3A_807 : vector<1x64xf32> to vector<128x64xf32>
    %add3A_812 = arith.addf %dot_general3A_810, %add3A_811 : vector<128x64xf32>
    %lt3A_813 = arith.constant 1.280000e+02 : f32
    %lt3A_814 = vector.broadcast %lt3A_813 : f32 to vector<128x64xf32>
    %lt3A_815 = arith.cmpf olt, %add3A_812, %lt3A_814 : vector<128x64xf32>
    %add3A_816 = vector.broadcast %mul3A_90 : vector<1x64xf32> to vector<128x64xf32>
    %add3A_817 = arith.addf %add3A_812, %add3A_816 : vector<128x64xf32>
    %sub3A_818 = arith.constant 1.280000e+02 : f32
    %sub3A_819 = vector.broadcast %sub3A_818 : f32 to vector<128x64xf32>
    %sub3A_820 = arith.subf %add3A_812, %sub3A_819 : vector<128x64xf32>
    %add3A_821 = vector.broadcast %add3A_85 : vector<1x64xf32> to vector<128x64xf32>
    %add3A_822 = arith.addf %sub3A_820, %add3A_821 : vector<128x64xf32>
    %select_n3A_823 = arith.select %lt3A_815, %add3A_817, %add3A_822 : vector<128x64xi1>, vector<128x64xf32>
    %mul3A_824 = arith.mulf %slice3A_808, %select_n3A_823 : vector<128x64xf32>
    %dot_general3A_825 = arith.constant dense<0.000000e+00> : vector<1x128xf32>
    %dot_general3A_826 = tpu.matmul %broadcast_in_dim3A_105, %mul3A_824, %dot_general3A_825 {dimension_numbers = #tpu.dot_dimension_numbers<[1], [1], [0], [0], [0, 0, 1, 0], [], []>, transpose_lhs_hint = false} : vector<1x64xf32>, vector<128x64xf32>, vector<1x128xf32> -> vector<1x128xf32>
    %convert_element_type3A_827 = arith.fptosi %dot_general3A_826 : vector<1x128xf32> to vector<1x128xi32>
    %swap3A_828 = arith.constant 0 : index
    %swap3A_829 = arith.constant 1280 : index
    %swap3A_830 = vector.load %arg4[%swap3A_828, %swap3A_829] : memref<1x2048xi32, #tpu.memory_space<vmem>>, vector<1x128xi32>
    tpu.vector_store %arg4[%swap3A_828, %swap3A_829], %convert_element_type3A_827 {strides = array<i32>} : memref<1x2048xi32, #tpu.memory_space<vmem>>, vector<1x128xi32>,
    %reduce_sum3A_831 = arith.constant dense<0.000000e+00> : vector<64xf32>
    %reduce_sum3A_832 = vector.multi_reduction <add>, %slice3A_808, %reduce_sum3A_831 [0] : vector<128x64xf32> to vector<64xf32>
    %broadcast_in_dim3A_833 = vector.shape_cast %reduce_sum3A_832 : vector<64xf32> to vector<1x64xf32>
    %add3A_834 = arith.addf %add3A_807, %broadcast_in_dim3A_833 : vector<1x64xf32>
    %slice3A_835 = vector.extract_strided_slice %convert_element_type3A_55 {offsets = [1408, 0], sizes = [128, 64], strides = [1, 1]} : vector<2048x64xf32> to vector<128x64xf32>
    %dot_general3A_836 = arith.constant dense<0.000000e+00> : vector<128x64xf32>
    %dot_general3A_837 = tpu.matmul %convert_element_type3A_103, %slice3A_835, %dot_general3A_836 {dimension_numbers = #tpu.dot_dimension_numbers<[1], [0], [0], [1], [0, 0, 1, 1], [], []>, transpose_lhs_hint = false} : vector<128x128xf32>, vector<128x64xf32>, vector<128x64xf32> -> vector<128x64xf32>
    %add3A_838 = vector.broadcast %add3A_834 : vector<1x64xf32> to vector<128x64xf32>
    %add3A_839 = arith.addf %dot_general3A_837, %add3A_838 : vector<128x64xf32>
    %lt3A_840 = arith.constant 1.280000e+02 : f32
    %lt3A_841 = vector.broadcast %lt3A_840 : f32 to vector<128x64xf32>
    %lt3A_842 = arith.cmpf olt, %add3A_839, %lt3A_841 : vector<128x64xf32>
    %add3A_843 = vector.broadcast %mul3A_90 : vector<1x64xf32> to vector<128x64xf32>
    %add3A_844 = arith.addf %add3A_839, %add3A_843 : vector<128x64xf32>
    %sub3A_845 = arith.constant 1.280000e+02 : f32
    %sub3A_846 = vector.broadcast %sub3A_845 : f32 to vector<128x64xf32>
    %sub3A_847 = arith.subf %add3A_839, %sub3A_846 : vector<128x64xf32>
    %add3A_848 = vector.broadcast %add3A_85 : vector<1x64xf32> to vector<128x64xf32>
    %add3A_849 = arith.addf %sub3A_847, %add3A_848 : vector<128x64xf32>
    %select_n3A_850 = arith.select %lt3A_842, %add3A_844, %add3A_849 : vector<128x64xi1>, vector<128x64xf32>
    %mul3A_851 = arith.mulf %slice3A_835, %select_n3A_850 : vector<128x64xf32>
    %dot_general3A_852 = arith.constant dense<0.000000e+00> : vector<1x128xf32>
    %dot_general3A_853 = tpu.matmul %broadcast_in_dim3A_105, %mul3A_851, %dot_general3A_852 {dimension_numbers = #tpu.dot_dimension_numbers<[1], [1], [0], [0], [0, 0, 1, 0], [], []>, transpose_lhs_hint = false} : vector<1x64xf32>, vector<128x64xf32>, vector<1x128xf32> -> vector<1x128xf32>
    %convert_element_type3A_854 = arith.fptosi %dot_general3A_853 : vector<1x128xf32> to vector<1x128xi32>
    %swap3A_855 = arith.constant 0 : index
    %swap3A_856 = arith.constant 1408 : index
    %swap3A_857 = vector.load %arg4[%swap3A_855, %swap3A_856] : memref<1x2048xi32, #tpu.memory_space<vmem>>, vector<1x128xi32>
    tpu.vector_store %arg4[%swap3A_855, %swap3A_856], %convert_element_type3A_854 {strides = array<i32>} : memref<1x2048xi32, #tpu.memory_space<vmem>>, vector<1x128xi32>,
    %reduce_sum3A_858 = arith.constant dense<0.000000e+00> : vector<64xf32>
    %reduce_sum3A_859 = vector.multi_reduction <add>, %slice3A_835, %reduce_sum3A_858 [0] : vector<128x64xf32> to vector<64xf32>
    %broadcast_in_dim3A_860 = vector.shape_cast %reduce_sum3A_859 : vector<64xf32> to vector<1x64xf32>
    %add3A_861 = arith.addf %add3A_834, %broadcast_in_dim3A_860 : vector<1x64xf32>
    %slice3A_862 = vector.extract_strided_slice %convert_element_type3A_55 {offsets = [1536, 0], sizes = [128, 64], strides = [1, 1]} : vector<2048x64xf32> to vector<128x64xf32>
    %dot_general3A_863 = arith.constant dense<0.000000e+00> : vector<128x64xf32>
    %dot_general3A_864 = tpu.matmul %convert_element_type3A_103, %slice3A_862, %dot_general3A_863 {dimension_numbers = #tpu.dot_dimension_numbers<[1], [0], [0], [1], [0, 0, 1, 1], [], []>, transpose_lhs_hint = false} : vector<128x128xf32>, vector<128x64xf32>, vector<128x64xf32> -> vector<128x64xf32>
    %add3A_865 = vector.broadcast %add3A_861 : vector<1x64xf32> to vector<128x64xf32>
    %add3A_866 = arith.addf %dot_general3A_864, %add3A_865 : vector<128x64xf32>
    %lt3A_867 = arith.constant 1.280000e+02 : f32
    %lt3A_868 = vector.broadcast %lt3A_867 : f32 to vector<128x64xf32>
    %lt3A_869 = arith.cmpf olt, %add3A_866, %lt3A_868 : vector<128x64xf32>
    %add3A_870 = vector.broadcast %mul3A_90 : vector<1x64xf32> to vector<128x64xf32>
    %add3A_871 = arith.addf %add3A_866, %add3A_870 : vector<128x64xf32>
    %sub3A_872 = arith.constant 1.280000e+02 : f32
    %sub3A_873 = vector.broadcast %sub3A_872 : f32 to vector<128x64xf32>
    %sub3A_874 = arith.subf %add3A_866, %sub3A_873 : vector<128x64xf32>
    %add3A_875 = vector.broadcast %add3A_85 : vector<1x64xf32> to vector<128x64xf32>
    %add3A_876 = arith.addf %sub3A_874, %add3A_875 : vector<128x64xf32>
    %select_n3A_877 = arith.select %lt3A_869, %add3A_871, %add3A_876 : vector<128x64xi1>, vector<128x64xf32>
    %mul3A_878 = arith.mulf %slice3A_862, %select_n3A_877 : vector<128x64xf32>
    %dot_general3A_879 = arith.constant dense<0.000000e+00> : vector<1x128xf32>
    %dot_general3A_880 = tpu.matmul %broadcast_in_dim3A_105, %mul3A_878, %dot_general3A_879 {dimension_numbers = #tpu.dot_dimension_numbers<[1], [1], [0], [0], [0, 0, 1, 0], [], []>, transpose_lhs_hint = false} : vector<1x64xf32>, vector<128x64xf32>, vector<1x128xf32> -> vector<1x128xf32>
    %convert_element_type3A_881 = arith.fptosi %dot_general3A_880 : vector<1x128xf32> to vector<1x128xi32>
    %swap3A_882 = arith.constant 0 : index
    %swap3A_883 = arith.constant 1536 : index
    %swap3A_884 = vector.load %arg4[%swap3A_882, %swap3A_883] : memref<1x2048xi32, #tpu.memory_space<vmem>>, vector<1x128xi32>
    tpu.vector_store %arg4[%swap3A_882, %swap3A_883], %convert_element_type3A_881 {strides = array<i32>} : memref<1x2048xi32, #tpu.memory_space<vmem>>, vector<1x128xi32>,
    %reduce_sum3A_885 = arith.constant dense<0.000000e+00> : vector<64xf32>
    %reduce_sum3A_886 = vector.multi_reduction <add>, %slice3A_862, %reduce_sum3A_885 [0] : vector<128x64xf32> to vector<64xf32>
    %broadcast_in_dim3A_887 = vector.shape_cast %reduce_sum3A_886 : vector<64xf32> to vector<1x64xf32>
    %add3A_888 = arith.addf %add3A_861, %broadcast_in_dim3A_887 : vector<1x64xf32>
    %slice3A_889 = vector.extract_strided_slice %convert_element_type3A_55 {offsets = [1664, 0], sizes = [128, 64], strides = [1, 1]} : vector<2048x64xf32> to vector<128x64xf32>
    %dot_general3A_890 = arith.constant dense<0.000000e+00> : vector<128x64xf32>
    %dot_general3A_891 = tpu.matmul %convert_element_type3A_103, %slice3A_889, %dot_general3A_890 {dimension_numbers = #tpu.dot_dimension_numbers<[1], [0], [0], [1], [0, 0, 1, 1], [], []>, transpose_lhs_hint = false} : vector<128x128xf32>, vector<128x64xf32>, vector<128x64xf32> -> vector<128x64xf32>
    %add3A_892 = vector.broadcast %add3A_888 : vector<1x64xf32> to vector<128x64xf32>
    %add3A_893 = arith.addf %dot_general3A_891, %add3A_892 : vector<128x64xf32>
    %lt3A_894 = arith.constant 1.280000e+02 : f32
    %lt3A_895 = vector.broadcast %lt3A_894 : f32 to vector<128x64xf32>
    %lt3A_896 = arith.cmpf olt, %add3A_893, %lt3A_895 : vector<128x64xf32>
    %add3A_897 = vector.broadcast %mul3A_90 : vector<1x64xf32> to vector<128x64xf32>
    %add3A_898 = arith.addf %add3A_893, %add3A_897 : vector<128x64xf32>
    %sub3A_899 = arith.constant 1.280000e+02 : f32
    %sub3A_900 = vector.broadcast %sub3A_899 : f32 to vector<128x64xf32>
    %sub3A_901 = arith.subf %add3A_893, %sub3A_900 : vector<128x64xf32>
    %add3A_902 = vector.broadcast %add3A_85 : vector<1x64xf32> to vector<128x64xf32>
    %add3A_903 = arith.addf %sub3A_901, %add3A_902 : vector<128x64xf32>
    %select_n3A_904 = arith.select %lt3A_896, %add3A_898, %add3A_903 : vector<128x64xi1>, vector<128x64xf32>
    %mul3A_905 = arith.mulf %slice3A_889, %select_n3A_904 : vector<128x64xf32>
    %dot_general3A_906 = arith.constant dense<0.000000e+00> : vector<1x128xf32>
    %dot_general3A_907 = tpu.matmul %broadcast_in_dim3A_105, %mul3A_905, %dot_general3A_906 {dimension_numbers = #tpu.dot_dimension_numbers<[1], [1], [0], [0], [0, 0, 1, 0], [], []>, transpose_lhs_hint = false} : vector<1x64xf32>, vector<128x64xf32>, vector<1x128xf32> -> vector<1x128xf32>
    %convert_element_type3A_908 = arith.fptosi %dot_general3A_907 : vector<1x128xf32> to vector<1x128xi32>
    %swap3A_909 = arith.constant 0 : index
    %swap3A_910 = arith.constant 1664 : index
    %swap3A_911 = vector.load %arg4[%swap3A_909, %swap3A_910] : memref<1x2048xi32, #tpu.memory_space<vmem>>, vector<1x128xi32>
    tpu.vector_store %arg4[%swap3A_909, %swap3A_910], %convert_element_type3A_908 {strides = array<i32>} : memref<1x2048xi32, #tpu.memory_space<vmem>>, vector<1x128xi32>,
    %reduce_sum3A_912 = arith.constant dense<0.000000e+00> : vector<64xf32>
    %reduce_sum3A_913 = vector.multi_reduction <add>, %slice3A_889, %reduce_sum3A_912 [0] : vector<128x64xf32> to vector<64xf32>
    %broadcast_in_dim3A_914 = vector.shape_cast %reduce_sum3A_913 : vector<64xf32> to vector<1x64xf32>
    %add3A_915 = arith.addf %add3A_888, %broadcast_in_dim3A_914 : vector<1x64xf32>
    %slice3A_916 = vector.extract_strided_slice %convert_element_type3A_55 {offsets = [1792, 0], sizes = [128, 64], strides = [1, 1]} : vector<2048x64xf32> to vector<128x64xf32>
    %dot_general3A_917 = arith.constant dense<0.000000e+00> : vector<128x64xf32>
    %dot_general3A_918 = tpu.matmul %convert_element_type3A_103, %slice3A_916, %dot_general3A_917 {dimension_numbers = #tpu.dot_dimension_numbers<[1], [0], [0], [1], [0, 0, 1, 1], [], []>, transpose_lhs_hint = false} : vector<128x128xf32>, vector<128x64xf32>, vector<128x64xf32> -> vector<128x64xf32>
    %add3A_919 = vector.broadcast %add3A_915 : vector<1x64xf32> to vector<128x64xf32>
    %add3A_920 = arith.addf %dot_general3A_918, %add3A_919 : vector<128x64xf32>
    %lt3A_921 = arith.constant 1.280000e+02 : f32
    %lt3A_922 = vector.broadcast %lt3A_921 : f32 to vector<128x64xf32>
    %lt3A_923 = arith.cmpf olt, %add3A_920, %lt3A_922 : vector<128x64xf32>
    %add3A_924 = vector.broadcast %mul3A_90 : vector<1x64xf32> to vector<128x64xf32>
    %add3A_925 = arith.addf %add3A_920, %add3A_924 : vector<128x64xf32>
    %sub3A_926 = arith.constant 1.280000e+02 : f32
    %sub3A_927 = vector.broadcast %sub3A_926 : f32 to vector<128x64xf32>
    %sub3A_928 = arith.subf %add3A_920, %sub3A_927 : vector<128x64xf32>
    %add3A_929 = vector.broadcast %add3A_85 : vector<1x64xf32> to vector<128x64xf32>
    %add3A_930 = arith.addf %sub3A_928, %add3A_929 : vector<128x64xf32>
    %select_n3A_931 = arith.select %lt3A_923, %add3A_925, %add3A_930 : vector<128x64xi1>, vector<128x64xf32>
    %mul3A_932 = arith.mulf %slice3A_916, %select_n3A_931 : vector<128x64xf32>
    %dot_general3A_933 = arith.constant dense<0.000000e+00> : vector<1x128xf32>
    %dot_general3A_934 = tpu.matmul %broadcast_in_dim3A_105, %mul3A_932, %dot_general3A_933 {dimension_numbers = #tpu.dot_dimension_numbers<[1], [1], [0], [0], [0, 0, 1, 0], [], []>, transpose_lhs_hint = false} : vector<1x64xf32>, vector<128x64xf32>, vector<1x128xf32> -> vector<1x128xf32>
    %convert_element_type3A_935 = arith.fptosi %dot_general3A_934 : vector<1x128xf32> to vector<1x128xi32>
    %swap3A_936 = arith.constant 0 : index
    %swap3A_937 = arith.constant 1792 : index
    %swap3A_938 = vector.load %arg4[%swap3A_936, %swap3A_937] : memref<1x2048xi32, #tpu.memory_space<vmem>>, vector<1x128xi32>
    tpu.vector_store %arg4[%swap3A_936, %swap3A_937], %convert_element_type3A_935 {strides = array<i32>} : memref<1x2048xi32, #tpu.memory_space<vmem>>, vector<1x128xi32>,
    %reduce_sum3A_939 = arith.constant dense<0.000000e+00> : vector<64xf32>
    %reduce_sum3A_940 = vector.multi_reduction <add>, %slice3A_916, %reduce_sum3A_939 [0] : vector<128x64xf32> to vector<64xf32>
    %broadcast_in_dim3A_941 = vector.shape_cast %reduce_sum3A_940 : vector<64xf32> to vector<1x64xf32>
    %add3A_942 = arith.addf %add3A_915, %broadcast_in_dim3A_941 : vector<1x64xf32>
    %slice3A_943 = vector.extract_strided_slice %convert_element_type3A_55 {offsets = [1920, 0], sizes = [128, 64], strides = [1, 1]} : vector<2048x64xf32> to vector<128x64xf32>
    %dot_general3A_944 = arith.constant dense<0.000000e+00> : vector<128x64xf32>
    %dot_general3A_945 = tpu.matmul %convert_element_type3A_103, %slice3A_943, %dot_general3A_944 {dimension_numbers = #tpu.dot_dimension_numbers<[1], [0], [0], [1], [0, 0, 1, 1], [], []>, transpose_lhs_hint = false} : vector<128x128xf32>, vector<128x64xf32>, vector<128x64xf32> -> vector<128x64xf32>
    %add3A_946 = vector.broadcast %add3A_942 : vector<1x64xf32> to vector<128x64xf32>
    %add3A_947 = arith.addf %dot_general3A_945, %add3A_946 : vector<128x64xf32>
    %lt3A_948 = arith.constant 1.280000e+02 : f32
    %lt3A_949 = vector.broadcast %lt3A_948 : f32 to vector<128x64xf32>
    %lt3A_950 = arith.cmpf olt, %add3A_947, %lt3A_949 : vector<128x64xf32>
    %add3A_951 = vector.broadcast %mul3A_90 : vector<1x64xf32> to vector<128x64xf32>
    %add3A_952 = arith.addf %add3A_947, %add3A_951 : vector<128x64xf32>
    %sub3A_953 = arith.constant 1.280000e+02 : f32
    %sub3A_954 = vector.broadcast %sub3A_953 : f32 to vector<128x64xf32>
    %sub3A_955 = arith.subf %add3A_947, %sub3A_954 : vector<128x64xf32>
    %add3A_956 = vector.broadcast %add3A_85 : vector<1x64xf32> to vector<128x64xf32>
    %add3A_957 = arith.addf %sub3A_955, %add3A_956 : vector<128x64xf32>
    %select_n3A_958 = arith.select %lt3A_950, %add3A_952, %add3A_957 : vector<128x64xi1>, vector<128x64xf32>
    %mul3A_959 = arith.mulf %slice3A_943, %select_n3A_958 : vector<128x64xf32>
    %dot_general3A_960 = arith.constant dense<0.000000e+00> : vector<1x128xf32>
    %dot_general3A_961 = tpu.matmul %broadcast_in_dim3A_105, %mul3A_959, %dot_general3A_960 {dimension_numbers = #tpu.dot_dimension_numbers<[1], [1], [0], [0], [0, 0, 1, 0], [], []>, transpose_lhs_hint = false} : vector<1x64xf32>, vector<128x64xf32>, vector<1x128xf32> -> vector<1x128xf32>
    %convert_element_type3A_962 = arith.fptosi %dot_general3A_961 : vector<1x128xf32> to vector<1x128xi32>
    %swap3A_963 = arith.constant 0 : index
    %swap3A_964 = arith.constant 1920 : index
    %swap3A_965 = vector.load %arg4[%swap3A_963, %swap3A_964] : memref<1x2048xi32, #tpu.memory_space<vmem>>, vector<1x128xi32>
    tpu.vector_store %arg4[%swap3A_963, %swap3A_964], %convert_element_type3A_962 {strides = array<i32>} : memref<1x2048xi32, #tpu.memory_space<vmem>>, vector<1x128xi32>,
    return
  }
}

</mosaic_0001>

<sc_bundles>
// kernel: kernel.10.cloned.1.call-start
scs
__scs_entry_jumppad:
0x0: {  	(pc) =	sbr.rel $0x88, $3  }
0x1: {  	(tag) =	ssettag $0x0;
	lr =	simm.s32 $0x1  }
0x2: {  	[smem:$0x3F9C] =	sst lr;
	_ =	strace $0xD0000000  }
0x3: {  	_ = 	snop  }
0x4: {  	_ = 	snop  }
0x5: {  	_ = 	snop  }
0x6: {  	_ = 	snop  }
0x7: {  	_ = 	snop  }
__scs_overlays_trampoline_lowered:
0x8: {  	[smem:$0x3FAB] =	sst s0  }
0x9: {  	[smem:$0x3FAC] =	sst s1  }
0xa: {  	[smem:$0x3FAD] =	sst s2  }
0xb: {  	[smem:$0x3FAE] =	sst s3  }
0xc: {  	[smem:$0x3FAF] =	sst s4  }
0xd: {  	[smem:$0x3FB0] =	sst s5  }
0xe: {  	[smem:$0x3FB1] =	sst s6  }
0xf: {  	[smem:$0x3FB2] =	sst s7  }
0x10: {  	[smem:$0x3FB3] =	sst s8  }
0x11: {  	[smem:$0x3FB4] =	sst s9;
	s0 =	simm.s32 @!p0 $0x0  }
0x12: {  	s1 =	sld [smem:$0x3F9A];
	s0 =	simm.s32 @p0 $0x1  }
0x13: {  	[smem:$0x3FB5] =	sst s0;
	s0 =	simm.s32 @!p1 $0x0  }
0x14: {  	s2 =	sld [smem:$0x3F99];
	s0 =	simm.s32 @p1 $0x1  }
0x15: {  	[smem:$0x3FB6] =	sst s0;
	s0 =	simm.s32 @!p2 $0x0  }
0x16: {  	s3 =	sld [smem:$0x3FDB];
	s0 =	simm.s32 @p2 $0x1  }
0x17: {  	s4 =	simm.s32 $0x1BF5;
	[smem:$0x3FB8] =	sst s0  }
0x18: {  	s0 =	sld [smem:$0x3F9B];
	_ =	swait.ge [sflag:s4], $0x0  }
0x19: {  	s7 =	sld [smem:$0x3F9C]  }
0x1a: {  	s8 =	sadd.s32 $0xFFFFE003, lr  }
0x1b: {  	s9 =	sadd.s32 $0xFFFFFEF7, lr;
	s5 =	simm.s32 $0xFFFFFFFF;
	p2 =	slt.u32 s8, $0xFFFFF086  }
0x1c: {  	p1 =	slt.u32 s9, $0xF7A;
	s5 =	simm.s32 @!p2 $0x0  }
0x1d: {  	s5 =	simm.s32 @p1 $0x1;
	p0 =	seq.s32 s7, s2  }
0x1e: {  	s7 =	smul.u32 @!p0 $0xF7A, s2;
	p2 =	seq.s32 @!p0 s5, $0x0  }
0x1f: {  	s9 =	smul.u32 $0xF7A, s1;
	s8 =	simm.s32 @!p0 $0x1BF5;
	p2 =	por !p2, p0  }
0x20: {  	[sflag:s8] =	ssyncset.s32 @!p0 $0xFFFFF086;
	s6 =	sadd.s32 @!p0 s3, s7;
	s7 =	simm.s32 @!p0 $0x108  }
0x21: {  	s3 =	sadd.s32 s3, s9;
	s6 =	sadd.s32 @!p0 $0x88, s6;
	s7 =	simm.s32 @p2 $0x1082  }
0x22: {  	[simem:s7], [sflag:s8] =	dma.local @!p0 [hbm:s6], $0xF7A  }
0x23: {  	s9 =	sor.u32 $0xD0000000, s2;
	s6 =	simm.s32 $0x108;
	_ =	swait.ge @!p0 [sflag:s8], $0x0  }
0x24: {  	s3 =	sadd.s32 $0x88, s3;
	s6 =	simm.s32 @!p1 $0x1082;
	[sflag:s4] =	ssyncset.s32 $0xFFFFF086  }
0x25: {  	[simem:s6], [sflag:s4] =	dma.local [hbm:s3], $0xF7A  }
0x26: {  	[smem:$0x3F9C] =	sst s1;
	(tag) =	ssettag s2;
	_ =	strace s9  }
0x27: {  	s1 =	sld [smem:$0x3FAC]  }
0x28: {  	s2 =	sld [smem:$0x3FAD]  }
0x29: {  	s4 =	sld [smem:$0x3FAF]  }
0x2a: {  	p0 =	seq.s32 s5, $0x0;
	s5 =	sld [smem:$0x3FB0]  }
0x2b: {  	s6 =	sld [smem:$0x3FB1]  }
0x2c: {  	s7 =	sld [smem:$0x3FB2]  }
0x2d: {  	s3 =	simm.s32 $0x108;
	s8 =	sld [smem:$0x3FB3]  }
0x2e: {  	s3 =	simm.s32 @!p0 $0x1082;
	s9 =	sld [smem:$0x3FB4]  }
0x2f: {  	lr =	sadd.s32 s0, s3;
	s0 =	sld [smem:$0x3FAB]  }
0x30: {  	s3 =	sld [smem:$0x3FAE]  }
0x31: {  	[smem:$0x3FB7] =	sst s10  }
0x32: {  	s10 =	sld [smem:$0x3FB5];
	_ =	sdelay $0x3  }
0x33: {  	p0 =	seq.s32 s10, $0x1;
	s10 =	sld [smem:$0x3FB7];
	_ =	sdelay $0x3  }
0x34: {  	[smem:$0x3FB7] =	sst s10  }
0x35: {  	s10 =	sld [smem:$0x3FB6];
	_ =	sdelay $0x3  }
0x36: {  	p1 =	seq.s32 s10, $0x1;
	s10 =	sld [smem:$0x3FB7];
	_ =	sdelay $0x3  }
0x37: {  	[smem:$0x3FB7] =	sst s10  }
0x38: {  	s10 =	sld [smem:$0x3FB8]  }
0x39: {  	_ = 	snop;
	(pc) =	sbr.ind lr, $3  }
0x3a: {  	_ = 	snop  }
0x3b: {  	_ = 	snop  }
0x3c: {  	p2 =	seq.s32 s10, $0x1;
	s10 =	sld [smem:$0x3FB7]  }
0x3d: {  	_ =	shalt  }
0x3e: {  	_ =	shalt  }
0x3f: {  	_ =	shalt  }
0x40: {  	_ =	shalt  }
0x41: {  	_ =	shalt  }
0x42: {  	_ =	shalt  }
0x43: {  	_ =	shalt  }
0x44: {  	_ =	shalt  }
0x45: {  	_ =	shalt  }
0x46: {  	_ =	shalt  }
0x47: {  	_ =	shalt  }
0x48: {  	_ =	shalt  }
0x49: {  	_ =	shalt  }
0x4a: {  	_ =	shalt  }
0x4b: {  	_ =	shalt  }
0x4c: {  	_ =	shalt  }
0x4d: {  	_ =	shalt  }
0x4e: {  	_ =	shalt  }
0x4f: {  	_ =	shalt  }
0x50: {  	_ =	shalt  }
0x51: {  	_ =	shalt  }
0x52: {  	_ =	shalt  }
0x53: {  	_ =	shalt  }
0x54: {  	_ =	shalt  }
0x55: {  	_ =	shalt  }
0x56: {  	_ =	shalt  }
0x57: {  	_ =	shalt  }
0x58: {  	_ =	shalt  }
0x59: {  	_ =	shalt  }
0x5a: {  	_ =	shalt  }
0x5b: {  	_ =	shalt  }
0x5c: {  	_ =	shalt  }
0x5d: {  	_ =	shalt  }
0x5e: {  	_ =	shalt  }
0x5f: {  	_ =	shalt  }
0x60: {  	_ =	shalt  }
0x61: {  	_ =	shalt  }
0x62: {  	_ =	shalt  }
0x63: {  	_ =	shalt  }
0x64: {  	_ =	shalt  }
0x65: {  	_ =	shalt  }
0x66: {  	_ =	shalt  }
0x67: {  	_ =	shalt  }
0x68: {  	_ =	shalt  }
0x69: {  	_ =	shalt  }
0x6a: {  	_ =	shalt  }
0x6b: {  	_ =	shalt  }
0x6c: {  	_ =	shalt  }
0x6d: {  	_ =	shalt  }
0x6e: {  	_ =	shalt  }
0x6f: {  	_ =	shalt  }
0x70: {  	_ =	shalt  }
0x71: {  	_ =	shalt  }
0x72: {  	_ =	shalt  }
0x73: {  	_ =	shalt  }
0x74: {  	_ =	shalt  }
0x75: {  	_ =	shalt  }
0x76: {  	_ =	shalt  }
0x77: {  	_ =	shalt  }
0x78: {  	_ =	shalt  }
0x79: {  	_ =	shalt  }
0x7a: {  	_ =	shalt  }
0x7b: {  	_ =	shalt  }
0x7c: {  	_ =	shalt  }
0x7d: {  	_ =	shalt  }
0x7e: {  	_ =	shalt  }
0x7f: {  	_ =	shalt  }
0x80: {  	_ =	shalt  }
0x81: {  	_ =	shalt  }
0x82: {  	_ =	shalt  }
0x83: {  	_ =	shalt  }
0x84: {  	_ =	shalt  }
0x85: {  	_ =	shalt  }
0x86: {  	_ =	shalt  }
0x87: {  	_ =	shalt  }
.Lfunc_end0:
.L_simem_size_0:
called_computation.1_lowered:
.L_overlay_start_0:
0x88: {  	s2 =	sld [smem:$0x3FD9]  }
0x89: {  	s3 =	sld [smem:$0x3FFE];
	_ =	sdelay $0x1  }
0x8a: {  	s1 =	srdreg.scid  }
0x8b: {  	s0 =	sand.u32 $0x1, s1  }
0x8c: {  	s14 =	sshll.u32 s0, $0xA;
	s2 =	sadd.s32 s3, s2  }
0x8d: {  	s2 =	sadd.s32 s2, s14  }
0x8e: {  	[smem:$0x3FC3] =	sst s2  }
0x8f: {  	_ = 	snop  }
0x90: {  	s2 =	sld [smem:$0x3FD0];
	_ =	sdelay $0x2  }
0x91: {  	s15 =	simm.s32 $0xA;
	s4 =	simm.s32 $0x10  }
0x92: {  	[smem:s4], [sflag:s15] =	dma.local [hbm:s2], $0x1  }
0x93: {  	_ =	swait.eq [sflag:s15], $0x1  }
0x94: {  	[sflag:s15] =	ssyncset.done $0x0  }
0x95: {  	[sflag:s15] =	ssyncadd.s32 $0xFFFFFFFF  }
0x96: {  	s16 =	sld [smem:$0x10];
	(tm) =	ssettm $0x1  }
0x97: {  	s17 =	sld [smem:$0x3FFB];
	_ =	sdelay $0x3  }
0x98: {  	_ =	strace s17  }
0x99: {  	s3 =	sld [smem:$0x3FFC];
	_ =	sdelay $0x3  }
0x9a: {  	_ =	strace s3  }
0x9b: {  	s3 =	sld [smem:$0x3FFD];
	_ =	sdelay $0x3  }
0x9c: {  	_ =	strace s3  }
0x9d: {  	_ =	strace $0x8FFFFFFF  }
0x9e: {  	s18 =	sld [smem:$0x3FDB];
	_ =	sdelay $0x1  }
0x9f: {  	s19 =	simm.s32 $_scs_section_size  }
0xa0: {  	s5 =	simm.s32 $_size__tile_overlayer_lowered;
	s6 =	simm.s32 $_tile_overlayer_lowered  }
0xa1: {  	s22 =	simm.s32 $0x1BFF;
	s21 =	sshll.u32 s6, $0x1;
	s3 =	sadd.s32 s19, s18  }
0xa2: {  	s7 =	simm.s32 $0x0;
	s20 =	sshll.u32 s5, $0x1;
	s5 =	sadd.s32 s21, s3  }
0xa3: {  	[timem:s7], [sflag:s22] =	dma.local [hbm:s5], s20  }
0xa4: {  	_ =	swait.ge [sflag:s22], s20  }
0xa5: {  	s4 =	ssub.s32 $0x0, s20;
	[sflag:s22] =	ssyncset.done $0x0  }
0xa6: {  	[sflag:s22] =	ssyncadd.s32 s4;
	_ =	sdelay $0x1  }
0xa7: {  	s23 =	simm.s32 $0x1B8B  }
0xa8: {  	_ =	swait.ge [sflag:s23], $0x1  }
0xa9: {  	[sflag:s23] =	ssyncset.done $0x0  }
0xaa: {  	s25 =	simm.s32 $0x1B8E;
	s24 =	sld [smem:$0x3FFE];
	[sflag:s23] =	ssyncadd.s32 $0xFFFFFFFF  }
0xab: {  	s26 =	simm.s32 $execute0_lowered;
	[smem:$0x3FD2] =	sst s25  }
0xac: {  	s5 =	sshll.u32 s26, $0x1;
	_ =	strace $0x80000049;
	[dreg:$0x1] =	wrdreg $0xFFFFFFFF  }
0xad: {  	s28 =	simm.s32 $_size_execute0_lowered;
	s3 =	sadd.s32 s3, s5;
	[dreg:$0x0] =	wrdreg $0x0  }
0xae: {  	s5 =	sshll.u32 s28, $0x1;
	[dreg:$0x2] =	wrdreg s3  }
0xaf: {  	[dreg:$0x3] =	wrdreg s5  }
0xb0: {  	[dreg:$0x4] =	wrdreg $0xC0  }
0xb1: {  	_ =	task [dreg:s7], $0x5FFFF  }
0xb2: {  	[dreg:$0x1] =	wrdreg $0xFFFFFFFF  }
0xb3: {  	[dreg:$0x0] =	wrdreg $0x60  }
0xb4: {  	[dreg:$0x2] =	wrdreg s24  }
0xb5: {  	[dreg:$0x3] =	wrdreg s16  }
0xb6: {  	[dreg:$0x4] =	wrdreg $0x9  }
0xb7: {  	_ =	task.clear_ibuf [dreg:s7], $0x5FFFF;
	_ =	strace $0x90000049  }
0xb8: {  	s29 =	simm.s32 $0x9;
	_ =	strace $0x8000004B  }
0xb9: {  	_ =	swait.ge [sflag:s29], $0x1  }
0xba: {  	[sflag:s29] =	ssyncadd.s32 $0xFFFFFFFF  }
0xbb: {  	_ =	strace $0x9000004B  }
0xbc: {  	_ =	sfence  }
0xbd: {  	s30 =	sld [smem:$0x0];
	_ =	sdelay $0x2  }
0xbe: {  	s31 =	sshll.u32 s1, $0xD;
	s1 =	sshrl.u32 s1, $0x2  }
0xbf: {  	s3 =	sand.u32 $0x4000, s31;
	s1 =	sadd.s32 s1, s30  }
0xc0: {  	s0 =	sor.u32 s3, s0;
	s1 =	sshll.u32 s1, $0x11  }
0xc1: {  	s0 =	sor.u32 s1, s0  }
0xc2: {  	s0 =	sadd.s32 $0x8F2B, s0  }
0xc3: {  	[sflag:s0] =	ssyncadd.remote.s32 $0x1  }
0xc4: {  	_ =	sfence.sel $0xFFFF  }
0xc5: {  	[dreg:$0x0] =	wrdreg $0xFFFFFFFF;
	(pc) =	sbr.abs _section_cstart, $3  }
0xc6: {  	[dreg:$0x1] =	wrdreg $0xFFFFFFFF  }
0xc7: {  	_ =	task.clear_ibuf [dreg:s7], $0x2FFFF;
	_ =	strace $0x9FFFFFFF  }
0xc8: {  	(tm) =	ssettm $0x7FFFFFFF  }
0xc9: {  	_ =	shalt  }
tec
execute0_lowered:
.L_overlay_start_1:
0x0: {  	(tag) =	ssettag $0x1  }
0x1: {  	s0 =	rddreg [dreg:$0x0]  }
0x2: {  	s1 =	rddreg [dreg:$0x1];
	s3 =	srdreg.scid  }
0x3: {  	s2 =	simm.s32 $0x0;
	s5 =	stileid.u32;
	s13 =	simm.s32 $0x2  }
0x4: {  	s12 =	simm.s32 $0x13800;
	s14 =	simm.s32 $0x14000;
	s15 =	simm.s32 $0x14800  }
0x5: {  	s16 =	simm.s32 $0x15000;
	s17 =	simm.s32 $0x15800;
	s18 =	simm.s32 $0x16000  }
0x6: {  	s19 =	simm.s32 $0x16800;
	s20 =	simm.s32 $0x17000;
	s21 =	simm.s32 $0x17800  }
0x7: {  	s22 =	simm.s32 $0x1;
	s23 =	simm.s32 $0x0;
	s4 =	sand.u32 $0x1, s3  }
0x8: {  	[smem:$0x7FF] =	sst s2;
	s30 =	sshll.u32 s5, $0x7;
	s31 =	sshll.u32 s4, $0x6  }
0x9: {  	s3 =	sadd.s32 $0x142E00, s0;
	s4 =	ssub.s32 $0x2, s4;
	s5 =	sor.u32 s31, s30  }
0xa: {  	_ =	strace $0x8000004A;
	s8 =	sshrl.u32 s4, $0x1;
	s7 =	sshrl.u32 s5, $0x3  }
0xb: {  	s5 =	sshll.u32 s5, $0x4;
	s11 =	ssub.s32 s4, s8;
	s8 =	sadd.s32 $0x142F00, s0  }
0xc: {  	s6 =	sadd.s32 s7, s0;
	s9 =	sadd.s32 s5, s0;
	s10 =	smul.u32 $0x300, s7  }
0xd: {  	v2 =	vlaneseq.u32;
	s11 =	smax.u32 s11, $0x1;
	s4 =	sadd.s32 $0x1A00, s6;
	s5 =	sadd.s32 $0x1C00, s6  }
0xe: {  	vm0 =	vmmov $0xffff;
	v1 =	vshrl.u32 v2, $0x3;
	s6 =	sadd.s32 $0x1E00, s9;
	s7 =	sadd.s32 $0x9E00, s9;
	s9 =	sadd.s32 $0x143000, s0  }
0xf: {  	v0 =	vand.u32 $0x7, v2;
	v2 =	vor.u32 $0x8, v2;
	v1 =	vmul.u32 $0x8, v1;
	s0 =	simm.s32 $0x12800;
	s10 =	sadd.s32 s1, s10;
	s1 =	simm.s32 $0x13000  }
.LBB2_1:
0x10: {  	s24 =	simm.s32 $0x18000  }
0x11: {  	[tilespmem:s24], [sflag:$0x2] =	stream.linear.gather [hbm4b:s4+s2], $0x40, $0x38;
	[tilespmem:$0x1C100] =	vst v63  }
0x12: {  	_ =	swait.ge [sflag:s13], $0x40  }
0x13: {  	[sflag:s13] =	ssyncset.done $0x0  }
0x14: {  	s30 =	simm.s32 $0x18080;
	[sflag:s13] =	ssyncadd.s32 $0xFFFFFFC0  }
0x15: {  	[tilespmem:s30], [sflag:$0x2] =	stream.linear.gather [hbm4b:s5+s2], $0x40, $0x38;
	[tilespmem:$0x1C100] =	vst v63  }
0x16: {  	_ =	swait.ge [sflag:s13], $0x40  }
0x17: {  	[sflag:s13] =	ssyncset.done $0x0  }
0x18: {  	s24 =	simm.s32 $0x18100;
	[sflag:s13] =	ssyncadd.s32 $0xFFFFFFC0  }
0x19: {  	[tilespmem:s24], [sflag:$0x2] =	stream.linear.gather [hbm4b:s6+s2], $0x2000, $0x38;
	[tilespmem:$0x1C100] =	vst v63  }
0x1a: {  	_ =	swait.ge [sflag:s13], $0x2000  }
0x1b: {  	[sflag:s13] =	ssyncset.done $0x0  }
0x1c: {  	s25 =	simm.s32 $0x1A100;
	[sflag:s13] =	ssyncadd.s32 $0xFFFFE000  }
0x1d: {  	[tilespmem:s25], [sflag:$0x2] =	stream.linear.gather [hbm4b:s7+s2], $0x2000, $0x38;
	[tilespmem:$0x1C100] =	vst v63  }
0x1e: {  	_ =	swait.ge [sflag:s13], $0x2000  }
0x1f: {  	[sflag:s13] =	ssyncset.done $0x0  }
0x20: {  	[sflag:s13] =	ssyncadd.s32 $0xFFFFE000  }
0x21: {  	v3 =	vld [tilespmem:$0x18000];
	_ =	sdelay $0x4  }
0x22: {  	v4 =	vshrl.u32 v3, $0x3  }
0x23: {  	v4 =	vmul.u32 $0x30, v4  }
0x24: {  	v3 =	vand.u32 $0x7, v3  }
0x25: {  	v3 =	vor.u32 v3, v4  }
0x26: {  	v4 =	vperm.xlane v3, v0;
	_ =	sdelay $0x1  }
0x27: {  	v4 =	vadd.s32 v1, v4;
	_ =	sdelay $0x3  }
0x28: {  	v3 =	vperm.xlane v3, v2  }
0x29: {  	[tilespmem:s2], [sflag:$0x1] =	stream.indirect_vreg.gather [hbm4b:s3+s2], $0x80, v4, vm0, $0xb8;
	[tilespmem:$0x1C100] =	vst v63  }
0x2a: {  	s26 =	simm.s32 $0x800;
	v3 =	vadd.s32 v1, v3  }
0x2b: {  	[tilespmem:s26], [sflag:$0x1] =	stream.indirect_vreg.gather [hbm4b:s8+s2], $0x80, v4, vm0, $0xb8;
	[tilespmem:$0x1C100] =	vst v63  }
0x2c: {  	s31 =	simm.s32 $0x1000  }
0x2d: {  	[tilespmem:s31], [sflag:$0x1] =	stream.indirect_vreg.gather [hbm4b:s9+s2], $0x80, v4, vm0, $0xb8;
	[tilespmem:$0x1C100] =	vst v63  }
0x2e: {  	s30 =	simm.s32 $0x1800  }
0x2f: {  	[tilespmem:s30], [sflag:$0x1] =	stream.indirect_vreg.gather [hbm4b:s3+s2], $0x80, v3, vm0, $0xb8;
	[tilespmem:$0x1C100] =	vst v63  }
0x30: {  	s31 =	simm.s32 $0x2000  }
0x31: {  	[tilespmem:s31], [sflag:$0x1] =	stream.indirect_vreg.gather [hbm4b:s8+s2], $0x80, v3, vm0, $0xb8;
	[tilespmem:$0x1C100] =	vst v63  }
0x32: {  	s30 =	simm.s32 $0x2800  }
0x33: {  	[tilespmem:s30], [sflag:$0x1] =	stream.indirect_vreg.gather [hbm4b:s9+s2], $0x80, v3, vm0, $0xb8;
	[tilespmem:$0x1C100] =	vst v63  }
0x34: {  	v3 =	vld [tilespmem:$0x18010];
	_ =	sdelay $0x4  }
0x35: {  	v4 =	vshrl.u32 v3, $0x3  }
0x36: {  	v4 =	vmul.u32 $0x30, v4  }
0x37: {  	v3 =	vand.u32 $0x7, v3  }
0x38: {  	v3 =	vor.u32 v3, v4  }
0x39: {  	v4 =	vperm.xlane v3, v0;
	_ =	sdelay $0x1  }
0x3a: {  	v4 =	vadd.s32 v1, v4;
	_ =	sdelay $0x3  }
0x3b: {  	s31 =	simm.s32 $0x3000;
	v3 =	vperm.xlane v3, v2  }
0x3c: {  	[tilespmem:s31], [sflag:$0x1] =	stream.indirect_vreg.gather [hbm4b:s3+s2], $0x80, v4, vm0, $0xb8;
	[tilespmem:$0x1C100] =	vst v63  }
0x3d: {  	s30 =	simm.s32 $0x3800;
	v3 =	vadd.s32 v1, v3  }
0x3e: {  	[tilespmem:s30], [sflag:$0x1] =	stream.indirect_vreg.gather [hbm4b:s8+s2], $0x80, v4, vm0, $0xb8;
	[tilespmem:$0x1C100] =	vst v63  }
0x3f: {  	s31 =	simm.s32 $0x4000  }
0x40: {  	[tilespmem:s31], [sflag:$0x1] =	stream.indirect_vreg.gather [hbm4b:s9+s2], $0x80, v4, vm0, $0xb8;
	[tilespmem:$0x1C100] =	vst v63  }
0x41: {  	s30 =	simm.s32 $0x4800  }
0x42: {  	[tilespmem:s30], [sflag:$0x1] =	stream.indirect_vreg.gather [hbm4b:s3+s2], $0x80, v3, vm0, $0xb8;
	[tilespmem:$0x1C100] =	vst v63  }
0x43: {  	s31 =	simm.s32 $0x5000  }
0x44: {  	[tilespmem:s31], [sflag:$0x1] =	stream.indirect_vreg.gather [hbm4b:s8+s2], $0x80, v3, vm0, $0xb8;
	[tilespmem:$0x1C100] =	vst v63  }
0x45: {  	s30 =	simm.s32 $0x5800  }
0x46: {  	[tilespmem:s30], [sflag:$0x1] =	stream.indirect_vreg.gather [hbm4b:s9+s2], $0x80, v3, vm0, $0xb8;
	[tilespmem:$0x1C100] =	vst v63  }
0x47: {  	v3 =	vld [tilespmem:$0x18020];
	_ =	sdelay $0x4  }
0x48: {  	v4 =	vshrl.u32 v3, $0x3  }
0x49: {  	v4 =	vmul.u32 $0x30, v4  }
0x4a: {  	v3 =	vand.u32 $0x7, v3  }
0x4b: {  	v3 =	vor.u32 v3, v4  }
0x4c: {  	v4 =	vperm.xlane v3, v0;
	_ =	sdelay $0x1  }
0x4d: {  	v4 =	vadd.s32 v1, v4;
	_ =	sdelay $0x3  }
0x4e: {  	s31 =	simm.s32 $0x6000;
	v3 =	vperm.xlane v3, v2  }
0x4f: {  	[tilespmem:s31], [sflag:$0x1] =	stream.indirect_vreg.gather [hbm4b:s3+s2], $0x80, v4, vm0, $0xb8;
	[tilespmem:$0x1C100] =	vst v63  }
0x50: {  	s30 =	simm.s32 $0x6800;
	v3 =	vadd.s32 v1, v3  }
0x51: {  	[tilespmem:s30], [sflag:$0x1] =	stream.indirect_vreg.gather [hbm4b:s8+s2], $0x80, v4, vm0, $0xb8;
	[tilespmem:$0x1C100] =	vst v63  }
0x52: {  	s31 =	simm.s32 $0x7000  }
0x53: {  	[tilespmem:s31], [sflag:$0x1] =	stream.indirect_vreg.gather [hbm4b:s9+s2], $0x80, v4, vm0, $0xb8;
	[tilespmem:$0x1C100] =	vst v63  }
0x54: {  	s30 =	simm.s32 $0x7800  }
0x55: {  	[tilespmem:s30], [sflag:$0x1] =	stream.indirect_vreg.gather [hbm4b:s3+s2], $0x80, v3, vm0, $0xb8;
	[tilespmem:$0x1C100] =	vst v63  }
0x56: {  	s31 =	simm.s32 $0x8000  }
0x57: {  	[tilespmem:s31], [sflag:$0x1] =	stream.indirect_vreg.gather [hbm4b:s8+s2], $0x80, v3, vm0, $0xb8;
	[tilespmem:$0x1C100] =	vst v63  }
0x58: {  	s30 =	simm.s32 $0x8800  }
0x59: {  	[tilespmem:s30], [sflag:$0x1] =	stream.indirect_vreg.gather [hbm4b:s9+s2], $0x80, v3, vm0, $0xb8;
	[tilespmem:$0x1C100] =	vst v63  }
0x5a: {  	v3 =	vld [tilespmem:$0x18030];
	_ =	sdelay $0x4  }
0x5b: {  	v4 =	vshrl.u32 v3, $0x3  }
0x5c: {  	v4 =	vmul.u32 $0x30, v4  }
0x5d: {  	v3 =	vand.u32 $0x7, v3  }
0x5e: {  	v3 =	vor.u32 v3, v4  }
0x5f: {  	v4 =	vperm.xlane v3, v0;
	_ =	sdelay $0x1  }
0x60: {  	v4 =	vadd.s32 v1, v4;
	_ =	sdelay $0x3  }
0x61: {  	s31 =	simm.s32 $0x9000;
	v3 =	vperm.xlane v3, v2  }
0x62: {  	[tilespmem:s31], [sflag:$0x1] =	stream.indirect_vreg.gather [hbm4b:s3+s2], $0x80, v4, vm0, $0xb8;
	[tilespmem:$0x1C100] =	vst v63  }
0x63: {  	s30 =	simm.s32 $0x9800;
	v3 =	vadd.s32 v1, v3  }
0x64: {  	[tilespmem:s30], [sflag:$0x1] =	stream.indirect_vreg.gather [hbm4b:s8+s2], $0x80, v4, vm0, $0xb8;
	[tilespmem:$0x1C100] =	vst v63  }
0x65: {  	s31 =	simm.s32 $0xA000  }
0x66: {  	[tilespmem:s31], [sflag:$0x1] =	stream.indirect_vreg.gather [hbm4b:s9+s2], $0x80, v4, vm0, $0xb8;
	[tilespmem:$0x1C100] =	vst v63  }
0x67: {  	s30 =	simm.s32 $0xA800  }
0x68: {  	[tilespmem:s30], [sflag:$0x1] =	stream.indirect_vreg.gather [hbm4b:s3+s2], $0x80, v3, vm0, $0xb8;
	[tilespmem:$0x1C100] =	vst v63  }
0x69: {  	s31 =	simm.s32 $0xB000  }
0x6a: {  	[tilespmem:s31], [sflag:$0x1] =	stream.indirect_vreg.gather [hbm4b:s8+s2], $0x80, v3, vm0, $0xb8;
	[tilespmem:$0x1C100] =	vst v63  }
0x6b: {  	s30 =	simm.s32 $0xB800  }
0x6c: {  	[tilespmem:s30], [sflag:$0x1] =	stream.indirect_vreg.gather [hbm4b:s9+s2], $0x80, v3, vm0, $0xb8;
	[tilespmem:$0x1C100] =	vst v63  }
0x6d: {  	v3 =	vld [tilespmem:$0x18080];
	_ =	sdelay $0x4  }
0x6e: {  	v4 =	vshrl.u32 v3, $0x3  }
0x6f: {  	v4 =	vmul.u32 $0x30, v4  }
0x70: {  	v3 =	vand.u32 $0x7, v3  }
0x71: {  	v3 =	vor.u32 v3, v4  }
0x72: {  	v4 =	vperm.xlane v3, v0;
	_ =	sdelay $0x1  }
0x73: {  	v4 =	vadd.s32 v1, v4;
	_ =	sdelay $0x3  }
0x74: {  	s31 =	simm.s32 $0xC000;
	v3 =	vperm.xlane v3, v2  }
0x75: {  	[tilespmem:s31], [sflag:$0x1] =	stream.indirect_vreg.gather [hbm4b:s3+s2], $0x80, v4, vm0, $0xb8;
	[tilespmem:$0x1C100] =	vst v63  }
0x76: {  	s30 =	simm.s32 $0xC800;
	v3 =	vadd.s32 v1, v3  }
0x77: {  	[tilespmem:s30], [sflag:$0x1] =	stream.indirect_vreg.gather [hbm4b:s8+s2], $0x80, v4, vm0, $0xb8;
	[tilespmem:$0x1C100] =	vst v63  }
0x78: {  	s31 =	simm.s32 $0xD000  }
0x79: {  	[tilespmem:s31], [sflag:$0x1] =	stream.indirect_vreg.gather [hbm4b:s9+s2], $0x80, v4, vm0, $0xb8;
	[tilespmem:$0x1C100] =	vst v63  }
0x7a: {  	s30 =	simm.s32 $0xD800  }
0x7b: {  	[tilespmem:s30], [sflag:$0x1] =	stream.indirect_vreg.gather [hbm4b:s3+s2], $0x80, v3, vm0, $0xb8;
	[tilespmem:$0x1C100] =	vst v63  }
0x7c: {  	s31 =	simm.s32 $0xE000  }
0x7d: {  	[tilespmem:s31], [sflag:$0x1] =	stream.indirect_vreg.gather [hbm4b:s8+s2], $0x80, v3, vm0, $0xb8;
	[tilespmem:$0x1C100] =	vst v63  }
0x7e: {  	s30 =	simm.s32 $0xE800  }
0x7f: {  	[tilespmem:s30], [sflag:$0x1] =	stream.indirect_vreg.gather [hbm4b:s9+s2], $0x80, v3, vm0, $0xb8;
	[tilespmem:$0x1C100] =	vst v63  }
0x80: {  	v3 =	vld [tilespmem:$0x18090];
	_ =	sdelay $0x4  }
0x81: {  	v4 =	vshrl.u32 v3, $0x3  }
0x82: {  	v4 =	vmul.u32 $0x30, v4  }
0x83: {  	v3 =	vand.u32 $0x7, v3  }
0x84: {  	v3 =	vor.u32 v3, v4  }
0x85: {  	v4 =	vperm.xlane v3, v0;
	_ =	sdelay $0x1  }
0x86: {  	v4 =	vadd.s32 v1, v4;
	_ =	sdelay $0x3  }
0x87: {  	s31 =	simm.s32 $0xF000;
	v3 =	vperm.xlane v3, v2  }
0x88: {  	[tilespmem:s31], [sflag:$0x1] =	stream.indirect_vreg.gather [hbm4b:s3+s2], $0x80, v4, vm0, $0xb8;
	[tilespmem:$0x1C100] =	vst v63  }
0x89: {  	s30 =	simm.s32 $0xF800;
	v3 =	vadd.s32 v1, v3  }
0x8a: {  	[tilespmem:s30], [sflag:$0x1] =	stream.indirect_vreg.gather [hbm4b:s8+s2], $0x80, v4, vm0, $0xb8;
	[tilespmem:$0x1C100] =	vst v63  }
0x8b: {  	s31 =	simm.s32 $0x10000  }
0x8c: {  	[tilespmem:s31], [sflag:$0x1] =	stream.indirect_vreg.gather [hbm4b:s9+s2], $0x80, v4, vm0, $0xb8;
	[tilespmem:$0x1C100] =	vst v63  }
0x8d: {  	s30 =	simm.s32 $0x10800  }
0x8e: {  	[tilespmem:s30], [sflag:$0x1] =	stream.indirect_vreg.gather [hbm4b:s3+s2], $0x80, v3, vm0, $0xb8;
	[tilespmem:$0x1C100] =	vst v63  }
0x8f: {  	s31 =	simm.s32 $0x11000  }
0x90: {  	[tilespmem:s31], [sflag:$0x1] =	stream.indirect_vreg.gather [hbm4b:s8+s2], $0x80, v3, vm0, $0xb8;
	[tilespmem:$0x1C100] =	vst v63  }
0x91: {  	s30 =	simm.s32 $0x11800  }
0x92: {  	[tilespmem:s30], [sflag:$0x1] =	stream.indirect_vreg.gather [hbm4b:s9+s2], $0x80, v3, vm0, $0xb8;
	[tilespmem:$0x1C100] =	vst v63  }
0x93: {  	v3 =	vld [tilespmem:$0x180A0];
	_ =	sdelay $0x4  }
0x94: {  	v4 =	vshrl.u32 v3, $0x3  }
0x95: {  	v4 =	vmul.u32 $0x30, v4  }
0x96: {  	v3 =	vand.u32 $0x7, v3  }
0x97: {  	v3 =	vor.u32 v3, v4  }
0x98: {  	v4 =	vperm.xlane v3, v0;
	_ =	sdelay $0x1  }
0x99: {  	v4 =	vadd.s32 v1, v4;
	_ =	sdelay $0x3  }
0x9a: {  	s31 =	simm.s32 $0x12000;
	v3 =	vperm.xlane v3, v2  }
0x9b: {  	[tilespmem:s31], [sflag:$0x1] =	stream.indirect_vreg.gather [hbm4b:s3+s2], $0x80, v4, vm0, $0xb8;
	[tilespmem:$0x1C100] =	vst v63  }
0x9c: {  	v3 =	vadd.s32 v1, v3  }
0x9d: {  	[tilespmem:s0], [sflag:$0x1] =	stream.indirect_vreg.gather [hbm4b:s8+s2], $0x80, v4, vm0, $0xb8;
	[tilespmem:$0x1C100] =	vst v63  }
0x9e: {  	_ = 	snop  }
0x9f: {  	[tilespmem:s1], [sflag:$0x1] =	stream.indirect_vreg.gather [hbm4b:s9+s2], $0x80, v4, vm0, $0xb8;
	[tilespmem:$0x1C100] =	vst v63  }
0xa0: {  	_ = 	snop  }
0xa1: {  	[tilespmem:s12], [sflag:$0x1] =	stream.indirect_vreg.gather [hbm4b:s3+s2], $0x80, v3, vm0, $0xb8;
	[tilespmem:$0x1C100] =	vst v63  }
0xa2: {  	_ = 	snop  }
0xa3: {  	[tilespmem:s14], [sflag:$0x1] =	stream.indirect_vreg.gather [hbm4b:s8+s2], $0x80, v3, vm0, $0xb8;
	[tilespmem:$0x1C100] =	vst v63  }
0xa4: {  	_ = 	snop  }
0xa5: {  	[tilespmem:s15], [sflag:$0x1] =	stream.indirect_vreg.gather [hbm4b:s9+s2], $0x80, v3, vm0, $0xb8;
	[tilespmem:$0x1C100] =	vst v63  }
0xa6: {  	v3 =	vld [tilespmem:$0x180B0];
	_ =	sdelay $0x4  }
0xa7: {  	v4 =	vshrl.u32 v3, $0x3  }
0xa8: {  	v4 =	vmul.u32 $0x30, v4  }
0xa9: {  	v3 =	vand.u32 $0x7, v3  }
0xaa: {  	v3 =	vor.u32 v3, v4  }
0xab: {  	v4 =	vperm.xlane v3, v0;
	_ =	sdelay $0x1  }
0xac: {  	v4 =	vadd.s32 v1, v4;
	_ =	sdelay $0x3  }
0xad: {  	v3 =	vperm.xlane v3, v2  }
0xae: {  	[tilespmem:s16], [sflag:$0x1] =	stream.indirect_vreg.gather [hbm4b:s3+s2], $0x80, v4, vm0, $0xb8;
	[tilespmem:$0x1C100] =	vst v63  }
0xaf: {  	v3 =	vadd.s32 v1, v3  }
0xb0: {  	[tilespmem:s17], [sflag:$0x1] =	stream.indirect_vreg.gather [hbm4b:s8+s2], $0x80, v4, vm0, $0xb8;
	[tilespmem:$0x1C100] =	vst v63  }
0xb1: {  	_ = 	snop  }
0xb2: {  	[tilespmem:s18], [sflag:$0x1] =	stream.indirect_vreg.gather [hbm4b:s9+s2], $0x80, v4, vm0, $0xb8;
	[tilespmem:$0x1C100] =	vst v63  }
0xb3: {  	_ = 	snop  }
0xb4: {  	[tilespmem:s19], [sflag:$0x1] =	stream.indirect_vreg.gather [hbm4b:s3+s2], $0x80, v3, vm0, $0xb8;
	[tilespmem:$0x1C100] =	vst v63  }
0xb5: {  	_ = 	snop  }
0xb6: {  	[tilespmem:s20], [sflag:$0x1] =	stream.indirect_vreg.gather [hbm4b:s8+s2], $0x80, v3, vm0, $0xb8;
	[tilespmem:$0x1C100] =	vst v63  }
0xb7: {  	_ = 	snop  }
0xb8: {  	[tilespmem:s21], [sflag:$0x1] =	stream.indirect_vreg.gather [hbm4b:s9+s2], $0x80, v3, vm0, $0xb8;
	[tilespmem:$0x1C100] =	vst v63  }
0xb9: {  	_ =	swait.ge [sflag:s22], $0xC000  }
0xba: {  	[sflag:s22] =	ssyncset.done $0x0  }
0xbb: {  	s30 =	simm.s32 $0x0;
	[sflag:s22] =	ssyncadd.s32 $0xFFFF4000  }
0xbc: {  	s26 =	smul.u32 $0x1800, s30;
	_ =	swait.ge [sflag:s22], $0xC000  }
0xbd: {  	s28 =	sand.u32 $0x380, s2;
	[sflag:s22] =	ssyncset.done $0x0  }
0xbe: {  	s29 =	sor.u32 s28, s26;
	[sflag:s22] =	ssyncadd.s32 $0xFFFF4000  }
0xbf: {  	v4 =	vld [tilespmem:s29+$0x10]  }
0xc0: {  	v3 =	vld [tilespmem:s29+$0xC010]  }
0xc1: {  	v6 =	vld [tilespmem:s29+$0x20]  }
0xc2: {  	v5 =	vld [tilespmem:s29+$0xC020]  }
0xc3: {  	v10 =	vld [tilespmem:s29+$0x30]  }
0xc4: {  	v9 =	vld [tilespmem:s29+$0xC030]  }
0xc5: {  	v12 =	vld [tilespmem:s29+$0x40]  }
0xc6: {  	v11 =	vld [tilespmem:s29+$0xC040]  }
0xc7: {  	v13 =	vld [tilespmem:s29+$0x60]  }
0xc8: {  	v14 =	vld [tilespmem:s29+$0x70]  }
0xc9: {  	v15 =	vld [tilespmem:s29+$0x400]  }
0xca: {  	v16 =	vld [tilespmem:s29+$0x410]  }
0xcb: {  	v17 =	vld [tilespmem:s29+$0x420]  }
0xcc: {  	v18 =	vld [tilespmem:s29+$0x430]  }
0xcd: {  	v19 =	vld [tilespmem:s29+$0x440]  }
0xce: {  	v20 =	vld [tilespmem:s29+$0x450]  }
0xcf: {  	v21 =	vld [tilespmem:s29+$0x460]  }
0xd0: {  	v22 =	vld [tilespmem:s29+$0x470]  }
0xd1: {  	v23 =	vld [tilespmem:s29+$0x800]  }
0xd2: {  	v24 =	vld [tilespmem:s29+$0x810]  }
0xd3: {  	v25 =	vld [tilespmem:s29+$0x820]  }
0xd4: {  	v26 =	vld [tilespmem:s29+$0x830]  }
0xd5: {  	v27 =	vld [tilespmem:s29+$0x840]  }
0xd6: {  	v28 =	vld [tilespmem:s29+$0x850]  }
0xd7: {  	v29 =	vld [tilespmem:s29+$0x860]  }
0xd8: {  	v30 =	vld [tilespmem:s29+$0x870]  }
0xd9: {  	v31 =	vld [tilespmem:s29+$0xC00]  }
0xda: {  	v32 =	vld [tilespmem:s29+$0xC10]  }
0xdb: {  	v33 =	vld [tilespmem:s29+$0xC20]  }
0xdc: {  	v34 =	vld [tilespmem:s29+$0xC30]  }
0xdd: {  	v35 =	vld [tilespmem:s29+$0xC40]  }
0xde: {  	v36 =	vld [tilespmem:s29+$0xC50]  }
0xdf: {  	v37 =	vld [tilespmem:s29+$0xC60]  }
0xe0: {  	v38 =	vld [tilespmem:s29+$0xC70]  }
0xe1: {  	v39 =	vld [tilespmem:s29+$0x1000]  }
0xe2: {  	v40 =	vld [tilespmem:s29+$0x1010]  }
0xe3: {  	v41 =	vld [tilespmem:s29+$0x1020]  }
0xe4: {  	v42 =	vld [tilespmem:s29+$0x1030]  }
0xe5: {  	v43 =	vld [tilespmem:s29+$0x1040]  }
0xe6: {  	v44 =	vld [tilespmem:s29+$0x1050]  }
0xe7: {  	v45 =	vld [tilespmem:s29+$0x1060]  }
0xe8: {  	v46 =	vld [tilespmem:s29+$0x1400]  }
0xe9: {  	v47 =	vld [tilespmem:s29+$0x1410]  }
0xea: {  	v48 =	vld [tilespmem:s29+$0xD410]  }
0xeb: {  	v49 =	vld [tilespmem:s29+$0xD430]  }
0xec: {  	v50 =	vld [tilespmem:s29+$0x1430]  }
0xed: {  	v51 =	vld [tilespmem:s29+$0x1420]  }
0xee: {  	v7 =	vld [tilespmem:s24+$0x0]  }
0xef: {  	v8 =	vld [tilespmem:s25+$0x0]  }
0xf0: {  	v52 =	vld [tilespmem:s29+$0xD420]  }
0xf1: {  	v53 =	vld [tilespmem:s29+$0xD400]  }
0xf2: {  	v54 =	vld [tilespmem:s29+$0x1070]  }
0xf3: {  	v55 =	vld [tilespmem:s29+$0xD070];
	v50 =	vmul.f32 v50, v7  }
0xf4: {  	v56 =	vld [tilespmem:s29+$0xD060];
	v49 =	vmul.f32 v49, v8;
	v51 =	vmul.f32 v51, v7  }
0xf5: {  	v57 =	vld [tilespmem:s29+$0xD050];
	v52 =	vmul.f32 v52, v8;
	v47 =	vmul.f32 v47, v7  }
0xf6: {  	v61 =	vld [tilespmem:s29+$0xD000];
	v48 =	vmul.f32 v48, v8;
	v46 =	vmul.f32 v46, v7  }
0xf7: {  	v58 =	vld [tilespmem:s29+$0xD040];
	v62 =	vmul.f32 v53, v8;
	v63 =	vmul.f32 v54, v7;
	v49 =	vadd.f32 v49, v50  }
0xf8: {  	v53 =	vld [tilespmem:s29+$0xD030];
	v59 =	vmul.f32 v55, v8;
	v45 =	vmul.f32 v45, v7;
	v51 =	vadd.f32 v52, v51  }
0xf9: {  	v60 =	vmul.f32 v56, v8;
	v44 =	vmul.f32 v44, v7;
	v56 =	vld [tilespmem:s29+$0xCC60];
	v47 =	vadd.f32 v48, v47;
	[tilespmem:s29+$0x1430] =	vst v49  }
0xfa: {  	v43 =	vmul.f32 v43, v7;
	v39 =	vmul.f32 v39, v7;
	v55 =	vld [tilespmem:s29+$0xC870];
	v46 =	vadd.f32 v62, v46;
	[tilespmem:s29+$0x1420] =	vst v51  }
0xfb: {  	v61 =	vmul.f32 v61, v8;
	v12 =	vmul.f32 v12, v7;
	v48 =	vld [tilespmem:s29+$0xD020];
	v52 =	vadd.f32 v59, v63;
	[tilespmem:s29+$0x1410] =	vst v47  }
0xfc: {  	v11 =	vmul.f32 v11, v8;
	v63 =	vmul.f32 v58, v8;
	v45 =	vadd.f32 v60, v45;
	v58 =	vld [tilespmem:s29+$0xCC50];
	[tilespmem:s29+$0x1400] =	vst v46  }
0xfd: {  	v42 =	vmul.f32 v42, v7;
	v62 =	vmul.f32 v57, v8;
	v59 =	vld [tilespmem:s29+$0xCC40];
	v39 =	vadd.f32 v61, v39;
	[tilespmem:s29+$0x1070] =	vst v52  }
0xfe: {  	v41 =	vmul.f32 v41, v7;
	v40 =	vmul.f32 v40, v7;
	v60 =	vld [tilespmem:s29+$0xCC30];
	v11 =	vadd.f32 v11, v12;
	[tilespmem:s29+$0x1060] =	vst v45  }
0xff: {  	v38 =	vmul.f32 v38, v7;
	v61 =	vld [tilespmem:s29+$0xC810];
	v44 =	vadd.f32 v62, v44;
	[tilespmem:s29+$0x1000] =	vst v39;
	v57 =	vmul.f32 v53, v8  }
0x100: {  	v37 =	vmul.f32 v37, v7;
	v49 =	vld [tilespmem:s29+$0xD010];
	v43 =	vadd.f32 v63, v43;
	[tilespmem:s29+$0x40] =	vst v11;
	v46 =	vmul.f32 v56, v8  }
0x101: {  	v36 =	vmul.f32 v36, v7;
	v47 =	vld [tilespmem:s29+$0xCC70];
	[tilespmem:s29+$0x1050] =	vst v44;
	v48 =	vmul.f32 v48, v8;
	v42 =	vadd.f32 v57, v42  }
0x102: {  	v35 =	vmul.f32 v35, v7;
	v62 =	vld [tilespmem:s29+$0xCC20];
	[tilespmem:s29+$0x1040] =	vst v43;
	v54 =	vmul.f32 v58, v8;
	v37 =	vadd.f32 v46, v37  }
0x103: {  	v34 =	vmul.f32 v34, v7;
	v63 =	vld [tilespmem:s29+$0xCC10];
	v45 =	vmul.f32 v59, v8;
	v41 =	vadd.f32 v48, v41;
	[tilespmem:s29+$0x1030] =	vst v42  }
0x104: {  	v33 =	vmul.f32 v33, v7;
	v56 =	vld [tilespmem:s29+$0xC860];
	v44 =	vmul.f32 v60, v8;
	v36 =	vadd.f32 v54, v36;
	[tilespmem:s29+$0xC60] =	vst v37  }
0x105: {  	v32 =	vmul.f32 v32, v7;
	v53 =	vld [tilespmem:s29+$0xCC00];
	v49 =	vmul.f32 v49, v8;
	v35 =	vadd.f32 v45, v35;
	[tilespmem:s29+$0x1020] =	vst v41  }
0x106: {  	v6 =	vmul.f32 v6, v7;
	v12 =	vld [tilespmem:s29+$0x1460];
	v47 =	vmul.f32 v47, v8;
	v34 =	vadd.f32 v44, v34;
	[tilespmem:s29+$0xC50] =	vst v36  }
0x107: {  	v5 =	vmul.f32 v5, v8;
	v58 =	vld [tilespmem:s29+$0xC840];
	v43 =	vmul.f32 v62, v8;
	v40 =	vadd.f32 v49, v40;
	[tilespmem:s29+$0xC40] =	vst v35  }
0x108: {  	v29 =	vmul.f32 v29, v7;
	v59 =	vld [tilespmem:s29+$0xC830];
	v42 =	vmul.f32 v63, v8;
	v38 =	vadd.f32 v47, v38;
	[tilespmem:s29+$0xC30] =	vst v34  }
0x109: {  	v5 =	vadd.f32 v5, v6;
	v6 =	vld [tilespmem:s29+$0x0];
	v39 =	vmul.f32 v56, v8;
	v33 =	vadd.f32 v43, v33;
	[tilespmem:s29+$0x1010] =	vst v40  }
0x10a: {  	v31 =	vmul.f32 v31, v7;
	v60 =	vld [tilespmem:s29+$0xC820];
	v41 =	vmul.f32 v53, v8;
	v32 =	vadd.f32 v42, v32;
	[tilespmem:s29+$0xC70] =	vst v38  }
0x10b: {  	v24 =	vmul.f32 v24, v7;
	v57 =	vld [tilespmem:s29+$0xC850];
	v34 =	vmul.f32 v61, v8;
	v29 =	vadd.f32 v39, v29;
	[tilespmem:s29+$0xC20] =	vst v33  }
0x10c: {  	v27 =	vmul.f32 v27, v7;
	v62 =	vld [tilespmem:s29+$0xC800];
	v37 =	vmul.f32 v58, v8;
	v31 =	vadd.f32 v41, v31;
	[tilespmem:s29+$0xC10] =	vst v32  }
0x10d: {  	v26 =	vmul.f32 v26, v7;
	v63 =	vld [tilespmem:s29+$0xC470];
	v36 =	vmul.f32 v59, v8;
	v24 =	vadd.f32 v34, v24;
	[tilespmem:s29+$0x860] =	vst v29  }
0x10e: {  	v30 =	vmul.f32 v30, v7;
	v40 =	vmul.f32 v55, v8;
	v27 =	vadd.f32 v37, v27;
	v29 =	vld [tilespmem:s29+$0xC440];
	[tilespmem:s29+$0xC00] =	vst v31  }
0x10f: {  	v25 =	vmul.f32 v25, v7;
	v35 =	vmul.f32 v60, v8;
	v26 =	vadd.f32 v36, v26;
	v31 =	vld [tilespmem:s29+$0xC460];
	[tilespmem:s29+$0x810] =	vst v24  }
0x110: {  	v28 =	vmul.f32 v28, v7;
	v38 =	vmul.f32 v57, v8;
	v30 =	vadd.f32 v40, v30;
	v24 =	vld [tilespmem:s29+$0xC070];
	[tilespmem:s29+$0x840] =	vst v27  }
0x111: {  	v23 =	vmul.f32 v23, v7;
	v33 =	vmul.f32 v62, v8;
	v25 =	vadd.f32 v35, v25;
	v27 =	vld [tilespmem:s29+$0xC420];
	[tilespmem:s29+$0x830] =	vst v26  }
0x112: {  	v22 =	vmul.f32 v22, v7;
	v32 =	vmul.f32 v63, v8;
	v28 =	vadd.f32 v38, v28;
	[tilespmem:s29+$0x870] =	vst v30;
	v30 =	vld [tilespmem:s29+$0xC450]  }
0x113: {  	v19 =	vmul.f32 v19, v7;
	v23 =	vadd.f32 v33, v23;
	[tilespmem:s29+$0x820] =	vst v25;
	v25 =	vld [tilespmem:s29+$0xC400];
	v29 =	vmul.f32 v29, v8  }
0x114: {  	v21 =	vmul.f32 v21, v7;
	v22 =	vadd.f32 v32, v22;
	[tilespmem:s29+$0x850] =	vst v28;
	v28 =	vld [tilespmem:s29+$0xC430];
	v31 =	vmul.f32 v31, v8  }
0x115: {  	v14 =	vmul.f32 v14, v7;
	[tilespmem:s29+$0x800] =	vst v23;
	v23 =	vld [tilespmem:s29+$0xC060];
	v24 =	vmul.f32 v24, v8;
	v19 =	vadd.f32 v29, v19  }
0x116: {  	v17 =	vmul.f32 v17, v7;
	v26 =	vld [tilespmem:s29+$0xC410];
	[tilespmem:s29+$0x470] =	vst v22;
	v27 =	vmul.f32 v27, v8;
	v21 =	vadd.f32 v31, v21  }
0x117: {  	v20 =	vmul.f32 v20, v7;
	v22 =	vld [tilespmem:s29+$0x50];
	v30 =	vmul.f32 v30, v8;
	v14 =	vadd.f32 v24, v14;
	[tilespmem:s29+$0x440] =	vst v19  }
0x118: {  	v15 =	vmul.f32 v15, v7;
	v25 =	vmul.f32 v25, v8;
	v17 =	vadd.f32 v27, v17;
	v19 =	vld [tilespmem:s29+$0xD450];
	[tilespmem:s29+$0x460] =	vst v21  }
0x119: {  	v18 =	vmul.f32 v18, v7;
	v28 =	vmul.f32 v28, v8;
	v20 =	vadd.f32 v30, v20;
	v21 =	vld [tilespmem:s29+$0xC050];
	[tilespmem:s29+$0x70] =	vst v14  }
0x11a: {  	v13 =	vmul.f32 v13, v7;
	v23 =	vmul.f32 v23, v8;
	v15 =	vadd.f32 v25, v15;
	[tilespmem:s29+$0x420] =	vst v17;
	v17 =	vld [tilespmem:s29+$0x1440]  }
0x11b: {  	v16 =	vmul.f32 v16, v7;
	v26 =	vmul.f32 v26, v8;
	v18 =	vadd.f32 v28, v18;
	[tilespmem:s29+$0x450] =	vst v20;
	v20 =	vld [tilespmem:s29+$0xD440]  }
0x11c: {  	v10 =	vmul.f32 v10, v7;
	v9 =	vmul.f32 v9, v8;
	v13 =	vadd.f32 v23, v13;
	[tilespmem:s29+$0x400] =	vst v15;
	v15 =	vld [tilespmem:s29+$0x1450]  }
0x11d: {  	v4 =	vmul.f32 v4, v7;
	v3 =	vmul.f32 v3, v8;
	v16 =	vadd.f32 v26, v16;
	[tilespmem:s29+$0x430] =	vst v18;
	v18 =	vld [tilespmem:s29+$0xD460]  }
0x11e: {  	v9 =	vadd.f32 v9, v10;
	v10 =	vmul.f32 v22, v7;
	v14 =	vld [tilespmem:s29+$0x1470];
	[tilespmem:s29+$0x60] =	vst v13;
	v13 =	vmul.f32 v21, v8  }
0x11f: {  	v3 =	vadd.f32 v3, v4;
	[tilespmem:s29+$0x410] =	vst v16;
	v16 =	vld [tilespmem:s29+$0xD470]  }
0x120: {  	s31 =	simm.s32 $0x0;
	[tilespmem:s29+$0x30] =	vst v9;
	v9 =	vld [tilespmem:s29+$0xC000];
	v11 =	vmul.f32 v17, v7;
	v17 =	vmul.f32 v20, v8;
	v4 =	vadd.f32 v13, v10  }
0x121: {  	s28 =	simm.s32 $0x80;
	s26 =	smul.u32 $0x1800, s31;
	[tilespmem:s29+$0x20] =	vst v5;
	v5 =	vmul.f32 v15, v7;
	v10 =	vmul.f32 v19, v8  }
0x122: {  	s30 =	sand.u32 $0x380, s28;
	v11 =	vadd.f32 v17, v11;
	[tilespmem:s29+$0x50] =	vst v4;
	v4 =	vmul.f32 v12, v7;
	v12 =	vmul.f32 v18, v8  }
0x123: {  	s26 =	sor.u32 s30, s26;
	[tilespmem:s29+$0x10] =	vst v3;
	v5 =	vadd.f32 v10, v5  }
0x124: {  	v3 =	vld [tilespmem:s26+$0x10];
	v10 =	vmul.f32 v14, v7;
	[tilespmem:s29+$0x1440] =	vst v11;
	v11 =	vmul.f32 v16, v8;
	v12 =	vadd.f32 v12, v4  }
0x125: {  	v7 =	vmul.f32 v6, v7;
	v8 =	vmul.f32 v9, v8;
	v4 =	vld [tilespmem:s26+$0xC010];
	[tilespmem:s29+$0x1450] =	vst v5  }
0x126: {  	v9 =	vadd.f32 v11, v10;
	v6 =	vld [tilespmem:s26+$0x20];
	[tilespmem:s29+$0x1460] =	vst v12  }
0x127: {  	v7 =	vadd.f32 v8, v7;
	v5 =	vld [tilespmem:s26+$0xC020]  }
0x128: {  	v8 =	vld [tilespmem:s26+$0x30];
	[tilespmem:s29+$0x1470] =	vst v9  }
0x129: {  	v18 =	vld [tilespmem:s26+$0x430];
	[tilespmem:s29+$0x0] =	vst v7  }
0x12a: {  	v7 =	vld [tilespmem:s26+$0xC030]  }
0x12b: {  	v10 =	vld [tilespmem:s26+$0x40]  }
0x12c: {  	v9 =	vld [tilespmem:s26+$0xC040]  }
0x12d: {  	v12 =	vld [tilespmem:s26+$0x50]  }
0x12e: {  	v11 =	vld [tilespmem:s26+$0xC050]  }
0x12f: {  	v13 =	vld [tilespmem:s26+$0x60]  }
0x130: {  	v14 =	vld [tilespmem:s26+$0x70]  }
0x131: {  	v15 =	vld [tilespmem:s26+$0x400]  }
0x132: {  	v16 =	vld [tilespmem:s26+$0x410]  }
0x133: {  	v17 =	vld [tilespmem:s26+$0x420]  }
0x134: {  	v19 =	vld [tilespmem:s26+$0x440]  }
0x135: {  	v20 =	vld [tilespmem:s26+$0x450]  }
0x136: {  	v21 =	vld [tilespmem:s26+$0x460]  }
0x137: {  	v22 =	vld [tilespmem:s26+$0x470]  }
0x138: {  	v23 =	vld [tilespmem:s26+$0x800]  }
0x139: {  	v24 =	vld [tilespmem:s26+$0x810]  }
0x13a: {  	v25 =	vld [tilespmem:s26+$0x820]  }
0x13b: {  	v26 =	vld [tilespmem:s26+$0x830]  }
0x13c: {  	v27 =	vld [tilespmem:s26+$0x840]  }
0x13d: {  	v28 =	vld [tilespmem:s26+$0x850]  }
0x13e: {  	v29 =	vld [tilespmem:s26+$0x860]  }
0x13f: {  	v30 =	vld [tilespmem:s26+$0x870]  }
0x140: {  	v31 =	vld [tilespmem:s26+$0xC00]  }
0x141: {  	v34 =	vld [tilespmem:s26+$0xC10]  }
0x142: {  	v35 =	vld [tilespmem:s26+$0xC20]  }
0x143: {  	v36 =	vld [tilespmem:s26+$0xC30]  }
0x144: {  	v37 =	vld [tilespmem:s26+$0xC40]  }
0x145: {  	v38 =	vld [tilespmem:s26+$0xC50]  }
0x146: {  	v39 =	vld [tilespmem:s26+$0xC60]  }
0x147: {  	v40 =	vld [tilespmem:s26+$0xC70]  }
0x148: {  	v41 =	vld [tilespmem:s26+$0x1000]  }
0x149: {  	v42 =	vld [tilespmem:s26+$0x1010]  }
0x14a: {  	v43 =	vld [tilespmem:s26+$0x1020]  }
0x14b: {  	v44 =	vld [tilespmem:s26+$0x1030]  }
0x14c: {  	v45 =	vld [tilespmem:s26+$0x1040]  }
0x14d: {  	v46 =	vld [tilespmem:s26+$0x1050]  }
0x14e: {  	v47 =	vld [tilespmem:s26+$0x1060]  }
0x14f: {  	v48 =	vld [tilespmem:s26+$0x1400]  }
0x150: {  	v50 =	vld [tilespmem:s26+$0x1410]  }
0x151: {  	v49 =	vld [tilespmem:s26+$0xD410]  }
0x152: {  	s29 =	simm.s32 $0x2;
	v51 =	vld [tilespmem:s26+$0xD430]  }
.LBB2_2:
0x153: {  	p0 =	sne.s32 s29, $0x3F;
	v52 =	vld [tilespmem:s26+$0x1430]  }
0x154: {  	s24 =	sadd.s32 $0x80, s24;
	v53 =	vld [tilespmem:s26+$0x1420]  }
0x155: {  	s25 =	sadd.s32 $0x80, s25;
	v33 =	vld [tilespmem:s24+$0x0]  }
0x156: {  	v32 =	vld [tilespmem:s25+$0x0]  }
0x157: {  	v54 =	vld [tilespmem:s26+$0xD420]  }
0x158: {  	v55 =	vld [tilespmem:s26+$0xD400]  }
0x159: {  	v56 =	vld [tilespmem:s26+$0x1070]  }
0x15a: {  	v57 =	vld [tilespmem:s26+$0xD070];
	v50 =	vmul.f32 v50, v33;
	v53 =	vmul.f32 v53, v33  }
0x15b: {  	v52 =	vmul.f32 v52, v33;
	v58 =	vld [tilespmem:s26+$0xD060];
	v51 =	vmul.f32 v51, v32  }
0x15c: {  	v49 =	vmul.f32 v49, v32;
	v59 =	vld [tilespmem:s26+$0xD050];
	v54 =	vmul.f32 v54, v32  }
0x15d: {  	v48 =	vmul.f32 v48, v33;
	v60 =	vld [tilespmem:s26+$0xD040];
	v55 =	vmul.f32 v55, v32;
	v51 =	vadd.f32 v51, v52  }
0x15e: {  	v49 =	vadd.f32 v49, v50;
	v52 =	vld [tilespmem:s26+$0xD030];
	v56 =	vmul.f32 v56, v33;
	v50 =	vadd.f32 v54, v53  }
0x15f: {  	v47 =	vmul.f32 v47, v33;
	v53 =	vld [tilespmem:s26+$0xD020];
	v54 =	vmul.f32 v57, v32;
	v48 =	vadd.f32 v55, v48;
	[tilespmem:s26+$0x1430] =	vst v51  }
0x160: {  	v46 =	vmul.f32 v46, v33;
	v51 =	vld [tilespmem:s26+$0xD010];
	v55 =	vmul.f32 v58, v32;
	[tilespmem:s26+$0x1420] =	vst v50  }
0x161: {  	v45 =	vmul.f32 v45, v33;
	v50 =	vld [tilespmem:s26+$0xD000];
	v57 =	vmul.f32 v59, v32;
	v54 =	vadd.f32 v54, v56;
	[tilespmem:s26+$0x1410] =	vst v49  }
0x162: {  	v44 =	vmul.f32 v44, v33;
	v49 =	vld [tilespmem:s26+$0xCC70];
	v56 =	vmul.f32 v60, v32;
	v47 =	vadd.f32 v55, v47;
	[tilespmem:s26+$0x1400] =	vst v48  }
0x163: {  	v43 =	vmul.f32 v43, v33;
	v48 =	vld [tilespmem:s26+$0xCC60];
	v52 =	vmul.f32 v52, v32;
	v46 =	vadd.f32 v57, v46;
	[tilespmem:s26+$0x1070] =	vst v54  }
0x164: {  	v42 =	vmul.f32 v42, v33;
	v54 =	vld [tilespmem:s26+$0xCC50];
	v53 =	vmul.f32 v53, v32;
	v45 =	vadd.f32 v56, v45;
	[tilespmem:s26+$0x1060] =	vst v47  }
0x165: {  	v41 =	vmul.f32 v41, v33;
	v47 =	vld [tilespmem:s26+$0xCC40];
	v51 =	vmul.f32 v51, v32;
	v44 =	vadd.f32 v52, v44;
	[tilespmem:s26+$0x1050] =	vst v46  }
0x166: {  	v40 =	vmul.f32 v40, v33;
	v46 =	vld [tilespmem:s26+$0xCC30];
	v50 =	vmul.f32 v50, v32;
	v43 =	vadd.f32 v53, v43;
	[tilespmem:s26+$0x1040] =	vst v45  }
0x167: {  	v39 =	vmul.f32 v39, v33;
	v45 =	vld [tilespmem:s26+$0xCC20];
	v49 =	vmul.f32 v49, v32;
	v42 =	vadd.f32 v51, v42;
	[tilespmem:s26+$0x1030] =	vst v44  }
0x168: {  	v38 =	vmul.f32 v38, v33;
	v44 =	vld [tilespmem:s26+$0xCC10];
	v48 =	vmul.f32 v48, v32;
	v41 =	vadd.f32 v50, v41;
	[tilespmem:s26+$0x1020] =	vst v43  }
0x169: {  	v37 =	vmul.f32 v37, v33;
	v43 =	vld [tilespmem:s26+$0xCC00];
	v50 =	vmul.f32 v54, v32;
	v40 =	vadd.f32 v49, v40;
	[tilespmem:s26+$0x1010] =	vst v42  }
0x16a: {  	v36 =	vmul.f32 v36, v33;
	v42 =	vld [tilespmem:s26+$0xC870];
	v47 =	vmul.f32 v47, v32;
	v39 =	vadd.f32 v48, v39;
	[tilespmem:s26+$0x1000] =	vst v41  }
0x16b: {  	v35 =	vmul.f32 v35, v33;
	v41 =	vld [tilespmem:s26+$0xC860];
	v46 =	vmul.f32 v46, v32;
	v38 =	vadd.f32 v50, v38;
	[tilespmem:s26+$0xC70] =	vst v40  }
0x16c: {  	v34 =	vmul.f32 v34, v33;
	v40 =	vld [tilespmem:s26+$0xC850];
	v45 =	vmul.f32 v45, v32;
	v37 =	vadd.f32 v47, v37;
	[tilespmem:s26+$0xC60] =	vst v39  }
0x16d: {  	v31 =	vmul.f32 v31, v33;
	v39 =	vld [tilespmem:s26+$0xC840];
	v44 =	vmul.f32 v44, v32;
	v36 =	vadd.f32 v46, v36;
	[tilespmem:s26+$0xC50] =	vst v38  }
0x16e: {  	v30 =	vmul.f32 v30, v33;
	v38 =	vld [tilespmem:s26+$0xC830];
	v43 =	vmul.f32 v43, v32;
	v35 =	vadd.f32 v45, v35;
	[tilespmem:s26+$0xC40] =	vst v37  }
0x16f: {  	v29 =	vmul.f32 v29, v33;
	v37 =	vld [tilespmem:s26+$0xC820];
	v42 =	vmul.f32 v42, v32;
	v34 =	vadd.f32 v44, v34;
	[tilespmem:s26+$0xC30] =	vst v36  }
0x170: {  	v28 =	vmul.f32 v28, v33;
	v36 =	vld [tilespmem:s26+$0xC810];
	v41 =	vmul.f32 v41, v32;
	v31 =	vadd.f32 v43, v31;
	[tilespmem:s26+$0xC20] =	vst v35  }
0x171: {  	v27 =	vmul.f32 v27, v33;
	v35 =	vld [tilespmem:s26+$0xC800];
	v40 =	vmul.f32 v40, v32;
	v30 =	vadd.f32 v42, v30;
	[tilespmem:s26+$0xC10] =	vst v34  }
0x172: {  	v26 =	vmul.f32 v26, v33;
	v34 =	vld [tilespmem:s26+$0xC470];
	v39 =	vmul.f32 v39, v32;
	v29 =	vadd.f32 v41, v29;
	[tilespmem:s26+$0xC00] =	vst v31  }
0x173: {  	v25 =	vmul.f32 v25, v33;
	v31 =	vld [tilespmem:s26+$0xC460];
	v38 =	vmul.f32 v38, v32;
	v28 =	vadd.f32 v40, v28;
	[tilespmem:s26+$0x870] =	vst v30  }
0x174: {  	v24 =	vmul.f32 v24, v33;
	v30 =	vld [tilespmem:s26+$0xC450];
	v37 =	vmul.f32 v37, v32;
	v27 =	vadd.f32 v39, v27;
	[tilespmem:s26+$0x860] =	vst v29  }
0x175: {  	v23 =	vmul.f32 v23, v33;
	v29 =	vld [tilespmem:s26+$0xC440];
	v36 =	vmul.f32 v36, v32;
	v26 =	vadd.f32 v38, v26;
	[tilespmem:s26+$0x850] =	vst v28  }
0x176: {  	v22 =	vmul.f32 v22, v33;
	v28 =	vld [tilespmem:s26+$0xC430];
	v35 =	vmul.f32 v35, v32;
	v25 =	vadd.f32 v37, v25;
	[tilespmem:s26+$0x840] =	vst v27  }
0x177: {  	v21 =	vmul.f32 v21, v33;
	v27 =	vld [tilespmem:s26+$0xC420];
	v34 =	vmul.f32 v34, v32;
	v24 =	vadd.f32 v36, v24;
	[tilespmem:s26+$0x830] =	vst v26  }
0x178: {  	v20 =	vmul.f32 v20, v33;
	v26 =	vld [tilespmem:s26+$0xC410];
	v31 =	vmul.f32 v31, v32;
	v23 =	vadd.f32 v35, v23;
	[tilespmem:s26+$0x820] =	vst v25  }
0x179: {  	v19 =	vmul.f32 v19, v33;
	v25 =	vld [tilespmem:s26+$0xC400];
	v30 =	vmul.f32 v30, v32;
	v22 =	vadd.f32 v34, v22;
	[tilespmem:s26+$0x810] =	vst v24  }
0x17a: {  	v18 =	vmul.f32 v18, v33;
	v24 =	vld [tilespmem:s26+$0xC070];
	v29 =	vmul.f32 v29, v32;
	v21 =	vadd.f32 v31, v21;
	[tilespmem:s26+$0x800] =	vst v23  }
0x17b: {  	v17 =	vmul.f32 v17, v33;
	v23 =	vld [tilespmem:s26+$0xC060];
	v28 =	vmul.f32 v28, v32;
	v20 =	vadd.f32 v30, v20;
	[tilespmem:s26+$0x470] =	vst v22  }
0x17c: {  	v16 =	vmul.f32 v16, v33;
	v22 =	vmul.f32 v27, v32;
	v19 =	vadd.f32 v29, v19;
	[tilespmem:s26+$0x460] =	vst v21;
	v21 =	vld [tilespmem:s26+$0xD440]  }
0x17d: {  	v15 =	vmul.f32 v15, v33;
	v26 =	vmul.f32 v26, v32;
	v18 =	vadd.f32 v28, v18;
	[tilespmem:s26+$0x450] =	vst v20;
	v20 =	vld [tilespmem:s26+$0xD450]  }
0x17e: {  	v14 =	vmul.f32 v14, v33;
	v25 =	vmul.f32 v25, v32;
	v17 =	vadd.f32 v22, v17;
	[tilespmem:s26+$0x440] =	vst v19;
	v19 =	vld [tilespmem:s26+$0xD460]  }
0x17f: {  	v13 =	vmul.f32 v13, v33;
	v22 =	vmul.f32 v24, v32;
	v16 =	vadd.f32 v26, v16;
	[tilespmem:s26+$0x430] =	vst v18;
	v18 =	vld [tilespmem:s26+$0xD470]  }
0x180: {  	v12 =	vmul.f32 v12, v33;
	v23 =	vmul.f32 v23, v32;
	v15 =	vadd.f32 v25, v15;
	[tilespmem:s26+$0x420] =	vst v17;
	v17 =	vld [tilespmem:s26+$0x1440]  }
0x181: {  	v10 =	vmul.f32 v10, v33;
	v11 =	vmul.f32 v11, v32;
	v14 =	vadd.f32 v22, v14;
	[tilespmem:s26+$0x410] =	vst v16;
	v16 =	vld [tilespmem:s26+$0x1450]  }
0x182: {  	v8 =	vmul.f32 v8, v33;
	v9 =	vmul.f32 v9, v32;
	v13 =	vadd.f32 v23, v13;
	[tilespmem:s26+$0x400] =	vst v15;
	v15 =	vld [tilespmem:s26+$0x1460]  }
0x183: {  	v6 =	vmul.f32 v6, v33;
	v7 =	vmul.f32 v7, v32;
	v11 =	vadd.f32 v11, v12;
	[tilespmem:s26+$0x70] =	vst v14;
	v12 =	vld [tilespmem:s26+$0x1470]  }
0x184: {  	v3 =	vmul.f32 v3, v33;
	v5 =	vmul.f32 v5, v32;
	v9 =	vadd.f32 v9, v10;
	v14 =	vld [tilespmem:s26+$0x0];
	[tilespmem:s26+$0x60] =	vst v13  }
0x185: {  	v4 =	vmul.f32 v4, v32;
	v7 =	vadd.f32 v7, v8;
	v10 =	vld [tilespmem:s26+$0xC000];
	[tilespmem:s26+$0x50] =	vst v11;
	v8 =	vmul.f32 v17, v33  }
0x186: {  	s30 =	sshrl.u32 s29, $0x3;
	v5 =	vadd.f32 v5, v6;
	v6 =	vmul.f32 v21, v32;
	[tilespmem:s26+$0x40] =	vst v9;
	v9 =	vmul.f32 v16, v33  }
0x187: {  	s28 =	sadd.s32 $0x80, s28;
	s30 =	smul.u32 $0x1800, s30;
	v3 =	vadd.f32 v4, v3;
	v4 =	vmul.f32 v20, v32;
	[tilespmem:s26+$0x30] =	vst v7;
	v7 =	vmul.f32 v15, v33  }
0x188: {  	s31 =	sand.u32 $0x380, s28;
	[tilespmem:s26+$0x20] =	vst v5;
	v5 =	vadd.f32 v6, v8;
	v6 =	vmul.f32 v19, v32;
	v8 =	vmul.f32 v12, v33  }
0x189: {  	s30 =	sor.u32 s31, s30;
	v9 =	vadd.f32 v4, v9;
	v12 =	vmul.f32 v18, v32;
	v11 =	vmul.f32 v14, v33;
	[tilespmem:s26+$0x10] =	vst v3  }
0x18a: {  	v3 =	vld [tilespmem:s30+$0x10];
	v10 =	vmul.f32 v10, v32;
	[tilespmem:s26+$0x1440] =	vst v5;
	v5 =	vadd.f32 v6, v7  }
0x18b: {  	v7 =	vadd.f32 v12, v8;
	v4 =	vld [tilespmem:s30+$0xC010];
	[tilespmem:s26+$0x1450] =	vst v9  }
0x18c: {  	v6 =	vld [tilespmem:s30+$0x20];
	v9 =	vadd.f32 v10, v11;
	[tilespmem:s26+$0x1460] =	vst v5  }
0x18d: {  	v5 =	vld [tilespmem:s30+$0xC020];
	[tilespmem:s26+$0x1470] =	vst v7  }
0x18e: {  	v8 =	vld [tilespmem:s30+$0x30];
	[tilespmem:s26+$0x0] =	vst v9;
	s26 =	smov.u32 s30  }
0x18f: {  	v7 =	vld [tilespmem:s26+$0xC030]  }
0x190: {  	v10 =	vld [tilespmem:s26+$0x40]  }
0x191: {  	v9 =	vld [tilespmem:s26+$0xC040]  }
0x192: {  	v12 =	vld [tilespmem:s26+$0x50]  }
0x193: {  	v11 =	vld [tilespmem:s26+$0xC050]  }
0x194: {  	v13 =	vld [tilespmem:s26+$0x60]  }
0x195: {  	v14 =	vld [tilespmem:s26+$0x70]  }
0x196: {  	v15 =	vld [tilespmem:s26+$0x400]  }
0x197: {  	v16 =	vld [tilespmem:s26+$0x410]  }
0x198: {  	v17 =	vld [tilespmem:s26+$0x420]  }
0x199: {  	v18 =	vld [tilespmem:s26+$0x430]  }
0x19a: {  	v19 =	vld [tilespmem:s26+$0x440]  }
0x19b: {  	v20 =	vld [tilespmem:s26+$0x450]  }
0x19c: {  	v21 =	vld [tilespmem:s26+$0x460]  }
0x19d: {  	v22 =	vld [tilespmem:s26+$0x470]  }
0x19e: {  	v23 =	vld [tilespmem:s26+$0x800]  }
0x19f: {  	v24 =	vld [tilespmem:s26+$0x810]  }
0x1a0: {  	v25 =	vld [tilespmem:s26+$0x820]  }
0x1a1: {  	v26 =	vld [tilespmem:s26+$0x830]  }
0x1a2: {  	v27 =	vld [tilespmem:s26+$0x840]  }
0x1a3: {  	v28 =	vld [tilespmem:s26+$0x850]  }
0x1a4: {  	v29 =	vld [tilespmem:s26+$0x860]  }
0x1a5: {  	v30 =	vld [tilespmem:s26+$0x870]  }
0x1a6: {  	v31 =	vld [tilespmem:s26+$0xC00]  }
0x1a7: {  	v34 =	vld [tilespmem:s26+$0xC10]  }
0x1a8: {  	v35 =	vld [tilespmem:s26+$0xC20]  }
0x1a9: {  	v36 =	vld [tilespmem:s26+$0xC30]  }
0x1aa: {  	v37 =	vld [tilespmem:s26+$0xC40]  }
0x1ab: {  	v38 =	vld [tilespmem:s26+$0xC50]  }
0x1ac: {  	v39 =	vld [tilespmem:s26+$0xC60]  }
0x1ad: {  	v40 =	vld [tilespmem:s26+$0xC70]  }
0x1ae: {  	v41 =	vld [tilespmem:s26+$0x1000]  }
0x1af: {  	v42 =	vld [tilespmem:s26+$0x1010]  }
0x1b0: {  	v43 =	vld [tilespmem:s26+$0x1020]  }
0x1b1: {  	v44 =	vld [tilespmem:s26+$0x1030]  }
0x1b2: {  	v45 =	vld [tilespmem:s26+$0x1040]  }
0x1b3: {  	v46 =	vld [tilespmem:s26+$0x1050]  }
.Ltmp0:
0x1b4: {  	v47 =	vld [tilespmem:s26+$0x1060];
	(pc) =	sbr.rel @p0 .LBB2_2-.Ltmp0, $4  }
0x1b5: {  	v48 =	vld [tilespmem:s26+$0x1400]  }
0x1b6: {  	v50 =	vld [tilespmem:s26+$0x1410]  }
0x1b7: {  	v49 =	vld [tilespmem:s26+$0xD410]  }
0x1b8: {  	s29 =	sadd.s32 $0x1, s29;
	v51 =	vld [tilespmem:s26+$0xD430]  }
0x1b9: {  	v52 =	vld [tilespmem:s26+$0x1430]  }
0x1ba: {  	v53 =	vld [tilespmem:s26+$0x1420];
	s24 =	sadd.s32 $0x80, s24  }
0x1bb: {  	s31 =	sadd.s32 $0x80, s25;
	v32 =	vld [tilespmem:s24+$0x0]  }
0x1bc: {  	v33 =	vld [tilespmem:s31+$0x0]  }
0x1bd: {  	v54 =	vld [tilespmem:s26+$0xD420];
	_ =	sdelay $0x1  }
0x1be: {  	v55 =	vld [tilespmem:s26+$0xD400]  }
0x1bf: {  	v56 =	vld [tilespmem:s26+$0x1070]  }
0x1c0: {  	v58 =	vld [tilespmem:s26+$0xD060];
	v52 =	vmul.f32 v52, v32;
	v51 =	vmul.f32 v51, v33  }
0x1c1: {  	v57 =	vld [tilespmem:s26+$0xD070];
	v53 =	vmul.f32 v53, v32;
	v54 =	vmul.f32 v54, v33  }
0x1c2: {  	v59 =	vld [tilespmem:s26+$0xD050];
	v50 =	vmul.f32 v50, v32;
	v49 =	vmul.f32 v49, v33  }
0x1c3: {  	v60 =	vld [tilespmem:s26+$0xD040];
	v48 =	vmul.f32 v48, v32;
	v62 =	vmul.f32 v55, v33;
	v51 =	vadd.f32 v51, v52  }
0x1c4: {  	v61 =	vld [tilespmem:s26+$0xD020];
	v63 =	vmul.f32 v56, v32;
	v47 =	vmul.f32 v47, v32;
	v53 =	vadd.f32 v54, v53  }
0x1c5: {  	v58 =	vmul.f32 v58, v33;
	v55 =	vld [tilespmem:s26+$0xC460];
	v12 =	vmul.f32 v12, v32;
	v49 =	vadd.f32 v49, v50;
	[tilespmem:s26+$0x1430] =	vst v51  }
0x1c6: {  	v56 =	vld [tilespmem:s26+$0xC450];
	v11 =	vmul.f32 v11, v33;
	v10 =	vmul.f32 v10, v32;
	v48 =	vadd.f32 v62, v48;
	[tilespmem:s26+$0x1420] =	vst v53  }
0x1c7: {  	v9 =	vmul.f32 v9, v33;
	v8 =	vmul.f32 v8, v32;
	v52 =	vld [tilespmem:s26+$0xD030];
	v47 =	vadd.f32 v58, v47;
	[tilespmem:s26+$0x1410] =	vst v49  }
0x1c8: {  	v7 =	vmul.f32 v7, v33;
	v6 =	vmul.f32 v6, v32;
	v50 =	vld [tilespmem:s26+$0xD000];
	v11 =	vadd.f32 v11, v12;
	[tilespmem:s26+$0x1400] =	vst v48  }
0x1c9: {  	v5 =	vmul.f32 v5, v33;
	v3 =	vmul.f32 v3, v32;
	v58 =	vld [tilespmem:s26+$0xCC20];
	v9 =	vadd.f32 v9, v10;
	[tilespmem:s26+$0x1060] =	vst v47  }
0x1ca: {  	v4 =	vmul.f32 v4, v33;
	v62 =	vmul.f32 v59, v33;
	v59 =	vld [tilespmem:s26+$0xCC10];
	v7 =	vadd.f32 v7, v8;
	[tilespmem:s26+$0x50] =	vst v11  }
0x1cb: {  	v57 =	vmul.f32 v57, v33;
	v54 =	vld [tilespmem:s26+$0xC470];
	v5 =	vadd.f32 v5, v6;
	[tilespmem:s26+$0x40] =	vst v9  }
0x1cc: {  	v46 =	vmul.f32 v46, v32;
	v3 =	vadd.f32 v4, v3;
	v51 =	vld [tilespmem:s26+$0xD010];
	[tilespmem:s26+$0x30] =	vst v7  }
0x1cd: {  	v45 =	vmul.f32 v45, v32;
	v49 =	vld [tilespmem:s26+$0xCC70];
	v53 =	vadd.f32 v57, v63;
	v63 =	vmul.f32 v60, v33;
	[tilespmem:s26+$0x20] =	vst v5  }
0x1ce: {  	v43 =	vmul.f32 v43, v32;
	v48 =	vld [tilespmem:s26+$0xCC60];
	v46 =	vadd.f32 v62, v46;
	v57 =	vmul.f32 v61, v33;
	[tilespmem:s26+$0x10] =	vst v3  }
0x1cf: {  	v44 =	vmul.f32 v44, v32;
	v47 =	vld [tilespmem:s26+$0xCC40];
	[tilespmem:s26+$0x1070] =	vst v53;
	v45 =	vadd.f32 v63, v45;
	v52 =	vmul.f32 v52, v33  }
0x1d0: {  	v41 =	vmul.f32 v41, v32;
	v60 =	vld [tilespmem:s26+$0xCC00];
	[tilespmem:s26+$0x1050] =	vst v46;
	v43 =	vadd.f32 v57, v43;
	v50 =	vmul.f32 v50, v33  }
0x1d1: {  	v35 =	vmul.f32 v35, v32;
	v61 =	vld [tilespmem:s26+$0xC870];
	[tilespmem:s26+$0x1040] =	vst v45;
	v45 =	vmul.f32 v58, v33;
	v44 =	vadd.f32 v52, v44  }
0x1d2: {  	v42 =	vmul.f32 v42, v32;
	v53 =	vld [tilespmem:s26+$0xCC50];
	[tilespmem:s26+$0x1020] =	vst v43;
	v51 =	vmul.f32 v51, v33;
	v41 =	vadd.f32 v50, v41  }
0x1d3: {  	v40 =	vmul.f32 v40, v32;
	v46 =	vld [tilespmem:s26+$0xCC30];
	v49 =	vmul.f32 v49, v33;
	v35 =	vadd.f32 v45, v35;
	[tilespmem:s26+$0x1030] =	vst v44  }
0x1d4: {  	v39 =	vmul.f32 v39, v32;
	v62 =	vld [tilespmem:s26+$0xC860];
	v48 =	vmul.f32 v48, v33;
	v42 =	vadd.f32 v51, v42;
	[tilespmem:s26+$0x1000] =	vst v41  }
0x1d5: {  	v37 =	vmul.f32 v37, v32;
	v57 =	vld [tilespmem:s26+$0xC440];
	v47 =	vmul.f32 v47, v33;
	v40 =	vadd.f32 v49, v40;
	[tilespmem:s26+$0xC20] =	vst v35  }
0x1d6: {  	v31 =	vmul.f32 v31, v32;
	v58 =	vld [tilespmem:s26+$0xC430];
	v43 =	vmul.f32 v60, v33;
	v39 =	vadd.f32 v48, v39;
	[tilespmem:s26+$0x1010] =	vst v42  }
0x1d7: {  	v38 =	vmul.f32 v38, v32;
	v50 =	vld [tilespmem:s26+$0xC830];
	v63 =	vmul.f32 v53, v33;
	v37 =	vadd.f32 v47, v37;
	[tilespmem:s26+$0xC70] =	vst v40  }
0x1d8: {  	v36 =	vmul.f32 v36, v32;
	v60 =	vld [tilespmem:s26+$0xC410];
	v46 =	vmul.f32 v46, v33;
	v31 =	vadd.f32 v43, v31;
	[tilespmem:s26+$0xC60] =	vst v39  }
0x1d9: {  	v34 =	vmul.f32 v34, v32;
	v52 =	vld [tilespmem:s26+$0xC810];
	v44 =	vmul.f32 v59, v33;
	v38 =	vadd.f32 v63, v38;
	[tilespmem:s26+$0xC40] =	vst v37  }
0x1da: {  	v29 =	vmul.f32 v29, v32;
	v45 =	vld [tilespmem:s26+$0x1440];
	v41 =	vmul.f32 v62, v33;
	v36 =	vadd.f32 v46, v36;
	[tilespmem:s26+$0xC00] =	vst v31  }
0x1db: {  	v21 =	vmul.f32 v21, v32;
	v48 =	vld [tilespmem:s26+$0xC850];
	v62 =	vmul.f32 v55, v33;
	v34 =	vadd.f32 v44, v34;
	[tilespmem:s26+$0xC50] =	vst v38  }
0x1dc: {  	v30 =	vmul.f32 v30, v32;
	v49 =	vld [tilespmem:s26+$0xC840];
	v42 =	vmul.f32 v61, v33;
	v29 =	vadd.f32 v41, v29;
	[tilespmem:s26+$0xC30] =	vst v36  }
0x1dd: {  	v16 =	vmul.f32 v16, v32;
	v51 =	vld [tilespmem:s26+$0xC820];
	v21 =	vadd.f32 v62, v21;
	v41 =	vmul.f32 v60, v33;
	[tilespmem:s26+$0xC10] =	vst v34  }
0x1de: {  	v26 =	vmul.f32 v26, v32;
	v53 =	vld [tilespmem:s26+$0xC800];
	v30 =	vadd.f32 v42, v30;
	[tilespmem:s26+$0x860] =	vst v29;
	v38 =	vmul.f32 v50, v33  }
0x1df: {  	v24 =	vmul.f32 v24, v32;
	v59 =	vld [tilespmem:s26+$0xC420];
	v36 =	vmul.f32 v52, v33;
	[tilespmem:s26+$0x460] =	vst v21;
	v16 =	vadd.f32 v41, v16  }
0x1e0: {  	v22 =	vmul.f32 v22, v32;
	v43 =	vld [tilespmem:s26+$0xD470];
	v34 =	vmul.f32 v54, v33;
	[tilespmem:s26+$0x870] =	vst v30;
	v26 =	vadd.f32 v38, v26  }
0x1e1: {  	v28 =	vmul.f32 v28, v32;
	v61 =	vld [tilespmem:s26+$0xC400];
	v40 =	vmul.f32 v48, v33;
	v24 =	vadd.f32 v36, v24;
	[tilespmem:s26+$0x410] =	vst v16  }
0x1e2: {  	v27 =	vmul.f32 v27, v32;
	v63 =	vld [tilespmem:s26+$0xC070];
	v39 =	vmul.f32 v49, v33;
	v22 =	vadd.f32 v34, v22;
	[tilespmem:s26+$0x830] =	vst v26  }
0x1e3: {  	v25 =	vmul.f32 v25, v32;
	v46 =	vld [tilespmem:s26+$0x1450];
	v37 =	vmul.f32 v51, v33;
	v28 =	vadd.f32 v40, v28;
	[tilespmem:s26+$0x810] =	vst v24  }
0x1e4: {  	v23 =	vmul.f32 v23, v32;
	v50 =	vld [tilespmem:s26+$0xC000];
	v35 =	vmul.f32 v53, v33;
	v27 =	vadd.f32 v39, v27;
	[tilespmem:s26+$0x470] =	vst v22  }
0x1e5: {  	v20 =	vmul.f32 v20, v32;
	v48 =	vld [tilespmem:s26+$0x1460];
	v30 =	vmul.f32 v56, v33;
	v25 =	vadd.f32 v37, v25;
	[tilespmem:s26+$0x850] =	vst v28  }
0x1e6: {  	v19 =	vmul.f32 v19, v32;
	v51 =	vld [tilespmem:s26+$0x0];
	v23 =	vadd.f32 v35, v23;
	v35 =	vmul.f32 v57, v33;
	[tilespmem:s26+$0x840] =	vst v27  }
0x1e7: {  	v18 =	vmul.f32 v18, v32;
	v34 =	vld [tilespmem:s26+$0xC060];
	v37 =	vmul.f32 v58, v33;
	v20 =	vadd.f32 v30, v20;
	[tilespmem:s26+$0x820] =	vst v25  }
0x1e8: {  	v17 =	vmul.f32 v17, v32;
	v36 =	vld [tilespmem:s26+$0xD440];
	v39 =	vmul.f32 v59, v33;
	[tilespmem:s26+$0x800] =	vst v23;
	v19 =	vadd.f32 v35, v19  }
0x1e9: {  	v15 =	vmul.f32 v15, v32;
	v38 =	vld [tilespmem:s26+$0xD450];
	v42 =	vmul.f32 v61, v33;
	v18 =	vadd.f32 v37, v18;
	[tilespmem:s26+$0x450] =	vst v20  }
0x1ea: {  	v14 =	vmul.f32 v14, v32;
	v40 =	vld [tilespmem:s26+$0xD460];
	v44 =	vmul.f32 v63, v33;
	v17 =	vadd.f32 v39, v17;
	[tilespmem:s26+$0x440] =	vst v19  }
0x1eb: {  	v49 =	vld [tilespmem:s26+$0x1470];
	v15 =	vadd.f32 v42, v15;
	v10 =	vmul.f32 v50, v33;
	v61 =	vmul.f32 v51, v32;
	[tilespmem:s26+$0x430] =	vst v18  }
0x1ec: {  	v13 =	vmul.f32 v13, v32;
	v14 =	vadd.f32 v44, v14;
	[tilespmem:s26+$0x420] =	vst v17;
	v47 =	vmul.f32 v34, v33  }
0x1ed: {  	v52 =	vmul.f32 v45, v32;
	[tilespmem:s26+$0x400] =	vst v15;
	v53 =	vmul.f32 v36, v33;
	v63 =	vadd.f32 v10, v61  }
0x1ee: {  	v54 =	vmul.f32 v46, v32;
	[tilespmem:s26+$0x70] =	vst v14;
	v55 =	vmul.f32 v38, v33;
	v13 =	vadd.f32 v47, v13  }
0x1ef: {  	v56 =	vmul.f32 v48, v32;
	v58 =	vmul.f32 v40, v33;
	v57 =	vadd.f32 v53, v52;
	[tilespmem:s26+$0x0] =	vst v63  }
0x1f0: {  	v60 =	vmul.f32 v43, v33;
	v59 =	vmul.f32 v49, v32;
	v3 =	vadd.f32 v55, v54;
	[tilespmem:s26+$0x60] =	vst v13  }
0x1f1: {  	v62 =	vadd.f32 v58, v56;
	[tilespmem:s26+$0x1440] =	vst v57  }
0x1f2: {  	s23 =	sadd.s32 $0x1, s23;
	[tilespmem:s26+$0x1450] =	vst v3;
	v3 =	vadd.f32 v60, v59  }
0x1f3: {  	p0 =	sne.s32 s23, s11;
	[tilespmem:s26+$0x1460] =	vst v62  }
.Ltmp1:
0x1f4: {  	[tilespmem:s26+$0x1470] =	vst v3;
	(pc) =	sbr.rel @p0 .LBB2_1-.Ltmp1, $4  }
0x1f5: {  	[hbm4b:s10+s2] =	stream.linear.scatter [tilespmem:s2], [sflag:$0x2], $0xC000, $0x38;
	[tilespmem:$0x1C100] =	vst v63  }
0x1f6: {  	_ =	swait.ge [sflag:s13], $0xC000  }
0x1f7: {  	[sflag:s13] =	ssyncset.done $0x0  }
0x1f8: {  	[sflag:s13] =	ssyncadd.s32 $0xFFFF4000  }
0x1f9: {  	_ =	sfence.sel $0x180000  }
0x1fa: {  	[bflag:$0x0] =	sbarrier.arrive $0xFFFF  }
0x1fb: {  	_ =	strace $0x9000004A  }
0x1fc: {  	s0 =	stileid.u32;
	[bflag:$0x2] =	sbarrier.arrive $0xFFFF  }
0x1fd: {  	p0 =	sne.s32 s0, $0x0;
	s0 =	rddreg [dreg:$0x2]  }
0x1fe: {  	s0 =	sadd.s32 @!p0 $0x100000, s0  }
0x1ff: {  	[sflag:s0] =	ssyncadd.tile.s32 @!p0 $0x1;
	_ =	shalt  }
.Lfunc_end2:
_tile_overlayer_lowered:
.L_overlay_start_2:
0x200: {  	(tag) =	ssettag $0x2  }
0x201: {  	s0 =	rddreg [dreg:$0x0];
	s2 =	stileid.u32  }
0x202: {  	s1 =	rddreg [dreg:$0x1];
	p0 =	sne.s32 s2, $0x0  }
0x203: {  	s3 =	rddreg [dreg:$0x2];
	[bflag:$0x3] =	sbarrier.arrive $0xFFFF;
	s2 =	simm.s32 @!p0 $0x1C02  }
0x204: {  	[timem:s3], [sflag:s2] =	dma.local @!p0 [hbm:s0], s1  }
0x205: {  	s0 =	simm.s32 @!p0 $0x2  }
0x206: {  	_ =	swait.ge @!p0 [sflag:s0], s1  }
0x207: {  	s1 =	ssub.s32 @!p0 $0x0, s1;
	[sflag:s0] =	ssyncset.done @!p0 $0x0  }
0x208: {  	[sflag:s0] =	ssyncadd.s32 @!p0 s1  }
0x209: {  	[bflag:$0x3] =	sbarrier.arrive $0xFFFF  }
0x20a: {  	_ =	shalt  }

// kernel: kernel.7.cloned.1.call-start
scs
__scs_entry_jumppad:
0x0: {  	(pc) =	sbr.rel $0x88, $3  }
0x1: {  	(tag) =	ssettag $0x0;
	lr =	simm.s32 $0x1  }
0x2: {  	[smem:$0x3F9C] =	sst lr;
	_ =	strace $0xD0000000  }
0x3: {  	_ = 	snop  }
0x4: {  	_ = 	snop  }
0x5: {  	_ = 	snop  }
0x6: {  	_ = 	snop  }
0x7: {  	_ = 	snop  }
__scs_overlays_trampoline_lowered:
0x8: {  	[smem:$0x3FAB] =	sst s0  }
0x9: {  	[smem:$0x3FAC] =	sst s1  }
0xa: {  	[smem:$0x3FAD] =	sst s2  }
0xb: {  	[smem:$0x3FAE] =	sst s3  }
0xc: {  	[smem:$0x3FAF] =	sst s4  }
0xd: {  	[smem:$0x3FB0] =	sst s5  }
0xe: {  	[smem:$0x3FB1] =	sst s6  }
0xf: {  	[smem:$0x3FB2] =	sst s7  }
0x10: {  	[smem:$0x3FB3] =	sst s8  }
0x11: {  	[smem:$0x3FB4] =	sst s9;
	s0 =	simm.s32 @!p0 $0x0  }
0x12: {  	s1 =	sld [smem:$0x3F9A];
	s0 =	simm.s32 @p0 $0x1  }
0x13: {  	[smem:$0x3FB5] =	sst s0;
	s0 =	simm.s32 @!p1 $0x0  }
0x14: {  	s2 =	sld [smem:$0x3F99];
	s0 =	simm.s32 @p1 $0x1  }
0x15: {  	[smem:$0x3FB6] =	sst s0;
	s0 =	simm.s32 @!p2 $0x0  }
0x16: {  	s3 =	sld [smem:$0x3FDB];
	s0 =	simm.s32 @p2 $0x1  }
0x17: {  	s4 =	simm.s32 $0x1BF5;
	[smem:$0x3FB8] =	sst s0  }
0x18: {  	s0 =	sld [smem:$0x3F9B];
	_ =	swait.ge [sflag:s4], $0x0  }
0x19: {  	s7 =	sld [smem:$0x3F9C]  }
0x1a: {  	s8 =	sadd.s32 $0xFFFFE003, lr  }
0x1b: {  	s9 =	sadd.s32 $0xFFFFFEF7, lr;
	s5 =	simm.s32 $0xFFFFFFFF;
	p2 =	slt.u32 s8, $0xFFFFF086  }
0x1c: {  	p1 =	slt.u32 s9, $0xF7A;
	s5 =	simm.s32 @!p2 $0x0  }
0x1d: {  	s5 =	simm.s32 @p1 $0x1;
	p0 =	seq.s32 s7, s2  }
0x1e: {  	s7 =	smul.u32 @!p0 $0xF7A, s2;
	p2 =	seq.s32 @!p0 s5, $0x0  }
0x1f: {  	s9 =	smul.u32 $0xF7A, s1;
	s8 =	simm.s32 @!p0 $0x1BF5;
	p2 =	por !p2, p0  }
0x20: {  	[sflag:s8] =	ssyncset.s32 @!p0 $0xFFFFF086;
	s6 =	sadd.s32 @!p0 s3, s7;
	s7 =	simm.s32 @!p0 $0x108  }
0x21: {  	s3 =	sadd.s32 s3, s9;
	s6 =	sadd.s32 @!p0 $0x88, s6;
	s7 =	simm.s32 @p2 $0x1082  }
0x22: {  	[simem:s7], [sflag:s8] =	dma.local @!p0 [hbm:s6], $0xF7A  }
0x23: {  	s9 =	sor.u32 $0xD0000000, s2;
	s6 =	simm.s32 $0x108;
	_ =	swait.ge @!p0 [sflag:s8], $0x0  }
0x24: {  	s3 =	sadd.s32 $0x88, s3;
	s6 =	simm.s32 @!p1 $0x1082;
	[sflag:s4] =	ssyncset.s32 $0xFFFFF086  }
0x25: {  	[simem:s6], [sflag:s4] =	dma.local [hbm:s3], $0xF7A  }
0x26: {  	[smem:$0x3F9C] =	sst s1;
	(tag) =	ssettag s2;
	_ =	strace s9  }
0x27: {  	s1 =	sld [smem:$0x3FAC]  }
0x28: {  	s2 =	sld [smem:$0x3FAD]  }
0x29: {  	s4 =	sld [smem:$0x3FAF]  }
0x2a: {  	p0 =	seq.s32 s5, $0x0;
	s5 =	sld [smem:$0x3FB0]  }
0x2b: {  	s6 =	sld [smem:$0x3FB1]  }
0x2c: {  	s7 =	sld [smem:$0x3FB2]  }
0x2d: {  	s3 =	simm.s32 $0x108;
	s8 =	sld [smem:$0x3FB3]  }
0x2e: {  	s3 =	simm.s32 @!p0 $0x1082;
	s9 =	sld [smem:$0x3FB4]  }
0x2f: {  	lr =	sadd.s32 s0, s3;
	s0 =	sld [smem:$0x3FAB]  }
0x30: {  	s3 =	sld [smem:$0x3FAE]  }
0x31: {  	[smem:$0x3FB7] =	sst s10  }
0x32: {  	s10 =	sld [smem:$0x3FB5];
	_ =	sdelay $0x3  }
0x33: {  	p0 =	seq.s32 s10, $0x1;
	s10 =	sld [smem:$0x3FB7];
	_ =	sdelay $0x3  }
0x34: {  	[smem:$0x3FB7] =	sst s10  }
0x35: {  	s10 =	sld [smem:$0x3FB6];
	_ =	sdelay $0x3  }
0x36: {  	p1 =	seq.s32 s10, $0x1;
	s10 =	sld [smem:$0x3FB7];
	_ =	sdelay $0x3  }
0x37: {  	[smem:$0x3FB7] =	sst s10  }
0x38: {  	s10 =	sld [smem:$0x3FB8]  }
0x39: {  	_ = 	snop;
	(pc) =	sbr.ind lr, $3  }
0x3a: {  	_ = 	snop  }
0x3b: {  	_ = 	snop  }
0x3c: {  	p2 =	seq.s32 s10, $0x1;
	s10 =	sld [smem:$0x3FB7]  }
0x3d: {  	_ =	shalt  }
0x3e: {  	_ =	shalt  }
0x3f: {  	_ =	shalt  }
0x40: {  	_ =	shalt  }
0x41: {  	_ =	shalt  }
0x42: {  	_ =	shalt  }
0x43: {  	_ =	shalt  }
0x44: {  	_ =	shalt  }
0x45: {  	_ =	shalt  }
0x46: {  	_ =	shalt  }
0x47: {  	_ =	shalt  }
0x48: {  	_ =	shalt  }
0x49: {  	_ =	shalt  }
0x4a: {  	_ =	shalt  }
0x4b: {  	_ =	shalt  }
0x4c: {  	_ =	shalt  }
0x4d: {  	_ =	shalt  }
0x4e: {  	_ =	shalt  }
0x4f: {  	_ =	shalt  }
0x50: {  	_ =	shalt  }
0x51: {  	_ =	shalt  }
0x52: {  	_ =	shalt  }
0x53: {  	_ =	shalt  }
0x54: {  	_ =	shalt  }
0x55: {  	_ =	shalt  }
0x56: {  	_ =	shalt  }
0x57: {  	_ =	shalt  }
0x58: {  	_ =	shalt  }
0x59: {  	_ =	shalt  }
0x5a: {  	_ =	shalt  }
0x5b: {  	_ =	shalt  }
0x5c: {  	_ =	shalt  }
0x5d: {  	_ =	shalt  }
0x5e: {  	_ =	shalt  }
0x5f: {  	_ =	shalt  }
0x60: {  	_ =	shalt  }
0x61: {  	_ =	shalt  }
0x62: {  	_ =	shalt  }
0x63: {  	_ =	shalt  }
0x64: {  	_ =	shalt  }
0x65: {  	_ =	shalt  }
0x66: {  	_ =	shalt  }
0x67: {  	_ =	shalt  }
0x68: {  	_ =	shalt  }
0x69: {  	_ =	shalt  }
0x6a: {  	_ =	shalt  }
0x6b: {  	_ =	shalt  }
0x6c: {  	_ =	shalt  }
0x6d: {  	_ =	shalt  }
0x6e: {  	_ =	shalt  }
0x6f: {  	_ =	shalt  }
0x70: {  	_ =	shalt  }
0x71: {  	_ =	shalt  }
0x72: {  	_ =	shalt  }
0x73: {  	_ =	shalt  }
0x74: {  	_ =	shalt  }
0x75: {  	_ =	shalt  }
0x76: {  	_ =	shalt  }
0x77: {  	_ =	shalt  }
0x78: {  	_ =	shalt  }
0x79: {  	_ =	shalt  }
0x7a: {  	_ =	shalt  }
0x7b: {  	_ =	shalt  }
0x7c: {  	_ =	shalt  }
0x7d: {  	_ =	shalt  }
0x7e: {  	_ =	shalt  }
0x7f: {  	_ =	shalt  }
0x80: {  	_ =	shalt  }
0x81: {  	_ =	shalt  }
0x82: {  	_ =	shalt  }
0x83: {  	_ =	shalt  }
0x84: {  	_ =	shalt  }
0x85: {  	_ =	shalt  }
0x86: {  	_ =	shalt  }
0x87: {  	_ =	shalt  }
.Lfunc_end0:
.L_simem_size_0:
called_computation_lowered:
.L_overlay_start_0:
0x88: {  	s2 =	sld [smem:$0x3FD9]  }
0x89: {  	s3 =	sld [smem:$0x3FFE];
	_ =	sdelay $0x1  }
0x8a: {  	s1 =	srdreg.scid  }
0x8b: {  	s0 =	sand.u32 $0x1, s1  }
0x8c: {  	s17 =	sshll.u32 s0, $0xA;
	s2 =	sadd.s32 s3, s2  }
0x8d: {  	s2 =	sadd.s32 s2, s17  }
0x8e: {  	[smem:$0x3FC3] =	sst s2  }
0x8f: {  	_ = 	snop  }
0x90: {  	s2 =	sld [smem:$0x3FC9];
	(tm) =	ssettm $0x1  }
0x91: {  	s18 =	sld [smem:$0x3FFB];
	_ =	sdelay $0x3  }
0x92: {  	_ =	strace s18  }
0x93: {  	s3 =	sld [smem:$0x3FFC];
	_ =	sdelay $0x3  }
0x94: {  	_ =	strace s3  }
0x95: {  	s3 =	sld [smem:$0x3FFD];
	_ =	sdelay $0x3  }
0x96: {  	_ =	strace s3  }
0x97: {  	_ =	strace $0x8FFFFFFF  }
0x98: {  	s19 =	sld [smem:$0x3FDB];
	_ =	sdelay $0x1  }
0x99: {  	s4 =	simm.s32 $_scs_section_size  }
0x9a: {  	s5 =	simm.s32 $_size__tile_overlayer_lowered;
	s6 =	simm.s32 $_tile_overlayer_lowered  }
0x9b: {  	s22 =	simm.s32 $0x1BFF;
	s21 =	sshll.u32 s6, $0x1;
	s3 =	sadd.s32 s4, s19  }
0x9c: {  	s7 =	simm.s32 $0x0;
	s20 =	sshll.u32 s5, $0x1;
	s5 =	sadd.s32 s21, s3  }
0x9d: {  	[timem:s7], [sflag:s22] =	dma.local [hbm:s5], s20  }
0x9e: {  	_ =	swait.ge [sflag:s22], s20  }
0x9f: {  	s4 =	ssub.s32 $0x0, s20;
	[sflag:s22] =	ssyncset.done $0x0  }
0xa0: {  	[sflag:s22] =	ssyncadd.s32 s4;
	_ =	sdelay $0x1  }
0xa1: {  	s23 =	simm.s32 $0x1B8B  }
0xa2: {  	_ =	swait.ge [sflag:s23], $0x1  }
0xa3: {  	[sflag:s23] =	ssyncset.done $0x0  }
0xa4: {  	s25 =	simm.s32 $0x1B8E;
	s24 =	sld [smem:$0x3FFE];
	[sflag:s23] =	ssyncadd.s32 $0xFFFFFFFF  }
0xa5: {  	s26 =	simm.s32 $execute0_lowered;
	[smem:$0x3FD2] =	sst s25  }
0xa6: {  	s5 =	sshll.u32 s26, $0x1;
	_ =	strace $0x80000046;
	[dreg:$0x1] =	wrdreg $0xFFFFFFFF  }
0xa7: {  	s28 =	simm.s32 $_size_execute0_lowered;
	s3 =	sadd.s32 s3, s5;
	[dreg:$0x0] =	wrdreg $0x0  }
0xa8: {  	s5 =	sshll.u32 s28, $0x1;
	[dreg:$0x2] =	wrdreg s3  }
0xa9: {  	[dreg:$0x3] =	wrdreg s5  }
0xaa: {  	[dreg:$0x4] =	wrdreg $0xC0  }
0xab: {  	_ =	task [dreg:s7], $0x5FFFF  }
0xac: {  	[dreg:$0x1] =	wrdreg $0xFFFFFFFF  }
0xad: {  	[dreg:$0x0] =	wrdreg $0x60  }
0xae: {  	[dreg:$0x2] =	wrdreg s2  }
0xaf: {  	[dreg:$0x3] =	wrdreg s24  }
0xb0: {  	[dreg:$0x4] =	wrdreg $0x9  }
0xb1: {  	_ =	task.clear_ibuf [dreg:s7], $0x5FFFF;
	_ =	strace $0x90000046  }
0xb2: {  	s29 =	simm.s32 $0x9;
	_ =	strace $0x80000048  }
0xb3: {  	_ =	swait.ge [sflag:s29], $0x1  }
0xb4: {  	[sflag:s29] =	ssyncadd.s32 $0xFFFFFFFF  }
0xb5: {  	_ =	strace $0x90000048  }
0xb6: {  	_ =	sfence  }
0xb7: {  	s30 =	sld [smem:$0x0];
	_ =	sdelay $0x2  }
0xb8: {  	s31 =	sshll.u32 s1, $0xD;
	s1 =	sshrl.u32 s1, $0x2  }
0xb9: {  	s3 =	sand.u32 $0x4000, s31;
	s1 =	sadd.s32 s1, s30  }
0xba: {  	s0 =	sor.u32 s3, s0;
	s1 =	sshll.u32 s1, $0x11  }
0xbb: {  	s0 =	sor.u32 s1, s0  }
0xbc: {  	s0 =	sadd.s32 $0x8F2B, s0  }
0xbd: {  	[sflag:s0] =	ssyncadd.remote.s32 $0x1  }
0xbe: {  	_ =	sfence.sel $0xFFFF  }
0xbf: {  	[dreg:$0x0] =	wrdreg $0xFFFFFFFF;
	(pc) =	sbr.abs _section_cstart, $3  }
0xc0: {  	[dreg:$0x1] =	wrdreg $0xFFFFFFFF  }
0xc1: {  	_ =	task.clear_ibuf [dreg:s7], $0x2FFFF;
	_ =	strace $0x9FFFFFFF  }
0xc2: {  	(tm) =	ssettm $0x7FFFFFFF  }
0xc3: {  	_ =	shalt  }
tec
execute0_lowered:
.L_overlay_start_1:
0x0: {  	(tag) =	ssettag $0x1  }
0x1: {  	s1 =	srdreg.scid;
	s3 =	rddreg [dreg:$0x0]  }
0x2: {  	s0 =	stileid.u32;
	s5 =	rddreg [dreg:$0x1]  }
0x3: {  	s8 =	simm.s32 $0xC000;
	s7 =	simm.s32 $0x1;
	s9 =	simm.s32 $0x800  }
0x4: {  	s10 =	simm.s32 $0x1000;
	s11 =	simm.s32 $0x1800;
	s12 =	simm.s32 $0x2000  }
0x5: {  	s13 =	simm.s32 $0x2800;
	s14 =	simm.s32 $0x3000;
	s15 =	simm.s32 $0x3800  }
0x6: {  	s16 =	simm.s32 $0x4000;
	s17 =	simm.s32 $0x4800;
	s18 =	simm.s32 $0x5000  }
0x7: {  	s19 =	simm.s32 $0x5800;
	s20 =	simm.s32 $0x6000;
	s21 =	simm.s32 $0x6800  }
0x8: {  	s22 =	simm.s32 $0x7000;
	s23 =	simm.s32 $0x7800;
	s24 =	simm.s32 $0x8000  }
0x9: {  	s28 =	simm.s32 $0x9800;
	s29 =	simm.s32 $0xA000;
	s1 =	sand.u32 $0x1, s1  }
0xa: {  	s30 =	simm.s32 $0xA800;
	s2 =	sshll.u32 s0, $0x4;
	s4 =	sshll.u32 s1, $0x3  }
0xb: {  	s31 =	simm.s32 $0xB000;
	s1 =	ssub.s32 $0x2, s1;
	s4 =	sor.u32 s4, s2  }
0xc: {  	s2 =	simm.s32 $0x0;
	s26 =	sshrl.u32 s1, $0x1;
	s6 =	smul.u32 $0x300, s4  }
0xd: {  	[smem:$0x7FF] =	sst s2;
	s4 =	sadd.s32 s4, s5;
	s1 =	ssub.s32 s1, s26  }
0xe: {  	_ =	strace $0x80000047;
	s25 =	sadd.s32 $0x1A00, s4;
	[dreg:$0x6] =	wrdreg s8  }
0xf: {  	s26 =	simm.s32 $0x9000;
	s4 =	sadd.s32 $0x1C00, s4;
	[dreg:$0x4] =	wrdreg s25  }
0x10: {  	v2 =	vlaneseq.u32;
	s3 =	sadd.s32 s3, s6;
	[dreg:$0x5] =	wrdreg s4;
	s4 =	sadd.s32 $0x19F00, s5  }
0x11: {  	vm0 =	vmmov $0xffff;
	v1 =	vshrl.u32 v2, $0x3;
	s6 =	smax.u32 s1, $0x1;
	s25 =	simm.s32 $0x8800;
	s1 =	simm.s32 $0xB800  }
0x12: {  	v0 =	vand.u32 $0x7, v2;
	v2 =	vor.u32 $0x8, v2;
	v1 =	vmul.u32 $0x8, v1;
	[dreg:$0x3] =	wrdreg s3;
	s3 =	sadd.s32 $0x19E00, s5;
	s5 =	sadd.s32 $0x1A000, s5  }
.LBB2_1:
0x13: {  	s0 =	rddreg [dreg:$0x3]  }
0x14: {  	[tilespmem:s2], [sflag:$0x1] =	stream.linear.gather [hbm4b:s0+s2], $0xC000, $0x38;
	[tilespmem:$0xC100] =	vst v63  }
0x15: {  	_ =	swait.ge [sflag:s7], $0xC000  }
0x16: {  	s0 =	rddreg [dreg:$0x4];
	[sflag:s7] =	ssyncset.done $0x0  }
0x17: {  	s8 =	rddreg [dreg:$0x6];
	[sflag:s7] =	ssyncadd.s32 $0xFFFF4000  }
0x18: {  	[tilespmem:s8], [sflag:$0x1] =	stream.linear.gather [hbm4b:s0+s2], $0x40, $0x38;
	[tilespmem:$0xC100] =	vst v63  }
0x19: {  	_ =	swait.ge [sflag:s7], $0x40  }
0x1a: {  	[sflag:s7] =	ssyncset.done $0x0  }
0x1b: {  	s8 =	simm.s32 $0xC080;
	s0 =	rddreg [dreg:$0x5];
	[sflag:s7] =	ssyncadd.s32 $0xFFFFFFC0  }
0x1c: {  	[tilespmem:s8], [sflag:$0x1] =	stream.linear.gather [hbm4b:s0+s2], $0x40, $0x38;
	[tilespmem:$0xC100] =	vst v63  }
0x1d: {  	_ =	swait.ge [sflag:s7], $0x40  }
0x1e: {  	[sflag:s7] =	ssyncset.done $0x0  }
0x1f: {  	[sflag:s7] =	ssyncadd.s32 $0xFFFFFFC0  }
0x20: {  	v3 =	vld [tilespmem:$0xC000];
	_ =	sdelay $0x4  }
0x21: {  	v4 =	vshrl.u32 v3, $0x3  }
0x22: {  	v4 =	vmul.u32 $0x30, v4  }
0x23: {  	v3 =	vand.u32 $0x7, v3  }
0x24: {  	v3 =	vor.u32 v3, v4  }
0x25: {  	v4 =	vperm.xlane v3, v0;
	_ =	sdelay $0x1  }
0x26: {  	v4 =	vadd.s32 v1, v4;
	_ =	sdelay $0x3  }
0x27: {  	v3 =	vperm.xlane v3, v2  }
0x28: {  	[hbm4b:s3+s2] =	stream.indirect_vreg.scatter [tilespmem:s2], [sflag:$0x1], $0x80, v4, vm0, $0xb8;
	[tilespmem:$0xC100] =	vst v63  }
0x29: {  	v3 =	vadd.s32 v1, v3  }
0x2a: {  	[hbm4b:s4+s2] =	stream.indirect_vreg.scatter [tilespmem:s9], [sflag:$0x1], $0x80, v4, vm0, $0xb8;
	[tilespmem:$0xC100] =	vst v63  }
0x2b: {  	_ = 	snop  }
0x2c: {  	[hbm4b:s5+s2] =	stream.indirect_vreg.scatter [tilespmem:s10], [sflag:$0x1], $0x80, v4, vm0, $0xb8;
	[tilespmem:$0xC100] =	vst v63  }
0x2d: {  	_ = 	snop  }
0x2e: {  	[hbm4b:s3+s2] =	stream.indirect_vreg.scatter [tilespmem:s11], [sflag:$0x1], $0x80, v3, vm0, $0xb8;
	[tilespmem:$0xC100] =	vst v63  }
0x2f: {  	_ = 	snop  }
0x30: {  	[hbm4b:s4+s2] =	stream.indirect_vreg.scatter [tilespmem:s12], [sflag:$0x1], $0x80, v3, vm0, $0xb8;
	[tilespmem:$0xC100] =	vst v63  }
0x31: {  	_ = 	snop  }
0x32: {  	[hbm4b:s5+s2] =	stream.indirect_vreg.scatter [tilespmem:s13], [sflag:$0x1], $0x80, v3, vm0, $0xb8;
	[tilespmem:$0xC100] =	vst v63  }
0x33: {  	v3 =	vld [tilespmem:$0xC010];
	_ =	sdelay $0x4  }
0x34: {  	v57 =	vshrl.u32 v3, $0x3  }
0x35: {  	v4 =	vmul.u32 $0x30, v57  }
0x36: {  	v3 =	vand.u32 $0x7, v3  }
0x37: {  	v3 =	vor.u32 v3, v4  }
0x38: {  	v4 =	vperm.xlane v3, v0;
	_ =	sdelay $0x1  }
0x39: {  	v4 =	vadd.s32 v1, v4;
	_ =	sdelay $0x3  }
0x3a: {  	v3 =	vperm.xlane v3, v2  }
0x3b: {  	[hbm4b:s3+s2] =	stream.indirect_vreg.scatter [tilespmem:s14], [sflag:$0x1], $0x80, v4, vm0, $0xb8;
	[tilespmem:$0xC100] =	vst v63  }
0x3c: {  	v3 =	vadd.s32 v1, v3  }
0x3d: {  	[hbm4b:s4+s2] =	stream.indirect_vreg.scatter [tilespmem:s15], [sflag:$0x1], $0x80, v4, vm0, $0xb8;
	[tilespmem:$0xC100] =	vst v63  }
0x3e: {  	_ = 	snop  }
0x3f: {  	[hbm4b:s5+s2] =	stream.indirect_vreg.scatter [tilespmem:s16], [sflag:$0x1], $0x80, v4, vm0, $0xb8;
	[tilespmem:$0xC100] =	vst v63  }
0x40: {  	_ = 	snop  }
0x41: {  	[hbm4b:s3+s2] =	stream.indirect_vreg.scatter [tilespmem:s17], [sflag:$0x1], $0x80, v3, vm0, $0xb8;
	[tilespmem:$0xC100] =	vst v63  }
0x42: {  	_ = 	snop  }
0x43: {  	[hbm4b:s4+s2] =	stream.indirect_vreg.scatter [tilespmem:s18], [sflag:$0x1], $0x80, v3, vm0, $0xb8;
	[tilespmem:$0xC100] =	vst v63  }
0x44: {  	_ = 	snop  }
0x45: {  	[hbm4b:s5+s2] =	stream.indirect_vreg.scatter [tilespmem:s19], [sflag:$0x1], $0x80, v3, vm0, $0xb8;
	[tilespmem:$0xC100] =	vst v63  }
0x46: {  	v3 =	vld [tilespmem:$0xC020];
	_ =	sdelay $0x4  }
0x47: {  	v58 =	vshrl.u32 v3, $0x3  }
0x48: {  	v4 =	vmul.u32 $0x30, v58  }
0x49: {  	v3 =	vand.u32 $0x7, v3  }
0x4a: {  	v3 =	vor.u32 v3, v4  }
0x4b: {  	v4 =	vperm.xlane v3, v0;
	_ =	sdelay $0x1  }
0x4c: {  	v4 =	vadd.s32 v1, v4;
	_ =	sdelay $0x3  }
0x4d: {  	v3 =	vperm.xlane v3, v2  }
0x4e: {  	[hbm4b:s3+s2] =	stream.indirect_vreg.scatter [tilespmem:s20], [sflag:$0x1], $0x80, v4, vm0, $0xb8;
	[tilespmem:$0xC100] =	vst v63  }
0x4f: {  	v3 =	vadd.s32 v1, v3  }
0x50: {  	[hbm4b:s4+s2] =	stream.indirect_vreg.scatter [tilespmem:s21], [sflag:$0x1], $0x80, v4, vm0, $0xb8;
	[tilespmem:$0xC100] =	vst v63  }
0x51: {  	_ = 	snop  }
0x52: {  	[hbm4b:s5+s2] =	stream.indirect_vreg.scatter [tilespmem:s22], [sflag:$0x1], $0x80, v4, vm0, $0xb8;
	[tilespmem:$0xC100] =	vst v63  }
0x53: {  	_ = 	snop  }
0x54: {  	[hbm4b:s3+s2] =	stream.indirect_vreg.scatter [tilespmem:s23], [sflag:$0x1], $0x80, v3, vm0, $0xb8;
	[tilespmem:$0xC100] =	vst v63  }
0x55: {  	_ = 	snop  }
0x56: {  	[hbm4b:s4+s2] =	stream.indirect_vreg.scatter [tilespmem:s24], [sflag:$0x1], $0x80, v3, vm0, $0xb8;
	[tilespmem:$0xC100] =	vst v63  }
0x57: {  	_ = 	snop  }
0x58: {  	[hbm4b:s5+s2] =	stream.indirect_vreg.scatter [tilespmem:s25], [sflag:$0x1], $0x80, v3, vm0, $0xb8;
	[tilespmem:$0xC100] =	vst v63  }
0x59: {  	v3 =	vld [tilespmem:$0xC030];
	_ =	sdelay $0x4  }
0x5a: {  	v59 =	vshrl.u32 v3, $0x3  }
0x5b: {  	v4 =	vmul.u32 $0x30, v59  }
0x5c: {  	v3 =	vand.u32 $0x7, v3  }
0x5d: {  	v3 =	vor.u32 v3, v4  }
0x5e: {  	v4 =	vperm.xlane v3, v0;
	_ =	sdelay $0x1  }
0x5f: {  	v4 =	vadd.s32 v1, v4;
	_ =	sdelay $0x3  }
0x60: {  	v3 =	vperm.xlane v3, v2  }
0x61: {  	[hbm4b:s3+s2] =	stream.indirect_vreg.scatter [tilespmem:s26], [sflag:$0x1], $0x80, v4, vm0, $0xb8;
	[tilespmem:$0xC100] =	vst v63  }
0x62: {  	v3 =	vadd.s32 v1, v3  }
0x63: {  	[hbm4b:s4+s2] =	stream.indirect_vreg.scatter [tilespmem:s28], [sflag:$0x1], $0x80, v4, vm0, $0xb8;
	[tilespmem:$0xC100] =	vst v63  }
0x64: {  	_ = 	snop  }
0x65: {  	[hbm4b:s5+s2] =	stream.indirect_vreg.scatter [tilespmem:s29], [sflag:$0x1], $0x80, v4, vm0, $0xb8;
	[tilespmem:$0xC100] =	vst v63  }
0x66: {  	_ = 	snop  }
0x67: {  	[hbm4b:s3+s2] =	stream.indirect_vreg.scatter [tilespmem:s30], [sflag:$0x1], $0x80, v3, vm0, $0xb8;
	[tilespmem:$0xC100] =	vst v63  }
0x68: {  	_ = 	snop  }
0x69: {  	[hbm4b:s4+s2] =	stream.indirect_vreg.scatter [tilespmem:s31], [sflag:$0x1], $0x80, v3, vm0, $0xb8;
	[tilespmem:$0xC100] =	vst v63  }
0x6a: {  	_ = 	snop  }
0x6b: {  	[hbm4b:s5+s2] =	stream.indirect_vreg.scatter [tilespmem:s1], [sflag:$0x1], $0x80, v3, vm0, $0xb8;
	[tilespmem:$0xC100] =	vst v63  }
0x6c: {  	_ =	swait.ge [sflag:s7], $0xC000  }
0x6d: {  	[sflag:s7] =	ssyncset.done $0x0  }
0x6e: {  	[sflag:s7] =	ssyncadd.s32 $0xFFFF4000  }
0x6f: {  	v3 =	vld [tilespmem:$0xC080];
	_ =	sdelay $0x4  }
0x70: {  	v60 =	vshrl.u32 v3, $0x3  }
0x71: {  	v4 =	vmul.u32 $0x30, v60  }
0x72: {  	v3 =	vand.u32 $0x7, v3  }
0x73: {  	v3 =	vor.u32 v3, v4  }
0x74: {  	v4 =	vperm.xlane v3, v0;
	_ =	sdelay $0x1  }
0x75: {  	v4 =	vadd.s32 v1, v4;
	_ =	sdelay $0x3  }
0x76: {  	v3 =	vperm.xlane v3, v2  }
0x77: {  	[hbm4b:s3+s2] =	stream.indirect_vreg.scatter [tilespmem:s2], [sflag:$0x1], $0x80, v4, vm0, $0xb8;
	[tilespmem:$0xC100] =	vst v63  }
0x78: {  	v3 =	vadd.s32 v1, v3  }
0x79: {  	[hbm4b:s4+s2] =	stream.indirect_vreg.scatter [tilespmem:s9], [sflag:$0x1], $0x80, v4, vm0, $0xb8;
	[tilespmem:$0xC100] =	vst v63  }
0x7a: {  	_ = 	snop  }
0x7b: {  	[hbm4b:s5+s2] =	stream.indirect_vreg.scatter [tilespmem:s10], [sflag:$0x1], $0x80, v4, vm0, $0xb8;
	[tilespmem:$0xC100] =	vst v63  }
0x7c: {  	_ = 	snop  }
0x7d: {  	[hbm4b:s3+s2] =	stream.indirect_vreg.scatter [tilespmem:s11], [sflag:$0x1], $0x80, v3, vm0, $0xb8;
	[tilespmem:$0xC100] =	vst v63  }
0x7e: {  	_ = 	snop  }
0x7f: {  	[hbm4b:s4+s2] =	stream.indirect_vreg.scatter [tilespmem:s12], [sflag:$0x1], $0x80, v3, vm0, $0xb8;
	[tilespmem:$0xC100] =	vst v63  }
0x80: {  	_ = 	snop  }
0x81: {  	[hbm4b:s5+s2] =	stream.indirect_vreg.scatter [tilespmem:s13], [sflag:$0x1], $0x80, v3, vm0, $0xb8;
	[tilespmem:$0xC100] =	vst v63  }
0x82: {  	v3 =	vld [tilespmem:$0xC090];
	_ =	sdelay $0x4  }
0x83: {  	v61 =	vshrl.u32 v3, $0x3  }
0x84: {  	v4 =	vmul.u32 $0x30, v61  }
0x85: {  	v3 =	vand.u32 $0x7, v3  }
0x86: {  	v3 =	vor.u32 v3, v4  }
0x87: {  	v4 =	vperm.xlane v3, v0;
	_ =	sdelay $0x1  }
0x88: {  	v4 =	vadd.s32 v1, v4;
	_ =	sdelay $0x3  }
0x89: {  	v3 =	vperm.xlane v3, v2  }
0x8a: {  	[hbm4b:s3+s2] =	stream.indirect_vreg.scatter [tilespmem:s14], [sflag:$0x1], $0x80, v4, vm0, $0xb8;
	[tilespmem:$0xC100] =	vst v63  }
0x8b: {  	v3 =	vadd.s32 v1, v3  }
0x8c: {  	[hbm4b:s4+s2] =	stream.indirect_vreg.scatter [tilespmem:s15], [sflag:$0x1], $0x80, v4, vm0, $0xb8;
	[tilespmem:$0xC100] =	vst v63  }
0x8d: {  	_ = 	snop  }
0x8e: {  	[hbm4b:s5+s2] =	stream.indirect_vreg.scatter [tilespmem:s16], [sflag:$0x1], $0x80, v4, vm0, $0xb8;
	[tilespmem:$0xC100] =	vst v63  }
0x8f: {  	_ = 	snop  }
0x90: {  	[hbm4b:s3+s2] =	stream.indirect_vreg.scatter [tilespmem:s17], [sflag:$0x1], $0x80, v3, vm0, $0xb8;
	[tilespmem:$0xC100] =	vst v63  }
0x91: {  	_ = 	snop  }
0x92: {  	[hbm4b:s4+s2] =	stream.indirect_vreg.scatter [tilespmem:s18], [sflag:$0x1], $0x80, v3, vm0, $0xb8;
	[tilespmem:$0xC100] =	vst v63  }
0x93: {  	_ = 	snop  }
0x94: {  	[hbm4b:s5+s2] =	stream.indirect_vreg.scatter [tilespmem:s19], [sflag:$0x1], $0x80, v3, vm0, $0xb8;
	[tilespmem:$0xC100] =	vst v63  }
0x95: {  	v3 =	vld [tilespmem:$0xC0A0];
	_ =	sdelay $0x4  }
0x96: {  	v62 =	vshrl.u32 v3, $0x3  }
0x97: {  	v4 =	vmul.u32 $0x30, v62  }
0x98: {  	v3 =	vand.u32 $0x7, v3  }
0x99: {  	v3 =	vor.u32 v3, v4  }
0x9a: {  	v4 =	vperm.xlane v3, v0;
	_ =	sdelay $0x1  }
0x9b: {  	v4 =	vadd.s32 v1, v4;
	_ =	sdelay $0x3  }
0x9c: {  	v3 =	vperm.xlane v3, v2  }
0x9d: {  	[hbm4b:s3+s2] =	stream.indirect_vreg.scatter [tilespmem:s20], [sflag:$0x1], $0x80, v4, vm0, $0xb8;
	[tilespmem:$0xC100] =	vst v63  }
0x9e: {  	v3 =	vadd.s32 v1, v3  }
0x9f: {  	[hbm4b:s4+s2] =	stream.indirect_vreg.scatter [tilespmem:s21], [sflag:$0x1], $0x80, v4, vm0, $0xb8;
	[tilespmem:$0xC100] =	vst v63  }
0xa0: {  	_ = 	snop  }
0xa1: {  	[hbm4b:s5+s2] =	stream.indirect_vreg.scatter [tilespmem:s22], [sflag:$0x1], $0x80, v4, vm0, $0xb8;
	[tilespmem:$0xC100] =	vst v63  }
0xa2: {  	_ = 	snop  }
0xa3: {  	[hbm4b:s3+s2] =	stream.indirect_vreg.scatter [tilespmem:s23], [sflag:$0x1], $0x80, v3, vm0, $0xb8;
	[tilespmem:$0xC100] =	vst v63  }
0xa4: {  	_ = 	snop  }
0xa5: {  	[hbm4b:s4+s2] =	stream.indirect_vreg.scatter [tilespmem:s24], [sflag:$0x1], $0x80, v3, vm0, $0xb8;
	[tilespmem:$0xC100] =	vst v63  }
0xa6: {  	_ = 	snop  }
0xa7: {  	[hbm4b:s5+s2] =	stream.indirect_vreg.scatter [tilespmem:s25], [sflag:$0x1], $0x80, v3, vm0, $0xb8;
	[tilespmem:$0xC100] =	vst v63  }
0xa8: {  	v3 =	vld [tilespmem:$0xC0B0];
	_ =	sdelay $0x4  }
0xa9: {  	v63 =	vshrl.u32 v3, $0x3  }
0xaa: {  	v4 =	vmul.u32 $0x30, v63  }
0xab: {  	v3 =	vand.u32 $0x7, v3  }
0xac: {  	v3 =	vor.u32 v3, v4  }
0xad: {  	v4 =	vperm.xlane v3, v0;
	_ =	sdelay $0x1  }
0xae: {  	v4 =	vadd.s32 v1, v4;
	_ =	sdelay $0x3  }
0xaf: {  	v3 =	vperm.xlane v3, v2  }
0xb0: {  	[hbm4b:s3+s2] =	stream.indirect_vreg.scatter [tilespmem:s26], [sflag:$0x1], $0x80, v4, vm0, $0xb8;
	[tilespmem:$0xC100] =	vst v63  }
0xb1: {  	v3 =	vadd.s32 v1, v3  }
0xb2: {  	[hbm4b:s4+s2] =	stream.indirect_vreg.scatter [tilespmem:s28], [sflag:$0x1], $0x80, v4, vm0, $0xb8;
	[tilespmem:$0xC100] =	vst v63  }
0xb3: {  	_ = 	snop  }
0xb4: {  	[hbm4b:s5+s2] =	stream.indirect_vreg.scatter [tilespmem:s29], [sflag:$0x1], $0x80, v4, vm0, $0xb8;
	[tilespmem:$0xC100] =	vst v63  }
0xb5: {  	_ = 	snop  }
0xb6: {  	[hbm4b:s3+s2] =	stream.indirect_vreg.scatter [tilespmem:s30], [sflag:$0x1], $0x80, v3, vm0, $0xb8;
	[tilespmem:$0xC100] =	vst v63  }
0xb7: {  	p0 =	sne.s32 s6, $0x1  }
0xb8: {  	[hbm4b:s4+s2] =	stream.indirect_vreg.scatter [tilespmem:s31], [sflag:$0x1], $0x80, v3, vm0, $0xb8;
	[tilespmem:$0xC100] =	vst v63  }
.Ltmp0:
0xb9: {  	_ = 	snop;
	(pc) =	sbr.rel @p0 .LBB2_1-.Ltmp0, $4  }
0xba: {  	[hbm4b:s5+s2] =	stream.indirect_vreg.scatter [tilespmem:s1], [sflag:$0x1], $0x80, v3, vm0, $0xb8;
	[tilespmem:$0xC100] =	vst v63  }
0xbb: {  	_ =	swait.ge [sflag:s7], $0xC000  }
0xbc: {  	[sflag:s7] =	ssyncset.done $0x0  }
0xbd: {  	s6 =	sadd.s32 $0xFFFFFFFF, s6;
	[sflag:s7] =	ssyncadd.s32 $0xFFFF4000  }
0xbe: {  	_ =	sfence.sel $0x180000  }
0xbf: {  	[bflag:$0x0] =	sbarrier.arrive $0xFFFF  }
0xc0: {  	_ =	strace $0x90000047  }
0xc1: {  	s0 =	stileid.u32;
	[bflag:$0x2] =	sbarrier.arrive $0xFFFF  }
0xc2: {  	p0 =	sne.s32 s0, $0x0;
	s0 =	rddreg [dreg:$0x2]  }
0xc3: {  	s0 =	sadd.s32 @!p0 $0x100000, s0  }
0xc4: {  	[sflag:s0] =	ssyncadd.tile.s32 @!p0 $0x1;
	_ =	shalt  }
.Lfunc_end2:
_tile_overlayer_lowered:
.L_overlay_start_2:
0xc5: {  	(tag) =	ssettag $0x2  }
0xc6: {  	s0 =	rddreg [dreg:$0x0];
	s2 =	stileid.u32  }
0xc7: {  	s1 =	rddreg [dreg:$0x1];
	p0 =	sne.s32 s2, $0x0  }
0xc8: {  	s3 =	rddreg [dreg:$0x2];
	[bflag:$0x3] =	sbarrier.arrive $0xFFFF;
	s2 =	simm.s32 @!p0 $0x1C01  }
0xc9: {  	[timem:s3], [sflag:s2] =	dma.local @!p0 [hbm:s0], s1  }
0xca: {  	s0 =	simm.s32 @!p0 $0x1  }
0xcb: {  	_ =	swait.ge @!p0 [sflag:s0], s1  }
0xcc: {  	s1 =	ssub.s32 @!p0 $0x0, s1;
	[sflag:s0] =	ssyncset.done @!p0 $0x0  }
0xcd: {  	[sflag:s0] =	ssyncadd.s32 @!p0 s1  }
0xce: {  	[bflag:$0x3] =	sbarrier.arrive $0xFFFF  }
0xcf: {  	_ =	shalt  }

</sc_bundles>
